<compile_context>
chip_gen: v7x
topology: tpu7x:2x2x1
jax: 0.10.2.dev20260603
libtpu: 0.0.44.dev20260713+nightly
codegen_flags: <defaults>
</compile_context>

<pallas_src>
import dataclasses
import functools

import jax
import jax.numpy as jnp
from jax import lax
from jax.experimental import pallas as pl
from jax.experimental.pallas import tpu as pltpu
from jax.experimental.pallas import tpu_sc as plsc

E = 100000
ND = 512
NSM = 128
NB = 64
NSEG = 25000
NTGT = 25000
MEMR = 40000

NC = 2
NS = 16
NW = NC * NS

EP = 100352
EP2 = 114688
EROWS = EP2 // 128
WROWS = EROWS // NS
SEG_PAD = 25088
OUT_PAD = 25088
EG_PAD = 80
ZCH = SEG_PAD // NS

GCH = EP // NW
GSTEP = 112
GN = GCH // GSTEP

_PREC = lax.Precision.DEFAULT

_MESH = plsc.VectorSubcoreMesh(core_axis_name="c", subcore_axis_name="s")

_SC_CP = pltpu.CompilerParams()
if "needs_layout_passes" in pltpu.CompilerParams.__dataclass_fields__:
    _SC_CP = dataclasses.replace(_SC_CP, needs_layout_passes=False)


def _memproj_body(x_ref, w_ref, ol_ref, or_ref):
    a = jnp.dot(x_ref[...], w_ref[...], precision=_PREC,
                preferred_element_type=jnp.float32)
    ol_ref[...] = a[:, :NSM]
    or_ref[...] = a[:, NSM:]


def _memproj(mem, wm):
    bm = 2000
    return pl.pallas_call(
        _memproj_body,
        grid=(MEMR // bm,),
        in_specs=[
            pl.BlockSpec((bm, ND), lambda i: (i, 0)),
            pl.BlockSpec((ND, 2 * NSM), lambda i: (0, 0)),
        ],
        out_specs=[
            pl.BlockSpec((bm, NSM), lambda i: (i, 0)),
            pl.BlockSpec((bm, NSM), lambda i: (i, 0)),
        ],
        out_shape=[
            jax.ShapeDtypeStruct((MEMR, NSM), jnp.float32),
            jax.ShapeDtypeStruct((MEMR, NSM), jnp.float32),
        ],
    )(mem, wm)


def _sc_gather(al, ar, ivi, ivj, nrows, gstep):
    gch = nrows // NW
    gn = gch // gstep

    assert gn % 2 == 0

    @functools.partial(
        pl.kernel,
        out_type=(
            jax.ShapeDtypeStruct((nrows, NSM), jnp.float32),
            jax.ShapeDtypeStruct((nrows, NSM), jnp.float32),
        ),
        mesh=_MESH,
        scratch_types=[
            pltpu.VMEM((gstep,), jnp.int32),
            pltpu.VMEM((gstep,), jnp.int32),
            pltpu.VMEM((gstep,), jnp.int32),
            pltpu.VMEM((gstep,), jnp.int32),
            pltpu.VMEM((gstep, NSM), jnp.float32),
            pltpu.VMEM((gstep, NSM), jnp.float32),
            pltpu.VMEM((gstep, NSM), jnp.float32),
            pltpu.VMEM((gstep, NSM), jnp.float32),
            pltpu.SemaphoreType.DMA,
            pltpu.SemaphoreType.DMA,
            pltpu.SemaphoreType.DMA,
            pltpu.SemaphoreType.DMA,
        ],
    )
    def k(al_hbm, ar_hbm, ivi_hbm, ivj_hbm, gl_hbm, gr_hbm,
          ii0, ij0, ii1, ij1, ri0, rj0, ri1, rj1, si0, sj0, si1, sj1):
        wid = lax.axis_index("s") * NC + lax.axis_index("c")
        base = wid * gch

        def start(ii, ij, ri, rj, si, sj, off):
            pltpu.sync_copy(ivi_hbm.at[pl.ds(off, gstep)], ii)
            pltpu.sync_copy(ivj_hbm.at[pl.ds(off, gstep)], ij)
            pltpu.async_copy(al_hbm.at[ii], ri, si)
            pltpu.async_copy(ar_hbm.at[ij], rj, sj)

        def finish(ii, ij, ri, rj, si, sj, off):
            pltpu.make_async_copy(al_hbm.at[ii], ri, si).wait()
            pltpu.make_async_copy(ar_hbm.at[ij], rj, sj).wait()
            pltpu.sync_copy(ri, gl_hbm.at[pl.ds(off, gstep)])
            pltpu.sync_copy(rj, gr_hbm.at[pl.ds(off, gstep)])

        start(ii0, ij0, ri0, rj0, si0, sj0, base)

        @pl.loop(0, gn // 2)
        def _(g):
            j0 = base + 2 * g * gstep
            start(ii1, ij1, ri1, rj1, si1, sj1, j0 + gstep)
            finish(ii0, ij0, ri0, rj0, si0, sj0, j0)

            @pl.when(2 * g + 2 < gn)
            def _():
                start(ii0, ij0, ri0, rj0, si0, sj0, j0 + 2 * gstep)

            finish(ii1, ij1, ri1, rj1, si1, sj1, j0 + gstep)

    return k(al, ar, ivi, ivj)


def _edge_body(rel_ref, gl_ref, gr_ref, eg_ref, na_ref, ql_ref, qr_ref,
               wrel_ref, wc_ref, bc_ref, att_ref):
    r2 = jnp.dot(rel_ref[...], wrel_ref[...], precision=_PREC,
                 preferred_element_type=jnp.float32)
    eg = eg_ref[0, 0, :]
    onehot = (eg[:, None] ==
              lax.broadcasted_iota(jnp.int32, (1, NB), 1)).astype(jnp.float32)
    qlg = jnp.dot(onehot, ql_ref[...], precision=_PREC,
                  preferred_element_type=jnp.float32)
    qrg = jnp.dot(onehot, qr_ref[...], precision=_PREC,
                  preferred_element_type=jnp.float32)
    left = r2[:, :NSM] + gl_ref[...] + qlg
    right = r2[:, NSM:] + gr_ref[...] + qrg
    lh = jnp.where(left >= 0, left, 0.01 * left)
    rh = jnp.where(right >= 0, right, 0.01 * right)
    ch = jnp.dot(rh, wc_ref[...], precision=_PREC,
                 preferred_element_type=jnp.float32) + bc_ref[...]
    logits = jnp.sum(lh * ch, axis=1)
    att_ref[0, 0, :] = logits * na_ref[0, 0, :]


def _edge_stage(rel, gl, gr, eg3, na3, ql, qr, wrel, wc, bc2, be, ng, offb):
    return pl.pallas_call(
        _edge_body,
        grid=(ng,),
        in_specs=[
            pl.BlockSpec((be, ND), lambda i: (i + offb, 0)),
            pl.BlockSpec((be, NSM), lambda i: (i, 0)),
            pl.BlockSpec((be, NSM), lambda i: (i, 0)),
            pl.BlockSpec((1, 1, be), lambda i: (i, 0, 0)),
            pl.BlockSpec((1, 1, be), lambda i: (i, 0, 0)),
            pl.BlockSpec((NB, NSM), lambda i: (0, 0)),
            pl.BlockSpec((NB, NSM), lambda i: (0, 0)),
            pl.BlockSpec((ND, 2 * NSM), lambda i: (0, 0)),
            pl.BlockSpec((NSM, NSM), lambda i: (0, 0)),
            pl.BlockSpec((1, NSM), lambda i: (0, 0)),
        ],
        out_specs=pl.BlockSpec((1, 1, be), lambda i: (i, 0, 0)),
        out_shape=jax.ShapeDtypeStruct((ng, 1, be), jnp.float32),
    )(rel, gl, gr, eg3, na3, ql, qr, wrel, wc, bc2)


def _sc_segment(att2, seg2, eg2, dst2):
    @functools.partial(
        pl.kernel,
        out_type=jax.ShapeDtypeStruct((OUT_PAD,), jnp.float32),
        mesh=_MESH,
        compiler_params=_SC_CP,
        scratch_types=[
            pltpu.VMEM_SHARED((SEG_PAD,), jnp.float32),
            pltpu.VMEM_SHARED((EG_PAD,), jnp.float32),
            pltpu.VMEM_SHARED((OUT_PAD,), jnp.float32),
            pltpu.VMEM_SHARED((NS, 16), jnp.float32),
            pltpu.VMEM((ZCH,), jnp.float32),
            pltpu.VMEM((WROWS, 128), jnp.float32),
            pltpu.VMEM((WROWS, 128), jnp.float32),
            pltpu.VMEM((WROWS, 128), jnp.float32),
            pltpu.VMEM((WROWS, 128), jnp.int32),
            pltpu.VMEM((WROWS, 128), jnp.int32),
            pltpu.VMEM((WROWS, 128), jnp.int32),
            pltpu.VMEM((SEG_PAD,), jnp.float32),
            pltpu.VMEM((EG_PAD,), jnp.float32),
            pltpu.VMEM((EG_PAD,), jnp.float32),
            pltpu.VMEM((EG_PAD,), jnp.int32),
            pltpu.VMEM((16,), jnp.float32),
            pltpu.VMEM((NS, 16), jnp.float32),
            pltpu.SemaphoreType.DMA,
        ],
    )
    def k(att_hbm, seg_hbm, eg_hbm, dst_hbm, out_hbm,
          den_sh, eg_sh, out_sh, max_sh, zbuf, att_v, ex_v, soft_v,
          segi_v, egi_v, dst_v, den_v, egv, egloc, idn, gmax_v, slab_v, ssem):
        core = lax.axis_index("c")

        def scatter_add_rows(val_v, idx_v, acc_sh):
            @pl.loop(0, WROWS // 7)
            def _(g):
                for u in range(7):
                    r = g * 7 + u
                    pltpu.async_copy(val_v.at[r], acc_sh.at[idx_v.at[r]],
                                     ssem, add=True)
                for u in range(7):
                    r = g * 7 + u
                    pltpu.make_async_copy(val_v.at[r],
                                          acc_sh.at[idx_v.at[r]],
                                          ssem).wait()

        @pl.when(core == 0)
        def _():
            w = lax.axis_index("s")
            base = w * WROWS

            @pl.loop(0, ZCH, step=16)
            def _(i):
                zbuf[pl.ds(i, 16)] = jnp.zeros((16,), jnp.float32)

            pltpu.sync_copy(zbuf, den_sh.at[pl.ds(w * ZCH, ZCH)])
            pltpu.sync_copy(zbuf, out_sh.at[pl.ds(w * ZCH, ZCH)])

            @pl.when(w == 0)
            def _():
                pltpu.sync_copy(zbuf.at[pl.ds(0, EG_PAD)], eg_sh)

            pltpu.sync_copy(att_hbm.at[pl.ds(base, WROWS)], att_v)
            pltpu.sync_copy(seg_hbm.at[pl.ds(base, WROWS)], segi_v)

            gmax_v[...] = att_v[0, pl.ds(0, 16)]

            @pl.loop(0, WROWS)
            def _(r):
                for c in range(8):
                    gmax_v[...] = jnp.maximum(gmax_v[...],
                                              att_v[r, pl.ds(c * 16, 16)])

            mloc = lax.reduce_max(gmax_v[...], axes=(0,))
            gmax_v[...] = jnp.full((16,), mloc, jnp.float32)
            pltpu.sync_copy(gmax_v, max_sh.at[w])
            plsc.subcore_barrier()

            pltpu.sync_copy(max_sh, slab_v)
            gmax_v[...] = slab_v[0, pl.ds(0, 16)]
            for t in range(1, NS):
                gmax_v[...] = jnp.maximum(gmax_v[...], slab_v[t, pl.ds(0, 16)])
            gm = jnp.full((16,), lax.reduce_max(gmax_v[...], axes=(0,)),
                          jnp.float32)

            @pl.loop(0, WROWS)
            def _(r):
                for c in range(8):
                    sl = pl.ds(c * 16, 16)
                    ex_v[r, sl] = jnp.exp(att_v[r, sl] - gm)

            scatter_add_rows(ex_v, segi_v, den_sh)
            plsc.subcore_barrier()

            pltpu.sync_copy(den_sh, den_v)
            pltpu.sync_copy(eg_hbm.at[pl.ds(base, WROWS)], egi_v)
            for c in range(EG_PAD // 16):
                sl = pl.ds(c * 16, 16)
                egloc[sl] = jnp.zeros((16,), jnp.float32)
                idn[sl] = lax.iota(jnp.int32, 16) + c * 16

            @pl.loop(0, WROWS)
            def _(r):
                for c in range(8):
                    sl = pl.ds(c * 16, 16)
                    d16 = plsc.load_gather(den_v, [segi_v[r, sl]])
                    s16 = ex_v[r, sl] / d16
                    soft_v[r, sl] = s16
                    plsc.addupdate_scatter(egloc, [egi_v[r, sl]], s16)

            pltpu.async_copy(egloc, eg_sh.at[idn], ssem, add=True).wait()
            plsc.subcore_barrier()

            pltpu.sync_copy(eg_sh, egv)
            pltpu.sync_copy(dst_hbm.at[pl.ds(base, WROWS)], dst_v)

            @pl.loop(0, WROWS)
            def _(r):
                for c in range(8):
                    sl = pl.ds(c * 16, 16)
                    e16 = plsc.load_gather(egv, [egi_v[r, sl]])
                    ex_v[r, sl] = soft_v[r, sl] / e16

            scatter_add_rows(ex_v, dst_v, out_sh)
            plsc.subcore_barrier()

            pltpu.sync_copy(out_sh.at[pl.ds(w * ZCH, ZCH)], zbuf)
            pltpu.sync_copy(zbuf, out_hbm.at[pl.ds(w * ZCH, ZCH)])

    return k(att2, seg2, eg2, dst2)


def kernel(node_attention, memorized_embedding, rel_emb, query_src_emb,
           query_rel_emb, query_time_emb, eg_idx, idx_vi, idx_vj, seg_src,
           dst_ids, W_proj, b_proj, W_left, b_left, W_right, b_right,
           W_center, b_center):
    f32 = jnp.float32
    wl = [W_left[k * NSM:(k + 1) * NSM] for k in range(5)]
    wr = [W_right[k * NSM:(k + 1) * NSM] for k in range(5)]

    wm = jnp.concatenate([W_proj @ wl[0], W_proj @ wr[0]], axis=1)
    wrel = jnp.concatenate([W_proj @ wl[1], W_proj @ wr[1]], axis=1)

    q_src = query_src_emb @ W_proj + b_proj
    q_rel = query_rel_emb @ W_proj + b_proj
    q_time = query_time_emb @ W_proj + b_proj
    ql = (q_src @ wl[2] + q_rel @ wl[3] + q_time @ wl[4]
          + b_proj @ (wl[0] + wl[1]) + b_left)
    qr = (q_src @ wr[2] + q_rel @ wr[3] + q_time @ wr[4]
          + b_proj @ (wr[0] + wr[1]) + b_right)

    al, ar = _memproj(memorized_embedding, wm)
    pad = EP - E
    ivi = jnp.concatenate([idx_vi, jnp.zeros((pad,), jnp.int32)])
    ivj = jnp.concatenate([idx_vj, jnp.zeros((pad,), jnp.int32)])

    CUT = 51200
    bc2 = b_center.reshape(1, NSM)
    gl0, gr0 = _sc_gather(al, ar, ivi[:CUT], ivj[:CUT], CUT, 80)
    gl1, gr1 = _sc_gather(al, ar, ivi[CUT:], ivj[CUT:], EP - CUT, 96)

    eg0 = eg_idx[:CUT].reshape(32, 1, 1600)
    na0 = node_attention[:CUT].reshape(32, 1, 1600)
    att0 = _edge_stage(rel_emb, gl0, gr0, eg0, na0, ql, qr, wrel,
                       W_center, bc2, 1600, 32, 0)
    eg1 = eg_idx[CUT:].reshape(61, 1, 800)
    na1 = node_attention[CUT:].reshape(61, 1, 800)
    att1 = _edge_stage(rel_emb, gl1, gr1, eg1,
                       na1, ql, qr, wrel, W_center, bc2, 800, 61, 64)

    pad2 = EP2 - E
    att2 = jnp.concatenate(
        [att0.reshape(CUT), att1.reshape(E - CUT), jnp.zeros((pad2,), f32)])
    att2 = att2.reshape(EROWS, 128)
    seg2 = jnp.concatenate(
        [seg_src, jnp.full((pad2,), NSEG, jnp.int32)]).reshape(EROWS, 128)
    eg2 = jnp.concatenate(
        [eg_idx, jnp.full((pad2,), NB, jnp.int32)]).reshape(EROWS, 128)
    dst2 = jnp.concatenate(
        [dst_ids, jnp.full((pad2,), NTGT, jnp.int32)]).reshape(EROWS, 128)

    out_p = _sc_segment(att2, seg2, eg2, dst2)
    return out_p[:NTGT]

# --- scband reference (transcript-rebuilt; emitter-appended) ---
"""Pipeline reference for scband-attention-flow-32753420599373 (READ-ONLY COPY).

The authoritative reference and input builder live on the scoring server;
editing this copy changes nothing except your own understanding.
"""

import jax, jax.numpy as jnp
import numpy as np

E = 100000
N_DIMS = 512
N_SM = 128
B = 64
NUM_SEG = 25000
NUM_TGT = 25000
MEM = 40000


def setup_inputs(seed: int = 0) -> dict:
    key = jax.random.key(seed)
    ks = jax.random.split(key, 16)
    inp = {}
    inp["node_attention"] = jax.random.uniform(ks[0], (E,), dtype=jnp.float32)
    inp["memorized_embedding"] = jax.random.normal(ks[1], (MEM, N_DIMS), dtype=jnp.float32)
    inp["rel_emb"] = jax.random.normal(ks[2], (E, N_DIMS), dtype=jnp.float32)
    inp["query_src_emb"] = jax.random.normal(ks[3], (B, N_DIMS), dtype=jnp.float32)
    inp["query_rel_emb"] = jax.random.normal(ks[4], (B, N_DIMS), dtype=jnp.float32)
    inp["query_time_emb"] = jax.random.normal(ks[5], (B, N_DIMS), dtype=jnp.float32)
    inp["eg_idx"] = jnp.sort(jax.random.randint(ks[6], (E,), 0, B, dtype=jnp.int32))
    inp["idx_vi"] = jax.random.randint(ks[7], (E,), 0, MEM, dtype=jnp.int32)
    inp["idx_vj"] = jax.random.randint(ks[8], (E,), 0, MEM, dtype=jnp.int32)
    inp["seg_src"] = jnp.sort(jax.random.randint(ks[9], (E,), 0, NUM_SEG, dtype=jnp.int32))
    inp["dst_ids"] = jax.random.randint(ks[10], (E,), 0, NUM_TGT, dtype=jnp.int32)
    inp["W_proj"] = jax.random.normal(ks[11], (N_DIMS, N_SM), dtype=jnp.float32) * 0.02
    inp["b_proj"] = jnp.zeros((N_SM,), dtype=jnp.float32)
    inp["W_left"] = jax.random.normal(ks[12], (5 * N_SM, N_SM), dtype=jnp.float32) * 0.02
    inp["b_left"] = jnp.zeros((N_SM,), dtype=jnp.float32)
    inp["W_right"] = jax.random.normal(ks[13], (5 * N_SM, N_SM), dtype=jnp.float32) * 0.02
    inp["b_right"] = jnp.zeros((N_SM,), dtype=jnp.float32)
    inp["W_center"] = jax.random.normal(ks[14], (N_SM, N_SM), dtype=jnp.float32) * 0.02
    inp["b_center"] = jnp.zeros((N_SM,), dtype=jnp.float32)
    return inp


def reference(node_attention, memorized_embedding, rel_emb, query_src_emb, query_rel_emb, query_time_emb, eg_idx, idx_vi, idx_vj, seg_src, dst_ids, W_proj, b_proj, W_left, b_left, W_right, b_right, W_center, b_center):
    def proj(x):
        return x @ W_proj + b_proj

    # projections (self.proj)
    q_src = proj(query_src_emb)
    q_rel = proj(query_rel_emb)
    q_time = proj(query_time_emb)
    rel_v = proj(rel_emb)
    # memorized embedding dict lookup -> gather from table by unique (e,t) node index
    hidden_vi = proj(jnp.take(memorized_embedding, idx_vi, axis=0))
    hidden_vj = proj(jnp.take(memorized_embedding, idx_vj, axis=0))
    # index_select by eg_idx (selected_edges[:, 0])
    q_src_r = jnp.take(q_src, eg_idx, axis=0)
    q_rel_r = jnp.take(q_rel, eg_idx, axis=0)
    q_time_r = jnp.take(q_time, eg_idx, axis=0)
    # transition_fn G: sum(LeakyReLU(L(left_x)) * C(LeakyReLU(R(right_x))), -1)
    left_x = jnp.concatenate([hidden_vi, rel_v, q_src_r, q_rel_r, q_time_r], axis=-1)
    right_x = jnp.concatenate([hidden_vj, rel_v, q_src_r, q_rel_r, q_time_r], axis=-1)
    left_h = jax.nn.leaky_relu(left_x @ W_left + b_left, negative_slope=0.01)
    right_h = jax.nn.leaky_relu(right_x @ W_right + b_right, negative_slope=0.01)
    center_h = right_h @ W_center + b_center
    transition_logits = jnp.sum(left_h * center_h, axis=-1)
    attending = transition_logits * node_attention
    # segment_softmax_op over selected_edges[:, 6]
    seg_max = jax.ops.segment_max(attending, seg_src, num_segments=NUM_SEG)
    ex = jnp.exp(attending - jnp.take(seg_max, seg_src, axis=0))
    seg_den = jax.ops.segment_sum(ex, seg_src, num_segments=NUM_SEG)
    soft = ex / jnp.take(seg_den, seg_src, axis=0)
    # aggregate_op_node: normalize per eg, then scatter-add onto target (eg, vj, tj) nodes
    eg_sum = jax.ops.segment_sum(soft, eg_idx, num_segments=B)
    normed = soft / jnp.take(eg_sum, eg_idx, axis=0)
    new_node_attention = jax.ops.segment_sum(normed, dst_ids, num_segments=NUM_TGT)
    return new_node_attention

if __name__ == "__main__":
    import jax
    _d = setup_inputs()
    print(jax.jit(kernel)(*tuple(_d.values())))

</pallas_src>

<mosaic_0001>
#map = affine_map<(d0, d1) -> (0, 0)>
#map1 = affine_map<(d0, d1) -> (0)>
module attributes {stable_mosaic.version = 14 : i64} {
  func.func @k(%arg0: i32, %arg1: i32, %arg2: memref<40000x128xf32, #tpu.memory_space<hbm>>, %arg3: memref<40000x128xf32, #tpu.memory_space<hbm>>, %arg4: memref<49152xi32, #tpu.memory_space<hbm>>, %arg5: memref<49152xi32, #tpu.memory_space<hbm>>, %arg6: memref<49152x128xf32, #tpu.memory_space<hbm>>, %arg7: memref<49152x128xf32, #tpu.memory_space<hbm>>, %arg8: memref<96xi32, #tpu.memory_space<vmem>>, %arg9: memref<96xi32, #tpu.memory_space<vmem>>, %arg10: memref<96xi32, #tpu.memory_space<vmem>>, %arg11: memref<96xi32, #tpu.memory_space<vmem>>, %arg12: memref<96x128xf32, #tpu.memory_space<vmem>>, %arg13: memref<96x128xf32, #tpu.memory_space<vmem>>, %arg14: memref<96x128xf32, #tpu.memory_space<vmem>>, %arg15: memref<96x128xf32, #tpu.memory_space<vmem>>, %arg16: memref<!tpu.dma_semaphore, #tpu.memory_space<semaphore_mem>>, %arg17: memref<!tpu.dma_semaphore, #tpu.memory_space<semaphore_mem>>, %arg18: memref<!tpu.dma_semaphore, #tpu.memory_space<semaphore_mem>>, %arg19: memref<!tpu.dma_semaphore, #tpu.memory_space<semaphore_mem>>) attributes {dimension_semantics = [#tpu.dimension_semantics<core_parallel>, #tpu.dimension_semantics<subcore_parallel>], iteration_bounds = array<i64: 2, 16>, scalar_prefetch = 0 : i64, scratch_operands = 12 : i64, tpu.core_type = #tpu.core_type<sc_vector_subcore>, window_params = [{transform_indices = #map}, {transform_indices = #map}, {transform_indices = #map1}, {transform_indices = #map1}, {transform_indices = #map}, {transform_indices = #map}]} {
    %mul3A = arith.constant 2 : i32
    %mul3A_0 = arith.muli %arg1, %mul3A : i32
    %add3A = arith.addi %mul3A_0, %arg0 : i32
    %mul3A_1 = arith.constant 1536 : i32
    %mul3A_2 = arith.muli %add3A, %mul3A_1 : i32
    "tpu.region"() ({
      %run_scoped3A = tpu.sem_alloc : memref<!tpu.dma_semaphore, #tpu.memory_space<semaphore_mem>>
      %dma_start3A_12 = tpu.memref_slice %arg4[%mul3A_2] : memref<49152xi32, #tpu.memory_space<hbm>> -> memref<96xi32, #tpu.memory_space<hbm>>
      %dma_start3A_13 = tpu.memref_slice %arg4[%mul3A_2] : memref<49152xi32, #tpu.memory_space<hbm>> -> memref<96xi32, #tpu.memory_space<hbm>>
      tpu.enqueue_dma source(%dma_start3A_13 : memref<96xi32, #tpu.memory_space<hbm>>) target(%arg8 : memref<96xi32, #tpu.memory_space<vmem>>) target_semaphore(%run_scoped3A : memref<!tpu.dma_semaphore, #tpu.memory_space<semaphore_mem>>)
      %dma_wait3A = tpu.memref_slice %arg4[%mul3A_2] : memref<49152xi32, #tpu.memory_space<hbm>> -> memref<96xi32, #tpu.memory_space<hbm>>
      %dma_wait3A_14 = tpu.memref_slice %arg4[%mul3A_2] : memref<49152xi32, #tpu.memory_space<hbm>> -> memref<96xi32, #tpu.memory_space<hbm>>
      tpu.wait_dma2 semaphore(%run_scoped3A : memref<!tpu.dma_semaphore, #tpu.memory_space<semaphore_mem>>) src(%dma_wait3A_14 : memref<96xi32, #tpu.memory_space<hbm>>) dst(%arg8 : memref<96xi32, #tpu.memory_space<vmem>>)
      tpu.yield
    }) : () -> ()
    "tpu.region"() ({
      %run_scoped3A = tpu.sem_alloc : memref<!tpu.dma_semaphore, #tpu.memory_space<semaphore_mem>>
      %dma_start3A_12 = tpu.memref_slice %arg5[%mul3A_2] : memref<49152xi32, #tpu.memory_space<hbm>> -> memref<96xi32, #tpu.memory_space<hbm>>
      %dma_start3A_13 = tpu.memref_slice %arg5[%mul3A_2] : memref<49152xi32, #tpu.memory_space<hbm>> -> memref<96xi32, #tpu.memory_space<hbm>>
      tpu.enqueue_dma source(%dma_start3A_13 : memref<96xi32, #tpu.memory_space<hbm>>) target(%arg9 : memref<96xi32, #tpu.memory_space<vmem>>) target_semaphore(%run_scoped3A : memref<!tpu.dma_semaphore, #tpu.memory_space<semaphore_mem>>)
      %dma_wait3A = tpu.memref_slice %arg5[%mul3A_2] : memref<49152xi32, #tpu.memory_space<hbm>> -> memref<96xi32, #tpu.memory_space<hbm>>
      %dma_wait3A_14 = tpu.memref_slice %arg5[%mul3A_2] : memref<49152xi32, #tpu.memory_space<hbm>> -> memref<96xi32, #tpu.memory_space<hbm>>
      tpu.wait_dma2 semaphore(%run_scoped3A : memref<!tpu.dma_semaphore, #tpu.memory_space<semaphore_mem>>) src(%dma_wait3A_14 : memref<96xi32, #tpu.memory_space<hbm>>) dst(%arg9 : memref<96xi32, #tpu.memory_space<vmem>>)
      tpu.yield
    }) : () -> ()
    %dma_start3A = arith.constant 0 : i32
    %dma_start3A_3 = arith.constant 0 : i32
    %dma_start3A_4 = tpu.memref_slice %arg2[%dma_start3A, %dma_start3A_3] : memref<40000x128xf32, #tpu.memory_space<hbm>> -> memref<40000x128xf32, #tpu.memory_space<hbm>>
    tpu.enqueue_indirect_dma source(%dma_start3A_4 : memref<40000x128xf32, #tpu.memory_space<hbm>>) target(%arg12 : memref<96x128xf32, #tpu.memory_space<vmem>>) offsets(%arg8 : memref<96xi32, #tpu.memory_space<vmem>>) semaphore(%arg16 : memref<!tpu.dma_semaphore, #tpu.memory_space<semaphore_mem>>)
    %dma_start3A_5 = arith.constant 0 : i32
    %dma_start3A_6 = arith.constant 0 : i32
    %dma_start3A_7 = tpu.memref_slice %arg3[%dma_start3A_5, %dma_start3A_6] : memref<40000x128xf32, #tpu.memory_space<hbm>> -> memref<40000x128xf32, #tpu.memory_space<hbm>>
    tpu.enqueue_indirect_dma source(%dma_start3A_7 : memref<40000x128xf32, #tpu.memory_space<hbm>>) target(%arg13 : memref<96x128xf32, #tpu.memory_space<vmem>>) offsets(%arg9 : memref<96xi32, #tpu.memory_space<vmem>>) semaphore(%arg17 : memref<!tpu.dma_semaphore, #tpu.memory_space<semaphore_mem>>)
    %scan3A = arith.constant 0 : i32
    %scan3A_8 = arith.constant 8 : i32
    %scan3A_9 = arith.addi %scan3A, %scan3A_8 : i32
    %scan3A_10 = arith.constant 1 : i32
    scf.for %scan3A_12 = %scan3A to %scan3A_9 step %scan3A_10  : i32 {
      %mul3A_13 = arith.constant 1 : i32
      %mul3A_14 = arith.muli %scan3A_12, %mul3A_13 : i32
      %add3A_15 = arith.constant 0 : i32
      %add3A_16 = arith.addi %add3A_15, %mul3A_14 : i32
      %mul3A_17 = arith.constant 2 : i32
      %mul3A_18 = arith.muli %mul3A_17, %add3A_16 : i32
      %mul3A_19 = arith.constant 96 : i32
      %mul3A_20 = arith.muli %mul3A_18, %mul3A_19 : i32
      %add3A_21 = arith.addi %mul3A_2, %mul3A_20 : i32
      %add3A_22 = arith.constant 96 : i32
      %add3A_23 = arith.addi %add3A_21, %add3A_22 : i32
      "tpu.region"() ({
        %run_scoped3A = tpu.sem_alloc : memref<!tpu.dma_semaphore, #tpu.memory_space<semaphore_mem>>
        %dma_start3A_49 = tpu.memref_slice %arg4[%add3A_23] : memref<49152xi32, #tpu.memory_space<hbm>> -> memref<96xi32, #tpu.memory_space<hbm>>
        %dma_start3A_50 = tpu.memref_slice %arg4[%add3A_23] : memref<49152xi32, #tpu.memory_space<hbm>> -> memref<96xi32, #tpu.memory_space<hbm>>
        tpu.enqueue_dma source(%dma_start3A_50 : memref<96xi32, #tpu.memory_space<hbm>>) target(%arg10 : memref<96xi32, #tpu.memory_space<vmem>>) target_semaphore(%run_scoped3A : memref<!tpu.dma_semaphore, #tpu.memory_space<semaphore_mem>>)
        %dma_wait3A_51 = tpu.memref_slice %arg4[%add3A_23] : memref<49152xi32, #tpu.memory_space<hbm>> -> memref<96xi32, #tpu.memory_space<hbm>>
        %dma_wait3A_52 = tpu.memref_slice %arg4[%add3A_23] : memref<49152xi32, #tpu.memory_space<hbm>> -> memref<96xi32, #tpu.memory_space<hbm>>
        tpu.wait_dma2 semaphore(%run_scoped3A : memref<!tpu.dma_semaphore, #tpu.memory_space<semaphore_mem>>) src(%dma_wait3A_52 : memref<96xi32, #tpu.memory_space<hbm>>) dst(%arg10 : memref<96xi32, #tpu.memory_space<vmem>>)
        tpu.yield
      }) : () -> ()
      "tpu.region"() ({
        %run_scoped3A = tpu.sem_alloc : memref<!tpu.dma_semaphore, #tpu.memory_space<semaphore_mem>>
        %dma_start3A_49 = tpu.memref_slice %arg5[%add3A_23] : memref<49152xi32, #tpu.memory_space<hbm>> -> memref<96xi32, #tpu.memory_space<hbm>>
        %dma_start3A_50 = tpu.memref_slice %arg5[%add3A_23] : memref<49152xi32, #tpu.memory_space<hbm>> -> memref<96xi32, #tpu.memory_space<hbm>>
        tpu.enqueue_dma source(%dma_start3A_50 : memref<96xi32, #tpu.memory_space<hbm>>) target(%arg11 : memref<96xi32, #tpu.memory_space<vmem>>) target_semaphore(%run_scoped3A : memref<!tpu.dma_semaphore, #tpu.memory_space<semaphore_mem>>)
        %dma_wait3A_51 = tpu.memref_slice %arg5[%add3A_23] : memref<49152xi32, #tpu.memory_space<hbm>> -> memref<96xi32, #tpu.memory_space<hbm>>
        %dma_wait3A_52 = tpu.memref_slice %arg5[%add3A_23] : memref<49152xi32, #tpu.memory_space<hbm>> -> memref<96xi32, #tpu.memory_space<hbm>>
        tpu.wait_dma2 semaphore(%run_scoped3A : memref<!tpu.dma_semaphore, #tpu.memory_space<semaphore_mem>>) src(%dma_wait3A_52 : memref<96xi32, #tpu.memory_space<hbm>>) dst(%arg11 : memref<96xi32, #tpu.memory_space<vmem>>)
        tpu.yield
      }) : () -> ()
      %dma_start3A_24 = arith.constant 0 : i32
      %dma_start3A_25 = arith.constant 0 : i32
      %dma_start3A_26 = tpu.memref_slice %arg2[%dma_start3A_24, %dma_start3A_25] : memref<40000x128xf32, #tpu.memory_space<hbm>> -> memref<40000x128xf32, #tpu.memory_space<hbm>>
      tpu.enqueue_indirect_dma source(%dma_start3A_26 : memref<40000x128xf32, #tpu.memory_space<hbm>>) target(%arg14 : memref<96x128xf32, #tpu.memory_space<vmem>>) offsets(%arg10 : memref<96xi32, #tpu.memory_space<vmem>>) semaphore(%arg18 : memref<!tpu.dma_semaphore, #tpu.memory_space<semaphore_mem>>)
      %dma_start3A_27 = arith.constant 0 : i32
      %dma_start3A_28 = arith.constant 0 : i32
      %dma_start3A_29 = tpu.memref_slice %arg3[%dma_start3A_27, %dma_start3A_28] : memref<40000x128xf32, #tpu.memory_space<hbm>> -> memref<40000x128xf32, #tpu.memory_space<hbm>>
      tpu.enqueue_indirect_dma source(%dma_start3A_29 : memref<40000x128xf32, #tpu.memory_space<hbm>>) target(%arg15 : memref<96x128xf32, #tpu.memory_space<vmem>>) offsets(%arg11 : memref<96xi32, #tpu.memory_space<vmem>>) semaphore(%arg19 : memref<!tpu.dma_semaphore, #tpu.memory_space<semaphore_mem>>)
      %dma_wait3A = arith.constant 0 : i32
      %dma_wait3A_30 = arith.constant 0 : i32
      %dma_wait3A_31 = tpu.memref_slice %arg2[%dma_wait3A, %dma_wait3A_30] : memref<40000x128xf32, #tpu.memory_space<hbm>> -> memref<40000x128xf32, #tpu.memory_space<hbm>>
      tpu.wait_indirect_dma semaphore(%arg16 : memref<!tpu.dma_semaphore, #tpu.memory_space<semaphore_mem>>) src(%dma_wait3A_31 : memref<40000x128xf32, #tpu.memory_space<hbm>>) dst(%arg12 : memref<96x128xf32, #tpu.memory_space<vmem>>)
      %dma_wait3A_32 = arith.constant 0 : i32
      %dma_wait3A_33 = arith.constant 0 : i32
      %dma_wait3A_34 = tpu.memref_slice %arg3[%dma_wait3A_32, %dma_wait3A_33] : memref<40000x128xf32, #tpu.memory_space<hbm>> -> memref<40000x128xf32, #tpu.memory_space<hbm>>
      tpu.wait_indirect_dma semaphore(%arg17 : memref<!tpu.dma_semaphore, #tpu.memory_space<semaphore_mem>>) src(%dma_wait3A_34 : memref<40000x128xf32, #tpu.memory_space<hbm>>) dst(%arg13 : memref<96x128xf32, #tpu.memory_space<vmem>>)
      "tpu.region"() ({
        %run_scoped3A = tpu.sem_alloc : memref<!tpu.dma_semaphore, #tpu.memory_space<semaphore_mem>>
        %dma_start3A_49 = arith.constant 0 : i32
        %dma_start3A_50 = tpu.memref_slice %arg6[%add3A_21, %dma_start3A_49] : memref<49152x128xf32, #tpu.memory_space<hbm>> -> memref<96x128xf32, #tpu.memory_space<hbm>>
        %dma_start3A_51 = arith.constant 0 : i32
        %dma_start3A_52 = tpu.memref_slice %arg6[%add3A_21, %dma_start3A_51] : memref<49152x128xf32, #tpu.memory_space<hbm>> -> memref<96x128xf32, #tpu.memory_space<hbm>>
        tpu.enqueue_dma source(%arg12 : memref<96x128xf32, #tpu.memory_space<vmem>>) target(%dma_start3A_52 : memref<96x128xf32, #tpu.memory_space<hbm>>) target_semaphore(%run_scoped3A : memref<!tpu.dma_semaphore, #tpu.memory_space<semaphore_mem>>)
        %dma_wait3A_53 = arith.constant 0 : i32
        %dma_wait3A_54 = tpu.memref_slice %arg6[%add3A_21, %dma_wait3A_53] : memref<49152x128xf32, #tpu.memory_space<hbm>> -> memref<96x128xf32, #tpu.memory_space<hbm>>
        %dma_wait3A_55 = arith.constant 0 : i32
        %dma_wait3A_56 = tpu.memref_slice %arg6[%add3A_21, %dma_wait3A_55] : memref<49152x128xf32, #tpu.memory_space<hbm>> -> memref<96x128xf32, #tpu.memory_space<hbm>>
        tpu.wait_dma2 semaphore(%run_scoped3A : memref<!tpu.dma_semaphore, #tpu.memory_space<semaphore_mem>>) src(%arg12 : memref<96x128xf32, #tpu.memory_space<vmem>>) dst(%dma_wait3A_56 : memref<96x128xf32, #tpu.memory_space<hbm>>)
        tpu.yield
      }) : () -> ()
      "tpu.region"() ({
        %run_scoped3A = tpu.sem_alloc : memref<!tpu.dma_semaphore, #tpu.memory_space<semaphore_mem>>
        %dma_start3A_49 = arith.constant 0 : i32
        %dma_start3A_50 = tpu.memref_slice %arg7[%add3A_21, %dma_start3A_49] : memref<49152x128xf32, #tpu.memory_space<hbm>> -> memref<96x128xf32, #tpu.memory_space<hbm>>
        %dma_start3A_51 = arith.constant 0 : i32
        %dma_start3A_52 = tpu.memref_slice %arg7[%add3A_21, %dma_start3A_51] : memref<49152x128xf32, #tpu.memory_space<hbm>> -> memref<96x128xf32, #tpu.memory_space<hbm>>
        tpu.enqueue_dma source(%arg13 : memref<96x128xf32, #tpu.memory_space<vmem>>) target(%dma_start3A_52 : memref<96x128xf32, #tpu.memory_space<hbm>>) target_semaphore(%run_scoped3A : memref<!tpu.dma_semaphore, #tpu.memory_space<semaphore_mem>>)
        %dma_wait3A_53 = arith.constant 0 : i32
        %dma_wait3A_54 = tpu.memref_slice %arg7[%add3A_21, %dma_wait3A_53] : memref<49152x128xf32, #tpu.memory_space<hbm>> -> memref<96x128xf32, #tpu.memory_space<hbm>>
        %dma_wait3A_55 = arith.constant 0 : i32
        %dma_wait3A_56 = tpu.memref_slice %arg7[%add3A_21, %dma_wait3A_55] : memref<49152x128xf32, #tpu.memory_space<hbm>> -> memref<96x128xf32, #tpu.memory_space<hbm>>
        tpu.wait_dma2 semaphore(%run_scoped3A : memref<!tpu.dma_semaphore, #tpu.memory_space<semaphore_mem>>) src(%arg13 : memref<96x128xf32, #tpu.memory_space<vmem>>) dst(%dma_wait3A_56 : memref<96x128xf32, #tpu.memory_space<hbm>>)
        tpu.yield
      }) : () -> ()
      %mul3A_35 = arith.constant 2 : i32
      %mul3A_36 = arith.muli %mul3A_35, %add3A_16 : i32
      %add3A_37 = arith.constant 2 : i32
      %add3A_38 = arith.addi %mul3A_36, %add3A_37 : i32
      %lt3A = arith.constant 16 : i32
      %lt3A_39 = arith.cmpi slt, %add3A_38, %lt3A : i32
      %convert_element_type3A = arith.extui %lt3A_39 : i1 to i32
      %cond3A = arith.constant 0 : i32
      %cond3A_40 = arith.cmpi ne, %convert_element_type3A, %cond3A : i32
      scf.if %cond3A_40 {
        %add3A_49 = arith.constant 192 : i32
        %add3A_50 = arith.addi %add3A_21, %add3A_49 : i32
        "tpu.region"() ({
          %run_scoped3A = tpu.sem_alloc : memref<!tpu.dma_semaphore, #tpu.memory_space<semaphore_mem>>
          %dma_start3A_57 = tpu.memref_slice %arg4[%add3A_50] : memref<49152xi32, #tpu.memory_space<hbm>> -> memref<96xi32, #tpu.memory_space<hbm>>
          %dma_start3A_58 = tpu.memref_slice %arg4[%add3A_50] : memref<49152xi32, #tpu.memory_space<hbm>> -> memref<96xi32, #tpu.memory_space<hbm>>
          tpu.enqueue_dma source(%dma_start3A_58 : memref<96xi32, #tpu.memory_space<hbm>>) target(%arg8 : memref<96xi32, #tpu.memory_space<vmem>>) target_semaphore(%run_scoped3A : memref<!tpu.dma_semaphore, #tpu.memory_space<semaphore_mem>>)
          %dma_wait3A_59 = tpu.memref_slice %arg4[%add3A_50] : memref<49152xi32, #tpu.memory_space<hbm>> -> memref<96xi32, #tpu.memory_space<hbm>>
          %dma_wait3A_60 = tpu.memref_slice %arg4[%add3A_50] : memref<49152xi32, #tpu.memory_space<hbm>> -> memref<96xi32, #tpu.memory_space<hbm>>
          tpu.wait_dma2 semaphore(%run_scoped3A : memref<!tpu.dma_semaphore, #tpu.memory_space<semaphore_mem>>) src(%dma_wait3A_60 : memref<96xi32, #tpu.memory_space<hbm>>) dst(%arg8 : memref<96xi32, #tpu.memory_space<vmem>>)
          tpu.yield
        }) : () -> ()
        "tpu.region"() ({
          %run_scoped3A = tpu.sem_alloc : memref<!tpu.dma_semaphore, #tpu.memory_space<semaphore_mem>>
          %dma_start3A_57 = tpu.memref_slice %arg5[%add3A_50] : memref<49152xi32, #tpu.memory_space<hbm>> -> memref<96xi32, #tpu.memory_space<hbm>>
          %dma_start3A_58 = tpu.memref_slice %arg5[%add3A_50] : memref<49152xi32, #tpu.memory_space<hbm>> -> memref<96xi32, #tpu.memory_space<hbm>>
          tpu.enqueue_dma source(%dma_start3A_58 : memref<96xi32, #tpu.memory_space<hbm>>) target(%arg9 : memref<96xi32, #tpu.memory_space<vmem>>) target_semaphore(%run_scoped3A : memref<!tpu.dma_semaphore, #tpu.memory_space<semaphore_mem>>)
          %dma_wait3A_59 = tpu.memref_slice %arg5[%add3A_50] : memref<49152xi32, #tpu.memory_space<hbm>> -> memref<96xi32, #tpu.memory_space<hbm>>
          %dma_wait3A_60 = tpu.memref_slice %arg5[%add3A_50] : memref<49152xi32, #tpu.memory_space<hbm>> -> memref<96xi32, #tpu.memory_space<hbm>>
          tpu.wait_dma2 semaphore(%run_scoped3A : memref<!tpu.dma_semaphore, #tpu.memory_space<semaphore_mem>>) src(%dma_wait3A_60 : memref<96xi32, #tpu.memory_space<hbm>>) dst(%arg9 : memref<96xi32, #tpu.memory_space<vmem>>)
          tpu.yield
        }) : () -> ()
        %dma_start3A_51 = arith.constant 0 : i32
        %dma_start3A_52 = arith.constant 0 : i32
        %dma_start3A_53 = tpu.memref_slice %arg2[%dma_start3A_51, %dma_start3A_52] : memref<40000x128xf32, #tpu.memory_space<hbm>> -> memref<40000x128xf32, #tpu.memory_space<hbm>>
        tpu.enqueue_indirect_dma source(%dma_start3A_53 : memref<40000x128xf32, #tpu.memory_space<hbm>>) target(%arg12 : memref<96x128xf32, #tpu.memory_space<vmem>>) offsets(%arg8 : memref<96xi32, #tpu.memory_space<vmem>>) semaphore(%arg16 : memref<!tpu.dma_semaphore, #tpu.memory_space<semaphore_mem>>)
        %dma_start3A_54 = arith.constant 0 : i32
        %dma_start3A_55 = arith.constant 0 : i32
        %dma_start3A_56 = tpu.memref_slice %arg3[%dma_start3A_54, %dma_start3A_55] : memref<40000x128xf32, #tpu.memory_space<hbm>> -> memref<40000x128xf32, #tpu.memory_space<hbm>>
        tpu.enqueue_indirect_dma source(%dma_start3A_56 : memref<40000x128xf32, #tpu.memory_space<hbm>>) target(%arg13 : memref<96x128xf32, #tpu.memory_space<vmem>>) offsets(%arg9 : memref<96xi32, #tpu.memory_space<vmem>>) semaphore(%arg17 : memref<!tpu.dma_semaphore, #tpu.memory_space<semaphore_mem>>)
      } else {
      }
      %add3A_41 = arith.constant 96 : i32
      %add3A_42 = arith.addi %add3A_21, %add3A_41 : i32
      %dma_wait3A_43 = arith.constant 0 : i32
      %dma_wait3A_44 = arith.constant 0 : i32
      %dma_wait3A_45 = tpu.memref_slice %arg2[%dma_wait3A_43, %dma_wait3A_44] : memref<40000x128xf32, #tpu.memory_space<hbm>> -> memref<40000x128xf32, #tpu.memory_space<hbm>>
      tpu.wait_indirect_dma semaphore(%arg18 : memref<!tpu.dma_semaphore, #tpu.memory_space<semaphore_mem>>) src(%dma_wait3A_45 : memref<40000x128xf32, #tpu.memory_space<hbm>>) dst(%arg14 : memref<96x128xf32, #tpu.memory_space<vmem>>)
      %dma_wait3A_46 = arith.constant 0 : i32
      %dma_wait3A_47 = arith.constant 0 : i32
      %dma_wait3A_48 = tpu.memref_slice %arg3[%dma_wait3A_46, %dma_wait3A_47] : memref<40000x128xf32, #tpu.memory_space<hbm>> -> memref<40000x128xf32, #tpu.memory_space<hbm>>
      tpu.wait_indirect_dma semaphore(%arg19 : memref<!tpu.dma_semaphore, #tpu.memory_space<semaphore_mem>>) src(%dma_wait3A_48 : memref<40000x128xf32, #tpu.memory_space<hbm>>) dst(%arg15 : memref<96x128xf32, #tpu.memory_space<vmem>>)
      "tpu.region"() ({
        %run_scoped3A = tpu.sem_alloc : memref<!tpu.dma_semaphore, #tpu.memory_space<semaphore_mem>>
        %dma_start3A_49 = arith.constant 0 : i32
        %dma_start3A_50 = tpu.memref_slice %arg6[%add3A_42, %dma_start3A_49] : memref<49152x128xf32, #tpu.memory_space<hbm>> -> memref<96x128xf32, #tpu.memory_space<hbm>>
        %dma_start3A_51 = arith.constant 0 : i32
        %dma_start3A_52 = tpu.memref_slice %arg6[%add3A_42, %dma_start3A_51] : memref<49152x128xf32, #tpu.memory_space<hbm>> -> memref<96x128xf32, #tpu.memory_space<hbm>>
        tpu.enqueue_dma source(%arg14 : memref<96x128xf32, #tpu.memory_space<vmem>>) target(%dma_start3A_52 : memref<96x128xf32, #tpu.memory_space<hbm>>) target_semaphore(%run_scoped3A : memref<!tpu.dma_semaphore, #tpu.memory_space<semaphore_mem>>)
        %dma_wait3A_53 = arith.constant 0 : i32
        %dma_wait3A_54 = tpu.memref_slice %arg6[%add3A_42, %dma_wait3A_53] : memref<49152x128xf32, #tpu.memory_space<hbm>> -> memref<96x128xf32, #tpu.memory_space<hbm>>
        %dma_wait3A_55 = arith.constant 0 : i32
        %dma_wait3A_56 = tpu.memref_slice %arg6[%add3A_42, %dma_wait3A_55] : memref<49152x128xf32, #tpu.memory_space<hbm>> -> memref<96x128xf32, #tpu.memory_space<hbm>>
        tpu.wait_dma2 semaphore(%run_scoped3A : memref<!tpu.dma_semaphore, #tpu.memory_space<semaphore_mem>>) src(%arg14 : memref<96x128xf32, #tpu.memory_space<vmem>>) dst(%dma_wait3A_56 : memref<96x128xf32, #tpu.memory_space<hbm>>)
        tpu.yield
      }) : () -> ()
      "tpu.region"() ({
        %run_scoped3A = tpu.sem_alloc : memref<!tpu.dma_semaphore, #tpu.memory_space<semaphore_mem>>
        %dma_start3A_49 = arith.constant 0 : i32
        %dma_start3A_50 = tpu.memref_slice %arg7[%add3A_42, %dma_start3A_49] : memref<49152x128xf32, #tpu.memory_space<hbm>> -> memref<96x128xf32, #tpu.memory_space<hbm>>
        %dma_start3A_51 = arith.constant 0 : i32
        %dma_start3A_52 = tpu.memref_slice %arg7[%add3A_42, %dma_start3A_51] : memref<49152x128xf32, #tpu.memory_space<hbm>> -> memref<96x128xf32, #tpu.memory_space<hbm>>
        tpu.enqueue_dma source(%arg15 : memref<96x128xf32, #tpu.memory_space<vmem>>) target(%dma_start3A_52 : memref<96x128xf32, #tpu.memory_space<hbm>>) target_semaphore(%run_scoped3A : memref<!tpu.dma_semaphore, #tpu.memory_space<semaphore_mem>>)
        %dma_wait3A_53 = arith.constant 0 : i32
        %dma_wait3A_54 = tpu.memref_slice %arg7[%add3A_42, %dma_wait3A_53] : memref<49152x128xf32, #tpu.memory_space<hbm>> -> memref<96x128xf32, #tpu.memory_space<hbm>>
        %dma_wait3A_55 = arith.constant 0 : i32
        %dma_wait3A_56 = tpu.memref_slice %arg7[%add3A_42, %dma_wait3A_55] : memref<49152x128xf32, #tpu.memory_space<hbm>> -> memref<96x128xf32, #tpu.memory_space<hbm>>
        tpu.wait_dma2 semaphore(%run_scoped3A : memref<!tpu.dma_semaphore, #tpu.memory_space<semaphore_mem>>) src(%arg15 : memref<96x128xf32, #tpu.memory_space<vmem>>) dst(%dma_wait3A_56 : memref<96x128xf32, #tpu.memory_space<hbm>>)
        tpu.yield
      }) : () -> ()
    }
    %scan3A_11 = arith.constant 8 : i32
    return
  }
}

#map = affine_map<(d0, d1) -> (0, 0)>
#map1 = affine_map<(d0, d1) -> (0)>
module attributes {stable_mosaic.version = 14 : i64} {
  func.func @k(%arg0: i32, %arg1: i32, %arg2: memref<40000x128xf32, #tpu.memory_space<hbm>>, %arg3: memref<40000x128xf32, #tpu.memory_space<hbm>>, %arg4: memref<51200xi32, #tpu.memory_space<hbm>>, %arg5: memref<51200xi32, #tpu.memory_space<hbm>>, %arg6: memref<51200x128xf32, #tpu.memory_space<hbm>>, %arg7: memref<51200x128xf32, #tpu.memory_space<hbm>>, %arg8: memref<80xi32, #tpu.memory_space<vmem>>, %arg9: memref<80xi32, #tpu.memory_space<vmem>>, %arg10: memref<80xi32, #tpu.memory_space<vmem>>, %arg11: memref<80xi32, #tpu.memory_space<vmem>>, %arg12: memref<80x128xf32, #tpu.memory_space<vmem>>, %arg13: memref<80x128xf32, #tpu.memory_space<vmem>>, %arg14: memref<80x128xf32, #tpu.memory_space<vmem>>, %arg15: memref<80x128xf32, #tpu.memory_space<vmem>>, %arg16: memref<!tpu.dma_semaphore, #tpu.memory_space<semaphore_mem>>, %arg17: memref<!tpu.dma_semaphore, #tpu.memory_space<semaphore_mem>>, %arg18: memref<!tpu.dma_semaphore, #tpu.memory_space<semaphore_mem>>, %arg19: memref<!tpu.dma_semaphore, #tpu.memory_space<semaphore_mem>>) attributes {dimension_semantics = [#tpu.dimension_semantics<core_parallel>, #tpu.dimension_semantics<subcore_parallel>], iteration_bounds = array<i64: 2, 16>, scalar_prefetch = 0 : i64, scratch_operands = 12 : i64, tpu.core_type = #tpu.core_type<sc_vector_subcore>, window_params = [{transform_indices = #map}, {transform_indices = #map}, {transform_indices = #map1}, {transform_indices = #map1}, {transform_indices = #map}, {transform_indices = #map}]} {
    %mul3A = arith.constant 2 : i32
    %mul3A_0 = arith.muli %arg1, %mul3A : i32
    %add3A = arith.addi %mul3A_0, %arg0 : i32
    %mul3A_1 = arith.constant 1600 : i32
    %mul3A_2 = arith.muli %add3A, %mul3A_1 : i32
    "tpu.region"() ({
      %run_scoped3A = tpu.sem_alloc : memref<!tpu.dma_semaphore, #tpu.memory_space<semaphore_mem>>
      %dma_start3A_12 = tpu.memref_slice %arg4[%mul3A_2] : memref<51200xi32, #tpu.memory_space<hbm>> -> memref<80xi32, #tpu.memory_space<hbm>>
      %dma_start3A_13 = tpu.memref_slice %arg4[%mul3A_2] : memref<51200xi32, #tpu.memory_space<hbm>> -> memref<80xi32, #tpu.memory_space<hbm>>
      tpu.enqueue_dma source(%dma_start3A_13 : memref<80xi32, #tpu.memory_space<hbm>>) target(%arg8 : memref<80xi32, #tpu.memory_space<vmem>>) target_semaphore(%run_scoped3A : memref<!tpu.dma_semaphore, #tpu.memory_space<semaphore_mem>>)
      %dma_wait3A = tpu.memref_slice %arg4[%mul3A_2] : memref<51200xi32, #tpu.memory_space<hbm>> -> memref<80xi32, #tpu.memory_space<hbm>>
      %dma_wait3A_14 = tpu.memref_slice %arg4[%mul3A_2] : memref<51200xi32, #tpu.memory_space<hbm>> -> memref<80xi32, #tpu.memory_space<hbm>>
      tpu.wait_dma2 semaphore(%run_scoped3A : memref<!tpu.dma_semaphore, #tpu.memory_space<semaphore_mem>>) src(%dma_wait3A_14 : memref<80xi32, #tpu.memory_space<hbm>>) dst(%arg8 : memref<80xi32, #tpu.memory_space<vmem>>)
      tpu.yield
    }) : () -> ()
    "tpu.region"() ({
      %run_scoped3A = tpu.sem_alloc : memref<!tpu.dma_semaphore, #tpu.memory_space<semaphore_mem>>
      %dma_start3A_12 = tpu.memref_slice %arg5[%mul3A_2] : memref<51200xi32, #tpu.memory_space<hbm>> -> memref<80xi32, #tpu.memory_space<hbm>>
      %dma_start3A_13 = tpu.memref_slice %arg5[%mul3A_2] : memref<51200xi32, #tpu.memory_space<hbm>> -> memref<80xi32, #tpu.memory_space<hbm>>
      tpu.enqueue_dma source(%dma_start3A_13 : memref<80xi32, #tpu.memory_space<hbm>>) target(%arg9 : memref<80xi32, #tpu.memory_space<vmem>>) target_semaphore(%run_scoped3A : memref<!tpu.dma_semaphore, #tpu.memory_space<semaphore_mem>>)
      %dma_wait3A = tpu.memref_slice %arg5[%mul3A_2] : memref<51200xi32, #tpu.memory_space<hbm>> -> memref<80xi32, #tpu.memory_space<hbm>>
      %dma_wait3A_14 = tpu.memref_slice %arg5[%mul3A_2] : memref<51200xi32, #tpu.memory_space<hbm>> -> memref<80xi32, #tpu.memory_space<hbm>>
      tpu.wait_dma2 semaphore(%run_scoped3A : memref<!tpu.dma_semaphore, #tpu.memory_space<semaphore_mem>>) src(%dma_wait3A_14 : memref<80xi32, #tpu.memory_space<hbm>>) dst(%arg9 : memref<80xi32, #tpu.memory_space<vmem>>)
      tpu.yield
    }) : () -> ()
    %dma_start3A = arith.constant 0 : i32
    %dma_start3A_3 = arith.constant 0 : i32
    %dma_start3A_4 = tpu.memref_slice %arg2[%dma_start3A, %dma_start3A_3] : memref<40000x128xf32, #tpu.memory_space<hbm>> -> memref<40000x128xf32, #tpu.memory_space<hbm>>
    tpu.enqueue_indirect_dma source(%dma_start3A_4 : memref<40000x128xf32, #tpu.memory_space<hbm>>) target(%arg12 : memref<80x128xf32, #tpu.memory_space<vmem>>) offsets(%arg8 : memref<80xi32, #tpu.memory_space<vmem>>) semaphore(%arg16 : memref<!tpu.dma_semaphore, #tpu.memory_space<semaphore_mem>>)
    %dma_start3A_5 = arith.constant 0 : i32
    %dma_start3A_6 = arith.constant 0 : i32
    %dma_start3A_7 = tpu.memref_slice %arg3[%dma_start3A_5, %dma_start3A_6] : memref<40000x128xf32, #tpu.memory_space<hbm>> -> memref<40000x128xf32, #tpu.memory_space<hbm>>
    tpu.enqueue_indirect_dma source(%dma_start3A_7 : memref<40000x128xf32, #tpu.memory_space<hbm>>) target(%arg13 : memref<80x128xf32, #tpu.memory_space<vmem>>) offsets(%arg9 : memref<80xi32, #tpu.memory_space<vmem>>) semaphore(%arg17 : memref<!tpu.dma_semaphore, #tpu.memory_space<semaphore_mem>>)
    %scan3A = arith.constant 0 : i32
    %scan3A_8 = arith.constant 10 : i32
    %scan3A_9 = arith.addi %scan3A, %scan3A_8 : i32
    %scan3A_10 = arith.constant 1 : i32
    scf.for %scan3A_12 = %scan3A to %scan3A_9 step %scan3A_10  : i32 {
      %mul3A_13 = arith.constant 1 : i32
      %mul3A_14 = arith.muli %scan3A_12, %mul3A_13 : i32
      %add3A_15 = arith.constant 0 : i32
      %add3A_16 = arith.addi %add3A_15, %mul3A_14 : i32
      %mul3A_17 = arith.constant 2 : i32
      %mul3A_18 = arith.muli %mul3A_17, %add3A_16 : i32
      %mul3A_19 = arith.constant 80 : i32
      %mul3A_20 = arith.muli %mul3A_18, %mul3A_19 : i32
      %add3A_21 = arith.addi %mul3A_2, %mul3A_20 : i32
      %add3A_22 = arith.constant 80 : i32
      %add3A_23 = arith.addi %add3A_21, %add3A_22 : i32
      "tpu.region"() ({
        %run_scoped3A = tpu.sem_alloc : memref<!tpu.dma_semaphore, #tpu.memory_space<semaphore_mem>>
        %dma_start3A_49 = tpu.memref_slice %arg4[%add3A_23] : memref<51200xi32, #tpu.memory_space<hbm>> -> memref<80xi32, #tpu.memory_space<hbm>>
        %dma_start3A_50 = tpu.memref_slice %arg4[%add3A_23] : memref<51200xi32, #tpu.memory_space<hbm>> -> memref<80xi32, #tpu.memory_space<hbm>>
        tpu.enqueue_dma source(%dma_start3A_50 : memref<80xi32, #tpu.memory_space<hbm>>) target(%arg10 : memref<80xi32, #tpu.memory_space<vmem>>) target_semaphore(%run_scoped3A : memref<!tpu.dma_semaphore, #tpu.memory_space<semaphore_mem>>)
        %dma_wait3A_51 = tpu.memref_slice %arg4[%add3A_23] : memref<51200xi32, #tpu.memory_space<hbm>> -> memref<80xi32, #tpu.memory_space<hbm>>
        %dma_wait3A_52 = tpu.memref_slice %arg4[%add3A_23] : memref<51200xi32, #tpu.memory_space<hbm>> -> memref<80xi32, #tpu.memory_space<hbm>>
        tpu.wait_dma2 semaphore(%run_scoped3A : memref<!tpu.dma_semaphore, #tpu.memory_space<semaphore_mem>>) src(%dma_wait3A_52 : memref<80xi32, #tpu.memory_space<hbm>>) dst(%arg10 : memref<80xi32, #tpu.memory_space<vmem>>)
        tpu.yield
      }) : () -> ()
      "tpu.region"() ({
        %run_scoped3A = tpu.sem_alloc : memref<!tpu.dma_semaphore, #tpu.memory_space<semaphore_mem>>
        %dma_start3A_49 = tpu.memref_slice %arg5[%add3A_23] : memref<51200xi32, #tpu.memory_space<hbm>> -> memref<80xi32, #tpu.memory_space<hbm>>
        %dma_start3A_50 = tpu.memref_slice %arg5[%add3A_23] : memref<51200xi32, #tpu.memory_space<hbm>> -> memref<80xi32, #tpu.memory_space<hbm>>
        tpu.enqueue_dma source(%dma_start3A_50 : memref<80xi32, #tpu.memory_space<hbm>>) target(%arg11 : memref<80xi32, #tpu.memory_space<vmem>>) target_semaphore(%run_scoped3A : memref<!tpu.dma_semaphore, #tpu.memory_space<semaphore_mem>>)
        %dma_wait3A_51 = tpu.memref_slice %arg5[%add3A_23] : memref<51200xi32, #tpu.memory_space<hbm>> -> memref<80xi32, #tpu.memory_space<hbm>>
        %dma_wait3A_52 = tpu.memref_slice %arg5[%add3A_23] : memref<51200xi32, #tpu.memory_space<hbm>> -> memref<80xi32, #tpu.memory_space<hbm>>
        tpu.wait_dma2 semaphore(%run_scoped3A : memref<!tpu.dma_semaphore, #tpu.memory_space<semaphore_mem>>) src(%dma_wait3A_52 : memref<80xi32, #tpu.memory_space<hbm>>) dst(%arg11 : memref<80xi32, #tpu.memory_space<vmem>>)
        tpu.yield
      }) : () -> ()
      %dma_start3A_24 = arith.constant 0 : i32
      %dma_start3A_25 = arith.constant 0 : i32
      %dma_start3A_26 = tpu.memref_slice %arg2[%dma_start3A_24, %dma_start3A_25] : memref<40000x128xf32, #tpu.memory_space<hbm>> -> memref<40000x128xf32, #tpu.memory_space<hbm>>
      tpu.enqueue_indirect_dma source(%dma_start3A_26 : memref<40000x128xf32, #tpu.memory_space<hbm>>) target(%arg14 : memref<80x128xf32, #tpu.memory_space<vmem>>) offsets(%arg10 : memref<80xi32, #tpu.memory_space<vmem>>) semaphore(%arg18 : memref<!tpu.dma_semaphore, #tpu.memory_space<semaphore_mem>>)
      %dma_start3A_27 = arith.constant 0 : i32
      %dma_start3A_28 = arith.constant 0 : i32
      %dma_start3A_29 = tpu.memref_slice %arg3[%dma_start3A_27, %dma_start3A_28] : memref<40000x128xf32, #tpu.memory_space<hbm>> -> memref<40000x128xf32, #tpu.memory_space<hbm>>
      tpu.enqueue_indirect_dma source(%dma_start3A_29 : memref<40000x128xf32, #tpu.memory_space<hbm>>) target(%arg15 : memref<80x128xf32, #tpu.memory_space<vmem>>) offsets(%arg11 : memref<80xi32, #tpu.memory_space<vmem>>) semaphore(%arg19 : memref<!tpu.dma_semaphore, #tpu.memory_space<semaphore_mem>>)
      %dma_wait3A = arith.constant 0 : i32
      %dma_wait3A_30 = arith.constant 0 : i32
      %dma_wait3A_31 = tpu.memref_slice %arg2[%dma_wait3A, %dma_wait3A_30] : memref<40000x128xf32, #tpu.memory_space<hbm>> -> memref<40000x128xf32, #tpu.memory_space<hbm>>
      tpu.wait_indirect_dma semaphore(%arg16 : memref<!tpu.dma_semaphore, #tpu.memory_space<semaphore_mem>>) src(%dma_wait3A_31 : memref<40000x128xf32, #tpu.memory_space<hbm>>) dst(%arg12 : memref<80x128xf32, #tpu.memory_space<vmem>>)
      %dma_wait3A_32 = arith.constant 0 : i32
      %dma_wait3A_33 = arith.constant 0 : i32
      %dma_wait3A_34 = tpu.memref_slice %arg3[%dma_wait3A_32, %dma_wait3A_33] : memref<40000x128xf32, #tpu.memory_space<hbm>> -> memref<40000x128xf32, #tpu.memory_space<hbm>>
      tpu.wait_indirect_dma semaphore(%arg17 : memref<!tpu.dma_semaphore, #tpu.memory_space<semaphore_mem>>) src(%dma_wait3A_34 : memref<40000x128xf32, #tpu.memory_space<hbm>>) dst(%arg13 : memref<80x128xf32, #tpu.memory_space<vmem>>)
      "tpu.region"() ({
        %run_scoped3A = tpu.sem_alloc : memref<!tpu.dma_semaphore, #tpu.memory_space<semaphore_mem>>
        %dma_start3A_49 = arith.constant 0 : i32
        %dma_start3A_50 = tpu.memref_slice %arg6[%add3A_21, %dma_start3A_49] : memref<51200x128xf32, #tpu.memory_space<hbm>> -> memref<80x128xf32, #tpu.memory_space<hbm>>
        %dma_start3A_51 = arith.constant 0 : i32
        %dma_start3A_52 = tpu.memref_slice %arg6[%add3A_21, %dma_start3A_51] : memref<51200x128xf32, #tpu.memory_space<hbm>> -> memref<80x128xf32, #tpu.memory_space<hbm>>
        tpu.enqueue_dma source(%arg12 : memref<80x128xf32, #tpu.memory_space<vmem>>) target(%dma_start3A_52 : memref<80x128xf32, #tpu.memory_space<hbm>>) target_semaphore(%run_scoped3A : memref<!tpu.dma_semaphore, #tpu.memory_space<semaphore_mem>>)
        %dma_wait3A_53 = arith.constant 0 : i32
        %dma_wait3A_54 = tpu.memref_slice %arg6[%add3A_21, %dma_wait3A_53] : memref<51200x128xf32, #tpu.memory_space<hbm>> -> memref<80x128xf32, #tpu.memory_space<hbm>>
        %dma_wait3A_55 = arith.constant 0 : i32
        %dma_wait3A_56 = tpu.memref_slice %arg6[%add3A_21, %dma_wait3A_55] : memref<51200x128xf32, #tpu.memory_space<hbm>> -> memref<80x128xf32, #tpu.memory_space<hbm>>
        tpu.wait_dma2 semaphore(%run_scoped3A : memref<!tpu.dma_semaphore, #tpu.memory_space<semaphore_mem>>) src(%arg12 : memref<80x128xf32, #tpu.memory_space<vmem>>) dst(%dma_wait3A_56 : memref<80x128xf32, #tpu.memory_space<hbm>>)
        tpu.yield
      }) : () -> ()
      "tpu.region"() ({
        %run_scoped3A = tpu.sem_alloc : memref<!tpu.dma_semaphore, #tpu.memory_space<semaphore_mem>>
        %dma_start3A_49 = arith.constant 0 : i32
        %dma_start3A_50 = tpu.memref_slice %arg7[%add3A_21, %dma_start3A_49] : memref<51200x128xf32, #tpu.memory_space<hbm>> -> memref<80x128xf32, #tpu.memory_space<hbm>>
        %dma_start3A_51 = arith.constant 0 : i32
        %dma_start3A_52 = tpu.memref_slice %arg7[%add3A_21, %dma_start3A_51] : memref<51200x128xf32, #tpu.memory_space<hbm>> -> memref<80x128xf32, #tpu.memory_space<hbm>>
        tpu.enqueue_dma source(%arg13 : memref<80x128xf32, #tpu.memory_space<vmem>>) target(%dma_start3A_52 : memref<80x128xf32, #tpu.memory_space<hbm>>) target_semaphore(%run_scoped3A : memref<!tpu.dma_semaphore, #tpu.memory_space<semaphore_mem>>)
        %dma_wait3A_53 = arith.constant 0 : i32
        %dma_wait3A_54 = tpu.memref_slice %arg7[%add3A_21, %dma_wait3A_53] : memref<51200x128xf32, #tpu.memory_space<hbm>> -> memref<80x128xf32, #tpu.memory_space<hbm>>
        %dma_wait3A_55 = arith.constant 0 : i32
        %dma_wait3A_56 = tpu.memref_slice %arg7[%add3A_21, %dma_wait3A_55] : memref<51200x128xf32, #tpu.memory_space<hbm>> -> memref<80x128xf32, #tpu.memory_space<hbm>>
        tpu.wait_dma2 semaphore(%run_scoped3A : memref<!tpu.dma_semaphore, #tpu.memory_space<semaphore_mem>>) src(%arg13 : memref<80x128xf32, #tpu.memory_space<vmem>>) dst(%dma_wait3A_56 : memref<80x128xf32, #tpu.memory_space<hbm>>)
        tpu.yield
      }) : () -> ()
      %mul3A_35 = arith.constant 2 : i32
      %mul3A_36 = arith.muli %mul3A_35, %add3A_16 : i32
      %add3A_37 = arith.constant 2 : i32
      %add3A_38 = arith.addi %mul3A_36, %add3A_37 : i32
      %lt3A = arith.constant 20 : i32
      %lt3A_39 = arith.cmpi slt, %add3A_38, %lt3A : i32
      %convert_element_type3A = arith.extui %lt3A_39 : i1 to i32
      %cond3A = arith.constant 0 : i32
      %cond3A_40 = arith.cmpi ne, %convert_element_type3A, %cond3A : i32
      scf.if %cond3A_40 {
        %add3A_49 = arith.constant 160 : i32
        %add3A_50 = arith.addi %add3A_21, %add3A_49 : i32
        "tpu.region"() ({
          %run_scoped3A = tpu.sem_alloc : memref<!tpu.dma_semaphore, #tpu.memory_space<semaphore_mem>>
          %dma_start3A_57 = tpu.memref_slice %arg4[%add3A_50] : memref<51200xi32, #tpu.memory_space<hbm>> -> memref<80xi32, #tpu.memory_space<hbm>>
          %dma_start3A_58 = tpu.memref_slice %arg4[%add3A_50] : memref<51200xi32, #tpu.memory_space<hbm>> -> memref<80xi32, #tpu.memory_space<hbm>>
          tpu.enqueue_dma source(%dma_start3A_58 : memref<80xi32, #tpu.memory_space<hbm>>) target(%arg8 : memref<80xi32, #tpu.memory_space<vmem>>) target_semaphore(%run_scoped3A : memref<!tpu.dma_semaphore, #tpu.memory_space<semaphore_mem>>)
          %dma_wait3A_59 = tpu.memref_slice %arg4[%add3A_50] : memref<51200xi32, #tpu.memory_space<hbm>> -> memref<80xi32, #tpu.memory_space<hbm>>
          %dma_wait3A_60 = tpu.memref_slice %arg4[%add3A_50] : memref<51200xi32, #tpu.memory_space<hbm>> -> memref<80xi32, #tpu.memory_space<hbm>>
          tpu.wait_dma2 semaphore(%run_scoped3A : memref<!tpu.dma_semaphore, #tpu.memory_space<semaphore_mem>>) src(%dma_wait3A_60 : memref<80xi32, #tpu.memory_space<hbm>>) dst(%arg8 : memref<80xi32, #tpu.memory_space<vmem>>)
          tpu.yield
        }) : () -> ()
        "tpu.region"() ({
          %run_scoped3A = tpu.sem_alloc : memref<!tpu.dma_semaphore, #tpu.memory_space<semaphore_mem>>
          %dma_start3A_57 = tpu.memref_slice %arg5[%add3A_50] : memref<51200xi32, #tpu.memory_space<hbm>> -> memref<80xi32, #tpu.memory_space<hbm>>
          %dma_start3A_58 = tpu.memref_slice %arg5[%add3A_50] : memref<51200xi32, #tpu.memory_space<hbm>> -> memref<80xi32, #tpu.memory_space<hbm>>
          tpu.enqueue_dma source(%dma_start3A_58 : memref<80xi32, #tpu.memory_space<hbm>>) target(%arg9 : memref<80xi32, #tpu.memory_space<vmem>>) target_semaphore(%run_scoped3A : memref<!tpu.dma_semaphore, #tpu.memory_space<semaphore_mem>>)
          %dma_wait3A_59 = tpu.memref_slice %arg5[%add3A_50] : memref<51200xi32, #tpu.memory_space<hbm>> -> memref<80xi32, #tpu.memory_space<hbm>>
          %dma_wait3A_60 = tpu.memref_slice %arg5[%add3A_50] : memref<51200xi32, #tpu.memory_space<hbm>> -> memref<80xi32, #tpu.memory_space<hbm>>
          tpu.wait_dma2 semaphore(%run_scoped3A : memref<!tpu.dma_semaphore, #tpu.memory_space<semaphore_mem>>) src(%dma_wait3A_60 : memref<80xi32, #tpu.memory_space<hbm>>) dst(%arg9 : memref<80xi32, #tpu.memory_space<vmem>>)
          tpu.yield
        }) : () -> ()
        %dma_start3A_51 = arith.constant 0 : i32
        %dma_start3A_52 = arith.constant 0 : i32
        %dma_start3A_53 = tpu.memref_slice %arg2[%dma_start3A_51, %dma_start3A_52] : memref<40000x128xf32, #tpu.memory_space<hbm>> -> memref<40000x128xf32, #tpu.memory_space<hbm>>
        tpu.enqueue_indirect_dma source(%dma_start3A_53 : memref<40000x128xf32, #tpu.memory_space<hbm>>) target(%arg12 : memref<80x128xf32, #tpu.memory_space<vmem>>) offsets(%arg8 : memref<80xi32, #tpu.memory_space<vmem>>) semaphore(%arg16 : memref<!tpu.dma_semaphore, #tpu.memory_space<semaphore_mem>>)
        %dma_start3A_54 = arith.constant 0 : i32
        %dma_start3A_55 = arith.constant 0 : i32
        %dma_start3A_56 = tpu.memref_slice %arg3[%dma_start3A_54, %dma_start3A_55] : memref<40000x128xf32, #tpu.memory_space<hbm>> -> memref<40000x128xf32, #tpu.memory_space<hbm>>
        tpu.enqueue_indirect_dma source(%dma_start3A_56 : memref<40000x128xf32, #tpu.memory_space<hbm>>) target(%arg13 : memref<80x128xf32, #tpu.memory_space<vmem>>) offsets(%arg9 : memref<80xi32, #tpu.memory_space<vmem>>) semaphore(%arg17 : memref<!tpu.dma_semaphore, #tpu.memory_space<semaphore_mem>>)
      } else {
      }
      %add3A_41 = arith.constant 80 : i32
      %add3A_42 = arith.addi %add3A_21, %add3A_41 : i32
      %dma_wait3A_43 = arith.constant 0 : i32
      %dma_wait3A_44 = arith.constant 0 : i32
      %dma_wait3A_45 = tpu.memref_slice %arg2[%dma_wait3A_43, %dma_wait3A_44] : memref<40000x128xf32, #tpu.memory_space<hbm>> -> memref<40000x128xf32, #tpu.memory_space<hbm>>
      tpu.wait_indirect_dma semaphore(%arg18 : memref<!tpu.dma_semaphore, #tpu.memory_space<semaphore_mem>>) src(%dma_wait3A_45 : memref<40000x128xf32, #tpu.memory_space<hbm>>) dst(%arg14 : memref<80x128xf32, #tpu.memory_space<vmem>>)
      %dma_wait3A_46 = arith.constant 0 : i32
      %dma_wait3A_47 = arith.constant 0 : i32
      %dma_wait3A_48 = tpu.memref_slice %arg3[%dma_wait3A_46, %dma_wait3A_47] : memref<40000x128xf32, #tpu.memory_space<hbm>> -> memref<40000x128xf32, #tpu.memory_space<hbm>>
      tpu.wait_indirect_dma semaphore(%arg19 : memref<!tpu.dma_semaphore, #tpu.memory_space<semaphore_mem>>) src(%dma_wait3A_48 : memref<40000x128xf32, #tpu.memory_space<hbm>>) dst(%arg15 : memref<80x128xf32, #tpu.memory_space<vmem>>)
      "tpu.region"() ({
        %run_scoped3A = tpu.sem_alloc : memref<!tpu.dma_semaphore, #tpu.memory_space<semaphore_mem>>
        %dma_start3A_49 = arith.constant 0 : i32
        %dma_start3A_50 = tpu.memref_slice %arg6[%add3A_42, %dma_start3A_49] : memref<51200x128xf32, #tpu.memory_space<hbm>> -> memref<80x128xf32, #tpu.memory_space<hbm>>
        %dma_start3A_51 = arith.constant 0 : i32
        %dma_start3A_52 = tpu.memref_slice %arg6[%add3A_42, %dma_start3A_51] : memref<51200x128xf32, #tpu.memory_space<hbm>> -> memref<80x128xf32, #tpu.memory_space<hbm>>
        tpu.enqueue_dma source(%arg14 : memref<80x128xf32, #tpu.memory_space<vmem>>) target(%dma_start3A_52 : memref<80x128xf32, #tpu.memory_space<hbm>>) target_semaphore(%run_scoped3A : memref<!tpu.dma_semaphore, #tpu.memory_space<semaphore_mem>>)
        %dma_wait3A_53 = arith.constant 0 : i32
        %dma_wait3A_54 = tpu.memref_slice %arg6[%add3A_42, %dma_wait3A_53] : memref<51200x128xf32, #tpu.memory_space<hbm>> -> memref<80x128xf32, #tpu.memory_space<hbm>>
        %dma_wait3A_55 = arith.constant 0 : i32
        %dma_wait3A_56 = tpu.memref_slice %arg6[%add3A_42, %dma_wait3A_55] : memref<51200x128xf32, #tpu.memory_space<hbm>> -> memref<80x128xf32, #tpu.memory_space<hbm>>
        tpu.wait_dma2 semaphore(%run_scoped3A : memref<!tpu.dma_semaphore, #tpu.memory_space<semaphore_mem>>) src(%arg14 : memref<80x128xf32, #tpu.memory_space<vmem>>) dst(%dma_wait3A_56 : memref<80x128xf32, #tpu.memory_space<hbm>>)
        tpu.yield
      }) : () -> ()
      "tpu.region"() ({
        %run_scoped3A = tpu.sem_alloc : memref<!tpu.dma_semaphore, #tpu.memory_space<semaphore_mem>>
        %dma_start3A_49 = arith.constant 0 : i32
        %dma_start3A_50 = tpu.memref_slice %arg7[%add3A_42, %dma_start3A_49] : memref<51200x128xf32, #tpu.memory_space<hbm>> -> memref<80x128xf32, #tpu.memory_space<hbm>>
        %dma_start3A_51 = arith.constant 0 : i32
        %dma_start3A_52 = tpu.memref_slice %arg7[%add3A_42, %dma_start3A_51] : memref<51200x128xf32, #tpu.memory_space<hbm>> -> memref<80x128xf32, #tpu.memory_space<hbm>>
        tpu.enqueue_dma source(%arg15 : memref<80x128xf32, #tpu.memory_space<vmem>>) target(%dma_start3A_52 : memref<80x128xf32, #tpu.memory_space<hbm>>) target_semaphore(%run_scoped3A : memref<!tpu.dma_semaphore, #tpu.memory_space<semaphore_mem>>)
        %dma_wait3A_53 = arith.constant 0 : i32
        %dma_wait3A_54 = tpu.memref_slice %arg7[%add3A_42, %dma_wait3A_53] : memref<51200x128xf32, #tpu.memory_space<hbm>> -> memref<80x128xf32, #tpu.memory_space<hbm>>
        %dma_wait3A_55 = arith.constant 0 : i32
        %dma_wait3A_56 = tpu.memref_slice %arg7[%add3A_42, %dma_wait3A_55] : memref<51200x128xf32, #tpu.memory_space<hbm>> -> memref<80x128xf32, #tpu.memory_space<hbm>>
        tpu.wait_dma2 semaphore(%run_scoped3A : memref<!tpu.dma_semaphore, #tpu.memory_space<semaphore_mem>>) src(%arg15 : memref<80x128xf32, #tpu.memory_space<vmem>>) dst(%dma_wait3A_56 : memref<80x128xf32, #tpu.memory_space<hbm>>)
        tpu.yield
      }) : () -> ()
    }
    %scan3A_11 = arith.constant 10 : i32
    return
  }
}

#map = affine_map<(d0, d1) -> (0, 0)>
#map1 = affine_map<(d0, d1) -> (0)>
module attributes {stable_mosaic.version = 14 : i64} {
  func.func @k(%arg0: i32, %arg1: i32, %arg2: memref<896x128xf32, #tpu.memory_space<hbm>>, %arg3: memref<896x128xi32, #tpu.memory_space<hbm>>, %arg4: memref<896x128xi32, #tpu.memory_space<hbm>>, %arg5: memref<896x128xi32, #tpu.memory_space<hbm>>, %arg6: memref<25088xf32, #tpu.memory_space<hbm>>, %arg7: memref<25088xf32, #tpu.memory_space<vmem_shared>>, %arg8: memref<80xf32, #tpu.memory_space<vmem_shared>>, %arg9: memref<25088xf32, #tpu.memory_space<vmem_shared>>, %arg10: memref<16x16xf32, #tpu.memory_space<vmem_shared>>, %arg11: memref<1568xf32, #tpu.memory_space<vmem>>, %arg12: memref<56x128xf32, #tpu.memory_space<vmem>>, %arg13: memref<56x128xf32, #tpu.memory_space<vmem>>, %arg14: memref<56x128xf32, #tpu.memory_space<vmem>>, %arg15: memref<56x128xi32, #tpu.memory_space<vmem>>, %arg16: memref<56x128xi32, #tpu.memory_space<vmem>>, %arg17: memref<56x128xi32, #tpu.memory_space<vmem>>, %arg18: memref<25088xf32, #tpu.memory_space<vmem>>, %arg19: memref<80xf32, #tpu.memory_space<vmem>>, %arg20: memref<80xf32, #tpu.memory_space<vmem>>, %arg21: memref<80xi32, #tpu.memory_space<vmem>>, %arg22: memref<16xf32, #tpu.memory_space<vmem>>, %arg23: memref<16x16xf32, #tpu.memory_space<vmem>>, %arg24: memref<!tpu.dma_semaphore, #tpu.memory_space<semaphore_mem>>) attributes {dimension_semantics = [#tpu.dimension_semantics<core_parallel>, #tpu.dimension_semantics<subcore_parallel>], iteration_bounds = array<i64: 2, 16>, scalar_prefetch = 0 : i64, scratch_operands = 18 : i64, tpu.core_type = #tpu.core_type<sc_vector_subcore>, window_params = [{transform_indices = #map}, {transform_indices = #map}, {transform_indices = #map}, {transform_indices = #map}, {transform_indices = #map1}]} {
    %eq3A = arith.constant 0 : i32
    %eq3A_0 = arith.cmpi eq, %arg0, %eq3A : i32
    %convert_element_type3A = arith.extui %eq3A_0 : i1 to i32
    %cond3A = arith.constant 0 : i32
    %cond3A_1 = arith.cmpi ne, %convert_element_type3A, %cond3A : i32
    scf.if %cond3A_1 {
      %mul3A = arith.constant 56 : i32
      %mul3A_2 = arith.muli %arg1, %mul3A : i32
      %scan3A = arith.constant 0 : i32
      %scan3A_3 = arith.constant 98 : i32
      %scan3A_4 = arith.addi %scan3A, %scan3A_3 : i32
      %scan3A_5 = arith.constant 1 : i32
      scf.for %scan3A_261 = %scan3A to %scan3A_4 step %scan3A_5  : i32 {
        %mul3A_262 = arith.constant 16 : i32
        %mul3A_263 = arith.muli %scan3A_261, %mul3A_262 : i32
        %add3A_264 = arith.constant 0 : i32
        %add3A_265 = arith.addi %add3A_264, %mul3A_263 : i32
        %broadcast_in_dim3A_266 = arith.constant 0.000000e+00 : f32
        %broadcast_in_dim3A_267 = vector.broadcast %broadcast_in_dim3A_266 : f32 to vector<16xf32>
        %swap3A_268 = arith.index_cast %add3A_265 : i32 to index
        %swap3A_269 = tpu.vector_load %arg11[%swap3A_268] {strides = array<i32>} : memref<1568xf32, #tpu.memory_space<vmem>>, vector<16xf32>,
        tpu.vector_store %arg11[%swap3A_268], %broadcast_in_dim3A_267 {strides = array<i32>} : memref<1568xf32, #tpu.memory_space<vmem>>, vector<16xf32>,
      }
      %scan3A_6 = arith.constant 98 : i32
      %mul3A_7 = arith.constant 1568 : i32
      %mul3A_8 = arith.muli %arg1, %mul3A_7 : i32
      "tpu.region"() ({
        %run_scoped3A = tpu.sem_alloc : memref<!tpu.dma_semaphore, #tpu.memory_space<semaphore_mem>>
        %dma_start3A_261 = tpu.memref_slice %arg7[%mul3A_8] : memref<25088xf32, #tpu.memory_space<vmem_shared>> -> memref<1568xf32, #tpu.memory_space<vmem_shared>>
        %dma_start3A_262 = tpu.memref_slice %arg7[%mul3A_8] : memref<25088xf32, #tpu.memory_space<vmem_shared>> -> memref<1568xf32, #tpu.memory_space<vmem_shared>>
        tpu.enqueue_dma source(%arg11 : memref<1568xf32, #tpu.memory_space<vmem>>) target(%dma_start3A_262 : memref<1568xf32, #tpu.memory_space<vmem_shared>>) target_semaphore(%run_scoped3A : memref<!tpu.dma_semaphore, #tpu.memory_space<semaphore_mem>>)
        %dma_wait3A_263 = tpu.memref_slice %arg7[%mul3A_8] : memref<25088xf32, #tpu.memory_space<vmem_shared>> -> memref<1568xf32, #tpu.memory_space<vmem_shared>>
        %dma_wait3A_264 = tpu.memref_slice %arg7[%mul3A_8] : memref<25088xf32, #tpu.memory_space<vmem_shared>> -> memref<1568xf32, #tpu.memory_space<vmem_shared>>
        tpu.wait_dma2 semaphore(%run_scoped3A : memref<!tpu.dma_semaphore, #tpu.memory_space<semaphore_mem>>) src(%arg11 : memref<1568xf32, #tpu.memory_space<vmem>>) dst(%dma_wait3A_264 : memref<1568xf32, #tpu.memory_space<vmem_shared>>)
        tpu.yield
      }) : () -> ()
      %mul3A_9 = arith.constant 1568 : i32
      %mul3A_10 = arith.muli %arg1, %mul3A_9 : i32
      "tpu.region"() ({
        %run_scoped3A = tpu.sem_alloc : memref<!tpu.dma_semaphore, #tpu.memory_space<semaphore_mem>>
        %dma_start3A_261 = tpu.memref_slice %arg9[%mul3A_10] : memref<25088xf32, #tpu.memory_space<vmem_shared>> -> memref<1568xf32, #tpu.memory_space<vmem_shared>>
        %dma_start3A_262 = tpu.memref_slice %arg9[%mul3A_10] : memref<25088xf32, #tpu.memory_space<vmem_shared>> -> memref<1568xf32, #tpu.memory_space<vmem_shared>>
        tpu.enqueue_dma source(%arg11 : memref<1568xf32, #tpu.memory_space<vmem>>) target(%dma_start3A_262 : memref<1568xf32, #tpu.memory_space<vmem_shared>>) target_semaphore(%run_scoped3A : memref<!tpu.dma_semaphore, #tpu.memory_space<semaphore_mem>>)
        %dma_wait3A_263 = tpu.memref_slice %arg9[%mul3A_10] : memref<25088xf32, #tpu.memory_space<vmem_shared>> -> memref<1568xf32, #tpu.memory_space<vmem_shared>>
        %dma_wait3A_264 = tpu.memref_slice %arg9[%mul3A_10] : memref<25088xf32, #tpu.memory_space<vmem_shared>> -> memref<1568xf32, #tpu.memory_space<vmem_shared>>
        tpu.wait_dma2 semaphore(%run_scoped3A : memref<!tpu.dma_semaphore, #tpu.memory_space<semaphore_mem>>) src(%arg11 : memref<1568xf32, #tpu.memory_space<vmem>>) dst(%dma_wait3A_264 : memref<1568xf32, #tpu.memory_space<vmem_shared>>)
        tpu.yield
      }) : () -> ()
      %eq3A_11 = arith.constant 0 : i32
      %eq3A_12 = arith.cmpi eq, %arg1, %eq3A_11 : i32
      %convert_element_type3A_13 = arith.extui %eq3A_12 : i1 to i32
      %cond3A_14 = arith.constant 0 : i32
      %cond3A_15 = arith.cmpi ne, %convert_element_type3A_13, %cond3A_14 : i32
      scf.if %cond3A_15 {
        "tpu.region"() ({
          %run_scoped3A = tpu.sem_alloc : memref<!tpu.dma_semaphore, #tpu.memory_space<semaphore_mem>>
          %dma_start3A_261 = arith.constant 0 : i32
          %dma_start3A_262 = tpu.memref_slice %arg11[%dma_start3A_261] : memref<1568xf32, #tpu.memory_space<vmem>> -> memref<80xf32, #tpu.memory_space<vmem>>
          %dma_start3A_263 = arith.constant 0 : i32
          %dma_start3A_264 = tpu.memref_slice %arg11[%dma_start3A_263] : memref<1568xf32, #tpu.memory_space<vmem>> -> memref<80xf32, #tpu.memory_space<vmem>>
          tpu.enqueue_dma source(%dma_start3A_264 : memref<80xf32, #tpu.memory_space<vmem>>) target(%arg8 : memref<80xf32, #tpu.memory_space<vmem_shared>>) target_semaphore(%run_scoped3A : memref<!tpu.dma_semaphore, #tpu.memory_space<semaphore_mem>>)
          %dma_wait3A_265 = arith.constant 0 : i32
          %dma_wait3A_266 = tpu.memref_slice %arg11[%dma_wait3A_265] : memref<1568xf32, #tpu.memory_space<vmem>> -> memref<80xf32, #tpu.memory_space<vmem>>
          %dma_wait3A_267 = arith.constant 0 : i32
          %dma_wait3A_268 = tpu.memref_slice %arg11[%dma_wait3A_267] : memref<1568xf32, #tpu.memory_space<vmem>> -> memref<80xf32, #tpu.memory_space<vmem>>
          tpu.wait_dma2 semaphore(%run_scoped3A : memref<!tpu.dma_semaphore, #tpu.memory_space<semaphore_mem>>) src(%dma_wait3A_268 : memref<80xf32, #tpu.memory_space<vmem>>) dst(%arg8 : memref<80xf32, #tpu.memory_space<vmem_shared>>)
          tpu.yield
        }) : () -> ()
      } else {
      }
      "tpu.region"() ({
        %run_scoped3A = tpu.sem_alloc : memref<!tpu.dma_semaphore, #tpu.memory_space<semaphore_mem>>
        %dma_start3A_261 = arith.constant 0 : i32
        %dma_start3A_262 = tpu.memref_slice %arg2[%mul3A_2, %dma_start3A_261] : memref<896x128xf32, #tpu.memory_space<hbm>> -> memref<56x128xf32, #tpu.memory_space<hbm>>
        %dma_start3A_263 = arith.constant 0 : i32
        %dma_start3A_264 = tpu.memref_slice %arg2[%mul3A_2, %dma_start3A_263] : memref<896x128xf32, #tpu.memory_space<hbm>> -> memref<56x128xf32, #tpu.memory_space<hbm>>
        tpu.enqueue_dma source(%dma_start3A_264 : memref<56x128xf32, #tpu.memory_space<hbm>>) target(%arg12 : memref<56x128xf32, #tpu.memory_space<vmem>>) target_semaphore(%run_scoped3A : memref<!tpu.dma_semaphore, #tpu.memory_space<semaphore_mem>>)
        %dma_wait3A_265 = arith.constant 0 : i32
        %dma_wait3A_266 = tpu.memref_slice %arg2[%mul3A_2, %dma_wait3A_265] : memref<896x128xf32, #tpu.memory_space<hbm>> -> memref<56x128xf32, #tpu.memory_space<hbm>>
        %dma_wait3A_267 = arith.constant 0 : i32
        %dma_wait3A_268 = tpu.memref_slice %arg2[%mul3A_2, %dma_wait3A_267] : memref<896x128xf32, #tpu.memory_space<hbm>> -> memref<56x128xf32, #tpu.memory_space<hbm>>
        tpu.wait_dma2 semaphore(%run_scoped3A : memref<!tpu.dma_semaphore, #tpu.memory_space<semaphore_mem>>) src(%dma_wait3A_268 : memref<56x128xf32, #tpu.memory_space<hbm>>) dst(%arg12 : memref<56x128xf32, #tpu.memory_space<vmem>>)
        tpu.yield
      }) : () -> ()
      "tpu.region"() ({
        %run_scoped3A = tpu.sem_alloc : memref<!tpu.dma_semaphore, #tpu.memory_space<semaphore_mem>>
        %dma_start3A_261 = arith.constant 0 : i32
        %dma_start3A_262 = tpu.memref_slice %arg3[%mul3A_2, %dma_start3A_261] : memref<896x128xi32, #tpu.memory_space<hbm>> -> memref<56x128xi32, #tpu.memory_space<hbm>>
        %dma_start3A_263 = arith.constant 0 : i32
        %dma_start3A_264 = tpu.memref_slice %arg3[%mul3A_2, %dma_start3A_263] : memref<896x128xi32, #tpu.memory_space<hbm>> -> memref<56x128xi32, #tpu.memory_space<hbm>>
        tpu.enqueue_dma source(%dma_start3A_264 : memref<56x128xi32, #tpu.memory_space<hbm>>) target(%arg15 : memref<56x128xi32, #tpu.memory_space<vmem>>) target_semaphore(%run_scoped3A : memref<!tpu.dma_semaphore, #tpu.memory_space<semaphore_mem>>)
        %dma_wait3A_265 = arith.constant 0 : i32
        %dma_wait3A_266 = tpu.memref_slice %arg3[%mul3A_2, %dma_wait3A_265] : memref<896x128xi32, #tpu.memory_space<hbm>> -> memref<56x128xi32, #tpu.memory_space<hbm>>
        %dma_wait3A_267 = arith.constant 0 : i32
        %dma_wait3A_268 = tpu.memref_slice %arg3[%mul3A_2, %dma_wait3A_267] : memref<896x128xi32, #tpu.memory_space<hbm>> -> memref<56x128xi32, #tpu.memory_space<hbm>>
        tpu.wait_dma2 semaphore(%run_scoped3A : memref<!tpu.dma_semaphore, #tpu.memory_space<semaphore_mem>>) src(%dma_wait3A_268 : memref<56x128xi32, #tpu.memory_space<hbm>>) dst(%arg15 : memref<56x128xi32, #tpu.memory_space<vmem>>)
        tpu.yield
      }) : () -> ()
      %get3A = arith.constant 0 : i32
      %get3A_16 = arith.index_cast %get3A : i32 to index
      %get3A_17 = arith.constant 0 : index
      %get3A_18 = tpu.vector_load %arg12[%get3A_16, %get3A_17] {strides = array<i32>} : memref<56x128xf32, #tpu.memory_space<vmem>>, vector<16xf32>,
      %swap3A = arith.constant 0 : index
      %swap3A_19 = tpu.vector_load %arg22[%swap3A] {strides = array<i32>} : memref<16xf32, #tpu.memory_space<vmem>>, vector<16xf32>,
      tpu.vector_store %arg22[%swap3A], %get3A_18 {strides = array<i32>} : memref<16xf32, #tpu.memory_space<vmem>>, vector<16xf32>,
      %scan3A_20 = arith.constant 0 : i32
      %scan3A_21 = arith.constant 56 : i32
      %scan3A_22 = arith.addi %scan3A_20, %scan3A_21 : i32
      %scan3A_23 = arith.constant 1 : i32
      scf.for %scan3A_261 = %scan3A_20 to %scan3A_22 step %scan3A_23  : i32 {
        %mul3A_262 = arith.constant 1 : i32
        %mul3A_263 = arith.muli %scan3A_261, %mul3A_262 : i32
        %add3A_264 = arith.constant 0 : i32
        %add3A_265 = arith.addi %add3A_264, %mul3A_263 : i32
        %get3A_266 = arith.constant 0 : index
        %get3A_267 = tpu.vector_load %arg22[%get3A_266] {strides = array<i32>} : memref<16xf32, #tpu.memory_space<vmem>>, vector<16xf32>,
        %get3A_268 = arith.index_cast %add3A_265 : i32 to index
        %get3A_269 = arith.constant 0 : index
        %get3A_270 = tpu.vector_load %arg12[%get3A_268, %get3A_269] {strides = array<i32>} : memref<56x128xf32, #tpu.memory_space<vmem>>, vector<16xf32>,
        %max3A_271 = arith.maximumf %get3A_267, %get3A_270 : vector<16xf32>
        %swap3A_272 = arith.constant 0 : index
        %swap3A_273 = tpu.vector_load %arg22[%swap3A_272] {strides = array<i32>} : memref<16xf32, #tpu.memory_space<vmem>>, vector<16xf32>,
        tpu.vector_store %arg22[%swap3A_272], %max3A_271 {strides = array<i32>} : memref<16xf32, #tpu.memory_space<vmem>>, vector<16xf32>,
        %get3A_274 = arith.constant 0 : index
        %get3A_275 = tpu.vector_load %arg22[%get3A_274] {strides = array<i32>} : memref<16xf32, #tpu.memory_space<vmem>>, vector<16xf32>,
        %get3A_276 = arith.index_cast %add3A_265 : i32 to index
        %get3A_277 = arith.constant 16 : index
        %get3A_278 = tpu.vector_load %arg12[%get3A_276, %get3A_277] {strides = array<i32>} : memref<56x128xf32, #tpu.memory_space<vmem>>, vector<16xf32>,
        %max3A_279 = arith.maximumf %get3A_275, %get3A_278 : vector<16xf32>
        %swap3A_280 = arith.constant 0 : index
        %swap3A_281 = tpu.vector_load %arg22[%swap3A_280] {strides = array<i32>} : memref<16xf32, #tpu.memory_space<vmem>>, vector<16xf32>,
        tpu.vector_store %arg22[%swap3A_280], %max3A_279 {strides = array<i32>} : memref<16xf32, #tpu.memory_space<vmem>>, vector<16xf32>,
        %get3A_282 = arith.constant 0 : index
        %get3A_283 = tpu.vector_load %arg22[%get3A_282] {strides = array<i32>} : memref<16xf32, #tpu.memory_space<vmem>>, vector<16xf32>,
        %get3A_284 = arith.index_cast %add3A_265 : i32 to index
        %get3A_285 = arith.constant 32 : index
        %get3A_286 = tpu.vector_load %arg12[%get3A_284, %get3A_285] {strides = array<i32>} : memref<56x128xf32, #tpu.memory_space<vmem>>, vector<16xf32>,
        %max3A_287 = arith.maximumf %get3A_283, %get3A_286 : vector<16xf32>
        %swap3A_288 = arith.constant 0 : index
        %swap3A_289 = tpu.vector_load %arg22[%swap3A_288] {strides = array<i32>} : memref<16xf32, #tpu.memory_space<vmem>>, vector<16xf32>,
        tpu.vector_store %arg22[%swap3A_288], %max3A_287 {strides = array<i32>} : memref<16xf32, #tpu.memory_space<vmem>>, vector<16xf32>,
        %get3A_290 = arith.constant 0 : index
        %get3A_291 = tpu.vector_load %arg22[%get3A_290] {strides = array<i32>} : memref<16xf32, #tpu.memory_space<vmem>>, vector<16xf32>,
        %get3A_292 = arith.index_cast %add3A_265 : i32 to index
        %get3A_293 = arith.constant 48 : index
        %get3A_294 = tpu.vector_load %arg12[%get3A_292, %get3A_293] {strides = array<i32>} : memref<56x128xf32, #tpu.memory_space<vmem>>, vector<16xf32>,
        %max3A_295 = arith.maximumf %get3A_291, %get3A_294 : vector<16xf32>
        %swap3A_296 = arith.constant 0 : index
        %swap3A_297 = tpu.vector_load %arg22[%swap3A_296] {strides = array<i32>} : memref<16xf32, #tpu.memory_space<vmem>>, vector<16xf32>,
        tpu.vector_store %arg22[%swap3A_296], %max3A_295 {strides = array<i32>} : memref<16xf32, #tpu.memory_space<vmem>>, vector<16xf32>,
        %get3A_298 = arith.constant 0 : index
        %get3A_299 = tpu.vector_load %arg22[%get3A_298] {strides = array<i32>} : memref<16xf32, #tpu.memory_space<vmem>>, vector<16xf32>,
        %get3A_300 = arith.index_cast %add3A_265 : i32 to index
        %get3A_301 = arith.constant 64 : index
        %get3A_302 = tpu.vector_load %arg12[%get3A_300, %get3A_301] {strides = array<i32>} : memref<56x128xf32, #tpu.memory_space<vmem>>, vector<16xf32>,
        %max3A_303 = arith.maximumf %get3A_299, %get3A_302 : vector<16xf32>
        %swap3A_304 = arith.constant 0 : index
        %swap3A_305 = tpu.vector_load %arg22[%swap3A_304] {strides = array<i32>} : memref<16xf32, #tpu.memory_space<vmem>>, vector<16xf32>,
        tpu.vector_store %arg22[%swap3A_304], %max3A_303 {strides = array<i32>} : memref<16xf32, #tpu.memory_space<vmem>>, vector<16xf32>,
        %get3A_306 = arith.constant 0 : index
        %get3A_307 = tpu.vector_load %arg22[%get3A_306] {strides = array<i32>} : memref<16xf32, #tpu.memory_space<vmem>>, vector<16xf32>,
        %get3A_308 = arith.index_cast %add3A_265 : i32 to index
        %get3A_309 = arith.constant 80 : index
        %get3A_310 = tpu.vector_load %arg12[%get3A_308, %get3A_309] {strides = array<i32>} : memref<56x128xf32, #tpu.memory_space<vmem>>, vector<16xf32>,
        %max3A_311 = arith.maximumf %get3A_307, %get3A_310 : vector<16xf32>
        %swap3A_312 = arith.constant 0 : index
        %swap3A_313 = tpu.vector_load %arg22[%swap3A_312] {strides = array<i32>} : memref<16xf32, #tpu.memory_space<vmem>>, vector<16xf32>,
        tpu.vector_store %arg22[%swap3A_312], %max3A_311 {strides = array<i32>} : memref<16xf32, #tpu.memory_space<vmem>>, vector<16xf32>,
        %get3A_314 = arith.constant 0 : index
        %get3A_315 = tpu.vector_load %arg22[%get3A_314] {strides = array<i32>} : memref<16xf32, #tpu.memory_space<vmem>>, vector<16xf32>,
        %get3A_316 = arith.index_cast %add3A_265 : i32 to index
        %get3A_317 = arith.constant 96 : index
        %get3A_318 = tpu.vector_load %arg12[%get3A_316, %get3A_317] {strides = array<i32>} : memref<56x128xf32, #tpu.memory_space<vmem>>, vector<16xf32>,
        %max3A_319 = arith.maximumf %get3A_315, %get3A_318 : vector<16xf32>
        %swap3A_320 = arith.constant 0 : index
        %swap3A_321 = tpu.vector_load %arg22[%swap3A_320] {strides = array<i32>} : memref<16xf32, #tpu.memory_space<vmem>>, vector<16xf32>,
        tpu.vector_store %arg22[%swap3A_320], %max3A_319 {strides = array<i32>} : memref<16xf32, #tpu.memory_space<vmem>>, vector<16xf32>,
        %get3A_322 = arith.constant 0 : index
        %get3A_323 = tpu.vector_load %arg22[%get3A_322] {strides = array<i32>} : memref<16xf32, #tpu.memory_space<vmem>>, vector<16xf32>,
        %get3A_324 = arith.index_cast %add3A_265 : i32 to index
        %get3A_325 = arith.constant 112 : index
        %get3A_326 = tpu.vector_load %arg12[%get3A_324, %get3A_325] {strides = array<i32>} : memref<56x128xf32, #tpu.memory_space<vmem>>, vector<16xf32>,
        %max3A_327 = arith.maximumf %get3A_323, %get3A_326 : vector<16xf32>
        %swap3A_328 = arith.constant 0 : index
        %swap3A_329 = tpu.vector_load %arg22[%swap3A_328] {strides = array<i32>} : memref<16xf32, #tpu.memory_space<vmem>>, vector<16xf32>,
        tpu.vector_store %arg22[%swap3A_328], %max3A_327 {strides = array<i32>} : memref<16xf32, #tpu.memory_space<vmem>>, vector<16xf32>,
      }
      %scan3A_24 = arith.constant 56 : i32
      %get3A_25 = arith.constant 0 : index
      %get3A_26 = tpu.vector_load %arg22[%get3A_25] {strides = array<i32>} : memref<16xf32, #tpu.memory_space<vmem>>, vector<16xf32>,
      %reduce_max3A = arith.constant true
      %reduce_max3A_27 = vector.broadcast %reduce_max3A : i1 to vector<16xi1>
      %reduce_max3A_28 = tpu.scan <max>, %get3A_26 masked %reduce_max3A_27 : vector<16xf32>, vector<16xi1> -> vector<16xf32>
      %reduce_max3A_29 = vector.extract %reduce_max3A_28[15] : f32 from vector<16xf32>
      %broadcast_in_dim3A = vector.broadcast %reduce_max3A_29 : f32 to vector<16xf32>
      %swap3A_30 = arith.constant 0 : index
      %swap3A_31 = tpu.vector_load %arg22[%swap3A_30] {strides = array<i32>} : memref<16xf32, #tpu.memory_space<vmem>>, vector<16xf32>,
      tpu.vector_store %arg22[%swap3A_30], %broadcast_in_dim3A {strides = array<i32>} : memref<16xf32, #tpu.memory_space<vmem>>, vector<16xf32>,
      "tpu.region"() ({
        %run_scoped3A = tpu.sem_alloc : memref<!tpu.dma_semaphore, #tpu.memory_space<semaphore_mem>>
        %dma_start3A_261 = arith.constant 0 : i32
        %dma_start3A_262 = tpu.memref_slice %arg10[%arg1, %dma_start3A_261] : memref<16x16xf32, #tpu.memory_space<vmem_shared>> -> memref<1x16xf32, #tpu.memory_space<vmem_shared>>
        %dma_start3A_263 = tpu.memref_squeeze %dma_start3A_262 : memref<1x16xf32, #tpu.memory_space<vmem_shared>> -> memref<16xf32, #tpu.memory_space<vmem_shared>>
        %dma_start3A_264 = arith.constant 0 : i32
        %dma_start3A_265 = tpu.memref_slice %arg10[%arg1, %dma_start3A_264] : memref<16x16xf32, #tpu.memory_space<vmem_shared>> -> memref<1x16xf32, #tpu.memory_space<vmem_shared>>
        %dma_start3A_266 = tpu.memref_squeeze %dma_start3A_265 : memref<1x16xf32, #tpu.memory_space<vmem_shared>> -> memref<16xf32, #tpu.memory_space<vmem_shared>>
        tpu.enqueue_dma source(%arg22 : memref<16xf32, #tpu.memory_space<vmem>>) target(%dma_start3A_266 : memref<16xf32, #tpu.memory_space<vmem_shared>>) target_semaphore(%run_scoped3A : memref<!tpu.dma_semaphore, #tpu.memory_space<semaphore_mem>>)
        %dma_wait3A_267 = arith.constant 0 : i32
        %dma_wait3A_268 = tpu.memref_slice %arg10[%arg1, %dma_wait3A_267] : memref<16x16xf32, #tpu.memory_space<vmem_shared>> -> memref<1x16xf32, #tpu.memory_space<vmem_shared>>
        %dma_wait3A_269 = tpu.memref_squeeze %dma_wait3A_268 : memref<1x16xf32, #tpu.memory_space<vmem_shared>> -> memref<16xf32, #tpu.memory_space<vmem_shared>>
        %dma_wait3A_270 = arith.constant 0 : i32
        %dma_wait3A_271 = tpu.memref_slice %arg10[%arg1, %dma_wait3A_270] : memref<16x16xf32, #tpu.memory_space<vmem_shared>> -> memref<1x16xf32, #tpu.memory_space<vmem_shared>>
        %dma_wait3A_272 = tpu.memref_squeeze %dma_wait3A_271 : memref<1x16xf32, #tpu.memory_space<vmem_shared>> -> memref<16xf32, #tpu.memory_space<vmem_shared>>
        tpu.wait_dma2 semaphore(%run_scoped3A : memref<!tpu.dma_semaphore, #tpu.memory_space<semaphore_mem>>) src(%arg22 : memref<16xf32, #tpu.memory_space<vmem>>) dst(%dma_wait3A_272 : memref<16xf32, #tpu.memory_space<vmem_shared>>)
        tpu.yield
      }) : () -> ()
      %barrier3A = arith.constant 0 : index
      tpu.barrier barrier_id(%barrier3A)
      "tpu.region"() ({
        %run_scoped3A = tpu.sem_alloc : memref<!tpu.dma_semaphore, #tpu.memory_space<semaphore_mem>>
        tpu.enqueue_dma source(%arg10 : memref<16x16xf32, #tpu.memory_space<vmem_shared>>) target(%arg23 : memref<16x16xf32, #tpu.memory_space<vmem>>) target_semaphore(%run_scoped3A : memref<!tpu.dma_semaphore, #tpu.memory_space<semaphore_mem>>)
        tpu.wait_dma2 semaphore(%run_scoped3A : memref<!tpu.dma_semaphore, #tpu.memory_space<semaphore_mem>>) src(%arg10 : memref<16x16xf32, #tpu.memory_space<vmem_shared>>) dst(%arg23 : memref<16x16xf32, #tpu.memory_space<vmem>>)
        tpu.yield
      }) : () -> ()
      %get3A_32 = arith.constant 0 : i32
      %get3A_33 = arith.index_cast %get3A_32 : i32 to index
      %get3A_34 = arith.constant 0 : index
      %get3A_35 = tpu.vector_load %arg23[%get3A_33, %get3A_34] {strides = array<i32>} : memref<16x16xf32, #tpu.memory_space<vmem>>, vector<16xf32>,
      %swap3A_36 = arith.constant 0 : index
      %swap3A_37 = tpu.vector_load %arg22[%swap3A_36] {strides = array<i32>} : memref<16xf32, #tpu.memory_space<vmem>>, vector<16xf32>,
      tpu.vector_store %arg22[%swap3A_36], %get3A_35 {strides = array<i32>} : memref<16xf32, #tpu.memory_space<vmem>>, vector<16xf32>,
      %get3A_38 = arith.constant 0 : index
      %get3A_39 = tpu.vector_load %arg22[%get3A_38] {strides = array<i32>} : memref<16xf32, #tpu.memory_space<vmem>>, vector<16xf32>,
      %get3A_40 = arith.constant 1 : i32
      %get3A_41 = arith.index_cast %get3A_40 : i32 to index
      %get3A_42 = arith.constant 0 : index
      %get3A_43 = tpu.vector_load %arg23[%get3A_41, %get3A_42] {strides = array<i32>} : memref<16x16xf32, #tpu.memory_space<vmem>>, vector<16xf32>,
      %max3A = arith.maximumf %get3A_39, %get3A_43 : vector<16xf32>
      %swap3A_44 = arith.constant 0 : index
      %swap3A_45 = tpu.vector_load %arg22[%swap3A_44] {strides = array<i32>} : memref<16xf32, #tpu.memory_space<vmem>>, vector<16xf32>,
      tpu.vector_store %arg22[%swap3A_44], %max3A {strides = array<i32>} : memref<16xf32, #tpu.memory_space<vmem>>, vector<16xf32>,
      %get3A_46 = arith.constant 0 : index
      %get3A_47 = tpu.vector_load %arg22[%get3A_46] {strides = array<i32>} : memref<16xf32, #tpu.memory_space<vmem>>, vector<16xf32>,
      %get3A_48 = arith.constant 2 : i32
      %get3A_49 = arith.index_cast %get3A_48 : i32 to index
      %get3A_50 = arith.constant 0 : index
      %get3A_51 = tpu.vector_load %arg23[%get3A_49, %get3A_50] {strides = array<i32>} : memref<16x16xf32, #tpu.memory_space<vmem>>, vector<16xf32>,
      %max3A_52 = arith.maximumf %get3A_47, %get3A_51 : vector<16xf32>
      %swap3A_53 = arith.constant 0 : index
      %swap3A_54 = tpu.vector_load %arg22[%swap3A_53] {strides = array<i32>} : memref<16xf32, #tpu.memory_space<vmem>>, vector<16xf32>,
      tpu.vector_store %arg22[%swap3A_53], %max3A_52 {strides = array<i32>} : memref<16xf32, #tpu.memory_space<vmem>>, vector<16xf32>,
      %get3A_55 = arith.constant 0 : index
      %get3A_56 = tpu.vector_load %arg22[%get3A_55] {strides = array<i32>} : memref<16xf32, #tpu.memory_space<vmem>>, vector<16xf32>,
      %get3A_57 = arith.constant 3 : i32
      %get3A_58 = arith.index_cast %get3A_57 : i32 to index
      %get3A_59 = arith.constant 0 : index
      %get3A_60 = tpu.vector_load %arg23[%get3A_58, %get3A_59] {strides = array<i32>} : memref<16x16xf32, #tpu.memory_space<vmem>>, vector<16xf32>,
      %max3A_61 = arith.maximumf %get3A_56, %get3A_60 : vector<16xf32>
      %swap3A_62 = arith.constant 0 : index
      %swap3A_63 = tpu.vector_load %arg22[%swap3A_62] {strides = array<i32>} : memref<16xf32, #tpu.memory_space<vmem>>, vector<16xf32>,
      tpu.vector_store %arg22[%swap3A_62], %max3A_61 {strides = array<i32>} : memref<16xf32, #tpu.memory_space<vmem>>, vector<16xf32>,
      %get3A_64 = arith.constant 0 : index
      %get3A_65 = tpu.vector_load %arg22[%get3A_64] {strides = array<i32>} : memref<16xf32, #tpu.memory_space<vmem>>, vector<16xf32>,
      %get3A_66 = arith.constant 4 : i32
      %get3A_67 = arith.index_cast %get3A_66 : i32 to index
      %get3A_68 = arith.constant 0 : index
      %get3A_69 = tpu.vector_load %arg23[%get3A_67, %get3A_68] {strides = array<i32>} : memref<16x16xf32, #tpu.memory_space<vmem>>, vector<16xf32>,
      %max3A_70 = arith.maximumf %get3A_65, %get3A_69 : vector<16xf32>
      %swap3A_71 = arith.constant 0 : index
      %swap3A_72 = tpu.vector_load %arg22[%swap3A_71] {strides = array<i32>} : memref<16xf32, #tpu.memory_space<vmem>>, vector<16xf32>,
      tpu.vector_store %arg22[%swap3A_71], %max3A_70 {strides = array<i32>} : memref<16xf32, #tpu.memory_space<vmem>>, vector<16xf32>,
      %get3A_73 = arith.constant 0 : index
      %get3A_74 = tpu.vector_load %arg22[%get3A_73] {strides = array<i32>} : memref<16xf32, #tpu.memory_space<vmem>>, vector<16xf32>,
      %get3A_75 = arith.constant 5 : i32
      %get3A_76 = arith.index_cast %get3A_75 : i32 to index
      %get3A_77 = arith.constant 0 : index
      %get3A_78 = tpu.vector_load %arg23[%get3A_76, %get3A_77] {strides = array<i32>} : memref<16x16xf32, #tpu.memory_space<vmem>>, vector<16xf32>,
      %max3A_79 = arith.maximumf %get3A_74, %get3A_78 : vector<16xf32>
      %swap3A_80 = arith.constant 0 : index
      %swap3A_81 = tpu.vector_load %arg22[%swap3A_80] {strides = array<i32>} : memref<16xf32, #tpu.memory_space<vmem>>, vector<16xf32>,
      tpu.vector_store %arg22[%swap3A_80], %max3A_79 {strides = array<i32>} : memref<16xf32, #tpu.memory_space<vmem>>, vector<16xf32>,
      %get3A_82 = arith.constant 0 : index
      %get3A_83 = tpu.vector_load %arg22[%get3A_82] {strides = array<i32>} : memref<16xf32, #tpu.memory_space<vmem>>, vector<16xf32>,
      %get3A_84 = arith.constant 6 : i32
      %get3A_85 = arith.index_cast %get3A_84 : i32 to index
      %get3A_86 = arith.constant 0 : index
      %get3A_87 = tpu.vector_load %arg23[%get3A_85, %get3A_86] {strides = array<i32>} : memref<16x16xf32, #tpu.memory_space<vmem>>, vector<16xf32>,
      %max3A_88 = arith.maximumf %get3A_83, %get3A_87 : vector<16xf32>
      %swap3A_89 = arith.constant 0 : index
      %swap3A_90 = tpu.vector_load %arg22[%swap3A_89] {strides = array<i32>} : memref<16xf32, #tpu.memory_space<vmem>>, vector<16xf32>,
      tpu.vector_store %arg22[%swap3A_89], %max3A_88 {strides = array<i32>} : memref<16xf32, #tpu.memory_space<vmem>>, vector<16xf32>,
      %get3A_91 = arith.constant 0 : index
      %get3A_92 = tpu.vector_load %arg22[%get3A_91] {strides = array<i32>} : memref<16xf32, #tpu.memory_space<vmem>>, vector<16xf32>,
      %get3A_93 = arith.constant 7 : i32
      %get3A_94 = arith.index_cast %get3A_93 : i32 to index
      %get3A_95 = arith.constant 0 : index
      %get3A_96 = tpu.vector_load %arg23[%get3A_94, %get3A_95] {strides = array<i32>} : memref<16x16xf32, #tpu.memory_space<vmem>>, vector<16xf32>,
      %max3A_97 = arith.maximumf %get3A_92, %get3A_96 : vector<16xf32>
      %swap3A_98 = arith.constant 0 : index
      %swap3A_99 = tpu.vector_load %arg22[%swap3A_98] {strides = array<i32>} : memref<16xf32, #tpu.memory_space<vmem>>, vector<16xf32>,
      tpu.vector_store %arg22[%swap3A_98], %max3A_97 {strides = array<i32>} : memref<16xf32, #tpu.memory_space<vmem>>, vector<16xf32>,
      %get3A_100 = arith.constant 0 : index
      %get3A_101 = tpu.vector_load %arg22[%get3A_100] {strides = array<i32>} : memref<16xf32, #tpu.memory_space<vmem>>, vector<16xf32>,
      %get3A_102 = arith.constant 8 : i32
      %get3A_103 = arith.index_cast %get3A_102 : i32 to index
      %get3A_104 = arith.constant 0 : index
      %get3A_105 = tpu.vector_load %arg23[%get3A_103, %get3A_104] {strides = array<i32>} : memref<16x16xf32, #tpu.memory_space<vmem>>, vector<16xf32>,
      %max3A_106 = arith.maximumf %get3A_101, %get3A_105 : vector<16xf32>
      %swap3A_107 = arith.constant 0 : index
      %swap3A_108 = tpu.vector_load %arg22[%swap3A_107] {strides = array<i32>} : memref<16xf32, #tpu.memory_space<vmem>>, vector<16xf32>,
      tpu.vector_store %arg22[%swap3A_107], %max3A_106 {strides = array<i32>} : memref<16xf32, #tpu.memory_space<vmem>>, vector<16xf32>,
      %get3A_109 = arith.constant 0 : index
      %get3A_110 = tpu.vector_load %arg22[%get3A_109] {strides = array<i32>} : memref<16xf32, #tpu.memory_space<vmem>>, vector<16xf32>,
      %get3A_111 = arith.constant 9 : i32
      %get3A_112 = arith.index_cast %get3A_111 : i32 to index
      %get3A_113 = arith.constant 0 : index
      %get3A_114 = tpu.vector_load %arg23[%get3A_112, %get3A_113] {strides = array<i32>} : memref<16x16xf32, #tpu.memory_space<vmem>>, vector<16xf32>,
      %max3A_115 = arith.maximumf %get3A_110, %get3A_114 : vector<16xf32>
      %swap3A_116 = arith.constant 0 : index
      %swap3A_117 = tpu.vector_load %arg22[%swap3A_116] {strides = array<i32>} : memref<16xf32, #tpu.memory_space<vmem>>, vector<16xf32>,
      tpu.vector_store %arg22[%swap3A_116], %max3A_115 {strides = array<i32>} : memref<16xf32, #tpu.memory_space<vmem>>, vector<16xf32>,
      %get3A_118 = arith.constant 0 : index
      %get3A_119 = tpu.vector_load %arg22[%get3A_118] {strides = array<i32>} : memref<16xf32, #tpu.memory_space<vmem>>, vector<16xf32>,
      %get3A_120 = arith.constant 10 : i32
      %get3A_121 = arith.index_cast %get3A_120 : i32 to index
      %get3A_122 = arith.constant 0 : index
      %get3A_123 = tpu.vector_load %arg23[%get3A_121, %get3A_122] {strides = array<i32>} : memref<16x16xf32, #tpu.memory_space<vmem>>, vector<16xf32>,
      %max3A_124 = arith.maximumf %get3A_119, %get3A_123 : vector<16xf32>
      %swap3A_125 = arith.constant 0 : index
      %swap3A_126 = tpu.vector_load %arg22[%swap3A_125] {strides = array<i32>} : memref<16xf32, #tpu.memory_space<vmem>>, vector<16xf32>,
      tpu.vector_store %arg22[%swap3A_125], %max3A_124 {strides = array<i32>} : memref<16xf32, #tpu.memory_space<vmem>>, vector<16xf32>,
      %get3A_127 = arith.constant 0 : index
      %get3A_128 = tpu.vector_load %arg22[%get3A_127] {strides = array<i32>} : memref<16xf32, #tpu.memory_space<vmem>>, vector<16xf32>,
      %get3A_129 = arith.constant 11 : i32
      %get3A_130 = arith.index_cast %get3A_129 : i32 to index
      %get3A_131 = arith.constant 0 : index
      %get3A_132 = tpu.vector_load %arg23[%get3A_130, %get3A_131] {strides = array<i32>} : memref<16x16xf32, #tpu.memory_space<vmem>>, vector<16xf32>,
      %max3A_133 = arith.maximumf %get3A_128, %get3A_132 : vector<16xf32>
      %swap3A_134 = arith.constant 0 : index
      %swap3A_135 = tpu.vector_load %arg22[%swap3A_134] {strides = array<i32>} : memref<16xf32, #tpu.memory_space<vmem>>, vector<16xf32>,
      tpu.vector_store %arg22[%swap3A_134], %max3A_133 {strides = array<i32>} : memref<16xf32, #tpu.memory_space<vmem>>, vector<16xf32>,
      %get3A_136 = arith.constant 0 : index
      %get3A_137 = tpu.vector_load %arg22[%get3A_136] {strides = array<i32>} : memref<16xf32, #tpu.memory_space<vmem>>, vector<16xf32>,
      %get3A_138 = arith.constant 12 : i32
      %get3A_139 = arith.index_cast %get3A_138 : i32 to index
      %get3A_140 = arith.constant 0 : index
      %get3A_141 = tpu.vector_load %arg23[%get3A_139, %get3A_140] {strides = array<i32>} : memref<16x16xf32, #tpu.memory_space<vmem>>, vector<16xf32>,
      %max3A_142 = arith.maximumf %get3A_137, %get3A_141 : vector<16xf32>
      %swap3A_143 = arith.constant 0 : index
      %swap3A_144 = tpu.vector_load %arg22[%swap3A_143] {strides = array<i32>} : memref<16xf32, #tpu.memory_space<vmem>>, vector<16xf32>,
      tpu.vector_store %arg22[%swap3A_143], %max3A_142 {strides = array<i32>} : memref<16xf32, #tpu.memory_space<vmem>>, vector<16xf32>,
      %get3A_145 = arith.constant 0 : index
      %get3A_146 = tpu.vector_load %arg22[%get3A_145] {strides = array<i32>} : memref<16xf32, #tpu.memory_space<vmem>>, vector<16xf32>,
      %get3A_147 = arith.constant 13 : i32
      %get3A_148 = arith.index_cast %get3A_147 : i32 to index
      %get3A_149 = arith.constant 0 : index
      %get3A_150 = tpu.vector_load %arg23[%get3A_148, %get3A_149] {strides = array<i32>} : memref<16x16xf32, #tpu.memory_space<vmem>>, vector<16xf32>,
      %max3A_151 = arith.maximumf %get3A_146, %get3A_150 : vector<16xf32>
      %swap3A_152 = arith.constant 0 : index
      %swap3A_153 = tpu.vector_load %arg22[%swap3A_152] {strides = array<i32>} : memref<16xf32, #tpu.memory_space<vmem>>, vector<16xf32>,
      tpu.vector_store %arg22[%swap3A_152], %max3A_151 {strides = array<i32>} : memref<16xf32, #tpu.memory_space<vmem>>, vector<16xf32>,
      %get3A_154 = arith.constant 0 : index
      %get3A_155 = tpu.vector_load %arg22[%get3A_154] {strides = array<i32>} : memref<16xf32, #tpu.memory_space<vmem>>, vector<16xf32>,
      %get3A_156 = arith.constant 14 : i32
      %get3A_157 = arith.index_cast %get3A_156 : i32 to index
      %get3A_158 = arith.constant 0 : index
      %get3A_159 = tpu.vector_load %arg23[%get3A_157, %get3A_158] {strides = array<i32>} : memref<16x16xf32, #tpu.memory_space<vmem>>, vector<16xf32>,
      %max3A_160 = arith.maximumf %get3A_155, %get3A_159 : vector<16xf32>
      %swap3A_161 = arith.constant 0 : index
      %swap3A_162 = tpu.vector_load %arg22[%swap3A_161] {strides = array<i32>} : memref<16xf32, #tpu.memory_space<vmem>>, vector<16xf32>,
      tpu.vector_store %arg22[%swap3A_161], %max3A_160 {strides = array<i32>} : memref<16xf32, #tpu.memory_space<vmem>>, vector<16xf32>,
      %get3A_163 = arith.constant 0 : index
      %get3A_164 = tpu.vector_load %arg22[%get3A_163] {strides = array<i32>} : memref<16xf32, #tpu.memory_space<vmem>>, vector<16xf32>,
      %get3A_165 = arith.constant 15 : i32
      %get3A_166 = arith.index_cast %get3A_165 : i32 to index
      %get3A_167 = arith.constant 0 : index
      %get3A_168 = tpu.vector_load %arg23[%get3A_166, %get3A_167] {strides = array<i32>} : memref<16x16xf32, #tpu.memory_space<vmem>>, vector<16xf32>,
      %max3A_169 = arith.maximumf %get3A_164, %get3A_168 : vector<16xf32>
      %swap3A_170 = arith.constant 0 : index
      %swap3A_171 = tpu.vector_load %arg22[%swap3A_170] {strides = array<i32>} : memref<16xf32, #tpu.memory_space<vmem>>, vector<16xf32>,
      tpu.vector_store %arg22[%swap3A_170], %max3A_169 {strides = array<i32>} : memref<16xf32, #tpu.memory_space<vmem>>, vector<16xf32>,
      %get3A_172 = arith.constant 0 : index
      %get3A_173 = tpu.vector_load %arg22[%get3A_172] {strides = array<i32>} : memref<16xf32, #tpu.memory_space<vmem>>, vector<16xf32>,
      %reduce_max3A_174 = arith.constant true
      %reduce_max3A_175 = vector.broadcast %reduce_max3A_174 : i1 to vector<16xi1>
      %reduce_max3A_176 = tpu.scan <max>, %get3A_173 masked %reduce_max3A_175 : vector<16xf32>, vector<16xi1> -> vector<16xf32>
      %reduce_max3A_177 = vector.extract %reduce_max3A_176[15] : f32 from vector<16xf32>
      %broadcast_in_dim3A_178 = vector.broadcast %reduce_max3A_177 : f32 to vector<16xf32>
      %scan3A_179 = arith.constant 0 : i32
      %scan3A_180 = arith.constant 56 : i32
      %scan3A_181 = arith.addi %scan3A_179, %scan3A_180 : i32
      %scan3A_182 = arith.constant 1 : i32
      scf.for %scan3A_261 = %scan3A_179 to %scan3A_181 step %scan3A_182  : i32 {
        %mul3A_262 = arith.constant 1 : i32
        %mul3A_263 = arith.muli %scan3A_261, %mul3A_262 : i32
        %add3A_264 = arith.constant 0 : i32
        %add3A_265 = arith.addi %add3A_264, %mul3A_263 : i32
        %get3A_266 = arith.index_cast %add3A_265 : i32 to index
        %get3A_267 = arith.constant 0 : index
        %get3A_268 = tpu.vector_load %arg12[%get3A_266, %get3A_267] {strides = array<i32>} : memref<56x128xf32, #tpu.memory_space<vmem>>, vector<16xf32>,
        %sub3A = arith.subf %get3A_268, %broadcast_in_dim3A_178 : vector<16xf32>
        %exp3A = math.exp %sub3A : vector<16xf32>
        %swap3A_269 = arith.index_cast %add3A_265 : i32 to index
        %swap3A_270 = arith.constant 0 : index
        %swap3A_271 = tpu.vector_load %arg13[%swap3A_269, %swap3A_270] {strides = array<i32>} : memref<56x128xf32, #tpu.memory_space<vmem>>, vector<16xf32>,
        tpu.vector_store %arg13[%swap3A_269, %swap3A_270], %exp3A {strides = array<i32>} : memref<56x128xf32, #tpu.memory_space<vmem>>, vector<16xf32>,
        %get3A_272 = arith.index_cast %add3A_265 : i32 to index
        %get3A_273 = arith.constant 16 : index
        %get3A_274 = tpu.vector_load %arg12[%get3A_272, %get3A_273] {strides = array<i32>} : memref<56x128xf32, #tpu.memory_space<vmem>>, vector<16xf32>,
        %sub3A_275 = arith.subf %get3A_274, %broadcast_in_dim3A_178 : vector<16xf32>
        %exp3A_276 = math.exp %sub3A_275 : vector<16xf32>
        %swap3A_277 = arith.index_cast %add3A_265 : i32 to index
        %swap3A_278 = arith.constant 16 : index
        %swap3A_279 = tpu.vector_load %arg13[%swap3A_277, %swap3A_278] {strides = array<i32>} : memref<56x128xf32, #tpu.memory_space<vmem>>, vector<16xf32>,
        tpu.vector_store %arg13[%swap3A_277, %swap3A_278], %exp3A_276 {strides = array<i32>} : memref<56x128xf32, #tpu.memory_space<vmem>>, vector<16xf32>,
        %get3A_280 = arith.index_cast %add3A_265 : i32 to index
        %get3A_281 = arith.constant 32 : index
        %get3A_282 = tpu.vector_load %arg12[%get3A_280, %get3A_281] {strides = array<i32>} : memref<56x128xf32, #tpu.memory_space<vmem>>, vector<16xf32>,
        %sub3A_283 = arith.subf %get3A_282, %broadcast_in_dim3A_178 : vector<16xf32>
        %exp3A_284 = math.exp %sub3A_283 : vector<16xf32>
        %swap3A_285 = arith.index_cast %add3A_265 : i32 to index
        %swap3A_286 = arith.constant 32 : index
        %swap3A_287 = tpu.vector_load %arg13[%swap3A_285, %swap3A_286] {strides = array<i32>} : memref<56x128xf32, #tpu.memory_space<vmem>>, vector<16xf32>,
        tpu.vector_store %arg13[%swap3A_285, %swap3A_286], %exp3A_284 {strides = array<i32>} : memref<56x128xf32, #tpu.memory_space<vmem>>, vector<16xf32>,
        %get3A_288 = arith.index_cast %add3A_265 : i32 to index
        %get3A_289 = arith.constant 48 : index
        %get3A_290 = tpu.vector_load %arg12[%get3A_288, %get3A_289] {strides = array<i32>} : memref<56x128xf32, #tpu.memory_space<vmem>>, vector<16xf32>,
        %sub3A_291 = arith.subf %get3A_290, %broadcast_in_dim3A_178 : vector<16xf32>
        %exp3A_292 = math.exp %sub3A_291 : vector<16xf32>
        %swap3A_293 = arith.index_cast %add3A_265 : i32 to index
        %swap3A_294 = arith.constant 48 : index
        %swap3A_295 = tpu.vector_load %arg13[%swap3A_293, %swap3A_294] {strides = array<i32>} : memref<56x128xf32, #tpu.memory_space<vmem>>, vector<16xf32>,
        tpu.vector_store %arg13[%swap3A_293, %swap3A_294], %exp3A_292 {strides = array<i32>} : memref<56x128xf32, #tpu.memory_space<vmem>>, vector<16xf32>,
        %get3A_296 = arith.index_cast %add3A_265 : i32 to index
        %get3A_297 = arith.constant 64 : index
        %get3A_298 = tpu.vector_load %arg12[%get3A_296, %get3A_297] {strides = array<i32>} : memref<56x128xf32, #tpu.memory_space<vmem>>, vector<16xf32>,
        %sub3A_299 = arith.subf %get3A_298, %broadcast_in_dim3A_178 : vector<16xf32>
        %exp3A_300 = math.exp %sub3A_299 : vector<16xf32>
        %swap3A_301 = arith.index_cast %add3A_265 : i32 to index
        %swap3A_302 = arith.constant 64 : index
        %swap3A_303 = tpu.vector_load %arg13[%swap3A_301, %swap3A_302] {strides = array<i32>} : memref<56x128xf32, #tpu.memory_space<vmem>>, vector<16xf32>,
        tpu.vector_store %arg13[%swap3A_301, %swap3A_302], %exp3A_300 {strides = array<i32>} : memref<56x128xf32, #tpu.memory_space<vmem>>, vector<16xf32>,
        %get3A_304 = arith.index_cast %add3A_265 : i32 to index
        %get3A_305 = arith.constant 80 : index
        %get3A_306 = tpu.vector_load %arg12[%get3A_304, %get3A_305] {strides = array<i32>} : memref<56x128xf32, #tpu.memory_space<vmem>>, vector<16xf32>,
        %sub3A_307 = arith.subf %get3A_306, %broadcast_in_dim3A_178 : vector<16xf32>
        %exp3A_308 = math.exp %sub3A_307 : vector<16xf32>
        %swap3A_309 = arith.index_cast %add3A_265 : i32 to index
        %swap3A_310 = arith.constant 80 : index
        %swap3A_311 = tpu.vector_load %arg13[%swap3A_309, %swap3A_310] {strides = array<i32>} : memref<56x128xf32, #tpu.memory_space<vmem>>, vector<16xf32>,
        tpu.vector_store %arg13[%swap3A_309, %swap3A_310], %exp3A_308 {strides = array<i32>} : memref<56x128xf32, #tpu.memory_space<vmem>>, vector<16xf32>,
        %get3A_312 = arith.index_cast %add3A_265 : i32 to index
        %get3A_313 = arith.constant 96 : index
        %get3A_314 = tpu.vector_load %arg12[%get3A_312, %get3A_313] {strides = array<i32>} : memref<56x128xf32, #tpu.memory_space<vmem>>, vector<16xf32>,
        %sub3A_315 = arith.subf %get3A_314, %broadcast_in_dim3A_178 : vector<16xf32>
        %exp3A_316 = math.exp %sub3A_315 : vector<16xf32>
        %swap3A_317 = arith.index_cast %add3A_265 : i32 to index
        %swap3A_318 = arith.constant 96 : index
        %swap3A_319 = tpu.vector_load %arg13[%swap3A_317, %swap3A_318] {strides = array<i32>} : memref<56x128xf32, #tpu.memory_space<vmem>>, vector<16xf32>,
        tpu.vector_store %arg13[%swap3A_317, %swap3A_318], %exp3A_316 {strides = array<i32>} : memref<56x128xf32, #tpu.memory_space<vmem>>, vector<16xf32>,
        %get3A_320 = arith.index_cast %add3A_265 : i32 to index
        %get3A_321 = arith.constant 112 : index
        %get3A_322 = tpu.vector_load %arg12[%get3A_320, %get3A_321] {strides = array<i32>} : memref<56x128xf32, #tpu.memory_space<vmem>>, vector<16xf32>,
        %sub3A_323 = arith.subf %get3A_322, %broadcast_in_dim3A_178 : vector<16xf32>
        %exp3A_324 = math.exp %sub3A_323 : vector<16xf32>
        %swap3A_325 = arith.index_cast %add3A_265 : i32 to index
        %swap3A_326 = arith.constant 112 : index
        %swap3A_327 = tpu.vector_load %arg13[%swap3A_325, %swap3A_326] {strides = array<i32>} : memref<56x128xf32, #tpu.memory_space<vmem>>, vector<16xf32>,
        tpu.vector_store %arg13[%swap3A_325, %swap3A_326], %exp3A_324 {strides = array<i32>} : memref<56x128xf32, #tpu.memory_space<vmem>>, vector<16xf32>,
      }
      %scan3A_183 = arith.constant 56 : i32
      %scan3A_184 = arith.constant 0 : i32
      %scan3A_185 = arith.constant 8 : i32
      %scan3A_186 = arith.addi %scan3A_184, %scan3A_185 : i32
      %scan3A_187 = arith.constant 1 : i32
      scf.for %scan3A_261 = %scan3A_184 to %scan3A_186 step %scan3A_187  : i32 {
        %mul3A_262 = arith.constant 1 : i32
        %mul3A_263 = arith.muli %scan3A_261, %mul3A_262 : i32
        %add3A_264 = arith.constant 0 : i32
        %add3A_265 = arith.addi %add3A_264, %mul3A_263 : i32
        %mul3A_266 = arith.constant 7 : i32
        %mul3A_267 = arith.muli %add3A_265, %mul3A_266 : i32
        %add3A_268 = arith.constant 0 : i32
        %add3A_269 = arith.addi %mul3A_267, %add3A_268 : i32
        %dma_start3A_270 = arith.constant 0 : i32
        %dma_start3A_271 = tpu.memref_slice %arg13[%add3A_269, %dma_start3A_270] : memref<56x128xf32, #tpu.memory_space<vmem>> -> memref<1x128xf32, #tpu.memory_space<vmem>>
        %dma_start3A_272 = tpu.memref_squeeze %dma_start3A_271 : memref<1x128xf32, #tpu.memory_space<vmem>> -> memref<128xf32, #tpu.memory_space<vmem>>
        %dma_start3A_273 = arith.constant 0 : i32
        %dma_start3A_274 = tpu.memref_slice %arg15[%add3A_269, %dma_start3A_273] : memref<56x128xi32, #tpu.memory_space<vmem>> -> memref<1x128xi32, #tpu.memory_space<vmem>>
        %dma_start3A_275 = tpu.memref_squeeze %dma_start3A_274 : memref<1x128xi32, #tpu.memory_space<vmem>> -> memref<128xi32, #tpu.memory_space<vmem>>
        %dma_start3A_276 = arith.constant 0 : i32
        %dma_start3A_277 = tpu.memref_slice %arg7[%dma_start3A_276] : memref<25088xf32, #tpu.memory_space<vmem_shared>> -> memref<25088xf32, #tpu.memory_space<vmem_shared>>
        tpu.enqueue_indirect_dma source(%dma_start3A_272 : memref<128xf32, #tpu.memory_space<vmem>>) target(%dma_start3A_277 : memref<25088xf32, #tpu.memory_space<vmem_shared>>) offsets(%dma_start3A_275 : memref<128xi32, #tpu.memory_space<vmem>>) semaphore(%arg24 : memref<!tpu.dma_semaphore, #tpu.memory_space<semaphore_mem>>) {add = true}
        %mul3A_278 = arith.constant 7 : i32
        %mul3A_279 = arith.muli %add3A_265, %mul3A_278 : i32
        %add3A_280 = arith.constant 1 : i32
        %add3A_281 = arith.addi %mul3A_279, %add3A_280 : i32
        %dma_start3A_282 = arith.constant 0 : i32
        %dma_start3A_283 = tpu.memref_slice %arg13[%add3A_281, %dma_start3A_282] : memref<56x128xf32, #tpu.memory_space<vmem>> -> memref<1x128xf32, #tpu.memory_space<vmem>>
        %dma_start3A_284 = tpu.memref_squeeze %dma_start3A_283 : memref<1x128xf32, #tpu.memory_space<vmem>> -> memref<128xf32, #tpu.memory_space<vmem>>
        %dma_start3A_285 = arith.constant 0 : i32
        %dma_start3A_286 = tpu.memref_slice %arg15[%add3A_281, %dma_start3A_285] : memref<56x128xi32, #tpu.memory_space<vmem>> -> memref<1x128xi32, #tpu.memory_space<vmem>>
        %dma_start3A_287 = tpu.memref_squeeze %dma_start3A_286 : memref<1x128xi32, #tpu.memory_space<vmem>> -> memref<128xi32, #tpu.memory_space<vmem>>
        %dma_start3A_288 = arith.constant 0 : i32
        %dma_start3A_289 = tpu.memref_slice %arg7[%dma_start3A_288] : memref<25088xf32, #tpu.memory_space<vmem_shared>> -> memref<25088xf32, #tpu.memory_space<vmem_shared>>
        tpu.enqueue_indirect_dma source(%dma_start3A_284 : memref<128xf32, #tpu.memory_space<vmem>>) target(%dma_start3A_289 : memref<25088xf32, #tpu.memory_space<vmem_shared>>) offsets(%dma_start3A_287 : memref<128xi32, #tpu.memory_space<vmem>>) semaphore(%arg24 : memref<!tpu.dma_semaphore, #tpu.memory_space<semaphore_mem>>) {add = true}
        %mul3A_290 = arith.constant 7 : i32
        %mul3A_291 = arith.muli %add3A_265, %mul3A_290 : i32
        %add3A_292 = arith.constant 2 : i32
        %add3A_293 = arith.addi %mul3A_291, %add3A_292 : i32
        %dma_start3A_294 = arith.constant 0 : i32
        %dma_start3A_295 = tpu.memref_slice %arg13[%add3A_293, %dma_start3A_294] : memref<56x128xf32, #tpu.memory_space<vmem>> -> memref<1x128xf32, #tpu.memory_space<vmem>>
        %dma_start3A_296 = tpu.memref_squeeze %dma_start3A_295 : memref<1x128xf32, #tpu.memory_space<vmem>> -> memref<128xf32, #tpu.memory_space<vmem>>
        %dma_start3A_297 = arith.constant 0 : i32
        %dma_start3A_298 = tpu.memref_slice %arg15[%add3A_293, %dma_start3A_297] : memref<56x128xi32, #tpu.memory_space<vmem>> -> memref<1x128xi32, #tpu.memory_space<vmem>>
        %dma_start3A_299 = tpu.memref_squeeze %dma_start3A_298 : memref<1x128xi32, #tpu.memory_space<vmem>> -> memref<128xi32, #tpu.memory_space<vmem>>
        %dma_start3A_300 = arith.constant 0 : i32
        %dma_start3A_301 = tpu.memref_slice %arg7[%dma_start3A_300] : memref<25088xf32, #tpu.memory_space<vmem_shared>> -> memref<25088xf32, #tpu.memory_space<vmem_shared>>
        tpu.enqueue_indirect_dma source(%dma_start3A_296 : memref<128xf32, #tpu.memory_space<vmem>>) target(%dma_start3A_301 : memref<25088xf32, #tpu.memory_space<vmem_shared>>) offsets(%dma_start3A_299 : memref<128xi32, #tpu.memory_space<vmem>>) semaphore(%arg24 : memref<!tpu.dma_semaphore, #tpu.memory_space<semaphore_mem>>) {add = true}
        %mul3A_302 = arith.constant 7 : i32
        %mul3A_303 = arith.muli %add3A_265, %mul3A_302 : i32
        %add3A_304 = arith.constant 3 : i32
        %add3A_305 = arith.addi %mul3A_303, %add3A_304 : i32
        %dma_start3A_306 = arith.constant 0 : i32
        %dma_start3A_307 = tpu.memref_slice %arg13[%add3A_305, %dma_start3A_306] : memref<56x128xf32, #tpu.memory_space<vmem>> -> memref<1x128xf32, #tpu.memory_space<vmem>>
        %dma_start3A_308 = tpu.memref_squeeze %dma_start3A_307 : memref<1x128xf32, #tpu.memory_space<vmem>> -> memref<128xf32, #tpu.memory_space<vmem>>
        %dma_start3A_309 = arith.constant 0 : i32
        %dma_start3A_310 = tpu.memref_slice %arg15[%add3A_305, %dma_start3A_309] : memref<56x128xi32, #tpu.memory_space<vmem>> -> memref<1x128xi32, #tpu.memory_space<vmem>>
        %dma_start3A_311 = tpu.memref_squeeze %dma_start3A_310 : memref<1x128xi32, #tpu.memory_space<vmem>> -> memref<128xi32, #tpu.memory_space<vmem>>
        %dma_start3A_312 = arith.constant 0 : i32
        %dma_start3A_313 = tpu.memref_slice %arg7[%dma_start3A_312] : memref<25088xf32, #tpu.memory_space<vmem_shared>> -> memref<25088xf32, #tpu.memory_space<vmem_shared>>
        tpu.enqueue_indirect_dma source(%dma_start3A_308 : memref<128xf32, #tpu.memory_space<vmem>>) target(%dma_start3A_313 : memref<25088xf32, #tpu.memory_space<vmem_shared>>) offsets(%dma_start3A_311 : memref<128xi32, #tpu.memory_space<vmem>>) semaphore(%arg24 : memref<!tpu.dma_semaphore, #tpu.memory_space<semaphore_mem>>) {add = true}
        %mul3A_314 = arith.constant 7 : i32
        %mul3A_315 = arith.muli %add3A_265, %mul3A_314 : i32
        %add3A_316 = arith.constant 4 : i32
        %add3A_317 = arith.addi %mul3A_315, %add3A_316 : i32
        %dma_start3A_318 = arith.constant 0 : i32
        %dma_start3A_319 = tpu.memref_slice %arg13[%add3A_317, %dma_start3A_318] : memref<56x128xf32, #tpu.memory_space<vmem>> -> memref<1x128xf32, #tpu.memory_space<vmem>>
        %dma_start3A_320 = tpu.memref_squeeze %dma_start3A_319 : memref<1x128xf32, #tpu.memory_space<vmem>> -> memref<128xf32, #tpu.memory_space<vmem>>
        %dma_start3A_321 = arith.constant 0 : i32
        %dma_start3A_322 = tpu.memref_slice %arg15[%add3A_317, %dma_start3A_321] : memref<56x128xi32, #tpu.memory_space<vmem>> -> memref<1x128xi32, #tpu.memory_space<vmem>>
        %dma_start3A_323 = tpu.memref_squeeze %dma_start3A_322 : memref<1x128xi32, #tpu.memory_space<vmem>> -> memref<128xi32, #tpu.memory_space<vmem>>
        %dma_start3A_324 = arith.constant 0 : i32
        %dma_start3A_325 = tpu.memref_slice %arg7[%dma_start3A_324] : memref<25088xf32, #tpu.memory_space<vmem_shared>> -> memref<25088xf32, #tpu.memory_space<vmem_shared>>
        tpu.enqueue_indirect_dma source(%dma_start3A_320 : memref<128xf32, #tpu.memory_space<vmem>>) target(%dma_start3A_325 : memref<25088xf32, #tpu.memory_space<vmem_shared>>) offsets(%dma_start3A_323 : memref<128xi32, #tpu.memory_space<vmem>>) semaphore(%arg24 : memref<!tpu.dma_semaphore, #tpu.memory_space<semaphore_mem>>) {add = true}
        %mul3A_326 = arith.constant 7 : i32
        %mul3A_327 = arith.muli %add3A_265, %mul3A_326 : i32
        %add3A_328 = arith.constant 5 : i32
        %add3A_329 = arith.addi %mul3A_327, %add3A_328 : i32
        %dma_start3A_330 = arith.constant 0 : i32
        %dma_start3A_331 = tpu.memref_slice %arg13[%add3A_329, %dma_start3A_330] : memref<56x128xf32, #tpu.memory_space<vmem>> -> memref<1x128xf32, #tpu.memory_space<vmem>>
        %dma_start3A_332 = tpu.memref_squeeze %dma_start3A_331 : memref<1x128xf32, #tpu.memory_space<vmem>> -> memref<128xf32, #tpu.memory_space<vmem>>
        %dma_start3A_333 = arith.constant 0 : i32
        %dma_start3A_334 = tpu.memref_slice %arg15[%add3A_329, %dma_start3A_333] : memref<56x128xi32, #tpu.memory_space<vmem>> -> memref<1x128xi32, #tpu.memory_space<vmem>>
        %dma_start3A_335 = tpu.memref_squeeze %dma_start3A_334 : memref<1x128xi32, #tpu.memory_space<vmem>> -> memref<128xi32, #tpu.memory_space<vmem>>
        %dma_start3A_336 = arith.constant 0 : i32
        %dma_start3A_337 = tpu.memref_slice %arg7[%dma_start3A_336] : memref<25088xf32, #tpu.memory_space<vmem_shared>> -> memref<25088xf32, #tpu.memory_space<vmem_shared>>
        tpu.enqueue_indirect_dma source(%dma_start3A_332 : memref<128xf32, #tpu.memory_space<vmem>>) target(%dma_start3A_337 : memref<25088xf32, #tpu.memory_space<vmem_shared>>) offsets(%dma_start3A_335 : memref<128xi32, #tpu.memory_space<vmem>>) semaphore(%arg24 : memref<!tpu.dma_semaphore, #tpu.memory_space<semaphore_mem>>) {add = true}
        %mul3A_338 = arith.constant 7 : i32
        %mul3A_339 = arith.muli %add3A_265, %mul3A_338 : i32
        %add3A_340 = arith.constant 6 : i32
        %add3A_341 = arith.addi %mul3A_339, %add3A_340 : i32
        %dma_start3A_342 = arith.constant 0 : i32
        %dma_start3A_343 = tpu.memref_slice %arg13[%add3A_341, %dma_start3A_342] : memref<56x128xf32, #tpu.memory_space<vmem>> -> memref<1x128xf32, #tpu.memory_space<vmem>>
        %dma_start3A_344 = tpu.memref_squeeze %dma_start3A_343 : memref<1x128xf32, #tpu.memory_space<vmem>> -> memref<128xf32, #tpu.memory_space<vmem>>
        %dma_start3A_345 = arith.constant 0 : i32
        %dma_start3A_346 = tpu.memref_slice %arg15[%add3A_341, %dma_start3A_345] : memref<56x128xi32, #tpu.memory_space<vmem>> -> memref<1x128xi32, #tpu.memory_space<vmem>>
        %dma_start3A_347 = tpu.memref_squeeze %dma_start3A_346 : memref<1x128xi32, #tpu.memory_space<vmem>> -> memref<128xi32, #tpu.memory_space<vmem>>
        %dma_start3A_348 = arith.constant 0 : i32
        %dma_start3A_349 = tpu.memref_slice %arg7[%dma_start3A_348] : memref<25088xf32, #tpu.memory_space<vmem_shared>> -> memref<25088xf32, #tpu.memory_space<vmem_shared>>
        tpu.enqueue_indirect_dma source(%dma_start3A_344 : memref<128xf32, #tpu.memory_space<vmem>>) target(%dma_start3A_349 : memref<25088xf32, #tpu.memory_space<vmem_shared>>) offsets(%dma_start3A_347 : memref<128xi32, #tpu.memory_space<vmem>>) semaphore(%arg24 : memref<!tpu.dma_semaphore, #tpu.memory_space<semaphore_mem>>) {add = true}
        %mul3A_350 = arith.constant 7 : i32
        %mul3A_351 = arith.muli %add3A_265, %mul3A_350 : i32
        %add3A_352 = arith.constant 0 : i32
        %add3A_353 = arith.addi %mul3A_351, %add3A_352 : i32
        %dma_wait3A_354 = arith.constant 0 : i32
        %dma_wait3A_355 = tpu.memref_slice %arg13[%add3A_353, %dma_wait3A_354] : memref<56x128xf32, #tpu.memory_space<vmem>> -> memref<1x128xf32, #tpu.memory_space<vmem>>
        %dma_wait3A_356 = tpu.memref_squeeze %dma_wait3A_355 : memref<1x128xf32, #tpu.memory_space<vmem>> -> memref<128xf32, #tpu.memory_space<vmem>>
        %dma_wait3A_357 = arith.constant 0 : i32
        %dma_wait3A_358 = tpu.memref_slice %arg15[%add3A_353, %dma_wait3A_357] : memref<56x128xi32, #tpu.memory_space<vmem>> -> memref<1x128xi32, #tpu.memory_space<vmem>>
        %dma_wait3A_359 = tpu.memref_squeeze %dma_wait3A_358 : memref<1x128xi32, #tpu.memory_space<vmem>> -> memref<128xi32, #tpu.memory_space<vmem>>
        %dma_wait3A_360 = arith.constant 0 : i32
        %dma_wait3A_361 = tpu.memref_slice %arg7[%dma_wait3A_360] : memref<25088xf32, #tpu.memory_space<vmem_shared>> -> memref<25088xf32, #tpu.memory_space<vmem_shared>>
        tpu.wait_indirect_dma semaphore(%arg24 : memref<!tpu.dma_semaphore, #tpu.memory_space<semaphore_mem>>) src(%dma_wait3A_356 : memref<128xf32, #tpu.memory_space<vmem>>) dst(%dma_wait3A_361 : memref<25088xf32, #tpu.memory_space<vmem_shared>>)
        %mul3A_362 = arith.constant 7 : i32
        %mul3A_363 = arith.muli %add3A_265, %mul3A_362 : i32
        %add3A_364 = arith.constant 1 : i32
        %add3A_365 = arith.addi %mul3A_363, %add3A_364 : i32
        %dma_wait3A_366 = arith.constant 0 : i32
        %dma_wait3A_367 = tpu.memref_slice %arg13[%add3A_365, %dma_wait3A_366] : memref<56x128xf32, #tpu.memory_space<vmem>> -> memref<1x128xf32, #tpu.memory_space<vmem>>
        %dma_wait3A_368 = tpu.memref_squeeze %dma_wait3A_367 : memref<1x128xf32, #tpu.memory_space<vmem>> -> memref<128xf32, #tpu.memory_space<vmem>>
        %dma_wait3A_369 = arith.constant 0 : i32
        %dma_wait3A_370 = tpu.memref_slice %arg15[%add3A_365, %dma_wait3A_369] : memref<56x128xi32, #tpu.memory_space<vmem>> -> memref<1x128xi32, #tpu.memory_space<vmem>>
        %dma_wait3A_371 = tpu.memref_squeeze %dma_wait3A_370 : memref<1x128xi32, #tpu.memory_space<vmem>> -> memref<128xi32, #tpu.memory_space<vmem>>
        %dma_wait3A_372 = arith.constant 0 : i32
        %dma_wait3A_373 = tpu.memref_slice %arg7[%dma_wait3A_372] : memref<25088xf32, #tpu.memory_space<vmem_shared>> -> memref<25088xf32, #tpu.memory_space<vmem_shared>>
        tpu.wait_indirect_dma semaphore(%arg24 : memref<!tpu.dma_semaphore, #tpu.memory_space<semaphore_mem>>) src(%dma_wait3A_368 : memref<128xf32, #tpu.memory_space<vmem>>) dst(%dma_wait3A_373 : memref<25088xf32, #tpu.memory_space<vmem_shared>>)
        %mul3A_374 = arith.constant 7 : i32
        %mul3A_375 = arith.muli %add3A_265, %mul3A_374 : i32
        %add3A_376 = arith.constant 2 : i32
        %add3A_377 = arith.addi %mul3A_375, %add3A_376 : i32
        %dma_wait3A_378 = arith.constant 0 : i32
        %dma_wait3A_379 = tpu.memref_slice %arg13[%add3A_377, %dma_wait3A_378] : memref<56x128xf32, #tpu.memory_space<vmem>> -> memref<1x128xf32, #tpu.memory_space<vmem>>
        %dma_wait3A_380 = tpu.memref_squeeze %dma_wait3A_379 : memref<1x128xf32, #tpu.memory_space<vmem>> -> memref<128xf32, #tpu.memory_space<vmem>>
        %dma_wait3A_381 = arith.constant 0 : i32
        %dma_wait3A_382 = tpu.memref_slice %arg15[%add3A_377, %dma_wait3A_381] : memref<56x128xi32, #tpu.memory_space<vmem>> -> memref<1x128xi32, #tpu.memory_space<vmem>>
        %dma_wait3A_383 = tpu.memref_squeeze %dma_wait3A_382 : memref<1x128xi32, #tpu.memory_space<vmem>> -> memref<128xi32, #tpu.memory_space<vmem>>
        %dma_wait3A_384 = arith.constant 0 : i32
        %dma_wait3A_385 = tpu.memref_slice %arg7[%dma_wait3A_384] : memref<25088xf32, #tpu.memory_space<vmem_shared>> -> memref<25088xf32, #tpu.memory_space<vmem_shared>>
        tpu.wait_indirect_dma semaphore(%arg24 : memref<!tpu.dma_semaphore, #tpu.memory_space<semaphore_mem>>) src(%dma_wait3A_380 : memref<128xf32, #tpu.memory_space<vmem>>) dst(%dma_wait3A_385 : memref<25088xf32, #tpu.memory_space<vmem_shared>>)
        %mul3A_386 = arith.constant 7 : i32
        %mul3A_387 = arith.muli %add3A_265, %mul3A_386 : i32
        %add3A_388 = arith.constant 3 : i32
        %add3A_389 = arith.addi %mul3A_387, %add3A_388 : i32
        %dma_wait3A_390 = arith.constant 0 : i32
        %dma_wait3A_391 = tpu.memref_slice %arg13[%add3A_389, %dma_wait3A_390] : memref<56x128xf32, #tpu.memory_space<vmem>> -> memref<1x128xf32, #tpu.memory_space<vmem>>
        %dma_wait3A_392 = tpu.memref_squeeze %dma_wait3A_391 : memref<1x128xf32, #tpu.memory_space<vmem>> -> memref<128xf32, #tpu.memory_space<vmem>>
        %dma_wait3A_393 = arith.constant 0 : i32
        %dma_wait3A_394 = tpu.memref_slice %arg15[%add3A_389, %dma_wait3A_393] : memref<56x128xi32, #tpu.memory_space<vmem>> -> memref<1x128xi32, #tpu.memory_space<vmem>>
        %dma_wait3A_395 = tpu.memref_squeeze %dma_wait3A_394 : memref<1x128xi32, #tpu.memory_space<vmem>> -> memref<128xi32, #tpu.memory_space<vmem>>
        %dma_wait3A_396 = arith.constant 0 : i32
        %dma_wait3A_397 = tpu.memref_slice %arg7[%dma_wait3A_396] : memref<25088xf32, #tpu.memory_space<vmem_shared>> -> memref<25088xf32, #tpu.memory_space<vmem_shared>>
        tpu.wait_indirect_dma semaphore(%arg24 : memref<!tpu.dma_semaphore, #tpu.memory_space<semaphore_mem>>) src(%dma_wait3A_392 : memref<128xf32, #tpu.memory_space<vmem>>) dst(%dma_wait3A_397 : memref<25088xf32, #tpu.memory_space<vmem_shared>>)
        %mul3A_398 = arith.constant 7 : i32
        %mul3A_399 = arith.muli %add3A_265, %mul3A_398 : i32
        %add3A_400 = arith.constant 4 : i32
        %add3A_401 = arith.addi %mul3A_399, %add3A_400 : i32
        %dma_wait3A_402 = arith.constant 0 : i32
        %dma_wait3A_403 = tpu.memref_slice %arg13[%add3A_401, %dma_wait3A_402] : memref<56x128xf32, #tpu.memory_space<vmem>> -> memref<1x128xf32, #tpu.memory_space<vmem>>
        %dma_wait3A_404 = tpu.memref_squeeze %dma_wait3A_403 : memref<1x128xf32, #tpu.memory_space<vmem>> -> memref<128xf32, #tpu.memory_space<vmem>>
        %dma_wait3A_405 = arith.constant 0 : i32
        %dma_wait3A_406 = tpu.memref_slice %arg15[%add3A_401, %dma_wait3A_405] : memref<56x128xi32, #tpu.memory_space<vmem>> -> memref<1x128xi32, #tpu.memory_space<vmem>>
        %dma_wait3A_407 = tpu.memref_squeeze %dma_wait3A_406 : memref<1x128xi32, #tpu.memory_space<vmem>> -> memref<128xi32, #tpu.memory_space<vmem>>
        %dma_wait3A_408 = arith.constant 0 : i32
        %dma_wait3A_409 = tpu.memref_slice %arg7[%dma_wait3A_408] : memref<25088xf32, #tpu.memory_space<vmem_shared>> -> memref<25088xf32, #tpu.memory_space<vmem_shared>>
        tpu.wait_indirect_dma semaphore(%arg24 : memref<!tpu.dma_semaphore, #tpu.memory_space<semaphore_mem>>) src(%dma_wait3A_404 : memref<128xf32, #tpu.memory_space<vmem>>) dst(%dma_wait3A_409 : memref<25088xf32, #tpu.memory_space<vmem_shared>>)
        %mul3A_410 = arith.constant 7 : i32
        %mul3A_411 = arith.muli %add3A_265, %mul3A_410 : i32
        %add3A_412 = arith.constant 5 : i32
        %add3A_413 = arith.addi %mul3A_411, %add3A_412 : i32
        %dma_wait3A_414 = arith.constant 0 : i32
        %dma_wait3A_415 = tpu.memref_slice %arg13[%add3A_413, %dma_wait3A_414] : memref<56x128xf32, #tpu.memory_space<vmem>> -> memref<1x128xf32, #tpu.memory_space<vmem>>
        %dma_wait3A_416 = tpu.memref_squeeze %dma_wait3A_415 : memref<1x128xf32, #tpu.memory_space<vmem>> -> memref<128xf32, #tpu.memory_space<vmem>>
        %dma_wait3A_417 = arith.constant 0 : i32
        %dma_wait3A_418 = tpu.memref_slice %arg15[%add3A_413, %dma_wait3A_417] : memref<56x128xi32, #tpu.memory_space<vmem>> -> memref<1x128xi32, #tpu.memory_space<vmem>>
        %dma_wait3A_419 = tpu.memref_squeeze %dma_wait3A_418 : memref<1x128xi32, #tpu.memory_space<vmem>> -> memref<128xi32, #tpu.memory_space<vmem>>
        %dma_wait3A_420 = arith.constant 0 : i32
        %dma_wait3A_421 = tpu.memref_slice %arg7[%dma_wait3A_420] : memref<25088xf32, #tpu.memory_space<vmem_shared>> -> memref<25088xf32, #tpu.memory_space<vmem_shared>>
        tpu.wait_indirect_dma semaphore(%arg24 : memref<!tpu.dma_semaphore, #tpu.memory_space<semaphore_mem>>) src(%dma_wait3A_416 : memref<128xf32, #tpu.memory_space<vmem>>) dst(%dma_wait3A_421 : memref<25088xf32, #tpu.memory_space<vmem_shared>>)
        %mul3A_422 = arith.constant 7 : i32
        %mul3A_423 = arith.muli %add3A_265, %mul3A_422 : i32
        %add3A_424 = arith.constant 6 : i32
        %add3A_425 = arith.addi %mul3A_423, %add3A_424 : i32
        %dma_wait3A_426 = arith.constant 0 : i32
        %dma_wait3A_427 = tpu.memref_slice %arg13[%add3A_425, %dma_wait3A_426] : memref<56x128xf32, #tpu.memory_space<vmem>> -> memref<1x128xf32, #tpu.memory_space<vmem>>
        %dma_wait3A_428 = tpu.memref_squeeze %dma_wait3A_427 : memref<1x128xf32, #tpu.memory_space<vmem>> -> memref<128xf32, #tpu.memory_space<vmem>>
        %dma_wait3A_429 = arith.constant 0 : i32
        %dma_wait3A_430 = tpu.memref_slice %arg15[%add3A_425, %dma_wait3A_429] : memref<56x128xi32, #tpu.memory_space<vmem>> -> memref<1x128xi32, #tpu.memory_space<vmem>>
        %dma_wait3A_431 = tpu.memref_squeeze %dma_wait3A_430 : memref<1x128xi32, #tpu.memory_space<vmem>> -> memref<128xi32, #tpu.memory_space<vmem>>
        %dma_wait3A_432 = arith.constant 0 : i32
        %dma_wait3A_433 = tpu.memref_slice %arg7[%dma_wait3A_432] : memref<25088xf32, #tpu.memory_space<vmem_shared>> -> memref<25088xf32, #tpu.memory_space<vmem_shared>>
        tpu.wait_indirect_dma semaphore(%arg24 : memref<!tpu.dma_semaphore, #tpu.memory_space<semaphore_mem>>) src(%dma_wait3A_428 : memref<128xf32, #tpu.memory_space<vmem>>) dst(%dma_wait3A_433 : memref<25088xf32, #tpu.memory_space<vmem_shared>>)
      }
      %scan3A_188 = arith.constant 8 : i32
      %barrier3A_189 = arith.constant 0 : index
      tpu.barrier barrier_id(%barrier3A_189)
      "tpu.region"() ({
        %run_scoped3A = tpu.sem_alloc : memref<!tpu.dma_semaphore, #tpu.memory_space<semaphore_mem>>
        tpu.enqueue_dma source(%arg7 : memref<25088xf32, #tpu.memory_space<vmem_shared>>) target(%arg18 : memref<25088xf32, #tpu.memory_space<vmem>>) target_semaphore(%run_scoped3A : memref<!tpu.dma_semaphore, #tpu.memory_space<semaphore_mem>>)
        tpu.wait_dma2 semaphore(%run_scoped3A : memref<!tpu.dma_semaphore, #tpu.memory_space<semaphore_mem>>) src(%arg7 : memref<25088xf32, #tpu.memory_space<vmem_shared>>) dst(%arg18 : memref<25088xf32, #tpu.memory_space<vmem>>)
        tpu.yield
      }) : () -> ()
      "tpu.region"() ({
        %run_scoped3A = tpu.sem_alloc : memref<!tpu.dma_semaphore, #tpu.memory_space<semaphore_mem>>
        %dma_start3A_261 = arith.constant 0 : i32
        %dma_start3A_262 = tpu.memref_slice %arg4[%mul3A_2, %dma_start3A_261] : memref<896x128xi32, #tpu.memory_space<hbm>> -> memref<56x128xi32, #tpu.memory_space<hbm>>
        %dma_start3A_263 = arith.constant 0 : i32
        %dma_start3A_264 = tpu.memref_slice %arg4[%mul3A_2, %dma_start3A_263] : memref<896x128xi32, #tpu.memory_space<hbm>> -> memref<56x128xi32, #tpu.memory_space<hbm>>
        tpu.enqueue_dma source(%dma_start3A_264 : memref<56x128xi32, #tpu.memory_space<hbm>>) target(%arg16 : memref<56x128xi32, #tpu.memory_space<vmem>>) target_semaphore(%run_scoped3A : memref<!tpu.dma_semaphore, #tpu.memory_space<semaphore_mem>>)
        %dma_wait3A_265 = arith.constant 0 : i32
        %dma_wait3A_266 = tpu.memref_slice %arg4[%mul3A_2, %dma_wait3A_265] : memref<896x128xi32, #tpu.memory_space<hbm>> -> memref<56x128xi32, #tpu.memory_space<hbm>>
        %dma_wait3A_267 = arith.constant 0 : i32
        %dma_wait3A_268 = tpu.memref_slice %arg4[%mul3A_2, %dma_wait3A_267] : memref<896x128xi32, #tpu.memory_space<hbm>> -> memref<56x128xi32, #tpu.memory_space<hbm>>
        tpu.wait_dma2 semaphore(%run_scoped3A : memref<!tpu.dma_semaphore, #tpu.memory_space<semaphore_mem>>) src(%dma_wait3A_268 : memref<56x128xi32, #tpu.memory_space<hbm>>) dst(%arg16 : memref<56x128xi32, #tpu.memory_space<vmem>>)
        tpu.yield
      }) : () -> ()
      %broadcast_in_dim3A_190 = arith.constant 0.000000e+00 : f32
      %broadcast_in_dim3A_191 = vector.broadcast %broadcast_in_dim3A_190 : f32 to vector<16xf32>
      %swap3A_192 = arith.constant 0 : index
      %swap3A_193 = tpu.vector_load %arg20[%swap3A_192] {strides = array<i32>} : memref<80xf32, #tpu.memory_space<vmem>>, vector<16xf32>,
      tpu.vector_store %arg20[%swap3A_192], %broadcast_in_dim3A_191 {strides = array<i32>} : memref<80xf32, #tpu.memory_space<vmem>>, vector<16xf32>,
      %iota3A = tpu.iota {dimensions = array<i32: 0>} : vector<16xi32>
      %add3A = arith.constant 0 : i32
      %add3A_194 = vector.broadcast %add3A : i32 to vector<16xi32>
      %add3A_195 = arith.addi %iota3A, %add3A_194 : vector<16xi32>
      %swap3A_196 = arith.constant 0 : index
      %swap3A_197 = tpu.vector_load %arg21[%swap3A_196] {strides = array<i32>} : memref<80xi32, #tpu.memory_space<vmem>>, vector<16xi32>,
      tpu.vector_store %arg21[%swap3A_196], %add3A_195 {strides = array<i32>} : memref<80xi32, #tpu.memory_space<vmem>>, vector<16xi32>,
      %broadcast_in_dim3A_198 = arith.constant 0.000000e+00 : f32
      %broadcast_in_dim3A_199 = vector.broadcast %broadcast_in_dim3A_198 : f32 to vector<16xf32>
      %swap3A_200 = arith.constant 16 : index
      %swap3A_201 = tpu.vector_load %arg20[%swap3A_200] {strides = array<i32>} : memref<80xf32, #tpu.memory_space<vmem>>, vector<16xf32>,
      tpu.vector_store %arg20[%swap3A_200], %broadcast_in_dim3A_199 {strides = array<i32>} : memref<80xf32, #tpu.memory_space<vmem>>, vector<16xf32>,
      %iota3A_202 = tpu.iota {dimensions = array<i32: 0>} : vector<16xi32>
      %add3A_203 = arith.constant 16 : i32
      %add3A_204 = vector.broadcast %add3A_203 : i32 to vector<16xi32>
      %add3A_205 = arith.addi %iota3A_202, %add3A_204 : vector<16xi32>
      %swap3A_206 = arith.constant 16 : index
      %swap3A_207 = tpu.vector_load %arg21[%swap3A_206] {strides = array<i32>} : memref<80xi32, #tpu.memory_space<vmem>>, vector<16xi32>,
      tpu.vector_store %arg21[%swap3A_206], %add3A_205 {strides = array<i32>} : memref<80xi32, #tpu.memory_space<vmem>>, vector<16xi32>,
      %broadcast_in_dim3A_208 = arith.constant 0.000000e+00 : f32
      %broadcast_in_dim3A_209 = vector.broadcast %broadcast_in_dim3A_208 : f32 to vector<16xf32>
      %swap3A_210 = arith.constant 32 : index
      %swap3A_211 = tpu.vector_load %arg20[%swap3A_210] {strides = array<i32>} : memref<80xf32, #tpu.memory_space<vmem>>, vector<16xf32>,
      tpu.vector_store %arg20[%swap3A_210], %broadcast_in_dim3A_209 {strides = array<i32>} : memref<80xf32, #tpu.memory_space<vmem>>, vector<16xf32>,
      %iota3A_212 = tpu.iota {dimensions = array<i32: 0>} : vector<16xi32>
      %add3A_213 = arith.constant 32 : i32
      %add3A_214 = vector.broadcast %add3A_213 : i32 to vector<16xi32>
      %add3A_215 = arith.addi %iota3A_212, %add3A_214 : vector<16xi32>
      %swap3A_216 = arith.constant 32 : index
      %swap3A_217 = tpu.vector_load %arg21[%swap3A_216] {strides = array<i32>} : memref<80xi32, #tpu.memory_space<vmem>>, vector<16xi32>,
      tpu.vector_store %arg21[%swap3A_216], %add3A_215 {strides = array<i32>} : memref<80xi32, #tpu.memory_space<vmem>>, vector<16xi32>,
      %broadcast_in_dim3A_218 = arith.constant 0.000000e+00 : f32
      %broadcast_in_dim3A_219 = vector.broadcast %broadcast_in_dim3A_218 : f32 to vector<16xf32>
      %swap3A_220 = arith.constant 48 : index
      %swap3A_221 = tpu.vector_load %arg20[%swap3A_220] {strides = array<i32>} : memref<80xf32, #tpu.memory_space<vmem>>, vector<16xf32>,
      tpu.vector_store %arg20[%swap3A_220], %broadcast_in_dim3A_219 {strides = array<i32>} : memref<80xf32, #tpu.memory_space<vmem>>, vector<16xf32>,
      %iota3A_222 = tpu.iota {dimensions = array<i32: 0>} : vector<16xi32>
      %add3A_223 = arith.constant 48 : i32
      %add3A_224 = vector.broadcast %add3A_223 : i32 to vector<16xi32>
      %add3A_225 = arith.addi %iota3A_222, %add3A_224 : vector<16xi32>
      %swap3A_226 = arith.constant 48 : index
      %swap3A_227 = tpu.vector_load %arg21[%swap3A_226] {strides = array<i32>} : memref<80xi32, #tpu.memory_space<vmem>>, vector<16xi32>,
      tpu.vector_store %arg21[%swap3A_226], %add3A_225 {strides = array<i32>} : memref<80xi32, #tpu.memory_space<vmem>>, vector<16xi32>,
      %broadcast_in_dim3A_228 = arith.constant 0.000000e+00 : f32
      %broadcast_in_dim3A_229 = vector.broadcast %broadcast_in_dim3A_228 : f32 to vector<16xf32>
      %swap3A_230 = arith.constant 64 : index
      %swap3A_231 = tpu.vector_load %arg20[%swap3A_230] {strides = array<i32>} : memref<80xf32, #tpu.memory_space<vmem>>, vector<16xf32>,
      tpu.vector_store %arg20[%swap3A_230], %broadcast_in_dim3A_229 {strides = array<i32>} : memref<80xf32, #tpu.memory_space<vmem>>, vector<16xf32>,
      %iota3A_232 = tpu.iota {dimensions = array<i32: 0>} : vector<16xi32>
      %add3A_233 = arith.constant 64 : i32
      %add3A_234 = vector.broadcast %add3A_233 : i32 to vector<16xi32>
      %add3A_235 = arith.addi %iota3A_232, %add3A_234 : vector<16xi32>
      %swap3A_236 = arith.constant 64 : index
      %swap3A_237 = tpu.vector_load %arg21[%swap3A_236] {strides = array<i32>} : memref<80xi32, #tpu.memory_space<vmem>>, vector<16xi32>,
      tpu.vector_store %arg21[%swap3A_236], %add3A_235 {strides = array<i32>} : memref<80xi32, #tpu.memory_space<vmem>>, vector<16xi32>,
      %scan3A_238 = arith.constant 0 : i32
      %scan3A_239 = arith.constant 56 : i32
      %scan3A_240 = arith.addi %scan3A_238, %scan3A_239 : i32
      %scan3A_241 = arith.constant 1 : i32
      scf.for %scan3A_261 = %scan3A_238 to %scan3A_240 step %scan3A_241  : i32 {
        %mul3A_262 = arith.constant 1 : i32
        %mul3A_263 = arith.muli %scan3A_261, %mul3A_262 : i32
        %add3A_264 = arith.constant 0 : i32
        %add3A_265 = arith.addi %add3A_264, %mul3A_263 : i32
        %get3A_266 = arith.index_cast %add3A_265 : i32 to index
        %get3A_267 = arith.constant 0 : index
        %get3A_268 = tpu.vector_load %arg15[%get3A_266, %get3A_267] {strides = array<i32>} : memref<56x128xi32, #tpu.memory_space<vmem>>, vector<16xi32>,
        %gather3A = tpu.vector_load_idx %arg18[%get3A_268] : memref<25088xf32, #tpu.memory_space<vmem>>[vector<16xi32>], vector<16xf32>,
        %get3A_269 = arith.index_cast %add3A_265 : i32 to index
        %get3A_270 = arith.constant 0 : index
        %get3A_271 = tpu.vector_load %arg13[%get3A_269, %get3A_270] {strides = array<i32>} : memref<56x128xf32, #tpu.memory_space<vmem>>, vector<16xf32>,
        %div3A = arith.divf %get3A_271, %gather3A : vector<16xf32>
        %swap3A_272 = arith.index_cast %add3A_265 : i32 to index
        %swap3A_273 = arith.constant 0 : index
        %swap3A_274 = tpu.vector_load %arg14[%swap3A_272, %swap3A_273] {strides = array<i32>} : memref<56x128xf32, #tpu.memory_space<vmem>>, vector<16xf32>,
        tpu.vector_store %arg14[%swap3A_272, %swap3A_273], %div3A {strides = array<i32>} : memref<56x128xf32, #tpu.memory_space<vmem>>, vector<16xf32>,
        %get3A_275 = arith.index_cast %add3A_265 : i32 to index
        %get3A_276 = arith.constant 0 : index
        %get3A_277 = tpu.vector_load %arg16[%get3A_275, %get3A_276] {strides = array<i32>} : memref<56x128xi32, #tpu.memory_space<vmem>>, vector<16xi32>,
        tpu.vector_store_idx %arg20[%get3A_277], %div3A {add = true} : memref<80xf32, #tpu.memory_space<vmem>>[vector<16xi32>], vector<16xf32>,
        %get3A_278 = arith.index_cast %add3A_265 : i32 to index
        %get3A_279 = arith.constant 16 : index
        %get3A_280 = tpu.vector_load %arg15[%get3A_278, %get3A_279] {strides = array<i32>} : memref<56x128xi32, #tpu.memory_space<vmem>>, vector<16xi32>,
        %gather3A_281 = tpu.vector_load_idx %arg18[%get3A_280] : memref<25088xf32, #tpu.memory_space<vmem>>[vector<16xi32>], vector<16xf32>,
        %get3A_282 = arith.index_cast %add3A_265 : i32 to index
        %get3A_283 = arith.constant 16 : index
        %get3A_284 = tpu.vector_load %arg13[%get3A_282, %get3A_283] {strides = array<i32>} : memref<56x128xf32, #tpu.memory_space<vmem>>, vector<16xf32>,
        %div3A_285 = arith.divf %get3A_284, %gather3A_281 : vector<16xf32>
        %swap3A_286 = arith.index_cast %add3A_265 : i32 to index
        %swap3A_287 = arith.constant 16 : index
        %swap3A_288 = tpu.vector_load %arg14[%swap3A_286, %swap3A_287] {strides = array<i32>} : memref<56x128xf32, #tpu.memory_space<vmem>>, vector<16xf32>,
        tpu.vector_store %arg14[%swap3A_286, %swap3A_287], %div3A_285 {strides = array<i32>} : memref<56x128xf32, #tpu.memory_space<vmem>>, vector<16xf32>,
        %get3A_289 = arith.index_cast %add3A_265 : i32 to index
        %get3A_290 = arith.constant 16 : index
        %get3A_291 = tpu.vector_load %arg16[%get3A_289, %get3A_290] {strides = array<i32>} : memref<56x128xi32, #tpu.memory_space<vmem>>, vector<16xi32>,
        tpu.vector_store_idx %arg20[%get3A_291], %div3A_285 {add = true} : memref<80xf32, #tpu.memory_space<vmem>>[vector<16xi32>], vector<16xf32>,
        %get3A_292 = arith.index_cast %add3A_265 : i32 to index
        %get3A_293 = arith.constant 32 : index
        %get3A_294 = tpu.vector_load %arg15[%get3A_292, %get3A_293] {strides = array<i32>} : memref<56x128xi32, #tpu.memory_space<vmem>>, vector<16xi32>,
        %gather3A_295 = tpu.vector_load_idx %arg18[%get3A_294] : memref<25088xf32, #tpu.memory_space<vmem>>[vector<16xi32>], vector<16xf32>,
        %get3A_296 = arith.index_cast %add3A_265 : i32 to index
        %get3A_297 = arith.constant 32 : index
        %get3A_298 = tpu.vector_load %arg13[%get3A_296, %get3A_297] {strides = array<i32>} : memref<56x128xf32, #tpu.memory_space<vmem>>, vector<16xf32>,
        %div3A_299 = arith.divf %get3A_298, %gather3A_295 : vector<16xf32>
        %swap3A_300 = arith.index_cast %add3A_265 : i32 to index
        %swap3A_301 = arith.constant 32 : index
        %swap3A_302 = tpu.vector_load %arg14[%swap3A_300, %swap3A_301] {strides = array<i32>} : memref<56x128xf32, #tpu.memory_space<vmem>>, vector<16xf32>,
        tpu.vector_store %arg14[%swap3A_300, %swap3A_301], %div3A_299 {strides = array<i32>} : memref<56x128xf32, #tpu.memory_space<vmem>>, vector<16xf32>,
        %get3A_303 = arith.index_cast %add3A_265 : i32 to index
        %get3A_304 = arith.constant 32 : index
        %get3A_305 = tpu.vector_load %arg16[%get3A_303, %get3A_304] {strides = array<i32>} : memref<56x128xi32, #tpu.memory_space<vmem>>, vector<16xi32>,
        tpu.vector_store_idx %arg20[%get3A_305], %div3A_299 {add = true} : memref<80xf32, #tpu.memory_space<vmem>>[vector<16xi32>], vector<16xf32>,
        %get3A_306 = arith.index_cast %add3A_265 : i32 to index
        %get3A_307 = arith.constant 48 : index
        %get3A_308 = tpu.vector_load %arg15[%get3A_306, %get3A_307] {strides = array<i32>} : memref<56x128xi32, #tpu.memory_space<vmem>>, vector<16xi32>,
        %gather3A_309 = tpu.vector_load_idx %arg18[%get3A_308] : memref<25088xf32, #tpu.memory_space<vmem>>[vector<16xi32>], vector<16xf32>,
        %get3A_310 = arith.index_cast %add3A_265 : i32 to index
        %get3A_311 = arith.constant 48 : index
        %get3A_312 = tpu.vector_load %arg13[%get3A_310, %get3A_311] {strides = array<i32>} : memref<56x128xf32, #tpu.memory_space<vmem>>, vector<16xf32>,
        %div3A_313 = arith.divf %get3A_312, %gather3A_309 : vector<16xf32>
        %swap3A_314 = arith.index_cast %add3A_265 : i32 to index
        %swap3A_315 = arith.constant 48 : index
        %swap3A_316 = tpu.vector_load %arg14[%swap3A_314, %swap3A_315] {strides = array<i32>} : memref<56x128xf32, #tpu.memory_space<vmem>>, vector<16xf32>,
        tpu.vector_store %arg14[%swap3A_314, %swap3A_315], %div3A_313 {strides = array<i32>} : memref<56x128xf32, #tpu.memory_space<vmem>>, vector<16xf32>,
        %get3A_317 = arith.index_cast %add3A_265 : i32 to index
        %get3A_318 = arith.constant 48 : index
        %get3A_319 = tpu.vector_load %arg16[%get3A_317, %get3A_318] {strides = array<i32>} : memref<56x128xi32, #tpu.memory_space<vmem>>, vector<16xi32>,
        tpu.vector_store_idx %arg20[%get3A_319], %div3A_313 {add = true} : memref<80xf32, #tpu.memory_space<vmem>>[vector<16xi32>], vector<16xf32>,
        %get3A_320 = arith.index_cast %add3A_265 : i32 to index
        %get3A_321 = arith.constant 64 : index
        %get3A_322 = tpu.vector_load %arg15[%get3A_320, %get3A_321] {strides = array<i32>} : memref<56x128xi32, #tpu.memory_space<vmem>>, vector<16xi32>,
        %gather3A_323 = tpu.vector_load_idx %arg18[%get3A_322] : memref<25088xf32, #tpu.memory_space<vmem>>[vector<16xi32>], vector<16xf32>,
        %get3A_324 = arith.index_cast %add3A_265 : i32 to index
        %get3A_325 = arith.constant 64 : index
        %get3A_326 = tpu.vector_load %arg13[%get3A_324, %get3A_325] {strides = array<i32>} : memref<56x128xf32, #tpu.memory_space<vmem>>, vector<16xf32>,
        %div3A_327 = arith.divf %get3A_326, %gather3A_323 : vector<16xf32>
        %swap3A_328 = arith.index_cast %add3A_265 : i32 to index
        %swap3A_329 = arith.constant 64 : index
        %swap3A_330 = tpu.vector_load %arg14[%swap3A_328, %swap3A_329] {strides = array<i32>} : memref<56x128xf32, #tpu.memory_space<vmem>>, vector<16xf32>,
        tpu.vector_store %arg14[%swap3A_328, %swap3A_329], %div3A_327 {strides = array<i32>} : memref<56x128xf32, #tpu.memory_space<vmem>>, vector<16xf32>,
        %get3A_331 = arith.index_cast %add3A_265 : i32 to index
        %get3A_332 = arith.constant 64 : index
        %get3A_333 = tpu.vector_load %arg16[%get3A_331, %get3A_332] {strides = array<i32>} : memref<56x128xi32, #tpu.memory_space<vmem>>, vector<16xi32>,
        tpu.vector_store_idx %arg20[%get3A_333], %div3A_327 {add = true} : memref<80xf32, #tpu.memory_space<vmem>>[vector<16xi32>], vector<16xf32>,
        %get3A_334 = arith.index_cast %add3A_265 : i32 to index
        %get3A_335 = arith.constant 80 : index
        %get3A_336 = tpu.vector_load %arg15[%get3A_334, %get3A_335] {strides = array<i32>} : memref<56x128xi32, #tpu.memory_space<vmem>>, vector<16xi32>,
        %gather3A_337 = tpu.vector_load_idx %arg18[%get3A_336] : memref<25088xf32, #tpu.memory_space<vmem>>[vector<16xi32>], vector<16xf32>,
        %get3A_338 = arith.index_cast %add3A_265 : i32 to index
        %get3A_339 = arith.constant 80 : index
        %get3A_340 = tpu.vector_load %arg13[%get3A_338, %get3A_339] {strides = array<i32>} : memref<56x128xf32, #tpu.memory_space<vmem>>, vector<16xf32>,
        %div3A_341 = arith.divf %get3A_340, %gather3A_337 : vector<16xf32>
        %swap3A_342 = arith.index_cast %add3A_265 : i32 to index
        %swap3A_343 = arith.constant 80 : index
        %swap3A_344 = tpu.vector_load %arg14[%swap3A_342, %swap3A_343] {strides = array<i32>} : memref<56x128xf32, #tpu.memory_space<vmem>>, vector<16xf32>,
        tpu.vector_store %arg14[%swap3A_342, %swap3A_343], %div3A_341 {strides = array<i32>} : memref<56x128xf32, #tpu.memory_space<vmem>>, vector<16xf32>,
        %get3A_345 = arith.index_cast %add3A_265 : i32 to index
        %get3A_346 = arith.constant 80 : index
        %get3A_347 = tpu.vector_load %arg16[%get3A_345, %get3A_346] {strides = array<i32>} : memref<56x128xi32, #tpu.memory_space<vmem>>, vector<16xi32>,
        tpu.vector_store_idx %arg20[%get3A_347], %div3A_341 {add = true} : memref<80xf32, #tpu.memory_space<vmem>>[vector<16xi32>], vector<16xf32>,
        %get3A_348 = arith.index_cast %add3A_265 : i32 to index
        %get3A_349 = arith.constant 96 : index
        %get3A_350 = tpu.vector_load %arg15[%get3A_348, %get3A_349] {strides = array<i32>} : memref<56x128xi32, #tpu.memory_space<vmem>>, vector<16xi32>,
        %gather3A_351 = tpu.vector_load_idx %arg18[%get3A_350] : memref<25088xf32, #tpu.memory_space<vmem>>[vector<16xi32>], vector<16xf32>,
        %get3A_352 = arith.index_cast %add3A_265 : i32 to index
        %get3A_353 = arith.constant 96 : index
        %get3A_354 = tpu.vector_load %arg13[%get3A_352, %get3A_353] {strides = array<i32>} : memref<56x128xf32, #tpu.memory_space<vmem>>, vector<16xf32>,
        %div3A_355 = arith.divf %get3A_354, %gather3A_351 : vector<16xf32>
        %swap3A_356 = arith.index_cast %add3A_265 : i32 to index
        %swap3A_357 = arith.constant 96 : index
        %swap3A_358 = tpu.vector_load %arg14[%swap3A_356, %swap3A_357] {strides = array<i32>} : memref<56x128xf32, #tpu.memory_space<vmem>>, vector<16xf32>,
        tpu.vector_store %arg14[%swap3A_356, %swap3A_357], %div3A_355 {strides = array<i32>} : memref<56x128xf32, #tpu.memory_space<vmem>>, vector<16xf32>,
        %get3A_359 = arith.index_cast %add3A_265 : i32 to index
        %get3A_360 = arith.constant 96 : index
        %get3A_361 = tpu.vector_load %arg16[%get3A_359, %get3A_360] {strides = array<i32>} : memref<56x128xi32, #tpu.memory_space<vmem>>, vector<16xi32>,
        tpu.vector_store_idx %arg20[%get3A_361], %div3A_355 {add = true} : memref<80xf32, #tpu.memory_space<vmem>>[vector<16xi32>], vector<16xf32>,
        %get3A_362 = arith.index_cast %add3A_265 : i32 to index
        %get3A_363 = arith.constant 112 : index
        %get3A_364 = tpu.vector_load %arg15[%get3A_362, %get3A_363] {strides = array<i32>} : memref<56x128xi32, #tpu.memory_space<vmem>>, vector<16xi32>,
        %gather3A_365 = tpu.vector_load_idx %arg18[%get3A_364] : memref<25088xf32, #tpu.memory_space<vmem>>[vector<16xi32>], vector<16xf32>,
        %get3A_366 = arith.index_cast %add3A_265 : i32 to index
        %get3A_367 = arith.constant 112 : index
        %get3A_368 = tpu.vector_load %arg13[%get3A_366, %get3A_367] {strides = array<i32>} : memref<56x128xf32, #tpu.memory_space<vmem>>, vector<16xf32>,
        %div3A_369 = arith.divf %get3A_368, %gather3A_365 : vector<16xf32>
        %swap3A_370 = arith.index_cast %add3A_265 : i32 to index
        %swap3A_371 = arith.constant 112 : index
        %swap3A_372 = tpu.vector_load %arg14[%swap3A_370, %swap3A_371] {strides = array<i32>} : memref<56x128xf32, #tpu.memory_space<vmem>>, vector<16xf32>,
        tpu.vector_store %arg14[%swap3A_370, %swap3A_371], %div3A_369 {strides = array<i32>} : memref<56x128xf32, #tpu.memory_space<vmem>>, vector<16xf32>,
        %get3A_373 = arith.index_cast %add3A_265 : i32 to index
        %get3A_374 = arith.constant 112 : index
        %get3A_375 = tpu.vector_load %arg16[%get3A_373, %get3A_374] {strides = array<i32>} : memref<56x128xi32, #tpu.memory_space<vmem>>, vector<16xi32>,
        tpu.vector_store_idx %arg20[%get3A_375], %div3A_369 {add = true} : memref<80xf32, #tpu.memory_space<vmem>>[vector<16xi32>], vector<16xf32>,
      }
      %scan3A_242 = arith.constant 56 : i32
      %dma_start3A = arith.constant 0 : i32
      %dma_start3A_243 = tpu.memref_slice %arg8[%dma_start3A] : memref<80xf32, #tpu.memory_space<vmem_shared>> -> memref<80xf32, #tpu.memory_space<vmem_shared>>
      tpu.enqueue_indirect_dma source(%arg20 : memref<80xf32, #tpu.memory_space<vmem>>) target(%dma_start3A_243 : memref<80xf32, #tpu.memory_space<vmem_shared>>) offsets(%arg21 : memref<80xi32, #tpu.memory_space<vmem>>) semaphore(%arg24 : memref<!tpu.dma_semaphore, #tpu.memory_space<semaphore_mem>>) {add = true}
      %dma_wait3A = arith.constant 0 : i32
      %dma_wait3A_244 = tpu.memref_slice %arg8[%dma_wait3A] : memref<80xf32, #tpu.memory_space<vmem_shared>> -> memref<80xf32, #tpu.memory_space<vmem_shared>>
      tpu.wait_indirect_dma semaphore(%arg24 : memref<!tpu.dma_semaphore, #tpu.memory_space<semaphore_mem>>) src(%arg20 : memref<80xf32, #tpu.memory_space<vmem>>) dst(%dma_wait3A_244 : memref<80xf32, #tpu.memory_space<vmem_shared>>)
      %barrier3A_245 = arith.constant 0 : index
      tpu.barrier barrier_id(%barrier3A_245)
      "tpu.region"() ({
        %run_scoped3A = tpu.sem_alloc : memref<!tpu.dma_semaphore, #tpu.memory_space<semaphore_mem>>
        tpu.enqueue_dma source(%arg8 : memref<80xf32, #tpu.memory_space<vmem_shared>>) target(%arg19 : memref<80xf32, #tpu.memory_space<vmem>>) target_semaphore(%run_scoped3A : memref<!tpu.dma_semaphore, #tpu.memory_space<semaphore_mem>>)
        tpu.wait_dma2 semaphore(%run_scoped3A : memref<!tpu.dma_semaphore, #tpu.memory_space<semaphore_mem>>) src(%arg8 : memref<80xf32, #tpu.memory_space<vmem_shared>>) dst(%arg19 : memref<80xf32, #tpu.memory_space<vmem>>)
        tpu.yield
      }) : () -> ()
      "tpu.region"() ({
        %run_scoped3A = tpu.sem_alloc : memref<!tpu.dma_semaphore, #tpu.memory_space<semaphore_mem>>
        %dma_start3A_261 = arith.constant 0 : i32
        %dma_start3A_262 = tpu.memref_slice %arg5[%mul3A_2, %dma_start3A_261] : memref<896x128xi32, #tpu.memory_space<hbm>> -> memref<56x128xi32, #tpu.memory_space<hbm>>
        %dma_start3A_263 = arith.constant 0 : i32
        %dma_start3A_264 = tpu.memref_slice %arg5[%mul3A_2, %dma_start3A_263] : memref<896x128xi32, #tpu.memory_space<hbm>> -> memref<56x128xi32, #tpu.memory_space<hbm>>
        tpu.enqueue_dma source(%dma_start3A_264 : memref<56x128xi32, #tpu.memory_space<hbm>>) target(%arg17 : memref<56x128xi32, #tpu.memory_space<vmem>>) target_semaphore(%run_scoped3A : memref<!tpu.dma_semaphore, #tpu.memory_space<semaphore_mem>>)
        %dma_wait3A_265 = arith.constant 0 : i32
        %dma_wait3A_266 = tpu.memref_slice %arg5[%mul3A_2, %dma_wait3A_265] : memref<896x128xi32, #tpu.memory_space<hbm>> -> memref<56x128xi32, #tpu.memory_space<hbm>>
        %dma_wait3A_267 = arith.constant 0 : i32
        %dma_wait3A_268 = tpu.memref_slice %arg5[%mul3A_2, %dma_wait3A_267] : memref<896x128xi32, #tpu.memory_space<hbm>> -> memref<56x128xi32, #tpu.memory_space<hbm>>
        tpu.wait_dma2 semaphore(%run_scoped3A : memref<!tpu.dma_semaphore, #tpu.memory_space<semaphore_mem>>) src(%dma_wait3A_268 : memref<56x128xi32, #tpu.memory_space<hbm>>) dst(%arg17 : memref<56x128xi32, #tpu.memory_space<vmem>>)
        tpu.yield
      }) : () -> ()
      %scan3A_246 = arith.constant 0 : i32
      %scan3A_247 = arith.constant 56 : i32
      %scan3A_248 = arith.addi %scan3A_246, %scan3A_247 : i32
      %scan3A_249 = arith.constant 1 : i32
      scf.for %scan3A_261 = %scan3A_246 to %scan3A_248 step %scan3A_249  : i32 {
        %mul3A_262 = arith.constant 1 : i32
        %mul3A_263 = arith.muli %scan3A_261, %mul3A_262 : i32
        %add3A_264 = arith.constant 0 : i32
        %add3A_265 = arith.addi %add3A_264, %mul3A_263 : i32
        %get3A_266 = arith.index_cast %add3A_265 : i32 to index
        %get3A_267 = arith.constant 0 : index
        %get3A_268 = tpu.vector_load %arg16[%get3A_266, %get3A_267] {strides = array<i32>} : memref<56x128xi32, #tpu.memory_space<vmem>>, vector<16xi32>,
        %gather3A = tpu.vector_load_idx %arg19[%get3A_268] : memref<80xf32, #tpu.memory_space<vmem>>[vector<16xi32>], vector<16xf32>,
        %get3A_269 = arith.index_cast %add3A_265 : i32 to index
        %get3A_270 = arith.constant 0 : index
        %get3A_271 = tpu.vector_load %arg14[%get3A_269, %get3A_270] {strides = array<i32>} : memref<56x128xf32, #tpu.memory_space<vmem>>, vector<16xf32>,
        %div3A = arith.divf %get3A_271, %gather3A : vector<16xf32>
        %swap3A_272 = arith.index_cast %add3A_265 : i32 to index
        %swap3A_273 = arith.constant 0 : index
        %swap3A_274 = tpu.vector_load %arg13[%swap3A_272, %swap3A_273] {strides = array<i32>} : memref<56x128xf32, #tpu.memory_space<vmem>>, vector<16xf32>,
        tpu.vector_store %arg13[%swap3A_272, %swap3A_273], %div3A {strides = array<i32>} : memref<56x128xf32, #tpu.memory_space<vmem>>, vector<16xf32>,
        %get3A_275 = arith.index_cast %add3A_265 : i32 to index
        %get3A_276 = arith.constant 16 : index
        %get3A_277 = tpu.vector_load %arg16[%get3A_275, %get3A_276] {strides = array<i32>} : memref<56x128xi32, #tpu.memory_space<vmem>>, vector<16xi32>,
        %gather3A_278 = tpu.vector_load_idx %arg19[%get3A_277] : memref<80xf32, #tpu.memory_space<vmem>>[vector<16xi32>], vector<16xf32>,
        %get3A_279 = arith.index_cast %add3A_265 : i32 to index
        %get3A_280 = arith.constant 16 : index
        %get3A_281 = tpu.vector_load %arg14[%get3A_279, %get3A_280] {strides = array<i32>} : memref<56x128xf32, #tpu.memory_space<vmem>>, vector<16xf32>,
        %div3A_282 = arith.divf %get3A_281, %gather3A_278 : vector<16xf32>
        %swap3A_283 = arith.index_cast %add3A_265 : i32 to index
        %swap3A_284 = arith.constant 16 : index
        %swap3A_285 = tpu.vector_load %arg13[%swap3A_283, %swap3A_284] {strides = array<i32>} : memref<56x128xf32, #tpu.memory_space<vmem>>, vector<16xf32>,
        tpu.vector_store %arg13[%swap3A_283, %swap3A_284], %div3A_282 {strides = array<i32>} : memref<56x128xf32, #tpu.memory_space<vmem>>, vector<16xf32>,
        %get3A_286 = arith.index_cast %add3A_265 : i32 to index
        %get3A_287 = arith.constant 32 : index
        %get3A_288 = tpu.vector_load %arg16[%get3A_286, %get3A_287] {strides = array<i32>} : memref<56x128xi32, #tpu.memory_space<vmem>>, vector<16xi32>,
        %gather3A_289 = tpu.vector_load_idx %arg19[%get3A_288] : memref<80xf32, #tpu.memory_space<vmem>>[vector<16xi32>], vector<16xf32>,
        %get3A_290 = arith.index_cast %add3A_265 : i32 to index
        %get3A_291 = arith.constant 32 : index
        %get3A_292 = tpu.vector_load %arg14[%get3A_290, %get3A_291] {strides = array<i32>} : memref<56x128xf32, #tpu.memory_space<vmem>>, vector<16xf32>,
        %div3A_293 = arith.divf %get3A_292, %gather3A_289 : vector<16xf32>
        %swap3A_294 = arith.index_cast %add3A_265 : i32 to index
        %swap3A_295 = arith.constant 32 : index
        %swap3A_296 = tpu.vector_load %arg13[%swap3A_294, %swap3A_295] {strides = array<i32>} : memref<56x128xf32, #tpu.memory_space<vmem>>, vector<16xf32>,
        tpu.vector_store %arg13[%swap3A_294, %swap3A_295], %div3A_293 {strides = array<i32>} : memref<56x128xf32, #tpu.memory_space<vmem>>, vector<16xf32>,
        %get3A_297 = arith.index_cast %add3A_265 : i32 to index
        %get3A_298 = arith.constant 48 : index
        %get3A_299 = tpu.vector_load %arg16[%get3A_297, %get3A_298] {strides = array<i32>} : memref<56x128xi32, #tpu.memory_space<vmem>>, vector<16xi32>,
        %gather3A_300 = tpu.vector_load_idx %arg19[%get3A_299] : memref<80xf32, #tpu.memory_space<vmem>>[vector<16xi32>], vector<16xf32>,
        %get3A_301 = arith.index_cast %add3A_265 : i32 to index
        %get3A_302 = arith.constant 48 : index
        %get3A_303 = tpu.vector_load %arg14[%get3A_301, %get3A_302] {strides = array<i32>} : memref<56x128xf32, #tpu.memory_space<vmem>>, vector<16xf32>,
        %div3A_304 = arith.divf %get3A_303, %gather3A_300 : vector<16xf32>
        %swap3A_305 = arith.index_cast %add3A_265 : i32 to index
        %swap3A_306 = arith.constant 48 : index
        %swap3A_307 = tpu.vector_load %arg13[%swap3A_305, %swap3A_306] {strides = array<i32>} : memref<56x128xf32, #tpu.memory_space<vmem>>, vector<16xf32>,
        tpu.vector_store %arg13[%swap3A_305, %swap3A_306], %div3A_304 {strides = array<i32>} : memref<56x128xf32, #tpu.memory_space<vmem>>, vector<16xf32>,
        %get3A_308 = arith.index_cast %add3A_265 : i32 to index
        %get3A_309 = arith.constant 64 : index
        %get3A_310 = tpu.vector_load %arg16[%get3A_308, %get3A_309] {strides = array<i32>} : memref<56x128xi32, #tpu.memory_space<vmem>>, vector<16xi32>,
        %gather3A_311 = tpu.vector_load_idx %arg19[%get3A_310] : memref<80xf32, #tpu.memory_space<vmem>>[vector<16xi32>], vector<16xf32>,
        %get3A_312 = arith.index_cast %add3A_265 : i32 to index
        %get3A_313 = arith.constant 64 : index
        %get3A_314 = tpu.vector_load %arg14[%get3A_312, %get3A_313] {strides = array<i32>} : memref<56x128xf32, #tpu.memory_space<vmem>>, vector<16xf32>,
        %div3A_315 = arith.divf %get3A_314, %gather3A_311 : vector<16xf32>
        %swap3A_316 = arith.index_cast %add3A_265 : i32 to index
        %swap3A_317 = arith.constant 64 : index
        %swap3A_318 = tpu.vector_load %arg13[%swap3A_316, %swap3A_317] {strides = array<i32>} : memref<56x128xf32, #tpu.memory_space<vmem>>, vector<16xf32>,
        tpu.vector_store %arg13[%swap3A_316, %swap3A_317], %div3A_315 {strides = array<i32>} : memref<56x128xf32, #tpu.memory_space<vmem>>, vector<16xf32>,
        %get3A_319 = arith.index_cast %add3A_265 : i32 to index
        %get3A_320 = arith.constant 80 : index
        %get3A_321 = tpu.vector_load %arg16[%get3A_319, %get3A_320] {strides = array<i32>} : memref<56x128xi32, #tpu.memory_space<vmem>>, vector<16xi32>,
        %gather3A_322 = tpu.vector_load_idx %arg19[%get3A_321] : memref<80xf32, #tpu.memory_space<vmem>>[vector<16xi32>], vector<16xf32>,
        %get3A_323 = arith.index_cast %add3A_265 : i32 to index
        %get3A_324 = arith.constant 80 : index
        %get3A_325 = tpu.vector_load %arg14[%get3A_323, %get3A_324] {strides = array<i32>} : memref<56x128xf32, #tpu.memory_space<vmem>>, vector<16xf32>,
        %div3A_326 = arith.divf %get3A_325, %gather3A_322 : vector<16xf32>
        %swap3A_327 = arith.index_cast %add3A_265 : i32 to index
        %swap3A_328 = arith.constant 80 : index
        %swap3A_329 = tpu.vector_load %arg13[%swap3A_327, %swap3A_328] {strides = array<i32>} : memref<56x128xf32, #tpu.memory_space<vmem>>, vector<16xf32>,
        tpu.vector_store %arg13[%swap3A_327, %swap3A_328], %div3A_326 {strides = array<i32>} : memref<56x128xf32, #tpu.memory_space<vmem>>, vector<16xf32>,
        %get3A_330 = arith.index_cast %add3A_265 : i32 to index
        %get3A_331 = arith.constant 96 : index
        %get3A_332 = tpu.vector_load %arg16[%get3A_330, %get3A_331] {strides = array<i32>} : memref<56x128xi32, #tpu.memory_space<vmem>>, vector<16xi32>,
        %gather3A_333 = tpu.vector_load_idx %arg19[%get3A_332] : memref<80xf32, #tpu.memory_space<vmem>>[vector<16xi32>], vector<16xf32>,
        %get3A_334 = arith.index_cast %add3A_265 : i32 to index
        %get3A_335 = arith.constant 96 : index
        %get3A_336 = tpu.vector_load %arg14[%get3A_334, %get3A_335] {strides = array<i32>} : memref<56x128xf32, #tpu.memory_space<vmem>>, vector<16xf32>,
        %div3A_337 = arith.divf %get3A_336, %gather3A_333 : vector<16xf32>
        %swap3A_338 = arith.index_cast %add3A_265 : i32 to index
        %swap3A_339 = arith.constant 96 : index
        %swap3A_340 = tpu.vector_load %arg13[%swap3A_338, %swap3A_339] {strides = array<i32>} : memref<56x128xf32, #tpu.memory_space<vmem>>, vector<16xf32>,
        tpu.vector_store %arg13[%swap3A_338, %swap3A_339], %div3A_337 {strides = array<i32>} : memref<56x128xf32, #tpu.memory_space<vmem>>, vector<16xf32>,
        %get3A_341 = arith.index_cast %add3A_265 : i32 to index
        %get3A_342 = arith.constant 112 : index
        %get3A_343 = tpu.vector_load %arg16[%get3A_341, %get3A_342] {strides = array<i32>} : memref<56x128xi32, #tpu.memory_space<vmem>>, vector<16xi32>,
        %gather3A_344 = tpu.vector_load_idx %arg19[%get3A_343] : memref<80xf32, #tpu.memory_space<vmem>>[vector<16xi32>], vector<16xf32>,
        %get3A_345 = arith.index_cast %add3A_265 : i32 to index
        %get3A_346 = arith.constant 112 : index
        %get3A_347 = tpu.vector_load %arg14[%get3A_345, %get3A_346] {strides = array<i32>} : memref<56x128xf32, #tpu.memory_space<vmem>>, vector<16xf32>,
        %div3A_348 = arith.divf %get3A_347, %gather3A_344 : vector<16xf32>
        %swap3A_349 = arith.index_cast %add3A_265 : i32 to index
        %swap3A_350 = arith.constant 112 : index
        %swap3A_351 = tpu.vector_load %arg13[%swap3A_349, %swap3A_350] {strides = array<i32>} : memref<56x128xf32, #tpu.memory_space<vmem>>, vector<16xf32>,
        tpu.vector_store %arg13[%swap3A_349, %swap3A_350], %div3A_348 {strides = array<i32>} : memref<56x128xf32, #tpu.memory_space<vmem>>, vector<16xf32>,
      }
      %scan3A_250 = arith.constant 56 : i32
      %scan3A_251 = arith.constant 0 : i32
      %scan3A_252 = arith.constant 8 : i32
      %scan3A_253 = arith.addi %scan3A_251, %scan3A_252 : i32
      %scan3A_254 = arith.constant 1 : i32
      scf.for %scan3A_261 = %scan3A_251 to %scan3A_253 step %scan3A_254  : i32 {
        %mul3A_262 = arith.constant 1 : i32
        %mul3A_263 = arith.muli %scan3A_261, %mul3A_262 : i32
        %add3A_264 = arith.constant 0 : i32
        %add3A_265 = arith.addi %add3A_264, %mul3A_263 : i32
        %mul3A_266 = arith.constant 7 : i32
        %mul3A_267 = arith.muli %add3A_265, %mul3A_266 : i32
        %add3A_268 = arith.constant 0 : i32
        %add3A_269 = arith.addi %mul3A_267, %add3A_268 : i32
        %dma_start3A_270 = arith.constant 0 : i32
        %dma_start3A_271 = tpu.memref_slice %arg13[%add3A_269, %dma_start3A_270] : memref<56x128xf32, #tpu.memory_space<vmem>> -> memref<1x128xf32, #tpu.memory_space<vmem>>
        %dma_start3A_272 = tpu.memref_squeeze %dma_start3A_271 : memref<1x128xf32, #tpu.memory_space<vmem>> -> memref<128xf32, #tpu.memory_space<vmem>>
        %dma_start3A_273 = arith.constant 0 : i32
        %dma_start3A_274 = tpu.memref_slice %arg17[%add3A_269, %dma_start3A_273] : memref<56x128xi32, #tpu.memory_space<vmem>> -> memref<1x128xi32, #tpu.memory_space<vmem>>
        %dma_start3A_275 = tpu.memref_squeeze %dma_start3A_274 : memref<1x128xi32, #tpu.memory_space<vmem>> -> memref<128xi32, #tpu.memory_space<vmem>>
        %dma_start3A_276 = arith.constant 0 : i32
        %dma_start3A_277 = tpu.memref_slice %arg9[%dma_start3A_276] : memref<25088xf32, #tpu.memory_space<vmem_shared>> -> memref<25088xf32, #tpu.memory_space<vmem_shared>>
        tpu.enqueue_indirect_dma source(%dma_start3A_272 : memref<128xf32, #tpu.memory_space<vmem>>) target(%dma_start3A_277 : memref<25088xf32, #tpu.memory_space<vmem_shared>>) offsets(%dma_start3A_275 : memref<128xi32, #tpu.memory_space<vmem>>) semaphore(%arg24 : memref<!tpu.dma_semaphore, #tpu.memory_space<semaphore_mem>>) {add = true}
        %mul3A_278 = arith.constant 7 : i32
        %mul3A_279 = arith.muli %add3A_265, %mul3A_278 : i32
        %add3A_280 = arith.constant 1 : i32
        %add3A_281 = arith.addi %mul3A_279, %add3A_280 : i32
        %dma_start3A_282 = arith.constant 0 : i32
        %dma_start3A_283 = tpu.memref_slice %arg13[%add3A_281, %dma_start3A_282] : memref<56x128xf32, #tpu.memory_space<vmem>> -> memref<1x128xf32, #tpu.memory_space<vmem>>
        %dma_start3A_284 = tpu.memref_squeeze %dma_start3A_283 : memref<1x128xf32, #tpu.memory_space<vmem>> -> memref<128xf32, #tpu.memory_space<vmem>>
        %dma_start3A_285 = arith.constant 0 : i32
        %dma_start3A_286 = tpu.memref_slice %arg17[%add3A_281, %dma_start3A_285] : memref<56x128xi32, #tpu.memory_space<vmem>> -> memref<1x128xi32, #tpu.memory_space<vmem>>
        %dma_start3A_287 = tpu.memref_squeeze %dma_start3A_286 : memref<1x128xi32, #tpu.memory_space<vmem>> -> memref<128xi32, #tpu.memory_space<vmem>>
        %dma_start3A_288 = arith.constant 0 : i32
        %dma_start3A_289 = tpu.memref_slice %arg9[%dma_start3A_288] : memref<25088xf32, #tpu.memory_space<vmem_shared>> -> memref<25088xf32, #tpu.memory_space<vmem_shared>>
        tpu.enqueue_indirect_dma source(%dma_start3A_284 : memref<128xf32, #tpu.memory_space<vmem>>) target(%dma_start3A_289 : memref<25088xf32, #tpu.memory_space<vmem_shared>>) offsets(%dma_start3A_287 : memref<128xi32, #tpu.memory_space<vmem>>) semaphore(%arg24 : memref<!tpu.dma_semaphore, #tpu.memory_space<semaphore_mem>>) {add = true}
        %mul3A_290 = arith.constant 7 : i32
        %mul3A_291 = arith.muli %add3A_265, %mul3A_290 : i32
        %add3A_292 = arith.constant 2 : i32
        %add3A_293 = arith.addi %mul3A_291, %add3A_292 : i32
        %dma_start3A_294 = arith.constant 0 : i32
        %dma_start3A_295 = tpu.memref_slice %arg13[%add3A_293, %dma_start3A_294] : memref<56x128xf32, #tpu.memory_space<vmem>> -> memref<1x128xf32, #tpu.memory_space<vmem>>
        %dma_start3A_296 = tpu.memref_squeeze %dma_start3A_295 : memref<1x128xf32, #tpu.memory_space<vmem>> -> memref<128xf32, #tpu.memory_space<vmem>>
        %dma_start3A_297 = arith.constant 0 : i32
        %dma_start3A_298 = tpu.memref_slice %arg17[%add3A_293, %dma_start3A_297] : memref<56x128xi32, #tpu.memory_space<vmem>> -> memref<1x128xi32, #tpu.memory_space<vmem>>
        %dma_start3A_299 = tpu.memref_squeeze %dma_start3A_298 : memref<1x128xi32, #tpu.memory_space<vmem>> -> memref<128xi32, #tpu.memory_space<vmem>>
        %dma_start3A_300 = arith.constant 0 : i32
        %dma_start3A_301 = tpu.memref_slice %arg9[%dma_start3A_300] : memref<25088xf32, #tpu.memory_space<vmem_shared>> -> memref<25088xf32, #tpu.memory_space<vmem_shared>>
        tpu.enqueue_indirect_dma source(%dma_start3A_296 : memref<128xf32, #tpu.memory_space<vmem>>) target(%dma_start3A_301 : memref<25088xf32, #tpu.memory_space<vmem_shared>>) offsets(%dma_start3A_299 : memref<128xi32, #tpu.memory_space<vmem>>) semaphore(%arg24 : memref<!tpu.dma_semaphore, #tpu.memory_space<semaphore_mem>>) {add = true}
        %mul3A_302 = arith.constant 7 : i32
        %mul3A_303 = arith.muli %add3A_265, %mul3A_302 : i32
        %add3A_304 = arith.constant 3 : i32
        %add3A_305 = arith.addi %mul3A_303, %add3A_304 : i32
        %dma_start3A_306 = arith.constant 0 : i32
        %dma_start3A_307 = tpu.memref_slice %arg13[%add3A_305, %dma_start3A_306] : memref<56x128xf32, #tpu.memory_space<vmem>> -> memref<1x128xf32, #tpu.memory_space<vmem>>
        %dma_start3A_308 = tpu.memref_squeeze %dma_start3A_307 : memref<1x128xf32, #tpu.memory_space<vmem>> -> memref<128xf32, #tpu.memory_space<vmem>>
        %dma_start3A_309 = arith.constant 0 : i32
        %dma_start3A_310 = tpu.memref_slice %arg17[%add3A_305, %dma_start3A_309] : memref<56x128xi32, #tpu.memory_space<vmem>> -> memref<1x128xi32, #tpu.memory_space<vmem>>
        %dma_start3A_311 = tpu.memref_squeeze %dma_start3A_310 : memref<1x128xi32, #tpu.memory_space<vmem>> -> memref<128xi32, #tpu.memory_space<vmem>>
        %dma_start3A_312 = arith.constant 0 : i32
        %dma_start3A_313 = tpu.memref_slice %arg9[%dma_start3A_312] : memref<25088xf32, #tpu.memory_space<vmem_shared>> -> memref<25088xf32, #tpu.memory_space<vmem_shared>>
        tpu.enqueue_indirect_dma source(%dma_start3A_308 : memref<128xf32, #tpu.memory_space<vmem>>) target(%dma_start3A_313 : memref<25088xf32, #tpu.memory_space<vmem_shared>>) offsets(%dma_start3A_311 : memref<128xi32, #tpu.memory_space<vmem>>) semaphore(%arg24 : memref<!tpu.dma_semaphore, #tpu.memory_space<semaphore_mem>>) {add = true}
        %mul3A_314 = arith.constant 7 : i32
        %mul3A_315 = arith.muli %add3A_265, %mul3A_314 : i32
        %add3A_316 = arith.constant 4 : i32
        %add3A_317 = arith.addi %mul3A_315, %add3A_316 : i32
        %dma_start3A_318 = arith.constant 0 : i32
        %dma_start3A_319 = tpu.memref_slice %arg13[%add3A_317, %dma_start3A_318] : memref<56x128xf32, #tpu.memory_space<vmem>> -> memref<1x128xf32, #tpu.memory_space<vmem>>
        %dma_start3A_320 = tpu.memref_squeeze %dma_start3A_319 : memref<1x128xf32, #tpu.memory_space<vmem>> -> memref<128xf32, #tpu.memory_space<vmem>>
        %dma_start3A_321 = arith.constant 0 : i32
        %dma_start3A_322 = tpu.memref_slice %arg17[%add3A_317, %dma_start3A_321] : memref<56x128xi32, #tpu.memory_space<vmem>> -> memref<1x128xi32, #tpu.memory_space<vmem>>
        %dma_start3A_323 = tpu.memref_squeeze %dma_start3A_322 : memref<1x128xi32, #tpu.memory_space<vmem>> -> memref<128xi32, #tpu.memory_space<vmem>>
        %dma_start3A_324 = arith.constant 0 : i32
        %dma_start3A_325 = tpu.memref_slice %arg9[%dma_start3A_324] : memref<25088xf32, #tpu.memory_space<vmem_shared>> -> memref<25088xf32, #tpu.memory_space<vmem_shared>>
        tpu.enqueue_indirect_dma source(%dma_start3A_320 : memref<128xf32, #tpu.memory_space<vmem>>) target(%dma_start3A_325 : memref<25088xf32, #tpu.memory_space<vmem_shared>>) offsets(%dma_start3A_323 : memref<128xi32, #tpu.memory_space<vmem>>) semaphore(%arg24 : memref<!tpu.dma_semaphore, #tpu.memory_space<semaphore_mem>>) {add = true}
        %mul3A_326 = arith.constant 7 : i32
        %mul3A_327 = arith.muli %add3A_265, %mul3A_326 : i32
        %add3A_328 = arith.constant 5 : i32
        %add3A_329 = arith.addi %mul3A_327, %add3A_328 : i32
        %dma_start3A_330 = arith.constant 0 : i32
        %dma_start3A_331 = tpu.memref_slice %arg13[%add3A_329, %dma_start3A_330] : memref<56x128xf32, #tpu.memory_space<vmem>> -> memref<1x128xf32, #tpu.memory_space<vmem>>
        %dma_start3A_332 = tpu.memref_squeeze %dma_start3A_331 : memref<1x128xf32, #tpu.memory_space<vmem>> -> memref<128xf32, #tpu.memory_space<vmem>>
        %dma_start3A_333 = arith.constant 0 : i32
        %dma_start3A_334 = tpu.memref_slice %arg17[%add3A_329, %dma_start3A_333] : memref<56x128xi32, #tpu.memory_space<vmem>> -> memref<1x128xi32, #tpu.memory_space<vmem>>
        %dma_start3A_335 = tpu.memref_squeeze %dma_start3A_334 : memref<1x128xi32, #tpu.memory_space<vmem>> -> memref<128xi32, #tpu.memory_space<vmem>>
        %dma_start3A_336 = arith.constant 0 : i32
        %dma_start3A_337 = tpu.memref_slice %arg9[%dma_start3A_336] : memref<25088xf32, #tpu.memory_space<vmem_shared>> -> memref<25088xf32, #tpu.memory_space<vmem_shared>>
        tpu.enqueue_indirect_dma source(%dma_start3A_332 : memref<128xf32, #tpu.memory_space<vmem>>) target(%dma_start3A_337 : memref<25088xf32, #tpu.memory_space<vmem_shared>>) offsets(%dma_start3A_335 : memref<128xi32, #tpu.memory_space<vmem>>) semaphore(%arg24 : memref<!tpu.dma_semaphore, #tpu.memory_space<semaphore_mem>>) {add = true}
        %mul3A_338 = arith.constant 7 : i32
        %mul3A_339 = arith.muli %add3A_265, %mul3A_338 : i32
        %add3A_340 = arith.constant 6 : i32
        %add3A_341 = arith.addi %mul3A_339, %add3A_340 : i32
        %dma_start3A_342 = arith.constant 0 : i32
        %dma_start3A_343 = tpu.memref_slice %arg13[%add3A_341, %dma_start3A_342] : memref<56x128xf32, #tpu.memory_space<vmem>> -> memref<1x128xf32, #tpu.memory_space<vmem>>
        %dma_start3A_344 = tpu.memref_squeeze %dma_start3A_343 : memref<1x128xf32, #tpu.memory_space<vmem>> -> memref<128xf32, #tpu.memory_space<vmem>>
        %dma_start3A_345 = arith.constant 0 : i32
        %dma_start3A_346 = tpu.memref_slice %arg17[%add3A_341, %dma_start3A_345] : memref<56x128xi32, #tpu.memory_space<vmem>> -> memref<1x128xi32, #tpu.memory_space<vmem>>
        %dma_start3A_347 = tpu.memref_squeeze %dma_start3A_346 : memref<1x128xi32, #tpu.memory_space<vmem>> -> memref<128xi32, #tpu.memory_space<vmem>>
        %dma_start3A_348 = arith.constant 0 : i32
        %dma_start3A_349 = tpu.memref_slice %arg9[%dma_start3A_348] : memref<25088xf32, #tpu.memory_space<vmem_shared>> -> memref<25088xf32, #tpu.memory_space<vmem_shared>>
        tpu.enqueue_indirect_dma source(%dma_start3A_344 : memref<128xf32, #tpu.memory_space<vmem>>) target(%dma_start3A_349 : memref<25088xf32, #tpu.memory_space<vmem_shared>>) offsets(%dma_start3A_347 : memref<128xi32, #tpu.memory_space<vmem>>) semaphore(%arg24 : memref<!tpu.dma_semaphore, #tpu.memory_space<semaphore_mem>>) {add = true}
        %mul3A_350 = arith.constant 7 : i32
        %mul3A_351 = arith.muli %add3A_265, %mul3A_350 : i32
        %add3A_352 = arith.constant 0 : i32
        %add3A_353 = arith.addi %mul3A_351, %add3A_352 : i32
        %dma_wait3A_354 = arith.constant 0 : i32
        %dma_wait3A_355 = tpu.memref_slice %arg13[%add3A_353, %dma_wait3A_354] : memref<56x128xf32, #tpu.memory_space<vmem>> -> memref<1x128xf32, #tpu.memory_space<vmem>>
        %dma_wait3A_356 = tpu.memref_squeeze %dma_wait3A_355 : memref<1x128xf32, #tpu.memory_space<vmem>> -> memref<128xf32, #tpu.memory_space<vmem>>
        %dma_wait3A_357 = arith.constant 0 : i32
        %dma_wait3A_358 = tpu.memref_slice %arg17[%add3A_353, %dma_wait3A_357] : memref<56x128xi32, #tpu.memory_space<vmem>> -> memref<1x128xi32, #tpu.memory_space<vmem>>
        %dma_wait3A_359 = tpu.memref_squeeze %dma_wait3A_358 : memref<1x128xi32, #tpu.memory_space<vmem>> -> memref<128xi32, #tpu.memory_space<vmem>>
        %dma_wait3A_360 = arith.constant 0 : i32
        %dma_wait3A_361 = tpu.memref_slice %arg9[%dma_wait3A_360] : memref<25088xf32, #tpu.memory_space<vmem_shared>> -> memref<25088xf32, #tpu.memory_space<vmem_shared>>
        tpu.wait_indirect_dma semaphore(%arg24 : memref<!tpu.dma_semaphore, #tpu.memory_space<semaphore_mem>>) src(%dma_wait3A_356 : memref<128xf32, #tpu.memory_space<vmem>>) dst(%dma_wait3A_361 : memref<25088xf32, #tpu.memory_space<vmem_shared>>)
        %mul3A_362 = arith.constant 7 : i32
        %mul3A_363 = arith.muli %add3A_265, %mul3A_362 : i32
        %add3A_364 = arith.constant 1 : i32
        %add3A_365 = arith.addi %mul3A_363, %add3A_364 : i32
        %dma_wait3A_366 = arith.constant 0 : i32
        %dma_wait3A_367 = tpu.memref_slice %arg13[%add3A_365, %dma_wait3A_366] : memref<56x128xf32, #tpu.memory_space<vmem>> -> memref<1x128xf32, #tpu.memory_space<vmem>>
        %dma_wait3A_368 = tpu.memref_squeeze %dma_wait3A_367 : memref<1x128xf32, #tpu.memory_space<vmem>> -> memref<128xf32, #tpu.memory_space<vmem>>
        %dma_wait3A_369 = arith.constant 0 : i32
        %dma_wait3A_370 = tpu.memref_slice %arg17[%add3A_365, %dma_wait3A_369] : memref<56x128xi32, #tpu.memory_space<vmem>> -> memref<1x128xi32, #tpu.memory_space<vmem>>
        %dma_wait3A_371 = tpu.memref_squeeze %dma_wait3A_370 : memref<1x128xi32, #tpu.memory_space<vmem>> -> memref<128xi32, #tpu.memory_space<vmem>>
        %dma_wait3A_372 = arith.constant 0 : i32
        %dma_wait3A_373 = tpu.memref_slice %arg9[%dma_wait3A_372] : memref<25088xf32, #tpu.memory_space<vmem_shared>> -> memref<25088xf32, #tpu.memory_space<vmem_shared>>
        tpu.wait_indirect_dma semaphore(%arg24 : memref<!tpu.dma_semaphore, #tpu.memory_space<semaphore_mem>>) src(%dma_wait3A_368 : memref<128xf32, #tpu.memory_space<vmem>>) dst(%dma_wait3A_373 : memref<25088xf32, #tpu.memory_space<vmem_shared>>)
        %mul3A_374 = arith.constant 7 : i32
        %mul3A_375 = arith.muli %add3A_265, %mul3A_374 : i32
        %add3A_376 = arith.constant 2 : i32
        %add3A_377 = arith.addi %mul3A_375, %add3A_376 : i32
        %dma_wait3A_378 = arith.constant 0 : i32
        %dma_wait3A_379 = tpu.memref_slice %arg13[%add3A_377, %dma_wait3A_378] : memref<56x128xf32, #tpu.memory_space<vmem>> -> memref<1x128xf32, #tpu.memory_space<vmem>>
        %dma_wait3A_380 = tpu.memref_squeeze %dma_wait3A_379 : memref<1x128xf32, #tpu.memory_space<vmem>> -> memref<128xf32, #tpu.memory_space<vmem>>
        %dma_wait3A_381 = arith.constant 0 : i32
        %dma_wait3A_382 = tpu.memref_slice %arg17[%add3A_377, %dma_wait3A_381] : memref<56x128xi32, #tpu.memory_space<vmem>> -> memref<1x128xi32, #tpu.memory_space<vmem>>
        %dma_wait3A_383 = tpu.memref_squeeze %dma_wait3A_382 : memref<1x128xi32, #tpu.memory_space<vmem>> -> memref<128xi32, #tpu.memory_space<vmem>>
        %dma_wait3A_384 = arith.constant 0 : i32
        %dma_wait3A_385 = tpu.memref_slice %arg9[%dma_wait3A_384] : memref<25088xf32, #tpu.memory_space<vmem_shared>> -> memref<25088xf32, #tpu.memory_space<vmem_shared>>
        tpu.wait_indirect_dma semaphore(%arg24 : memref<!tpu.dma_semaphore, #tpu.memory_space<semaphore_mem>>) src(%dma_wait3A_380 : memref<128xf32, #tpu.memory_space<vmem>>) dst(%dma_wait3A_385 : memref<25088xf32, #tpu.memory_space<vmem_shared>>)
        %mul3A_386 = arith.constant 7 : i32
        %mul3A_387 = arith.muli %add3A_265, %mul3A_386 : i32
        %add3A_388 = arith.constant 3 : i32
        %add3A_389 = arith.addi %mul3A_387, %add3A_388 : i32
        %dma_wait3A_390 = arith.constant 0 : i32
        %dma_wait3A_391 = tpu.memref_slice %arg13[%add3A_389, %dma_wait3A_390] : memref<56x128xf32, #tpu.memory_space<vmem>> -> memref<1x128xf32, #tpu.memory_space<vmem>>
        %dma_wait3A_392 = tpu.memref_squeeze %dma_wait3A_391 : memref<1x128xf32, #tpu.memory_space<vmem>> -> memref<128xf32, #tpu.memory_space<vmem>>
        %dma_wait3A_393 = arith.constant 0 : i32
        %dma_wait3A_394 = tpu.memref_slice %arg17[%add3A_389, %dma_wait3A_393] : memref<56x128xi32, #tpu.memory_space<vmem>> -> memref<1x128xi32, #tpu.memory_space<vmem>>
        %dma_wait3A_395 = tpu.memref_squeeze %dma_wait3A_394 : memref<1x128xi32, #tpu.memory_space<vmem>> -> memref<128xi32, #tpu.memory_space<vmem>>
        %dma_wait3A_396 = arith.constant 0 : i32
        %dma_wait3A_397 = tpu.memref_slice %arg9[%dma_wait3A_396] : memref<25088xf32, #tpu.memory_space<vmem_shared>> -> memref<25088xf32, #tpu.memory_space<vmem_shared>>
        tpu.wait_indirect_dma semaphore(%arg24 : memref<!tpu.dma_semaphore, #tpu.memory_space<semaphore_mem>>) src(%dma_wait3A_392 : memref<128xf32, #tpu.memory_space<vmem>>) dst(%dma_wait3A_397 : memref<25088xf32, #tpu.memory_space<vmem_shared>>)
        %mul3A_398 = arith.constant 7 : i32
        %mul3A_399 = arith.muli %add3A_265, %mul3A_398 : i32
        %add3A_400 = arith.constant 4 : i32
        %add3A_401 = arith.addi %mul3A_399, %add3A_400 : i32
        %dma_wait3A_402 = arith.constant 0 : i32
        %dma_wait3A_403 = tpu.memref_slice %arg13[%add3A_401, %dma_wait3A_402] : memref<56x128xf32, #tpu.memory_space<vmem>> -> memref<1x128xf32, #tpu.memory_space<vmem>>
        %dma_wait3A_404 = tpu.memref_squeeze %dma_wait3A_403 : memref<1x128xf32, #tpu.memory_space<vmem>> -> memref<128xf32, #tpu.memory_space<vmem>>
        %dma_wait3A_405 = arith.constant 0 : i32
        %dma_wait3A_406 = tpu.memref_slice %arg17[%add3A_401, %dma_wait3A_405] : memref<56x128xi32, #tpu.memory_space<vmem>> -> memref<1x128xi32, #tpu.memory_space<vmem>>
        %dma_wait3A_407 = tpu.memref_squeeze %dma_wait3A_406 : memref<1x128xi32, #tpu.memory_space<vmem>> -> memref<128xi32, #tpu.memory_space<vmem>>
        %dma_wait3A_408 = arith.constant 0 : i32
        %dma_wait3A_409 = tpu.memref_slice %arg9[%dma_wait3A_408] : memref<25088xf32, #tpu.memory_space<vmem_shared>> -> memref<25088xf32, #tpu.memory_space<vmem_shared>>
        tpu.wait_indirect_dma semaphore(%arg24 : memref<!tpu.dma_semaphore, #tpu.memory_space<semaphore_mem>>) src(%dma_wait3A_404 : memref<128xf32, #tpu.memory_space<vmem>>) dst(%dma_wait3A_409 : memref<25088xf32, #tpu.memory_space<vmem_shared>>)
        %mul3A_410 = arith.constant 7 : i32
        %mul3A_411 = arith.muli %add3A_265, %mul3A_410 : i32
        %add3A_412 = arith.constant 5 : i32
        %add3A_413 = arith.addi %mul3A_411, %add3A_412 : i32
        %dma_wait3A_414 = arith.constant 0 : i32
        %dma_wait3A_415 = tpu.memref_slice %arg13[%add3A_413, %dma_wait3A_414] : memref<56x128xf32, #tpu.memory_space<vmem>> -> memref<1x128xf32, #tpu.memory_space<vmem>>
        %dma_wait3A_416 = tpu.memref_squeeze %dma_wait3A_415 : memref<1x128xf32, #tpu.memory_space<vmem>> -> memref<128xf32, #tpu.memory_space<vmem>>
        %dma_wait3A_417 = arith.constant 0 : i32
        %dma_wait3A_418 = tpu.memref_slice %arg17[%add3A_413, %dma_wait3A_417] : memref<56x128xi32, #tpu.memory_space<vmem>> -> memref<1x128xi32, #tpu.memory_space<vmem>>
        %dma_wait3A_419 = tpu.memref_squeeze %dma_wait3A_418 : memref<1x128xi32, #tpu.memory_space<vmem>> -> memref<128xi32, #tpu.memory_space<vmem>>
        %dma_wait3A_420 = arith.constant 0 : i32
        %dma_wait3A_421 = tpu.memref_slice %arg9[%dma_wait3A_420] : memref<25088xf32, #tpu.memory_space<vmem_shared>> -> memref<25088xf32, #tpu.memory_space<vmem_shared>>
        tpu.wait_indirect_dma semaphore(%arg24 : memref<!tpu.dma_semaphore, #tpu.memory_space<semaphore_mem>>) src(%dma_wait3A_416 : memref<128xf32, #tpu.memory_space<vmem>>) dst(%dma_wait3A_421 : memref<25088xf32, #tpu.memory_space<vmem_shared>>)
        %mul3A_422 = arith.constant 7 : i32
        %mul3A_423 = arith.muli %add3A_265, %mul3A_422 : i32
        %add3A_424 = arith.constant 6 : i32
        %add3A_425 = arith.addi %mul3A_423, %add3A_424 : i32
        %dma_wait3A_426 = arith.constant 0 : i32
        %dma_wait3A_427 = tpu.memref_slice %arg13[%add3A_425, %dma_wait3A_426] : memref<56x128xf32, #tpu.memory_space<vmem>> -> memref<1x128xf32, #tpu.memory_space<vmem>>
        %dma_wait3A_428 = tpu.memref_squeeze %dma_wait3A_427 : memref<1x128xf32, #tpu.memory_space<vmem>> -> memref<128xf32, #tpu.memory_space<vmem>>
        %dma_wait3A_429 = arith.constant 0 : i32
        %dma_wait3A_430 = tpu.memref_slice %arg17[%add3A_425, %dma_wait3A_429] : memref<56x128xi32, #tpu.memory_space<vmem>> -> memref<1x128xi32, #tpu.memory_space<vmem>>
        %dma_wait3A_431 = tpu.memref_squeeze %dma_wait3A_430 : memref<1x128xi32, #tpu.memory_space<vmem>> -> memref<128xi32, #tpu.memory_space<vmem>>
        %dma_wait3A_432 = arith.constant 0 : i32
        %dma_wait3A_433 = tpu.memref_slice %arg9[%dma_wait3A_432] : memref<25088xf32, #tpu.memory_space<vmem_shared>> -> memref<25088xf32, #tpu.memory_space<vmem_shared>>
        tpu.wait_indirect_dma semaphore(%arg24 : memref<!tpu.dma_semaphore, #tpu.memory_space<semaphore_mem>>) src(%dma_wait3A_428 : memref<128xf32, #tpu.memory_space<vmem>>) dst(%dma_wait3A_433 : memref<25088xf32, #tpu.memory_space<vmem_shared>>)
      }
      %scan3A_255 = arith.constant 8 : i32
      %barrier3A_256 = arith.constant 0 : index
      tpu.barrier barrier_id(%barrier3A_256)
      %mul3A_257 = arith.constant 1568 : i32
      %mul3A_258 = arith.muli %arg1, %mul3A_257 : i32
      "tpu.region"() ({
        %run_scoped3A = tpu.sem_alloc : memref<!tpu.dma_semaphore, #tpu.memory_space<semaphore_mem>>
        %dma_start3A_261 = tpu.memref_slice %arg9[%mul3A_258] : memref<25088xf32, #tpu.memory_space<vmem_shared>> -> memref<1568xf32, #tpu.memory_space<vmem_shared>>
        %dma_start3A_262 = tpu.memref_slice %arg9[%mul3A_258] : memref<25088xf32, #tpu.memory_space<vmem_shared>> -> memref<1568xf32, #tpu.memory_space<vmem_shared>>
        tpu.enqueue_dma source(%dma_start3A_262 : memref<1568xf32, #tpu.memory_space<vmem_shared>>) target(%arg11 : memref<1568xf32, #tpu.memory_space<vmem>>) target_semaphore(%run_scoped3A : memref<!tpu.dma_semaphore, #tpu.memory_space<semaphore_mem>>)
        %dma_wait3A_263 = tpu.memref_slice %arg9[%mul3A_258] : memref<25088xf32, #tpu.memory_space<vmem_shared>> -> memref<1568xf32, #tpu.memory_space<vmem_shared>>
        %dma_wait3A_264 = tpu.memref_slice %arg9[%mul3A_258] : memref<25088xf32, #tpu.memory_space<vmem_shared>> -> memref<1568xf32, #tpu.memory_space<vmem_shared>>
        tpu.wait_dma2 semaphore(%run_scoped3A : memref<!tpu.dma_semaphore, #tpu.memory_space<semaphore_mem>>) src(%dma_wait3A_264 : memref<1568xf32, #tpu.memory_space<vmem_shared>>) dst(%arg11 : memref<1568xf32, #tpu.memory_space<vmem>>)
        tpu.yield
      }) : () -> ()
      %mul3A_259 = arith.constant 1568 : i32
      %mul3A_260 = arith.muli %arg1, %mul3A_259 : i32
      "tpu.region"() ({
        %run_scoped3A = tpu.sem_alloc : memref<!tpu.dma_semaphore, #tpu.memory_space<semaphore_mem>>
        %dma_start3A_261 = tpu.memref_slice %arg6[%mul3A_260] : memref<25088xf32, #tpu.memory_space<hbm>> -> memref<1568xf32, #tpu.memory_space<hbm>>
        %dma_start3A_262 = tpu.memref_slice %arg6[%mul3A_260] : memref<25088xf32, #tpu.memory_space<hbm>> -> memref<1568xf32, #tpu.memory_space<hbm>>
        tpu.enqueue_dma source(%arg11 : memref<1568xf32, #tpu.memory_space<vmem>>) target(%dma_start3A_262 : memref<1568xf32, #tpu.memory_space<hbm>>) target_semaphore(%run_scoped3A : memref<!tpu.dma_semaphore, #tpu.memory_space<semaphore_mem>>)
        %dma_wait3A_263 = tpu.memref_slice %arg6[%mul3A_260] : memref<25088xf32, #tpu.memory_space<hbm>> -> memref<1568xf32, #tpu.memory_space<hbm>>
        %dma_wait3A_264 = tpu.memref_slice %arg6[%mul3A_260] : memref<25088xf32, #tpu.memory_space<hbm>> -> memref<1568xf32, #tpu.memory_space<hbm>>
        tpu.wait_dma2 semaphore(%run_scoped3A : memref<!tpu.dma_semaphore, #tpu.memory_space<semaphore_mem>>) src(%arg11 : memref<1568xf32, #tpu.memory_space<vmem>>) dst(%dma_wait3A_264 : memref<1568xf32, #tpu.memory_space<hbm>>)
        tpu.yield
      }) : () -> ()
    } else {
    }
    return
  }
}

module attributes {stable_mosaic.version = 14 : i64} {
  func.func @_memproj_body(%arg0: i32, %arg1: memref<2000x512xf32, #tpu.memory_space<vmem>>, %arg2: memref<512x256xf32, #tpu.memory_space<vmem>>, %arg3: memref<2000x128xf32, #tpu.memory_space<vmem>>, %arg4: memref<2000x128xf32, #tpu.memory_space<vmem>>) attributes {dimension_semantics = [#tpu.dimension_semantics<arbitrary>], iteration_bounds = array<i64: 20>, scalar_prefetch = 0 : i64, scratch_operands = 0 : i64, tpu.core_type = #tpu.core_type<tc>, window_params = [{transform_indices = @transform_0, window_bounds = array<i64: 2000, 512>}, {pipeline_mode = #tpu.pipeline_mode<synchronous>, transform_indices = @transform_1, window_bounds = array<i64: 512, 256>}, {transform_indices = @transform_2, window_bounds = array<i64: 2000, 128>}, {transform_indices = @transform_3, window_bounds = array<i64: 2000, 128>}]} {
    %get3A = arith.constant 0 : index
    %get3A_0 = arith.constant 0 : index
    %get3A_1 = vector.load %arg1[%get3A, %get3A_0] : memref<2000x512xf32, #tpu.memory_space<vmem>>, vector<2000x512xf32>
    %get3A_2 = arith.constant 0 : index
    %get3A_3 = arith.constant 0 : index
    %get3A_4 = vector.load %arg2[%get3A_2, %get3A_3] : memref<512x256xf32, #tpu.memory_space<vmem>>, vector<512x256xf32>
    %dot_general3A = arith.constant dense<0.000000e+00> : vector<2000x256xf32>
    %dot_general3A_5 = tpu.matmul %get3A_1, %get3A_4, %dot_general3A {dimension_numbers = #tpu.dot_dimension_numbers<[1], [0], [0], [1], [0, 0, 1, 1], [], []>, transpose_lhs_hint = false} : vector<2000x512xf32>, vector<512x256xf32>, vector<2000x256xf32> -> vector<2000x256xf32>
    %slice3A = vector.extract_strided_slice %dot_general3A_5 {offsets = [0, 0], sizes = [2000, 128], strides = [1, 1]} : vector<2000x256xf32> to vector<2000x128xf32>
    %swap3A = arith.constant 0 : index
    %swap3A_6 = arith.constant 0 : index
    %swap3A_7 = vector.load %arg3[%swap3A, %swap3A_6] : memref<2000x128xf32, #tpu.memory_space<vmem>>, vector<2000x128xf32>
    tpu.vector_store %arg3[%swap3A, %swap3A_6], %slice3A {strides = array<i32>} : memref<2000x128xf32, #tpu.memory_space<vmem>>, vector<2000x128xf32>,
    %slice3A_8 = vector.extract_strided_slice %dot_general3A_5 {offsets = [0, 128], sizes = [2000, 128], strides = [1, 1]} : vector<2000x256xf32> to vector<2000x128xf32>
    %swap3A_9 = arith.constant 0 : index
    %swap3A_10 = arith.constant 0 : index
    %swap3A_11 = vector.load %arg4[%swap3A_9, %swap3A_10] : memref<2000x128xf32, #tpu.memory_space<vmem>>, vector<2000x128xf32>
    tpu.vector_store %arg4[%swap3A_9, %swap3A_10], %slice3A_8 {strides = array<i32>} : memref<2000x128xf32, #tpu.memory_space<vmem>>, vector<2000x128xf32>,
    return
  }
  func.func @transform_0(%arg0: i32) -> (i32, i32) {
    %c0_i32 = arith.constant 0 : i32
    %c0_i32_0 = arith.constant 0 : i32
    return %arg0, %c0_i32 : i32, i32
  }
  func.func @transform_1(%arg0: i32) -> (i32, i32) {
    %c0_i32 = arith.constant 0 : i32
    %c0_i32_0 = arith.constant 0 : i32
    %c0_i32_1 = arith.constant 0 : i32
    return %c0_i32, %c0_i32_0 : i32, i32
  }
  func.func @transform_2(%arg0: i32) -> (i32, i32) {
    %c0_i32 = arith.constant 0 : i32
    %c0_i32_0 = arith.constant 0 : i32
    return %arg0, %c0_i32 : i32, i32
  }
  func.func @transform_3(%arg0: i32) -> (i32, i32) {
    %c0_i32 = arith.constant 0 : i32
    %c0_i32_0 = arith.constant 0 : i32
    return %arg0, %c0_i32 : i32, i32
  }
}

module attributes {stable_mosaic.version = 14 : i64} {
  func.func @_edge_body(%arg0: i32, %arg1: memref<800x512xf32, #tpu.memory_space<vmem>>, %arg2: memref<800x128xf32, #tpu.memory_space<vmem>>, %arg3: memref<800x128xf32, #tpu.memory_space<vmem>>, %arg4: memref<1x1x800xi32, #tpu.memory_space<vmem>>, %arg5: memref<1x1x800xf32, #tpu.memory_space<vmem>>, %arg6: memref<64x128xf32, #tpu.memory_space<vmem>>, %arg7: memref<64x128xf32, #tpu.memory_space<vmem>>, %arg8: memref<512x256xf32, #tpu.memory_space<vmem>>, %arg9: memref<128x128xf32, #tpu.memory_space<vmem>>, %arg10: memref<1x128xf32, #tpu.memory_space<vmem>>, %arg11: memref<1x1x800xf32, #tpu.memory_space<vmem>>) attributes {dimension_semantics = [#tpu.dimension_semantics<arbitrary>], iteration_bounds = array<i64: 61>, scalar_prefetch = 0 : i64, scratch_operands = 0 : i64, tpu.core_type = #tpu.core_type<tc>, window_params = [{transform_indices = @transform_0, window_bounds = array<i64: 800, 512>}, {transform_indices = @transform_1, window_bounds = array<i64: 800, 128>}, {transform_indices = @transform_2, window_bounds = array<i64: 800, 128>}, {transform_indices = @transform_3, window_bounds = array<i64: 1, 1, 800>}, {transform_indices = @transform_4, window_bounds = array<i64: 1, 1, 800>}, {pipeline_mode = #tpu.pipeline_mode<synchronous>, transform_indices = @transform_5, window_bounds = array<i64: 64, 128>}, {pipeline_mode = #tpu.pipeline_mode<synchronous>, transform_indices = @transform_6, window_bounds = array<i64: 64, 128>}, {pipeline_mode = #tpu.pipeline_mode<synchronous>, transform_indices = @transform_7, window_bounds = array<i64: 512, 256>}, {pipeline_mode = #tpu.pipeline_mode<synchronous>, transform_indices = @transform_8, window_bounds = array<i64: 128, 128>}, {pipeline_mode = #tpu.pipeline_mode<synchronous>, transform_indices = @transform_9, window_bounds = array<i64: 1, 128>}, {transform_indices = @transform_10, window_bounds = array<i64: 1, 1, 800>}]} {
    %get3A = arith.constant 0 : index
    %get3A_0 = arith.constant 0 : index
    %get3A_1 = vector.load %arg1[%get3A, %get3A_0] : memref<800x512xf32, #tpu.memory_space<vmem>>, vector<800x512xf32>
    %get3A_2 = arith.constant 0 : index
    %get3A_3 = arith.constant 0 : index
    %get3A_4 = vector.load %arg8[%get3A_2, %get3A_3] : memref<512x256xf32, #tpu.memory_space<vmem>>, vector<512x256xf32>
    %dot_general3A = arith.constant dense<0.000000e+00> : vector<800x256xf32>
    %dot_general3A_5 = tpu.matmul %get3A_1, %get3A_4, %dot_general3A {dimension_numbers = #tpu.dot_dimension_numbers<[1], [0], [0], [1], [0, 0, 1, 1], [], []>, transpose_lhs_hint = false} : vector<800x512xf32>, vector<512x256xf32>, vector<800x256xf32> -> vector<800x256xf32>
    %get3A_6 = arith.constant 0 : index
    %get3A_7 = arith.constant 0 : index
    %get3A_8 = arith.constant 0 : index
    %get3A_9 = vector.load %arg4[%get3A_6, %get3A_7, %get3A_8] : memref<1x1x800xi32, #tpu.memory_space<vmem>>, vector<1x1x800xi32>
    %get3A_10 = vector.shape_cast %get3A_9 : vector<1x1x800xi32> to vector<800xi32>
    %broadcast_in_dim3A = vector.shape_cast %get3A_10 : vector<800xi32> to vector<800x1xi32>
    %iota3A = tpu.iota {dimensions = array<i32: 1>} : vector<1x64xi32>
    %eq3A = vector.broadcast %broadcast_in_dim3A : vector<800x1xi32> to vector<800x64xi32>
    %eq3A_11 = vector.broadcast %iota3A : vector<1x64xi32> to vector<800x64xi32>
    %eq3A_12 = arith.cmpi eq, %eq3A, %eq3A_11 : vector<800x64xi32>
    %convert_element_type3A = arith.extui %eq3A_12 : vector<800x64xi1> to vector<800x64xi32>
    %convert_element_type3A_13 = arith.sitofp %convert_element_type3A : vector<800x64xi32> to vector<800x64xf32>
    %get3A_14 = arith.constant 0 : index
    %get3A_15 = arith.constant 0 : index
    %get3A_16 = vector.load %arg6[%get3A_14, %get3A_15] : memref<64x128xf32, #tpu.memory_space<vmem>>, vector<64x128xf32>
    %dot_general3A_17 = arith.constant dense<0.000000e+00> : vector<800x128xf32>
    %dot_general3A_18 = tpu.matmul %convert_element_type3A_13, %get3A_16, %dot_general3A_17 {dimension_numbers = #tpu.dot_dimension_numbers<[1], [0], [0], [1], [0, 0, 1, 1], [], []>, transpose_lhs_hint = false} : vector<800x64xf32>, vector<64x128xf32>, vector<800x128xf32> -> vector<800x128xf32>
    %get3A_19 = arith.constant 0 : index
    %get3A_20 = arith.constant 0 : index
    %get3A_21 = vector.load %arg7[%get3A_19, %get3A_20] : memref<64x128xf32, #tpu.memory_space<vmem>>, vector<64x128xf32>
    %dot_general3A_22 = arith.constant dense<0.000000e+00> : vector<800x128xf32>
    %dot_general3A_23 = tpu.matmul %convert_element_type3A_13, %get3A_21, %dot_general3A_22 {dimension_numbers = #tpu.dot_dimension_numbers<[1], [0], [0], [1], [0, 0, 1, 1], [], []>, transpose_lhs_hint = false} : vector<800x64xf32>, vector<64x128xf32>, vector<800x128xf32> -> vector<800x128xf32>
    %slice3A = vector.extract_strided_slice %dot_general3A_5 {offsets = [0, 0], sizes = [800, 128], strides = [1, 1]} : vector<800x256xf32> to vector<800x128xf32>
    %get3A_24 = arith.constant 0 : index
    %get3A_25 = arith.constant 0 : index
    %get3A_26 = vector.load %arg2[%get3A_24, %get3A_25] : memref<800x128xf32, #tpu.memory_space<vmem>>, vector<800x128xf32>
    %add3A = arith.addf %slice3A, %get3A_26 : vector<800x128xf32>
    %add3A_27 = arith.addf %add3A, %dot_general3A_18 : vector<800x128xf32>
    %slice3A_28 = vector.extract_strided_slice %dot_general3A_5 {offsets = [0, 128], sizes = [800, 128], strides = [1, 1]} : vector<800x256xf32> to vector<800x128xf32>
    %get3A_29 = arith.constant 0 : index
    %get3A_30 = arith.constant 0 : index
    %get3A_31 = vector.load %arg3[%get3A_29, %get3A_30] : memref<800x128xf32, #tpu.memory_space<vmem>>, vector<800x128xf32>
    %add3A_32 = arith.addf %slice3A_28, %get3A_31 : vector<800x128xf32>
    %add3A_33 = arith.addf %add3A_32, %dot_general3A_23 : vector<800x128xf32>
    %ge3A = arith.constant 0.000000e+00 : f32
    %ge3A_34 = vector.broadcast %ge3A : f32 to vector<800x128xf32>
    %ge3A_35 = arith.cmpf oge, %add3A_27, %ge3A_34 : vector<800x128xf32>
    %mul3A = arith.constant 0.00999999977 : f32
    %mul3A_36 = vector.broadcast %mul3A : f32 to vector<800x128xf32>
    %mul3A_37 = arith.mulf %mul3A_36, %add3A_27 : vector<800x128xf32>
    %select_n3A = arith.select %ge3A_35, %add3A_27, %mul3A_37 : vector<800x128xi1>, vector<800x128xf32>
    %ge3A_38 = arith.constant 0.000000e+00 : f32
    %ge3A_39 = vector.broadcast %ge3A_38 : f32 to vector<800x128xf32>
    %ge3A_40 = arith.cmpf oge, %add3A_33, %ge3A_39 : vector<800x128xf32>
    %mul3A_41 = arith.constant 0.00999999977 : f32
    %mul3A_42 = vector.broadcast %mul3A_41 : f32 to vector<800x128xf32>
    %mul3A_43 = arith.mulf %mul3A_42, %add3A_33 : vector<800x128xf32>
    %select_n3A_44 = arith.select %ge3A_40, %add3A_33, %mul3A_43 : vector<800x128xi1>, vector<800x128xf32>
    %get3A_45 = arith.constant 0 : index
    %get3A_46 = arith.constant 0 : index
    %get3A_47 = vector.load %arg9[%get3A_45, %get3A_46] : memref<128x128xf32, #tpu.memory_space<vmem>>, vector<128x128xf32>
    %dot_general3A_48 = arith.constant dense<0.000000e+00> : vector<800x128xf32>
    %dot_general3A_49 = tpu.matmul %select_n3A_44, %get3A_47, %dot_general3A_48 {dimension_numbers = #tpu.dot_dimension_numbers<[1], [0], [0], [1], [0, 0, 1, 1], [], []>, transpose_lhs_hint = false} : vector<800x128xf32>, vector<128x128xf32>, vector<800x128xf32> -> vector<800x128xf32>
    %get3A_50 = arith.constant 0 : index
    %get3A_51 = arith.constant 0 : index
    %get3A_52 = vector.load %arg10[%get3A_50, %get3A_51] : memref<1x128xf32, #tpu.memory_space<vmem>>, vector<1x128xf32>
    %add3A_53 = vector.broadcast %get3A_52 : vector<1x128xf32> to vector<800x128xf32>
    %add3A_54 = arith.addf %dot_general3A_49, %add3A_53 : vector<800x128xf32>
    %mul3A_55 = arith.mulf %select_n3A, %add3A_54 : vector<800x128xf32>
    %reduce_sum3A = arith.constant dense<0.000000e+00> : vector<800xf32>
    %reduce_sum3A_56 = vector.multi_reduction <add>, %mul3A_55, %reduce_sum3A [1] : vector<800x128xf32> to vector<800xf32>
    %get3A_57 = arith.constant 0 : index
    %get3A_58 = arith.constant 0 : index
    %get3A_59 = arith.constant 0 : index
    %get3A_60 = vector.load %arg5[%get3A_57, %get3A_58, %get3A_59] : memref<1x1x800xf32, #tpu.memory_space<vmem>>, vector<1x1x800xf32>
    %get3A_61 = vector.shape_cast %get3A_60 : vector<1x1x800xf32> to vector<800xf32>
    %mul3A_62 = arith.mulf %reduce_sum3A_56, %get3A_61 : vector<800xf32>
    %swap3A = arith.constant 0 : index
    %swap3A_63 = arith.constant 0 : index
    %swap3A_64 = arith.constant 0 : index
    %swap3A_65 = vector.load %arg11[%swap3A, %swap3A_63, %swap3A_64] : memref<1x1x800xf32, #tpu.memory_space<vmem>>, vector<1x1x800xf32>
    %swap3A_66 = vector.shape_cast %swap3A_65 : vector<1x1x800xf32> to vector<800xf32>
    %swap3A_67 = vector.shape_cast %mul3A_62 : vector<800xf32> to vector<1x1x800xf32>
    tpu.vector_store %arg11[%swap3A, %swap3A_63, %swap3A_64], %swap3A_67 {strides = array<i32>} : memref<1x1x800xf32, #tpu.memory_space<vmem>>, vector<1x1x800xf32>,
    return
  }
  func.func @transform_0(%arg0: i32) -> (i32, i32) {
    %add3A = arith.constant 64 : i32
    %add3A_0 = arith.addi %arg0, %add3A : i32
    %c0_i32 = arith.constant 0 : i32
    %c0_i32_1 = arith.constant 0 : i32
    return %add3A_0, %c0_i32 : i32, i32
  }
  func.func @transform_1(%arg0: i32) -> (i32, i32) {
    %c0_i32 = arith.constant 0 : i32
    %c0_i32_0 = arith.constant 0 : i32
    return %arg0, %c0_i32 : i32, i32
  }
  func.func @transform_2(%arg0: i32) -> (i32, i32) {
    %c0_i32 = arith.constant 0 : i32
    %c0_i32_0 = arith.constant 0 : i32
    return %arg0, %c0_i32 : i32, i32
  }
  func.func @transform_3(%arg0: i32) -> (i32, i32, i32) {
    %c0_i32 = arith.constant 0 : i32
    %c0_i32_0 = arith.constant 0 : i32
    %c0_i32_1 = arith.constant 0 : i32
    return %arg0, %c0_i32, %c0_i32_0 : i32, i32, i32
  }
  func.func @transform_4(%arg0: i32) -> (i32, i32, i32) {
    %c0_i32 = arith.constant 0 : i32
    %c0_i32_0 = arith.constant 0 : i32
    %c0_i32_1 = arith.constant 0 : i32
    return %arg0, %c0_i32, %c0_i32_0 : i32, i32, i32
  }
  func.func @transform_5(%arg0: i32) -> (i32, i32) {
    %c0_i32 = arith.constant 0 : i32
    %c0_i32_0 = arith.constant 0 : i32
    %c0_i32_1 = arith.constant 0 : i32
    return %c0_i32, %c0_i32_0 : i32, i32
  }
  func.func @transform_6(%arg0: i32) -> (i32, i32) {
    %c0_i32 = arith.constant 0 : i32
    %c0_i32_0 = arith.constant 0 : i32
    %c0_i32_1 = arith.constant 0 : i32
    return %c0_i32, %c0_i32_0 : i32, i32
  }
  func.func @transform_7(%arg0: i32) -> (i32, i32) {
    %c0_i32 = arith.constant 0 : i32
    %c0_i32_0 = arith.constant 0 : i32
    %c0_i32_1 = arith.constant 0 : i32
    return %c0_i32, %c0_i32_0 : i32, i32
  }
  func.func @transform_8(%arg0: i32) -> (i32, i32) {
    %c0_i32 = arith.constant 0 : i32
    %c0_i32_0 = arith.constant 0 : i32
    %c0_i32_1 = arith.constant 0 : i32
    return %c0_i32, %c0_i32_0 : i32, i32
  }
  func.func @transform_9(%arg0: i32) -> (i32, i32) {
    %c0_i32 = arith.constant 0 : i32
    %c0_i32_0 = arith.constant 0 : i32
    %c0_i32_1 = arith.constant 0 : i32
    return %c0_i32, %c0_i32_0 : i32, i32
  }
  func.func @transform_10(%arg0: i32) -> (i32, i32, i32) {
    %c0_i32 = arith.constant 0 : i32
    %c0_i32_0 = arith.constant 0 : i32
    %c0_i32_1 = arith.constant 0 : i32
    return %arg0, %c0_i32, %c0_i32_0 : i32, i32, i32
  }
}

module attributes {stable_mosaic.version = 14 : i64} {
  func.func @_edge_body(%arg0: i32, %arg1: memref<1600x512xf32, #tpu.memory_space<vmem>>, %arg2: memref<1600x128xf32, #tpu.memory_space<vmem>>, %arg3: memref<1600x128xf32, #tpu.memory_space<vmem>>, %arg4: memref<1x1x1600xi32, #tpu.memory_space<vmem>>, %arg5: memref<1x1x1600xf32, #tpu.memory_space<vmem>>, %arg6: memref<64x128xf32, #tpu.memory_space<vmem>>, %arg7: memref<64x128xf32, #tpu.memory_space<vmem>>, %arg8: memref<512x256xf32, #tpu.memory_space<vmem>>, %arg9: memref<128x128xf32, #tpu.memory_space<vmem>>, %arg10: memref<1x128xf32, #tpu.memory_space<vmem>>, %arg11: memref<1x1x1600xf32, #tpu.memory_space<vmem>>) attributes {dimension_semantics = [#tpu.dimension_semantics<arbitrary>], iteration_bounds = array<i64: 32>, scalar_prefetch = 0 : i64, scratch_operands = 0 : i64, tpu.core_type = #tpu.core_type<tc>, window_params = [{transform_indices = @transform_0, window_bounds = array<i64: 1600, 512>}, {transform_indices = @transform_1, window_bounds = array<i64: 1600, 128>}, {transform_indices = @transform_2, window_bounds = array<i64: 1600, 128>}, {transform_indices = @transform_3, window_bounds = array<i64: 1, 1, 1600>}, {transform_indices = @transform_4, window_bounds = array<i64: 1, 1, 1600>}, {pipeline_mode = #tpu.pipeline_mode<synchronous>, transform_indices = @transform_5, window_bounds = array<i64: 64, 128>}, {pipeline_mode = #tpu.pipeline_mode<synchronous>, transform_indices = @transform_6, window_bounds = array<i64: 64, 128>}, {pipeline_mode = #tpu.pipeline_mode<synchronous>, transform_indices = @transform_7, window_bounds = array<i64: 512, 256>}, {pipeline_mode = #tpu.pipeline_mode<synchronous>, transform_indices = @transform_8, window_bounds = array<i64: 128, 128>}, {pipeline_mode = #tpu.pipeline_mode<synchronous>, transform_indices = @transform_9, window_bounds = array<i64: 1, 128>}, {transform_indices = @transform_10, window_bounds = array<i64: 1, 1, 1600>}]} {
    %get3A = arith.constant 0 : index
    %get3A_0 = arith.constant 0 : index
    %get3A_1 = vector.load %arg1[%get3A, %get3A_0] : memref<1600x512xf32, #tpu.memory_space<vmem>>, vector<1600x512xf32>
    %get3A_2 = arith.constant 0 : index
    %get3A_3 = arith.constant 0 : index
    %get3A_4 = vector.load %arg8[%get3A_2, %get3A_3] : memref<512x256xf32, #tpu.memory_space<vmem>>, vector<512x256xf32>
    %dot_general3A = arith.constant dense<0.000000e+00> : vector<1600x256xf32>
    %dot_general3A_5 = tpu.matmul %get3A_1, %get3A_4, %dot_general3A {dimension_numbers = #tpu.dot_dimension_numbers<[1], [0], [0], [1], [0, 0, 1, 1], [], []>, transpose_lhs_hint = false} : vector<1600x512xf32>, vector<512x256xf32>, vector<1600x256xf32> -> vector<1600x256xf32>
    %get3A_6 = arith.constant 0 : index
    %get3A_7 = arith.constant 0 : index
    %get3A_8 = arith.constant 0 : index
    %get3A_9 = vector.load %arg4[%get3A_6, %get3A_7, %get3A_8] : memref<1x1x1600xi32, #tpu.memory_space<vmem>>, vector<1x1x1600xi32>
    %get3A_10 = vector.shape_cast %get3A_9 : vector<1x1x1600xi32> to vector<1600xi32>
    %broadcast_in_dim3A = vector.shape_cast %get3A_10 : vector<1600xi32> to vector<1600x1xi32>
    %iota3A = tpu.iota {dimensions = array<i32: 1>} : vector<1x64xi32>
    %eq3A = vector.broadcast %broadcast_in_dim3A : vector<1600x1xi32> to vector<1600x64xi32>
    %eq3A_11 = vector.broadcast %iota3A : vector<1x64xi32> to vector<1600x64xi32>
    %eq3A_12 = arith.cmpi eq, %eq3A, %eq3A_11 : vector<1600x64xi32>
    %convert_element_type3A = arith.extui %eq3A_12 : vector<1600x64xi1> to vector<1600x64xi32>
    %convert_element_type3A_13 = arith.sitofp %convert_element_type3A : vector<1600x64xi32> to vector<1600x64xf32>
    %get3A_14 = arith.constant 0 : index
    %get3A_15 = arith.constant 0 : index
    %get3A_16 = vector.load %arg6[%get3A_14, %get3A_15] : memref<64x128xf32, #tpu.memory_space<vmem>>, vector<64x128xf32>
    %dot_general3A_17 = arith.constant dense<0.000000e+00> : vector<1600x128xf32>
    %dot_general3A_18 = tpu.matmul %convert_element_type3A_13, %get3A_16, %dot_general3A_17 {dimension_numbers = #tpu.dot_dimension_numbers<[1], [0], [0], [1], [0, 0, 1, 1], [], []>, transpose_lhs_hint = false} : vector<1600x64xf32>, vector<64x128xf32>, vector<1600x128xf32> -> vector<1600x128xf32>
    %get3A_19 = arith.constant 0 : index
    %get3A_20 = arith.constant 0 : index
    %get3A_21 = vector.load %arg7[%get3A_19, %get3A_20] : memref<64x128xf32, #tpu.memory_space<vmem>>, vector<64x128xf32>
    %dot_general3A_22 = arith.constant dense<0.000000e+00> : vector<1600x128xf32>
    %dot_general3A_23 = tpu.matmul %convert_element_type3A_13, %get3A_21, %dot_general3A_22 {dimension_numbers = #tpu.dot_dimension_numbers<[1], [0], [0], [1], [0, 0, 1, 1], [], []>, transpose_lhs_hint = false} : vector<1600x64xf32>, vector<64x128xf32>, vector<1600x128xf32> -> vector<1600x128xf32>
    %slice3A = vector.extract_strided_slice %dot_general3A_5 {offsets = [0, 0], sizes = [1600, 128], strides = [1, 1]} : vector<1600x256xf32> to vector<1600x128xf32>
    %get3A_24 = arith.constant 0 : index
    %get3A_25 = arith.constant 0 : index
    %get3A_26 = vector.load %arg2[%get3A_24, %get3A_25] : memref<1600x128xf32, #tpu.memory_space<vmem>>, vector<1600x128xf32>
    %add3A = arith.addf %slice3A, %get3A_26 : vector<1600x128xf32>
    %add3A_27 = arith.addf %add3A, %dot_general3A_18 : vector<1600x128xf32>
    %slice3A_28 = vector.extract_strided_slice %dot_general3A_5 {offsets = [0, 128], sizes = [1600, 128], strides = [1, 1]} : vector<1600x256xf32> to vector<1600x128xf32>
    %get3A_29 = arith.constant 0 : index
    %get3A_30 = arith.constant 0 : index
    %get3A_31 = vector.load %arg3[%get3A_29, %get3A_30] : memref<1600x128xf32, #tpu.memory_space<vmem>>, vector<1600x128xf32>
    %add3A_32 = arith.addf %slice3A_28, %get3A_31 : vector<1600x128xf32>
    %add3A_33 = arith.addf %add3A_32, %dot_general3A_23 : vector<1600x128xf32>
    %ge3A = arith.constant 0.000000e+00 : f32
    %ge3A_34 = vector.broadcast %ge3A : f32 to vector<1600x128xf32>
    %ge3A_35 = arith.cmpf oge, %add3A_27, %ge3A_34 : vector<1600x128xf32>
    %mul3A = arith.constant 0.00999999977 : f32
    %mul3A_36 = vector.broadcast %mul3A : f32 to vector<1600x128xf32>
    %mul3A_37 = arith.mulf %mul3A_36, %add3A_27 : vector<1600x128xf32>
    %select_n3A = arith.select %ge3A_35, %add3A_27, %mul3A_37 : vector<1600x128xi1>, vector<1600x128xf32>
    %ge3A_38 = arith.constant 0.000000e+00 : f32
    %ge3A_39 = vector.broadcast %ge3A_38 : f32 to vector<1600x128xf32>
    %ge3A_40 = arith.cmpf oge, %add3A_33, %ge3A_39 : vector<1600x128xf32>
    %mul3A_41 = arith.constant 0.00999999977 : f32
    %mul3A_42 = vector.broadcast %mul3A_41 : f32 to vector<1600x128xf32>
    %mul3A_43 = arith.mulf %mul3A_42, %add3A_33 : vector<1600x128xf32>
    %select_n3A_44 = arith.select %ge3A_40, %add3A_33, %mul3A_43 : vector<1600x128xi1>, vector<1600x128xf32>
    %get3A_45 = arith.constant 0 : index
    %get3A_46 = arith.constant 0 : index
    %get3A_47 = vector.load %arg9[%get3A_45, %get3A_46] : memref<128x128xf32, #tpu.memory_space<vmem>>, vector<128x128xf32>
    %dot_general3A_48 = arith.constant dense<0.000000e+00> : vector<1600x128xf32>
    %dot_general3A_49 = tpu.matmul %select_n3A_44, %get3A_47, %dot_general3A_48 {dimension_numbers = #tpu.dot_dimension_numbers<[1], [0], [0], [1], [0, 0, 1, 1], [], []>, transpose_lhs_hint = false} : vector<1600x128xf32>, vector<128x128xf32>, vector<1600x128xf32> -> vector<1600x128xf32>
    %get3A_50 = arith.constant 0 : index
    %get3A_51 = arith.constant 0 : index
    %get3A_52 = vector.load %arg10[%get3A_50, %get3A_51] : memref<1x128xf32, #tpu.memory_space<vmem>>, vector<1x128xf32>
    %add3A_53 = vector.broadcast %get3A_52 : vector<1x128xf32> to vector<1600x128xf32>
    %add3A_54 = arith.addf %dot_general3A_49, %add3A_53 : vector<1600x128xf32>
    %mul3A_55 = arith.mulf %select_n3A, %add3A_54 : vector<1600x128xf32>
    %reduce_sum3A = arith.constant dense<0.000000e+00> : vector<1600xf32>
    %reduce_sum3A_56 = vector.multi_reduction <add>, %mul3A_55, %reduce_sum3A [1] : vector<1600x128xf32> to vector<1600xf32>
    %get3A_57 = arith.constant 0 : index
    %get3A_58 = arith.constant 0 : index
    %get3A_59 = arith.constant 0 : index
    %get3A_60 = vector.load %arg5[%get3A_57, %get3A_58, %get3A_59] : memref<1x1x1600xf32, #tpu.memory_space<vmem>>, vector<1x1x1600xf32>
    %get3A_61 = vector.shape_cast %get3A_60 : vector<1x1x1600xf32> to vector<1600xf32>
    %mul3A_62 = arith.mulf %reduce_sum3A_56, %get3A_61 : vector<1600xf32>
    %swap3A = arith.constant 0 : index
    %swap3A_63 = arith.constant 0 : index
    %swap3A_64 = arith.constant 0 : index
    %swap3A_65 = vector.load %arg11[%swap3A, %swap3A_63, %swap3A_64] : memref<1x1x1600xf32, #tpu.memory_space<vmem>>, vector<1x1x1600xf32>
    %swap3A_66 = vector.shape_cast %swap3A_65 : vector<1x1x1600xf32> to vector<1600xf32>
    %swap3A_67 = vector.shape_cast %mul3A_62 : vector<1600xf32> to vector<1x1x1600xf32>
    tpu.vector_store %arg11[%swap3A, %swap3A_63, %swap3A_64], %swap3A_67 {strides = array<i32>} : memref<1x1x1600xf32, #tpu.memory_space<vmem>>, vector<1x1x1600xf32>,
    return
  }
  func.func @transform_0(%arg0: i32) -> (i32, i32) {
    %add3A = arith.constant 0 : i32
    %add3A_0 = arith.addi %arg0, %add3A : i32
    %c0_i32 = arith.constant 0 : i32
    %c0_i32_1 = arith.constant 0 : i32
    return %add3A_0, %c0_i32 : i32, i32
  }
  func.func @transform_1(%arg0: i32) -> (i32, i32) {
    %c0_i32 = arith.constant 0 : i32
    %c0_i32_0 = arith.constant 0 : i32
    return %arg0, %c0_i32 : i32, i32
  }
  func.func @transform_2(%arg0: i32) -> (i32, i32) {
    %c0_i32 = arith.constant 0 : i32
    %c0_i32_0 = arith.constant 0 : i32
    return %arg0, %c0_i32 : i32, i32
  }
  func.func @transform_3(%arg0: i32) -> (i32, i32, i32) {
    %c0_i32 = arith.constant 0 : i32
    %c0_i32_0 = arith.constant 0 : i32
    %c0_i32_1 = arith.constant 0 : i32
    return %arg0, %c0_i32, %c0_i32_0 : i32, i32, i32
  }
  func.func @transform_4(%arg0: i32) -> (i32, i32, i32) {
    %c0_i32 = arith.constant 0 : i32
    %c0_i32_0 = arith.constant 0 : i32
    %c0_i32_1 = arith.constant 0 : i32
    return %arg0, %c0_i32, %c0_i32_0 : i32, i32, i32
  }
  func.func @transform_5(%arg0: i32) -> (i32, i32) {
    %c0_i32 = arith.constant 0 : i32
    %c0_i32_0 = arith.constant 0 : i32
    %c0_i32_1 = arith.constant 0 : i32
    return %c0_i32, %c0_i32_0 : i32, i32
  }
  func.func @transform_6(%arg0: i32) -> (i32, i32) {
    %c0_i32 = arith.constant 0 : i32
    %c0_i32_0 = arith.constant 0 : i32
    %c0_i32_1 = arith.constant 0 : i32
    return %c0_i32, %c0_i32_0 : i32, i32
  }
  func.func @transform_7(%arg0: i32) -> (i32, i32) {
    %c0_i32 = arith.constant 0 : i32
    %c0_i32_0 = arith.constant 0 : i32
    %c0_i32_1 = arith.constant 0 : i32
    return %c0_i32, %c0_i32_0 : i32, i32
  }
  func.func @transform_8(%arg0: i32) -> (i32, i32) {
    %c0_i32 = arith.constant 0 : i32
    %c0_i32_0 = arith.constant 0 : i32
    %c0_i32_1 = arith.constant 0 : i32
    return %c0_i32, %c0_i32_0 : i32, i32
  }
  func.func @transform_9(%arg0: i32) -> (i32, i32) {
    %c0_i32 = arith.constant 0 : i32
    %c0_i32_0 = arith.constant 0 : i32
    %c0_i32_1 = arith.constant 0 : i32
    return %c0_i32, %c0_i32_0 : i32, i32
  }
  func.func @transform_10(%arg0: i32) -> (i32, i32, i32) {
    %c0_i32 = arith.constant 0 : i32
    %c0_i32_0 = arith.constant 0 : i32
    %c0_i32_1 = arith.constant 0 : i32
    return %arg0, %c0_i32, %c0_i32_0 : i32, i32, i32
  }
}

</mosaic_0001>

<sc_bundles>
// kernel: kernel.11.cloned.1.call-start
scs
__scs_entry_jumppad:
0x0: {  	(pc) =	sbr.rel $0x88, $3  }
0x1: {  	(tag) =	ssettag $0x0;
	lr =	simm.s32 $0x1  }
0x2: {  	[smem:$0x3F8E] =	sst lr;
	_ =	strace $0xD0000000  }
0x3: {  	_ = 	snop  }
0x4: {  	_ = 	snop  }
0x5: {  	_ = 	snop  }
0x6: {  	_ = 	snop  }
0x7: {  	_ = 	snop  }
__scs_overlays_trampoline_lowered:
0x8: {  	[smem:$0x3F9D] =	sst s0  }
0x9: {  	[smem:$0x3F9E] =	sst s1  }
0xa: {  	[smem:$0x3F9F] =	sst s2  }
0xb: {  	[smem:$0x3FA0] =	sst s3  }
0xc: {  	[smem:$0x3FA1] =	sst s4  }
0xd: {  	[smem:$0x3FA2] =	sst s5  }
0xe: {  	[smem:$0x3FA3] =	sst s6  }
0xf: {  	[smem:$0x3FA4] =	sst s7  }
0x10: {  	[smem:$0x3FA5] =	sst s8  }
0x11: {  	[smem:$0x3FA6] =	sst s9;
	s0 =	simm.s32 @!p0 $0x0  }
0x12: {  	s1 =	sld [smem:$0x3F8C];
	s0 =	simm.s32 @p0 $0x1  }
0x13: {  	[smem:$0x3FA7] =	sst s0;
	s0 =	simm.s32 @!p1 $0x0  }
0x14: {  	s2 =	sld [smem:$0x3F8B];
	s0 =	simm.s32 @p1 $0x1  }
0x15: {  	[smem:$0x3FA8] =	sst s0;
	s0 =	simm.s32 @!p2 $0x0  }
0x16: {  	s3 =	sld [smem:$0x3FDB];
	s0 =	simm.s32 @p2 $0x1  }
0x17: {  	s4 =	simm.s32 $0x1BF5;
	[smem:$0x3FAA] =	sst s0  }
0x18: {  	s0 =	sld [smem:$0x3F8D];
	_ =	swait.ge [sflag:s4], $0x0  }
0x19: {  	s7 =	sld [smem:$0x3F8E]  }
0x1a: {  	s8 =	sadd.s32 $0xFFFFE003, lr  }
0x1b: {  	s9 =	sadd.s32 $0xFFFFFEF7, lr;
	s5 =	simm.s32 $0xFFFFFFFF;
	p2 =	slt.u32 s8, $0xFFFFF086  }
0x1c: {  	p1 =	slt.u32 s9, $0xF7A;
	s5 =	simm.s32 @!p2 $0x0  }
0x1d: {  	s5 =	simm.s32 @p1 $0x1;
	p0 =	seq.s32 s7, s2  }
0x1e: {  	s7 =	smul.u32 @!p0 $0xF7A, s2;
	p2 =	seq.s32 @!p0 s5, $0x0  }
0x1f: {  	s9 =	smul.u32 $0xF7A, s1;
	s8 =	simm.s32 @!p0 $0x1BF5;
	p2 =	por !p2, p0  }
0x20: {  	[sflag:s8] =	ssyncset.s32 @!p0 $0xFFFFF086;
	s6 =	sadd.s32 @!p0 s3, s7;
	s7 =	simm.s32 @!p0 $0x108  }
0x21: {  	s3 =	sadd.s32 s3, s9;
	s6 =	sadd.s32 @!p0 $0x88, s6;
	s7 =	simm.s32 @p2 $0x1082  }
0x22: {  	[simem:s7], [sflag:s8] =	dma.local @!p0 [hbm:s6], $0xF7A  }
0x23: {  	s9 =	sor.u32 $0xD0000000, s2;
	s6 =	simm.s32 $0x108;
	_ =	swait.ge @!p0 [sflag:s8], $0x0  }
0x24: {  	s3 =	sadd.s32 $0x88, s3;
	s6 =	simm.s32 @!p1 $0x1082;
	[sflag:s4] =	ssyncset.s32 $0xFFFFF086  }
0x25: {  	[simem:s6], [sflag:s4] =	dma.local [hbm:s3], $0xF7A  }
0x26: {  	[smem:$0x3F8E] =	sst s1;
	(tag) =	ssettag s2;
	_ =	strace s9  }
0x27: {  	s1 =	sld [smem:$0x3F9E]  }
0x28: {  	s2 =	sld [smem:$0x3F9F]  }
0x29: {  	s4 =	sld [smem:$0x3FA1]  }
0x2a: {  	p0 =	seq.s32 s5, $0x0;
	s5 =	sld [smem:$0x3FA2]  }
0x2b: {  	s6 =	sld [smem:$0x3FA3]  }
0x2c: {  	s7 =	sld [smem:$0x3FA4]  }
0x2d: {  	s3 =	simm.s32 $0x108;
	s8 =	sld [smem:$0x3FA5]  }
0x2e: {  	s3 =	simm.s32 @!p0 $0x1082;
	s9 =	sld [smem:$0x3FA6]  }
0x2f: {  	lr =	sadd.s32 s0, s3;
	s0 =	sld [smem:$0x3F9D]  }
0x30: {  	s3 =	sld [smem:$0x3FA0]  }
0x31: {  	[smem:$0x3FA9] =	sst s10  }
0x32: {  	s10 =	sld [smem:$0x3FA7];
	_ =	sdelay $0x3  }
0x33: {  	p0 =	seq.s32 s10, $0x1;
	s10 =	sld [smem:$0x3FA9];
	_ =	sdelay $0x3  }
0x34: {  	[smem:$0x3FA9] =	sst s10  }
0x35: {  	s10 =	sld [smem:$0x3FA8];
	_ =	sdelay $0x3  }
0x36: {  	p1 =	seq.s32 s10, $0x1;
	s10 =	sld [smem:$0x3FA9];
	_ =	sdelay $0x3  }
0x37: {  	[smem:$0x3FA9] =	sst s10  }
0x38: {  	s10 =	sld [smem:$0x3FAA]  }
0x39: {  	_ = 	snop;
	(pc) =	sbr.ind lr, $3  }
0x3a: {  	_ = 	snop  }
0x3b: {  	_ = 	snop  }
0x3c: {  	p2 =	seq.s32 s10, $0x1;
	s10 =	sld [smem:$0x3FA9]  }
0x3d: {  	_ =	shalt  }
0x3e: {  	_ =	shalt  }
0x3f: {  	_ =	shalt  }
0x40: {  	_ =	shalt  }
0x41: {  	_ =	shalt  }
0x42: {  	_ =	shalt  }
0x43: {  	_ =	shalt  }
0x44: {  	_ =	shalt  }
0x45: {  	_ =	shalt  }
0x46: {  	_ =	shalt  }
0x47: {  	_ =	shalt  }
0x48: {  	_ =	shalt  }
0x49: {  	_ =	shalt  }
0x4a: {  	_ =	shalt  }
0x4b: {  	_ =	shalt  }
0x4c: {  	_ =	shalt  }
0x4d: {  	_ =	shalt  }
0x4e: {  	_ =	shalt  }
0x4f: {  	_ =	shalt  }
0x50: {  	_ =	shalt  }
0x51: {  	_ =	shalt  }
0x52: {  	_ =	shalt  }
0x53: {  	_ =	shalt  }
0x54: {  	_ =	shalt  }
0x55: {  	_ =	shalt  }
0x56: {  	_ =	shalt  }
0x57: {  	_ =	shalt  }
0x58: {  	_ =	shalt  }
0x59: {  	_ =	shalt  }
0x5a: {  	_ =	shalt  }
0x5b: {  	_ =	shalt  }
0x5c: {  	_ =	shalt  }
0x5d: {  	_ =	shalt  }
0x5e: {  	_ =	shalt  }
0x5f: {  	_ =	shalt  }
0x60: {  	_ =	shalt  }
0x61: {  	_ =	shalt  }
0x62: {  	_ =	shalt  }
0x63: {  	_ =	shalt  }
0x64: {  	_ =	shalt  }
0x65: {  	_ =	shalt  }
0x66: {  	_ =	shalt  }
0x67: {  	_ =	shalt  }
0x68: {  	_ =	shalt  }
0x69: {  	_ =	shalt  }
0x6a: {  	_ =	shalt  }
0x6b: {  	_ =	shalt  }
0x6c: {  	_ =	shalt  }
0x6d: {  	_ =	shalt  }
0x6e: {  	_ =	shalt  }
0x6f: {  	_ =	shalt  }
0x70: {  	_ =	shalt  }
0x71: {  	_ =	shalt  }
0x72: {  	_ =	shalt  }
0x73: {  	_ =	shalt  }
0x74: {  	_ =	shalt  }
0x75: {  	_ =	shalt  }
0x76: {  	_ =	shalt  }
0x77: {  	_ =	shalt  }
0x78: {  	_ =	shalt  }
0x79: {  	_ =	shalt  }
0x7a: {  	_ =	shalt  }
0x7b: {  	_ =	shalt  }
0x7c: {  	_ =	shalt  }
0x7d: {  	_ =	shalt  }
0x7e: {  	_ =	shalt  }
0x7f: {  	_ =	shalt  }
0x80: {  	_ =	shalt  }
0x81: {  	_ =	shalt  }
0x82: {  	_ =	shalt  }
0x83: {  	_ =	shalt  }
0x84: {  	_ =	shalt  }
0x85: {  	_ =	shalt  }
0x86: {  	_ =	shalt  }
0x87: {  	_ =	shalt  }
.Lfunc_end0:
.L_simem_size_0:
called_computation.1_lowered:
.L_overlay_start_0:
0x88: {  	s2 =	sld [smem:$0x3FD9]  }
0x89: {  	s3 =	sld [smem:$0x3FFE];
	_ =	sdelay $0x1  }
0x8a: {  	s1 =	srdreg.scid  }
0x8b: {  	s0 =	sand.u32 $0x1, s1  }
0x8c: {  	s16 =	sshll.u32 s0, $0xA;
	s2 =	sadd.s32 s3, s2  }
0x8d: {  	s2 =	sadd.s32 s2, s16  }
0x8e: {  	[smem:$0x3FB5] =	sst s2  }
0x8f: {  	_ = 	snop  }
0x90: {  	(tm) =	ssettm $0x1  }
0x91: {  	s17 =	sld [smem:$0x3FFB];
	_ =	sdelay $0x3  }
0x92: {  	_ =	strace s17  }
0x93: {  	s2 =	sld [smem:$0x3FFC];
	_ =	sdelay $0x3  }
0x94: {  	_ =	strace s2  }
0x95: {  	s2 =	sld [smem:$0x3FFD];
	_ =	sdelay $0x3  }
0x96: {  	_ =	strace s2  }
0x97: {  	_ =	strace $0x8FFFFFFF  }
0x98: {  	s18 =	sld [smem:$0x3FDB];
	_ =	sdelay $0x1  }
0x99: {  	s19 =	simm.s32 $_scs_section_size  }
0x9a: {  	s4 =	simm.s32 $_size__tile_overlayer_lowered;
	s5 =	simm.s32 $_tile_overlayer_lowered  }
0x9b: {  	s22 =	simm.s32 $0x1BFF;
	s21 =	sshll.u32 s5, $0x1;
	s2 =	sadd.s32 s19, s18  }
0x9c: {  	s6 =	simm.s32 $0x0;
	s20 =	sshll.u32 s4, $0x1;
	s4 =	sadd.s32 s21, s2  }
0x9d: {  	[timem:s6], [sflag:s22] =	dma.local [hbm:s4], s20  }
0x9e: {  	_ =	swait.ge [sflag:s22], s20  }
0x9f: {  	s3 =	ssub.s32 $0x0, s20;
	[sflag:s22] =	ssyncset.done $0x0  }
0xa0: {  	[sflag:s22] =	ssyncadd.s32 s3;
	_ =	sdelay $0x1  }
0xa1: {  	s23 =	simm.s32 $0x1B8B  }
0xa2: {  	_ =	swait.ge [sflag:s23], $0x1  }
0xa3: {  	[sflag:s23] =	ssyncset.done $0x0  }
0xa4: {  	s25 =	simm.s32 $0x1B8E;
	s24 =	sld [smem:$0x3FFE];
	[sflag:s23] =	ssyncadd.s32 $0xFFFFFFFF  }
0xa5: {  	s26 =	simm.s32 $execute0_lowered;
	[smem:$0x3FD2] =	sst s25  }
0xa6: {  	s4 =	sshll.u32 s26, $0x1;
	_ =	strace $0x80000046;
	[dreg:$0x1] =	wrdreg $0xFFFFFFFF  }
0xa7: {  	s28 =	simm.s32 $_size_execute0_lowered;
	s2 =	sadd.s32 s2, s4;
	[dreg:$0x0] =	wrdreg $0x0  }
0xa8: {  	s4 =	sshll.u32 s28, $0x1;
	[dreg:$0x2] =	wrdreg s2  }
0xa9: {  	[dreg:$0x3] =	wrdreg s4  }
0xaa: {  	[dreg:$0x4] =	wrdreg $0xC0  }
0xab: {  	_ =	task [dreg:s6], $0x5FFFF  }
0xac: {  	[dreg:$0x1] =	wrdreg $0xFFFFFFFF  }
0xad: {  	[dreg:$0x0] =	wrdreg $0x60  }
0xae: {  	[dreg:$0x2] =	wrdreg s24  }
0xaf: {  	[dreg:$0x3] =	wrdreg $0xA  }
0xb0: {  	_ =	task.clear_ibuf [dreg:s6], $0x4FFFF;
	_ =	strace $0x90000046  }
0xb1: {  	s29 =	simm.s32 $0xA;
	_ =	strace $0x80000048  }
0xb2: {  	_ =	swait.ge [sflag:s29], $0x1  }
0xb3: {  	[sflag:s29] =	ssyncadd.s32 $0xFFFFFFFF  }
0xb4: {  	_ =	strace $0x90000048  }
0xb5: {  	_ =	sfence  }
0xb6: {  	s30 =	sld [smem:$0x0];
	_ =	sdelay $0x2  }
0xb7: {  	s31 =	sshll.u32 s1, $0xD;
	s1 =	sshrl.u32 s1, $0x2  }
0xb8: {  	s3 =	sand.u32 $0x4000, s31;
	s1 =	sadd.s32 s1, s30  }
0xb9: {  	s0 =	sor.u32 s3, s0;
	s1 =	sshll.u32 s1, $0x11  }
0xba: {  	s0 =	sor.u32 s1, s0  }
0xbb: {  	s0 =	sadd.s32 $0x8F2B, s0  }
0xbc: {  	[sflag:s0] =	ssyncadd.remote.s32 $0x1  }
0xbd: {  	_ =	sfence.sel $0xFFFF  }
0xbe: {  	[dreg:$0x0] =	wrdreg $0xFFFFFFFF;
	(pc) =	sbr.abs _section_cstart, $3  }
0xbf: {  	[dreg:$0x1] =	wrdreg $0xFFFFFFFF  }
0xc0: {  	_ =	task.clear_ibuf [dreg:s6], $0x2FFFF;
	_ =	strace $0x9FFFFFFF  }
0xc1: {  	(tm) =	ssettm $0x7FFFFFFF  }
tec
execute0_lowered:
.L_overlay_start_1:
0x0: {  	(tag) =	ssettag $0x1  }
0x1: {  	s7 =	rddreg [dreg:$0x0]  }
0x2: {  	s2 =	simm.s32 $0x0;
	s0 =	stileid.u32;
	s3 =	srdreg.scid  }
0x3: {  	s15 =	simm.s32 $0x200;
	s16 =	simm.s32 $0x3200;
	s17 =	simm.s32 $0x100  }
0x4: {  	s18 =	simm.s32 $0x180;
	s19 =	simm.s32 $0x6200;
	s20 =	simm.s32 $0x9200  }
0x5: {  	s21 =	simm.s32 $0x1;
	[smem:$0x7FF] =	sst s2;
	s9 =	smul.u32 $0xC000, s0  }
0x6: {  	s8 =	sand.u32 $0x1, s3;
	s4 =	sshll.u32 s0, $0x1;
	s13 =	smul.u32 $0xC00, s0  }
0x7: {  	s3 =	sadd.s32 $0xA0800, s7;
	s5 =	sadd.s32 $0x13E400, s7;
	s12 =	smul.u32 $0x6000, s8  }
0x8: {  	_ =	strace $0x80000047;
	s6 =	sor.u32 s8, s4;
	s14 =	smul.u32 $0x600, s8  }
0x9: {  	s4 =	sadd.s32 $0x4400, s7;
	s11 =	ssub.s32 $0x2, s8;
	s10 =	smul.u32 $0x600, s6  }
0xa: {  	s6 =	sadd.s32 $0x13CC00, s7;
	s9 =	sadd.s32 s9, s7;
	s22 =	sshrl.u32 s11, $0x1  }
0xb: {  	s11 =	ssub.s32 s11, s22;
	s25 =	sadd.s32 s12, s9;
	s29 =	sadd.s32 s14, s13  }
0xc: {  	s12 =	simm.s32 $0x5;
	s14 =	simm.s32 $0x60;
	s26 =	smax.u32 s11, $0x1  }
0xd: {  	s10 =	sshrl.u32 s10, $0x3;
	s28 =	sadd.s32 $0x13FC00, s25;
	[dreg:$0x6] =	wrdreg s26  }
0xe: {  	s22 =	simm.s32 $0x2;
	s23 =	sadd.s32 s5, s10;
	[dreg:$0x2] =	wrdreg s28  }
0xf: {  	s30 =	sor.u32 $0xC0, s29;
	s24 =	sadd.s32 s6, s10;
	[dreg:$0x4] =	wrdreg s23  }
0x10: {  	s31 =	sor.u32 $0x60, s29;
	s10 =	sadd.s32 $0x1FFC00, s25;
	[dreg:$0x5] =	wrdreg s24  }
0x11: {  	s11 =	sshrl.u32 s31, $0x3;
	s25 =	simm.s32 $0x0;
	[dreg:$0x3] =	wrdreg s10  }
0x12: {  	s10 =	sshrl.u32 s30, $0x3;
	s23 =	simm.s32 $0x3;
	s24 =	simm.s32 $0x4  }
.LBB2_1:
0x13: {  	s0 =	rddreg [dreg:$0x4]  }
0x14: {  	[tilespmem:s2], [sflag:$0x5] =	stream.linear.gather [hbm4b:s0+s2], $0x60, $0x38;
	[tilespmem:$0xC200] =	vst v63  }
0x15: {  	_ =	swait.ge [sflag:s12], $0x60  }
0x16: {  	[sflag:s12] =	ssyncset.done $0x0  }
0x17: {  	s1 =	simm.s32 $0x80;
	s8 =	rddreg [dreg:$0x5];
	[sflag:s12] =	ssyncadd.s32 $0xFFFFFFA0  }
0x18: {  	[tilespmem:s1], [sflag:$0x5] =	stream.linear.gather [hbm4b:s8+s2], $0x60, $0x38;
	[tilespmem:$0xC200] =	vst v63  }
0x19: {  	_ =	swait.ge [sflag:s12], $0x60  }
0x1a: {  	[sflag:s12] =	ssyncset.done $0x0  }
0x1b: {  	[sflag:s12] =	ssyncadd.s32 $0xFFFFFFA0  }
0x1c: {  	[tilespmem:s15], [sflag:$0x1] =	stream.indirect.gather [hbm4b:s3+s14], $0x80, s2, s14, $0xb8;
	[tilespmem:$0xC200] =	vst v63  }
0x1d: {  	_ = 	snop  }
0x1e: {  	[tilespmem:s16], [sflag:$0x2] =	stream.indirect.gather [hbm4b:s4+s14], $0x80, s1, s14, $0xb8;
	[tilespmem:$0xC200] =	vst v63  }
0x1f: {  	s26 =	sadd.s32 s5, s11  }
0x20: {  	[tilespmem:s17], [sflag:$0x5] =	stream.linear.gather [hbm4b:s26+s2], $0x60, $0x38;
	[tilespmem:$0xC200] =	vst v63  }
0x21: {  	_ =	swait.ge [sflag:s12], $0x60  }
0x22: {  	[sflag:s12] =	ssyncset.done $0x0  }
0x23: {  	s9 =	sadd.s32 s6, s11;
	[sflag:s12] =	ssyncadd.s32 $0xFFFFFFA0  }
0x24: {  	[tilespmem:s18], [sflag:$0x5] =	stream.linear.gather [hbm4b:s9+s2], $0x60, $0x38;
	[tilespmem:$0xC200] =	vst v63  }
0x25: {  	_ =	swait.ge [sflag:s12], $0x60  }
0x26: {  	[sflag:s12] =	ssyncset.done $0x0  }
0x27: {  	[sflag:s12] =	ssyncadd.s32 $0xFFFFFFA0  }
0x28: {  	[tilespmem:s19], [sflag:$0x3] =	stream.indirect.gather [hbm4b:s3+s14], $0x80, s17, s14, $0xb8;
	[tilespmem:$0xC200] =	vst v63  }
0x29: {  	_ = 	snop  }
0x2a: {  	[tilespmem:s20], [sflag:$0x4] =	stream.indirect.gather [hbm4b:s4+s14], $0x80, s18, s14, $0xb8;
	[tilespmem:$0xC200] =	vst v63  }
0x2b: {  	_ =	swait.ge [sflag:s21], $0x3000  }
0x2c: {  	[sflag:s21] =	ssyncset.done $0x0  }
0x2d: {  	[sflag:s21] =	ssyncadd.s32 $0xFFFFD000  }
0x2e: {  	_ =	swait.ge [sflag:s22], $0x3000  }
0x2f: {  	s13 =	rddreg [dreg:$0x2];
	[sflag:s22] =	ssyncset.done $0x0  }
0x30: {  	[sflag:s22] =	ssyncadd.s32 $0xFFFFD000;
	s26 =	sadd.s32 $0x0, s13  }
0x31: {  	[hbm4b:s26+s2] =	stream.linear.scatter [tilespmem:s15], [sflag:$0x5], $0x3000, $0x38;
	[tilespmem:$0xC200] =	vst v63  }
0x32: {  	_ =	swait.ge [sflag:s12], $0x3000  }
0x33: {  	s28 =	rddreg [dreg:$0x3];
	[sflag:s12] =	ssyncset.done $0x0  }
0x34: {  	[sflag:s12] =	ssyncadd.s32 $0xFFFFD000;
	s28 =	sadd.s32 $0x0, s28  }
0x35: {  	[hbm4b:s28+s2] =	stream.linear.scatter [tilespmem:s16], [sflag:$0x5], $0x3000, $0x38;
	[tilespmem:$0xC200] =	vst v63  }
0x36: {  	p0 =	por $0x0, $0x0;
	_ =	swait.ge [sflag:s12], $0x3000  }
0x37: {  	s29 =	sadd.s32 @!p0 s5, s10;
	[sflag:s12] =	ssyncset.done $0x0  }
0x38: {  	s30 =	simm.s32 @!p0 $0x0;
	s31 =	simm.s32 @!p0 $0x5;
	[sflag:s12] =	ssyncadd.s32 $0xFFFFD000  }
0x39: {  	[tilespmem:s30], [sflag:$0x5] =	stream.linear.gather @!p0 [hbm4b:s29+s30], $0x60, $0x38;
	[tilespmem:$0xC200] =	vst v63  }
0x3a: {  	_ =	swait.ge @!p0 [sflag:s31], $0x60  }
0x3b: {  	[sflag:s31] =	ssyncset.done @!p0 $0x0  }
0x3c: {  	s0 =	simm.s32 @!p0 $0x80;
	s29 =	sadd.s32 @!p0 s6, s10;
	[sflag:s31] =	ssyncadd.s32 @!p0 $0xFFFFFFA0  }
0x3d: {  	[tilespmem:s0], [sflag:$0x5] =	stream.linear.gather @!p0 [hbm4b:s29+s30], $0x60, $0x38;
	[tilespmem:$0xC200] =	vst v63  }
0x3e: {  	_ =	swait.ge @!p0 [sflag:s31], $0x60  }
0x3f: {  	[sflag:s31] =	ssyncset.done @!p0 $0x0  }
0x40: {  	s29 =	simm.s32 @!p0 $0x60;
	[sflag:s31] =	ssyncadd.s32 @!p0 $0xFFFFFFA0;
	s31 =	simm.s32 @!p0 $0x200  }
0x41: {  	[tilespmem:s31], [sflag:$0x1] =	stream.indirect.gather @!p0 [hbm4b:s3+s29], $0x80, s30, s29, $0xb8;
	[tilespmem:$0xC200] =	vst v63  }
0x42: {  	s30 =	simm.s32 @!p0 $0x3200  }
0x43: {  	[tilespmem:s30], [sflag:$0x2] =	stream.indirect.gather @!p0 [hbm4b:s4+s29], $0x80, s0, s29, $0xb8;
	[tilespmem:$0xC200] =	vst v63  }
0x44: {  	_ =	swait.ge [sflag:s23], $0x3000  }
0x45: {  	[sflag:s23] =	ssyncset.done $0x0  }
0x46: {  	[sflag:s23] =	ssyncadd.s32 $0xFFFFD000  }
0x47: {  	_ =	swait.ge [sflag:s24], $0x3000  }
0x48: {  	[sflag:s24] =	ssyncset.done $0x0  }
0x49: {  	s26 =	sadd.s32 $0x600, s26;
	[sflag:s24] =	ssyncadd.s32 $0xFFFFD000  }
0x4a: {  	[hbm4b:s26+s2] =	stream.linear.scatter [tilespmem:s19], [sflag:$0x5], $0x3000, $0x38;
	[tilespmem:$0xC200] =	vst v63  }
0x4b: {  	_ =	swait.ge [sflag:s12], $0x3000  }
0x4c: {  	s31 =	sadd.s32 $0x600, s28;
	[sflag:s12] =	ssyncset.done $0x0  }
0x4d: {  	s28 =	simm.s32 $0xC00;
	s30 =	simm.s32 $0x1800;
	[sflag:s12] =	ssyncadd.s32 $0xFFFFD000  }
0x4e: {  	[hbm4b:s31+s2] =	stream.linear.scatter [tilespmem:s20], [sflag:$0x5], $0x3000, $0x38;
	[tilespmem:$0xC200] =	vst v63  }
0x4f: {  	s29 =	sadd.s32 $0x18, s5;
	s26 =	sadd.s32 $0x18, s6;
	_ =	swait.ge [sflag:s12], $0x3000  }
.LBB2_2:
0x50: {  	[sflag:s12] =	ssyncset.done $0x0  }
0x51: {  	s0 =	sadd.s32 s29, s11;
	[sflag:s12] =	ssyncadd.s32 $0xFFFFD000  }
0x52: {  	[tilespmem:s17], [sflag:$0x5] =	stream.linear.gather [hbm4b:s0+s2], $0x60, $0x38;
	[tilespmem:$0xC200] =	vst v63  }
0x53: {  	_ =	swait.ge [sflag:s12], $0x60  }
0x54: {  	[sflag:s12] =	ssyncset.done $0x0  }
0x55: {  	s9 =	sadd.s32 s26, s11;
	[sflag:s12] =	ssyncadd.s32 $0xFFFFFFA0  }
0x56: {  	[tilespmem:s18], [sflag:$0x5] =	stream.linear.gather [hbm4b:s9+s2], $0x60, $0x38;
	[tilespmem:$0xC200] =	vst v63  }
0x57: {  	_ =	swait.ge [sflag:s12], $0x60  }
0x58: {  	[sflag:s12] =	ssyncset.done $0x0  }
0x59: {  	[sflag:s12] =	ssyncadd.s32 $0xFFFFFFA0  }
0x5a: {  	[tilespmem:s19], [sflag:$0x3] =	stream.indirect.gather [hbm4b:s3+s14], $0x80, s17, s14, $0xb8;
	[tilespmem:$0xC200] =	vst v63  }
0x5b: {  	_ = 	snop  }
0x5c: {  	[tilespmem:s20], [sflag:$0x4] =	stream.indirect.gather [hbm4b:s4+s14], $0x80, s18, s14, $0xb8;
	[tilespmem:$0xC200] =	vst v63  }
0x5d: {  	_ =	swait.ge [sflag:s21], $0x3000  }
0x5e: {  	[sflag:s21] =	ssyncset.done $0x0  }
0x5f: {  	[sflag:s21] =	ssyncadd.s32 $0xFFFFD000  }
0x60: {  	_ =	swait.ge [sflag:s22], $0x3000  }
0x61: {  	s13 =	rddreg [dreg:$0x2];
	[sflag:s22] =	ssyncset.done $0x0  }
0x62: {  	[sflag:s22] =	ssyncadd.s32 $0xFFFFD000;
	s0 =	sadd.s32 s28, s13  }
0x63: {  	[hbm4b:s0+s2] =	stream.linear.scatter [tilespmem:s15], [sflag:$0x5], $0x3000, $0x38;
	[tilespmem:$0xC200] =	vst v63  }
0x64: {  	_ =	swait.ge [sflag:s12], $0x3000  }
0x65: {  	s1 =	rddreg [dreg:$0x3];
	[sflag:s12] =	ssyncset.done $0x0  }
0x66: {  	[sflag:s12] =	ssyncadd.s32 $0xFFFFD000;
	s1 =	sadd.s32 s28, s1  }
0x67: {  	[hbm4b:s1+s2] =	stream.linear.scatter [tilespmem:s16], [sflag:$0x5], $0x3000, $0x38;
	[tilespmem:$0xC200] =	vst v63  }
0x68: {  	s31 =	smov.u32 s30;
	p1 =	seq.s32 s28, $0x5400;
	_ =	swait.ge [sflag:s12], $0x3000  }
0x69: {  	s7 =	simm.s32 @!p1 $0x0;
	s8 =	simm.s32 @!p1 $0x5;
	[sflag:s12] =	ssyncset.done $0x0  }
0x6a: {  	s28 =	smov.u32 s31;
	s31 =	sadd.s32 @!p1 s29, s10;
	[sflag:s12] =	ssyncadd.s32 $0xFFFFD000  }
0x6b: {  	[tilespmem:s7], [sflag:$0x5] =	stream.linear.gather @!p1 [hbm4b:s31+s7], $0x60, $0x38;
	[tilespmem:$0xC200] =	vst v63  }
0x6c: {  	_ =	swait.ge @!p1 [sflag:s8], $0x60  }
0x6d: {  	[sflag:s8] =	ssyncset.done @!p1 $0x0  }
0x6e: {  	s9 =	simm.s32 @!p1 $0x80;
	s31 =	sadd.s32 @!p1 s26, s10;
	[sflag:s8] =	ssyncadd.s32 @!p1 $0xFFFFFFA0  }
0x6f: {  	[tilespmem:s9], [sflag:$0x5] =	stream.linear.gather @!p1 [hbm4b:s31+s7], $0x60, $0x38;
	[tilespmem:$0xC200] =	vst v63  }
0x70: {  	_ =	swait.ge @!p1 [sflag:s8], $0x60  }
0x71: {  	[sflag:s8] =	ssyncset.done @!p1 $0x0  }
0x72: {  	s13 =	simm.s32 @!p1 $0x200;
	s31 =	simm.s32 @!p1 $0x60;
	[sflag:s8] =	ssyncadd.s32 @!p1 $0xFFFFFFA0  }
0x73: {  	[tilespmem:s13], [sflag:$0x1] =	stream.indirect.gather @!p1 [hbm4b:s3+s31], $0x80, s7, s31, $0xb8;
	[tilespmem:$0xC200] =	vst v63  }
0x74: {  	s8 =	simm.s32 @!p1 $0x3200  }
0x75: {  	[tilespmem:s8], [sflag:$0x2] =	stream.indirect.gather @!p1 [hbm4b:s4+s31], $0x80, s9, s31, $0xb8;
	[tilespmem:$0xC200] =	vst v63  }
0x76: {  	_ =	swait.ge [sflag:s23], $0x3000  }
0x77: {  	[sflag:s23] =	ssyncset.done $0x0  }
0x78: {  	[sflag:s23] =	ssyncadd.s32 $0xFFFFD000  }
0x79: {  	_ =	swait.ge [sflag:s24], $0x3000  }
0x7a: {  	s30 =	sadd.s32 $0xC00, s30;
	[sflag:s24] =	ssyncset.done $0x0  }
0x7b: {  	p0 =	sne.s32 s30, $0x6000;
	s0 =	sadd.s32 $0x600, s0;
	[sflag:s24] =	ssyncadd.s32 $0xFFFFD000  }
0x7c: {  	[hbm4b:s0+s2] =	stream.linear.scatter [tilespmem:s19], [sflag:$0x5], $0x3000, $0x38;
	[tilespmem:$0xC200] =	vst v63  }
.Ltmp0:
0x7d: {  	_ =	swait.ge [sflag:s12], $0x3000;
	(pc) =	sbr.rel @p0 .LBB2_2-.Ltmp0, $4  }
0x7e: {  	[sflag:s12] =	ssyncset.done $0x0  }
0x7f: {  	s31 =	sadd.s32 $0x600, s1;
	[sflag:s12] =	ssyncadd.s32 $0xFFFFD000  }
0x80: {  	[hbm4b:s31+s2] =	stream.linear.scatter [tilespmem:s20], [sflag:$0x5], $0x3000, $0x38;
	[tilespmem:$0xC200] =	vst v63  }
0x81: {  	s29 =	sadd.s32 $0x18, s29;
	s26 =	sadd.s32 $0x18, s26;
	_ =	swait.ge [sflag:s12], $0x3000  }
0x82: {  	[sflag:s12] =	ssyncset.done $0x0  }
0x83: {  	s0 =	sadd.s32 s29, s11;
	[sflag:s12] =	ssyncadd.s32 $0xFFFFD000  }
0x84: {  	[tilespmem:s17], [sflag:$0x5] =	stream.linear.gather [hbm4b:s0+s2], $0x60, $0x38;
	[tilespmem:$0xC200] =	vst v63  }
0x85: {  	_ =	swait.ge [sflag:s12], $0x60  }
0x86: {  	[sflag:s12] =	ssyncset.done $0x0  }
0x87: {  	s9 =	sadd.s32 s26, s11;
	[sflag:s12] =	ssyncadd.s32 $0xFFFFFFA0  }
0x88: {  	[tilespmem:s18], [sflag:$0x5] =	stream.linear.gather [hbm4b:s9+s2], $0x60, $0x38;
	[tilespmem:$0xC200] =	vst v63  }
0x89: {  	_ =	swait.ge [sflag:s12], $0x60  }
0x8a: {  	[sflag:s12] =	ssyncset.done $0x0  }
0x8b: {  	[sflag:s12] =	ssyncadd.s32 $0xFFFFFFA0  }
0x8c: {  	[tilespmem:s19], [sflag:$0x3] =	stream.indirect.gather [hbm4b:s3+s14], $0x80, s17, s14, $0xb8;
	[tilespmem:$0xC200] =	vst v63  }
0x8d: {  	_ = 	snop  }
0x8e: {  	[tilespmem:s20], [sflag:$0x4] =	stream.indirect.gather [hbm4b:s4+s14], $0x80, s18, s14, $0xb8;
	[tilespmem:$0xC200] =	vst v63  }
0x8f: {  	_ =	swait.ge [sflag:s21], $0x3000  }
0x90: {  	[sflag:s21] =	ssyncset.done $0x0  }
0x91: {  	[sflag:s21] =	ssyncadd.s32 $0xFFFFD000  }
0x92: {  	_ =	swait.ge [sflag:s22], $0x3000  }
0x93: {  	s13 =	rddreg [dreg:$0x2];
	[sflag:s22] =	ssyncset.done $0x0  }
0x94: {  	[sflag:s22] =	ssyncadd.s32 $0xFFFFD000;
	s0 =	sadd.s32 s28, s13  }
0x95: {  	[hbm4b:s0+s2] =	stream.linear.scatter [tilespmem:s15], [sflag:$0x5], $0x3000, $0x38;
	[tilespmem:$0xC200] =	vst v63  }
0x96: {  	_ =	swait.ge [sflag:s12], $0x3000  }
0x97: {  	s1 =	rddreg [dreg:$0x3];
	[sflag:s12] =	ssyncset.done $0x0  }
0x98: {  	[sflag:s12] =	ssyncadd.s32 $0xFFFFD000;
	s1 =	sadd.s32 s28, s1  }
0x99: {  	[hbm4b:s1+s2] =	stream.linear.scatter [tilespmem:s16], [sflag:$0x5], $0x3000, $0x38;
	[tilespmem:$0xC200] =	vst v63  }
0x9a: {  	p0 =	seq.s32 s28, $0x5400;
	_ =	swait.ge [sflag:s12], $0x3000  }
0x9b: {  	s7 =	sadd.s32 @!p0 s29, s10;
	[sflag:s12] =	ssyncset.done $0x0  }
0x9c: {  	s8 =	simm.s32 @!p0 $0x0;
	s9 =	simm.s32 @!p0 $0x5;
	[sflag:s12] =	ssyncadd.s32 $0xFFFFD000  }
0x9d: {  	[tilespmem:s8], [sflag:$0x5] =	stream.linear.gather @!p0 [hbm4b:s7+s8], $0x60, $0x38;
	[tilespmem:$0xC200] =	vst v63  }
0x9e: {  	_ =	swait.ge @!p0 [sflag:s9], $0x60  }
0x9f: {  	[sflag:s9] =	ssyncset.done @!p0 $0x0  }
0xa0: {  	s13 =	simm.s32 @!p0 $0x80;
	s7 =	sadd.s32 @!p0 s26, s10;
	[sflag:s9] =	ssyncadd.s32 @!p0 $0xFFFFFFA0  }
0xa1: {  	[tilespmem:s13], [sflag:$0x5] =	stream.linear.gather @!p0 [hbm4b:s7+s8], $0x60, $0x38;
	[tilespmem:$0xC200] =	vst v63  }
0xa2: {  	_ =	swait.ge @!p0 [sflag:s9], $0x60  }
0xa3: {  	[sflag:s9] =	ssyncset.done @!p0 $0x0  }
0xa4: {  	s26 =	simm.s32 @!p0 $0x200;
	s7 =	simm.s32 @!p0 $0x60;
	[sflag:s9] =	ssyncadd.s32 @!p0 $0xFFFFFFA0  }
0xa5: {  	[tilespmem:s26], [sflag:$0x1] =	stream.indirect.gather @!p0 [hbm4b:s3+s7], $0x80, s8, s7, $0xb8;
	[tilespmem:$0xC200] =	vst v63  }
0xa6: {  	s8 =	simm.s32 @!p0 $0x3200  }
0xa7: {  	[tilespmem:s8], [sflag:$0x2] =	stream.indirect.gather @!p0 [hbm4b:s4+s7], $0x80, s13, s7, $0xb8;
	[tilespmem:$0xC200] =	vst v63  }
0xa8: {  	_ =	swait.ge [sflag:s23], $0x3000  }
0xa9: {  	[sflag:s23] =	ssyncset.done $0x0  }
0xaa: {  	[sflag:s23] =	ssyncadd.s32 $0xFFFFD000  }
0xab: {  	_ =	swait.ge [sflag:s24], $0x3000  }
0xac: {  	[sflag:s24] =	ssyncset.done $0x0  }
0xad: {  	s0 =	sadd.s32 $0x600, s0;
	[sflag:s24] =	ssyncadd.s32 $0xFFFFD000  }
0xae: {  	[hbm4b:s0+s2] =	stream.linear.scatter [tilespmem:s19], [sflag:$0x5], $0x3000, $0x38;
	[tilespmem:$0xC200] =	vst v63  }
0xaf: {  	_ =	swait.ge [sflag:s12], $0x3000  }
0xb0: {  	[sflag:s12] =	ssyncset.done $0x0  }
0xb1: {  	s30 =	sadd.s32 $0x600, s1;
	[sflag:s12] =	ssyncadd.s32 $0xFFFFD000  }
0xb2: {  	[hbm4b:s30+s2] =	stream.linear.scatter [tilespmem:s20], [sflag:$0x5], $0x3000, $0x38;
	[tilespmem:$0xC200] =	vst v63  }
0xb3: {  	_ =	swait.ge [sflag:s12], $0x3000  }
0xb4: {  	s25 =	sadd.s32 $0x1, s25;
	s31 =	rddreg [dreg:$0x6]  }
0xb5: {  	p0 =	sne.s32 s25, s31  }
.Ltmp1:
0xb6: {  	_ = 	snop;
	(pc) =	sbr.rel @p0 .LBB2_1-.Ltmp1, $3  }
0xb7: {  	_ =	sdelay $0x1  }
0xb8: {  	[sflag:s12] =	ssyncset.done $0x0  }
0xb9: {  	[sflag:s12] =	ssyncadd.s32 $0xFFFFD000  }
0xba: {  	_ =	sfence.sel $0x180000  }
0xbb: {  	[bflag:$0x0] =	sbarrier.arrive $0xFFFF  }
0xbc: {  	_ =	strace $0x90000047  }
0xbd: {  	s0 =	stileid.u32;
	[bflag:$0x2] =	sbarrier.arrive $0xFFFF  }
0xbe: {  	p0 =	sne.s32 s0, $0x0;
	s0 =	rddreg [dreg:$0x1]  }
0xbf: {  	s0 =	sadd.s32 @!p0 $0x100000, s0  }
0xc0: {  	[sflag:s0] =	ssyncadd.tile.s32 @!p0 $0x1;
	_ =	shalt  }
.Lfunc_end2:
_tile_overlayer_lowered:
.L_overlay_start_2:
0xc1: {  	(tag) =	ssettag $0x2  }
0xc2: {  	s0 =	rddreg [dreg:$0x0];
	s2 =	stileid.u32  }
0xc3: {  	s1 =	rddreg [dreg:$0x1];
	p0 =	sne.s32 s2, $0x0  }
0xc4: {  	s3 =	rddreg [dreg:$0x2];
	[bflag:$0x3] =	sbarrier.arrive $0xFFFF;
	s2 =	simm.s32 @!p0 $0x1C05  }
0xc5: {  	[timem:s3], [sflag:s2] =	dma.local @!p0 [hbm:s0], s1  }
0xc6: {  	s0 =	simm.s32 @!p0 $0x5  }
0xc7: {  	_ =	swait.ge @!p0 [sflag:s0], s1  }
0xc8: {  	s1 =	ssub.s32 @!p0 $0x0, s1;
	[sflag:s0] =	ssyncset.done @!p0 $0x0  }
0xc9: {  	[sflag:s0] =	ssyncadd.s32 @!p0 s1  }
0xca: {  	[bflag:$0x3] =	sbarrier.arrive $0xFFFF  }
0xcb: {  	_ =	shalt  }

// kernel: kernel.14.cloned.1.call-start
scs
__scs_entry_jumppad:
0x0: {  	(pc) =	sbr.rel $0x88, $3  }
0x1: {  	(tag) =	ssettag $0x0;
	lr =	simm.s32 $0x1  }
0x2: {  	[smem:$0x3F8E] =	sst lr;
	_ =	strace $0xD0000000  }
0x3: {  	_ = 	snop  }
0x4: {  	_ = 	snop  }
0x5: {  	_ = 	snop  }
0x6: {  	_ = 	snop  }
0x7: {  	_ = 	snop  }
__scs_overlays_trampoline_lowered:
0x8: {  	[smem:$0x3F9D] =	sst s0  }
0x9: {  	[smem:$0x3F9E] =	sst s1  }
0xa: {  	[smem:$0x3F9F] =	sst s2  }
0xb: {  	[smem:$0x3FA0] =	sst s3  }
0xc: {  	[smem:$0x3FA1] =	sst s4  }
0xd: {  	[smem:$0x3FA2] =	sst s5  }
0xe: {  	[smem:$0x3FA3] =	sst s6  }
0xf: {  	[smem:$0x3FA4] =	sst s7  }
0x10: {  	[smem:$0x3FA5] =	sst s8  }
0x11: {  	[smem:$0x3FA6] =	sst s9;
	s0 =	simm.s32 @!p0 $0x0  }
0x12: {  	s1 =	sld [smem:$0x3F8C];
	s0 =	simm.s32 @p0 $0x1  }
0x13: {  	[smem:$0x3FA7] =	sst s0;
	s0 =	simm.s32 @!p1 $0x0  }
0x14: {  	s2 =	sld [smem:$0x3F8B];
	s0 =	simm.s32 @p1 $0x1  }
0x15: {  	[smem:$0x3FA8] =	sst s0;
	s0 =	simm.s32 @!p2 $0x0  }
0x16: {  	s3 =	sld [smem:$0x3FDB];
	s0 =	simm.s32 @p2 $0x1  }
0x17: {  	s4 =	simm.s32 $0x1BF5;
	[smem:$0x3FAA] =	sst s0  }
0x18: {  	s0 =	sld [smem:$0x3F8D];
	_ =	swait.ge [sflag:s4], $0x0  }
0x19: {  	s7 =	sld [smem:$0x3F8E]  }
0x1a: {  	s8 =	sadd.s32 $0xFFFFE003, lr  }
0x1b: {  	s9 =	sadd.s32 $0xFFFFFEF7, lr;
	s5 =	simm.s32 $0xFFFFFFFF;
	p2 =	slt.u32 s8, $0xFFFFF086  }
0x1c: {  	p1 =	slt.u32 s9, $0xF7A;
	s5 =	simm.s32 @!p2 $0x0  }
0x1d: {  	s5 =	simm.s32 @p1 $0x1;
	p0 =	seq.s32 s7, s2  }
0x1e: {  	s7 =	smul.u32 @!p0 $0xF7A, s2;
	p2 =	seq.s32 @!p0 s5, $0x0  }
0x1f: {  	s9 =	smul.u32 $0xF7A, s1;
	s8 =	simm.s32 @!p0 $0x1BF5;
	p2 =	por !p2, p0  }
0x20: {  	[sflag:s8] =	ssyncset.s32 @!p0 $0xFFFFF086;
	s6 =	sadd.s32 @!p0 s3, s7;
	s7 =	simm.s32 @!p0 $0x108  }
0x21: {  	s3 =	sadd.s32 s3, s9;
	s6 =	sadd.s32 @!p0 $0x88, s6;
	s7 =	simm.s32 @p2 $0x1082  }
0x22: {  	[simem:s7], [sflag:s8] =	dma.local @!p0 [hbm:s6], $0xF7A  }
0x23: {  	s9 =	sor.u32 $0xD0000000, s2;
	s6 =	simm.s32 $0x108;
	_ =	swait.ge @!p0 [sflag:s8], $0x0  }
0x24: {  	s3 =	sadd.s32 $0x88, s3;
	s6 =	simm.s32 @!p1 $0x1082;
	[sflag:s4] =	ssyncset.s32 $0xFFFFF086  }
0x25: {  	[simem:s6], [sflag:s4] =	dma.local [hbm:s3], $0xF7A  }
0x26: {  	[smem:$0x3F8E] =	sst s1;
	(tag) =	ssettag s2;
	_ =	strace s9  }
0x27: {  	s1 =	sld [smem:$0x3F9E]  }
0x28: {  	s2 =	sld [smem:$0x3F9F]  }
0x29: {  	s4 =	sld [smem:$0x3FA1]  }
0x2a: {  	p0 =	seq.s32 s5, $0x0;
	s5 =	sld [smem:$0x3FA2]  }
0x2b: {  	s6 =	sld [smem:$0x3FA3]  }
0x2c: {  	s7 =	sld [smem:$0x3FA4]  }
0x2d: {  	s3 =	simm.s32 $0x108;
	s8 =	sld [smem:$0x3FA5]  }
0x2e: {  	s3 =	simm.s32 @!p0 $0x1082;
	s9 =	sld [smem:$0x3FA6]  }
0x2f: {  	lr =	sadd.s32 s0, s3;
	s0 =	sld [smem:$0x3F9D]  }
0x30: {  	s3 =	sld [smem:$0x3FA0]  }
0x31: {  	[smem:$0x3FA9] =	sst s10  }
0x32: {  	s10 =	sld [smem:$0x3FA7];
	_ =	sdelay $0x3  }
0x33: {  	p0 =	seq.s32 s10, $0x1;
	s10 =	sld [smem:$0x3FA9];
	_ =	sdelay $0x3  }
0x34: {  	[smem:$0x3FA9] =	sst s10  }
0x35: {  	s10 =	sld [smem:$0x3FA8];
	_ =	sdelay $0x3  }
0x36: {  	p1 =	seq.s32 s10, $0x1;
	s10 =	sld [smem:$0x3FA9];
	_ =	sdelay $0x3  }
0x37: {  	[smem:$0x3FA9] =	sst s10  }
0x38: {  	s10 =	sld [smem:$0x3FAA]  }
0x39: {  	_ = 	snop;
	(pc) =	sbr.ind lr, $3  }
0x3a: {  	_ = 	snop  }
0x3b: {  	_ = 	snop  }
0x3c: {  	p2 =	seq.s32 s10, $0x1;
	s10 =	sld [smem:$0x3FA9]  }
0x3d: {  	_ =	shalt  }
0x3e: {  	_ =	shalt  }
0x3f: {  	_ =	shalt  }
0x40: {  	_ =	shalt  }
0x41: {  	_ =	shalt  }
0x42: {  	_ =	shalt  }
0x43: {  	_ =	shalt  }
0x44: {  	_ =	shalt  }
0x45: {  	_ =	shalt  }
0x46: {  	_ =	shalt  }
0x47: {  	_ =	shalt  }
0x48: {  	_ =	shalt  }
0x49: {  	_ =	shalt  }
0x4a: {  	_ =	shalt  }
0x4b: {  	_ =	shalt  }
0x4c: {  	_ =	shalt  }
0x4d: {  	_ =	shalt  }
0x4e: {  	_ =	shalt  }
0x4f: {  	_ =	shalt  }
0x50: {  	_ =	shalt  }
0x51: {  	_ =	shalt  }
0x52: {  	_ =	shalt  }
0x53: {  	_ =	shalt  }
0x54: {  	_ =	shalt  }
0x55: {  	_ =	shalt  }
0x56: {  	_ =	shalt  }
0x57: {  	_ =	shalt  }
0x58: {  	_ =	shalt  }
0x59: {  	_ =	shalt  }
0x5a: {  	_ =	shalt  }
0x5b: {  	_ =	shalt  }
0x5c: {  	_ =	shalt  }
0x5d: {  	_ =	shalt  }
0x5e: {  	_ =	shalt  }
0x5f: {  	_ =	shalt  }
0x60: {  	_ =	shalt  }
0x61: {  	_ =	shalt  }
0x62: {  	_ =	shalt  }
0x63: {  	_ =	shalt  }
0x64: {  	_ =	shalt  }
0x65: {  	_ =	shalt  }
0x66: {  	_ =	shalt  }
0x67: {  	_ =	shalt  }
0x68: {  	_ =	shalt  }
0x69: {  	_ =	shalt  }
0x6a: {  	_ =	shalt  }
0x6b: {  	_ =	shalt  }
0x6c: {  	_ =	shalt  }
0x6d: {  	_ =	shalt  }
0x6e: {  	_ =	shalt  }
0x6f: {  	_ =	shalt  }
0x70: {  	_ =	shalt  }
0x71: {  	_ =	shalt  }
0x72: {  	_ =	shalt  }
0x73: {  	_ =	shalt  }
0x74: {  	_ =	shalt  }
0x75: {  	_ =	shalt  }
0x76: {  	_ =	shalt  }
0x77: {  	_ =	shalt  }
0x78: {  	_ =	shalt  }
0x79: {  	_ =	shalt  }
0x7a: {  	_ =	shalt  }
0x7b: {  	_ =	shalt  }
0x7c: {  	_ =	shalt  }
0x7d: {  	_ =	shalt  }
0x7e: {  	_ =	shalt  }
0x7f: {  	_ =	shalt  }
0x80: {  	_ =	shalt  }
0x81: {  	_ =	shalt  }
0x82: {  	_ =	shalt  }
0x83: {  	_ =	shalt  }
0x84: {  	_ =	shalt  }
0x85: {  	_ =	shalt  }
0x86: {  	_ =	shalt  }
0x87: {  	_ =	shalt  }
.Lfunc_end0:
.L_simem_size_0:
called_computation.2_lowered:
.L_overlay_start_0:
0x88: {  	s2 =	sld [smem:$0x3FD9]  }
0x89: {  	s3 =	sld [smem:$0x3FFE];
	_ =	sdelay $0x1  }
0x8a: {  	s1 =	srdreg.scid  }
0x8b: {  	s0 =	sand.u32 $0x1, s1  }
0x8c: {  	s17 =	sshll.u32 s0, $0xA;
	s2 =	sadd.s32 s3, s2  }
0x8d: {  	s2 =	sadd.s32 s2, s17  }
0x8e: {  	[smem:$0x3FB5] =	sst s2  }
0x8f: {  	_ = 	snop  }
0x90: {  	s2 =	sld [smem:$0x3FD0];
	(tm) =	ssettm $0x1  }
0x91: {  	s18 =	sld [smem:$0x3FFB];
	_ =	sdelay $0x3  }
0x92: {  	_ =	strace s18  }
0x93: {  	s3 =	sld [smem:$0x3FFC];
	_ =	sdelay $0x3  }
0x94: {  	_ =	strace s3  }
0x95: {  	s3 =	sld [smem:$0x3FFD];
	_ =	sdelay $0x3  }
0x96: {  	_ =	strace s3  }
0x97: {  	_ =	strace $0x8FFFFFFF  }
0x98: {  	s19 =	sld [smem:$0x3FDB];
	_ =	sdelay $0x1  }
0x99: {  	s4 =	simm.s32 $_scs_section_size  }
0x9a: {  	s5 =	simm.s32 $_size__tile_overlayer_lowered;
	s6 =	simm.s32 $_tile_overlayer_lowered  }
0x9b: {  	s22 =	simm.s32 $0x1BFF;
	s21 =	sshll.u32 s6, $0x1;
	s3 =	sadd.s32 s4, s19  }
0x9c: {  	s7 =	simm.s32 $0x0;
	s20 =	sshll.u32 s5, $0x1;
	s5 =	sadd.s32 s21, s3  }
0x9d: {  	[timem:s7], [sflag:s22] =	dma.local [hbm:s5], s20  }
0x9e: {  	_ =	swait.ge [sflag:s22], s20  }
0x9f: {  	s4 =	ssub.s32 $0x0, s20;
	[sflag:s22] =	ssyncset.done $0x0  }
0xa0: {  	[sflag:s22] =	ssyncadd.s32 s4;
	_ =	sdelay $0x1  }
0xa1: {  	s23 =	simm.s32 $0x1B8B  }
0xa2: {  	_ =	swait.ge [sflag:s23], $0x1  }
0xa3: {  	[sflag:s23] =	ssyncset.done $0x0  }
0xa4: {  	s25 =	simm.s32 $0x1B8E;
	s24 =	sld [smem:$0x3FFE];
	[sflag:s23] =	ssyncadd.s32 $0xFFFFFFFF  }
0xa5: {  	s26 =	simm.s32 $execute0_lowered;
	[smem:$0x3FD2] =	sst s25  }
0xa6: {  	s5 =	sshll.u32 s26, $0x1;
	_ =	strace $0x8000004C;
	[dreg:$0x1] =	wrdreg $0xFFFFFFFF  }
0xa7: {  	s28 =	simm.s32 $_size_execute0_lowered;
	s3 =	sadd.s32 s3, s5;
	[dreg:$0x0] =	wrdreg $0x0  }
0xa8: {  	s5 =	sshll.u32 s28, $0x1;
	[dreg:$0x2] =	wrdreg s3  }
0xa9: {  	[dreg:$0x3] =	wrdreg s5  }
0xaa: {  	[dreg:$0x4] =	wrdreg $0xC0  }
0xab: {  	_ =	task [dreg:s7], $0x5FFFF  }
0xac: {  	[dreg:$0x1] =	wrdreg $0xFFFFFFFF  }
0xad: {  	[dreg:$0x0] =	wrdreg $0x60  }
0xae: {  	[dreg:$0x2] =	wrdreg s24  }
0xaf: {  	[dreg:$0x3] =	wrdreg s2  }
0xb0: {  	[dreg:$0x4] =	wrdreg $0xC480  }
0xb1: {  	[dreg:$0x5] =	wrdreg $0x0  }
0xb2: {  	[dreg:$0x6] =	wrdreg $0x6280  }
0xb3: {  	[dreg:$0x7] =	wrdreg $0x6200  }
0xb4: {  	[dreg:$0x8] =	wrdreg $0x9  }
0xb5: {  	_ =	task.clear_ibuf [dreg:s7], $0x9FFFF;
	_ =	strace $0x9000004C  }
0xb6: {  	s29 =	simm.s32 $0x9;
	_ =	strace $0x8000004E  }
0xb7: {  	_ =	swait.ge [sflag:s29], $0x1  }
0xb8: {  	[sflag:s29] =	ssyncadd.s32 $0xFFFFFFFF  }
0xb9: {  	_ =	strace $0x9000004E  }
0xba: {  	_ =	sfence  }
0xbb: {  	s30 =	sld [smem:$0x0];
	_ =	sdelay $0x2  }
0xbc: {  	s31 =	sshll.u32 s1, $0xD;
	s1 =	sshrl.u32 s1, $0x2  }
0xbd: {  	s3 =	sand.u32 $0x4000, s31;
	s1 =	sadd.s32 s1, s30  }
0xbe: {  	s0 =	sor.u32 s3, s0;
	s1 =	sshll.u32 s1, $0x11  }
0xbf: {  	s0 =	sor.u32 s1, s0  }
0xc0: {  	s0 =	sadd.s32 $0x8F2B, s0  }
0xc1: {  	[sflag:s0] =	ssyncadd.remote.s32 $0x1  }
0xc2: {  	_ =	sfence.sel $0xFFFF  }
0xc3: {  	[dreg:$0x0] =	wrdreg $0xFFFFFFFF;
	(pc) =	sbr.abs _section_cstart, $3  }
0xc4: {  	[dreg:$0x1] =	wrdreg $0xFFFFFFFF  }
0xc5: {  	_ =	task.clear_ibuf [dreg:s7], $0x2FFFF;
	_ =	strace $0x9FFFFFFF  }
0xc6: {  	(tm) =	ssettm $0x7FFFFFFF  }
0xc7: {  	_ =	shalt  }
tec
execute0_lowered:
.L_overlay_start_1:
0x0: {  	(tag) =	ssettag $0x1  }
0x1: {  	s2 =	rddreg [dreg:$0x0];
	s1 =	srdreg.scid  }
0x2: {  	s3 =	rddreg [dreg:$0x1];
	s1 =	sand.u32 $0x1, s1  }
0x3: {  	s9 =	rddreg [dreg:$0x2];
	p0 =	seq.s32 s1, $0x1  }
.Ltmp0:
0x4: {  	s7 =	rddreg [dreg:$0x3];
	(pc) =	sbr.rel @p0 .LBB2_12-.Ltmp0, $4  }
0x5: {  	s4 =	rddreg [dreg:$0x4]  }
0x6: {  	s5 =	rddreg [dreg:$0x5];
	s6 =	simm.s32 $0x0  }
0x7: {  	[smem:$0x7FF] =	sst s6  }
0x8: {  	s0 =	rddreg [dreg:$0x6];
	_ =	strace $0x8000004D;
	s1 =	stileid.u32  }
0x9: {  	s6 =	smul.u32 $0x380, s1  }
0xa: {  	s14 =	smul.u32 $0x620, s1;
	s8 =	sshll.u32 s1, $0x7  }
0xb: {  	s15 =	simm.s32 $0x0;
	s10 =	sadd.s32 s8, s9;
	s6 =	sadd.s32 s6, s2  }
0xc: {  	s13 =	sadd.s32 s14, s7;
	s2 =	sadd.s32 s14, s4;
	s14 =	sshrl.u32 s14, $0x3  }
0xd: {  	s12 =	sadd.s32 $0x4400, s6;
	s11 =	sadd.s32 $0x453000, s6;
	s8 =	sadd.s32 $0x45A000, s6  }
0xe: {  	v0 =	vimm.f32 $0.0e+00;
	s6 =	sadd.s32 $0x456800, s6;
	s3 =	sadd.s32 s3, s14;
	s14 =	simm.s32 $0x40  }
.LBB2_2:
0xf: {  	p0 =	sne.s32 s14, $0x1840;
	[tilespmem:s15+$0xC58] =	vst v0;
	s15 =	smov.u32 s14;
	s14 =	sadd.s32 $0x40, s14  }
.Ltmp1:
0x10: {  	(pc) =	sbr.rel @p0 .LBB2_2-.Ltmp1, $2  }
0x11: {  	_ =	sdelay $0x2  }
0x12: {  	s15 =	sshra.s32 s15, $0x2  }
0x13: {  	[tilespmem:s15+$0xC58] =	vst v0;
	s14 =	simm.s32 $0xC58;
	s26 =	simm.s32 $0x2  }
0x14: {  	[spmem:s13] =	stream.linear.scatter [tilespmem:s14], [sflag:$0x2], $0x620, $0x38;
	[tilespmem:$0x126D8] =	vst v63  }
0x15: {  	_ =	swait.ge [sflag:s26], $0x620  }
0x16: {  	[sflag:s26] =	ssyncset.done $0x0  }
0x17: {  	[sflag:s26] =	ssyncadd.s32 $0xFFFFF9E0  }
0x18: {  	[spmem:s2] =	stream.linear.scatter [tilespmem:s14], [sflag:$0x2], $0x620, $0x38;
	[tilespmem:$0x126D8] =	vst v63  }
0x19: {  	_ =	swait.ge [sflag:s26], $0x620  }
0x1a: {  	p0 =	sne.s32 s1, $0x0;
	[sflag:s26] =	ssyncset.done $0x0  }
0x1b: {  	s14 =	simm.s32 @!p0 $0xC58;
	[sflag:s26] =	ssyncadd.s32 $0xFFFFF9E0  }
0x1c: {  	[spmem:s5] =	stream.linear.scatter @!p0 [tilespmem:s14], [sflag:$0x2], $0x50, $0x38;
	[tilespmem:$0x126D8] =	vst v63  }
0x1d: {  	s14 =	simm.s32 @!p0 $0x2  }
0x1e: {  	_ =	swait.ge @!p0 [sflag:s14], $0x50  }
0x1f: {  	[sflag:s14] =	ssyncset.done @!p0 $0x0  }
0x20: {  	s28 =	simm.s32 $0x0;
	s29 =	simm.s32 $0x12D8;
	[sflag:s14] =	ssyncadd.s32 @!p0 $0xFFFFFFB0  }
0x21: {  	[tilespmem:s29], [sflag:$0x2] =	stream.linear.gather [hbm4b:s12+s28], $0x1C00, $0x38;
	[tilespmem:$0x126D8] =	vst v63  }
0x22: {  	_ =	swait.ge [sflag:s26], $0x1C00  }
0x23: {  	[sflag:s26] =	ssyncset.done $0x0  }
0x24: {  	s30 =	simm.s32 $0x66D8;
	[sflag:s26] =	ssyncadd.s32 $0xFFFFE400  }
0x25: {  	[tilespmem:s30], [sflag:$0x2] =	stream.linear.gather [hbm4b:s11+s28], $0x1C00, $0x38;
	[tilespmem:$0x126D8] =	vst v63  }
0x26: {  	_ =	swait.ge [sflag:s26], $0x1C00  }
0x27: {  	[sflag:s26] =	ssyncset.done $0x0  }
0x28: {  	[sflag:s26] =	ssyncadd.s32 $0xFFFFE400  }
0x29: {  	v0 =	vld [tilespmem:$0x12D8];
	_ =	sdelay $0x4  }
0x2a: {  	s31 =	simm.s32 $0x0;
	[tilespmem:$0x11E58] =	vst v0  }
0x2b: {  	v1 =	vld [tilespmem:s31+$0x12D8];
	_ =	sdelay $0x4  }
0x2c: {  	v0 =	vmax.f32 v0, v1  }
0x2d: {  	[tilespmem:$0x11E58] =	vst v0  }
0x2e: {  	v1 =	vld [tilespmem:s31+$0x12E8];
	_ =	sdelay $0x4  }
0x2f: {  	v0 =	vmax.f32 v0, v1  }
0x30: {  	[tilespmem:$0x11E58] =	vst v0  }
0x31: {  	v1 =	vld [tilespmem:s31+$0x12F8];
	_ =	sdelay $0x4  }
0x32: {  	v0 =	vmax.f32 v0, v1  }
0x33: {  	[tilespmem:$0x11E58] =	vst v0  }
0x34: {  	v1 =	vld [tilespmem:s31+$0x1308];
	_ =	sdelay $0x4  }
0x35: {  	v0 =	vmax.f32 v0, v1  }
0x36: {  	[tilespmem:$0x11E58] =	vst v0  }
0x37: {  	v1 =	vld [tilespmem:s31+$0x1318];
	_ =	sdelay $0x4  }
0x38: {  	v0 =	vmax.f32 v0, v1  }
0x39: {  	[tilespmem:$0x11E58] =	vst v0  }
0x3a: {  	v1 =	vld [tilespmem:s31+$0x1328];
	_ =	sdelay $0x4  }
0x3b: {  	v0 =	vmax.f32 v0, v1  }
0x3c: {  	[tilespmem:$0x11E58] =	vst v0  }
0x3d: {  	v1 =	vld [tilespmem:s31+$0x1338];
	_ =	sdelay $0x4  }
0x3e: {  	v0 =	vmax.f32 v0, v1  }
0x3f: {  	[tilespmem:$0x11E58] =	vst v0  }
0x40: {  	v1 =	vld [tilespmem:s31+$0x1348];
	_ =	sdelay $0x4  }
0x41: {  	s12 =	simm.s32 $0x400;
	s11 =	simm.s32 $0x200;
	v0 =	vmax.f32 v0, v1  }
.LBB2_4:
0x42: {  	p0 =	sne.s32 s12, $0x6E00  }
0x43: {  	s13 =	sshra.s32 s11, $0x2;
	[tilespmem:$0x11E58] =	vst v0;
	s11 =	smov.u32 s12;
	s12 =	sadd.s32 $0x200, s12  }
0x44: {  	v1 =	vld [tilespmem:s13+$0x12D8];
	_ =	sdelay $0x4  }
0x45: {  	v0 =	vmax.f32 v0, v1  }
0x46: {  	[tilespmem:$0x11E58] =	vst v0  }
0x47: {  	v1 =	vld [tilespmem:s13+$0x12E8];
	_ =	sdelay $0x4  }
0x48: {  	v0 =	vmax.f32 v0, v1  }
0x49: {  	[tilespmem:$0x11E58] =	vst v0  }
0x4a: {  	v1 =	vld [tilespmem:s13+$0x12F8];
	_ =	sdelay $0x4  }
0x4b: {  	v0 =	vmax.f32 v0, v1  }
0x4c: {  	[tilespmem:$0x11E58] =	vst v0  }
0x4d: {  	v1 =	vld [tilespmem:s13+$0x1308];
	_ =	sdelay $0x4  }
0x4e: {  	v0 =	vmax.f32 v0, v1  }
0x4f: {  	[tilespmem:$0x11E58] =	vst v0  }
0x50: {  	v1 =	vld [tilespmem:s13+$0x1318];
	_ =	sdelay $0x4  }
0x51: {  	v0 =	vmax.f32 v0, v1  }
0x52: {  	[tilespmem:$0x11E58] =	vst v0  }
0x53: {  	v1 =	vld [tilespmem:s13+$0x1328];
	_ =	sdelay $0x4  }
0x54: {  	v0 =	vmax.f32 v0, v1  }
0x55: {  	[tilespmem:$0x11E58] =	vst v0  }
0x56: {  	v1 =	vld [tilespmem:s13+$0x1338];
	_ =	sdelay $0x4  }
0x57: {  	v0 =	vmax.f32 v0, v1  }
0x58: {  	[tilespmem:$0x11E58] =	vst v0  }
0x59: {  	v1 =	vld [tilespmem:s13+$0x1348]  }
.Ltmp2:
0x5a: {  	(pc) =	sbr.rel @p0 .LBB2_4-.Ltmp2, $2  }
0x5b: {  	_ =	sdelay $0x2  }
0x5c: {  	v0 =	vmax.f32 v0, v1  }
0x5d: {  	s11 =	sshra.s32 s11, $0x2;
	[tilespmem:$0x11E58] =	vst v0  }
0x5e: {  	v1 =	vld [tilespmem:s11+$0x12D8];
	_ =	sdelay $0x4  }
0x5f: {  	v0 =	vmax.f32 v0, v1  }
0x60: {  	[tilespmem:$0x11E58] =	vst v0  }
0x61: {  	v1 =	vld [tilespmem:s11+$0x12E8];
	_ =	sdelay $0x4  }
0x62: {  	v0 =	vmax.f32 v0, v1  }
0x63: {  	[tilespmem:$0x11E58] =	vst v0  }
0x64: {  	v1 =	vld [tilespmem:s11+$0x12F8];
	_ =	sdelay $0x4  }
0x65: {  	v0 =	vmax.f32 v0, v1  }
0x66: {  	[tilespmem:$0x11E58] =	vst v0  }
0x67: {  	v1 =	vld [tilespmem:s11+$0x1308];
	_ =	sdelay $0x4  }
0x68: {  	v0 =	vmax.f32 v0, v1  }
0x69: {  	[tilespmem:$0x11E58] =	vst v0  }
0x6a: {  	v1 =	vld [tilespmem:s11+$0x1318];
	_ =	sdelay $0x4  }
0x6b: {  	v0 =	vmax.f32 v0, v1  }
0x6c: {  	[tilespmem:$0x11E58] =	vst v0  }
0x6d: {  	v1 =	vld [tilespmem:s11+$0x1328];
	_ =	sdelay $0x4  }
0x6e: {  	v0 =	vmax.f32 v0, v1  }
0x6f: {  	[tilespmem:$0x11E58] =	vst v0  }
0x70: {  	v1 =	vld [tilespmem:s11+$0x1338];
	_ =	sdelay $0x4  }
0x71: {  	v0 =	vmax.f32 v0, v1  }
0x72: {  	[tilespmem:$0x11E58] =	vst v0  }
0x73: {  	v1 =	vld [tilespmem:s11+$0x1348];
	_ =	sdelay $0x4  }
0x74: {  	v0 =	vmax.f32 v0, v1  }
0x75: {  	(xrf0) =	vmax.scan.msk.f32 $0xffff, v0;
	_ =	sdelay $0x5  }
0x76: {  	v1, _, _ =	vpop (xrf0)  }
0x77: {  	v1 =	vbroadcast v1, $0xF  }
0x78: {  	[tilespmem:$0x11E58] =	vst v0  }
0x79: {  	s29 =	simm.s32 $0x11E58;
	s30 =	simm.s32 $0x2;
	[tilespmem:$0x11E58] =	vst v1  }
0x7a: {  	[spmem:s10] =	stream.linear.scatter [tilespmem:s29], [sflag:$0x2], $0x80, $0x38;
	[tilespmem:$0x126D8] =	vst v63  }
0x7b: {  	_ =	swait.ge [sflag:s30], $0x80  }
0x7c: {  	[sflag:s30] =	ssyncset.done $0x0  }
0x7d: {  	[sflag:s30] =	ssyncadd.s32 $0xFFFFFF80  }
0x7e: {  	s31 =	simm.s32 $0x11ED8;
	[bflag:$0x0] =	sbarrier.arrive $0xFFFF  }
0x7f: {  	[tilespmem:s31], [sflag:$0x2] =	stream.linear.gather [spmem:s9], $0x800, $0x38;
	[tilespmem:$0x126D8] =	vst v63  }
0x80: {  	_ =	swait.ge [sflag:s30], $0x800  }
0x81: {  	[sflag:s30] =	ssyncset.done $0x0  }
0x82: {  	[sflag:s30] =	ssyncadd.s32 $0xFFFFF800  }
0x83: {  	v0 =	vld [tilespmem:$0x11ED8]  }
0x84: {  	v1 =	vld [tilespmem:$0x11F58]  }
0x85: {  	v2 =	vld [tilespmem:$0x11FD8]  }
0x86: {  	v3 =	vld [tilespmem:$0x12058]  }
0x87: {  	v4 =	vld [tilespmem:$0x120D8]  }
0x88: {  	v5 =	vld [tilespmem:$0x12158]  }
0x89: {  	v6 =	vld [tilespmem:$0x121D8];
	v1 =	vmax.f32 v0, v1  }
0x8a: {  	v7 =	vld [tilespmem:$0x12258];
	v2 =	vmax.f32 v1, v2  }
0x8b: {  	v8 =	vld [tilespmem:$0x122D8];
	v3 =	vmax.f32 v2, v3  }
0x8c: {  	[tilespmem:$0x11E58] =	vst v0;
	v0 =	vmax.f32 v3, v4;
	v4 =	vld [tilespmem:$0x12358]  }
0x8d: {  	[tilespmem:$0x11E58] =	vst v1;
	v1 =	vmax.f32 v0, v5;
	v5 =	vld [tilespmem:$0x123D8]  }
0x8e: {  	[tilespmem:$0x11E58] =	vst v2;
	v2 =	vmax.f32 v1, v6;
	v6 =	vld [tilespmem:$0x12458]  }
0x8f: {  	[tilespmem:$0x11E58] =	vst v3;
	v3 =	vmax.f32 v2, v7;
	v7 =	vld [tilespmem:$0x124D8]  }
0x90: {  	[tilespmem:$0x11E58] =	vst v0;
	v0 =	vmax.f32 v3, v8;
	v8 =	vld [tilespmem:$0x12558]  }
0x91: {  	[tilespmem:$0x11E58] =	vst v1;
	v1 =	vmax.f32 v0, v4;
	v4 =	vld [tilespmem:$0x125D8]  }
0x92: {  	[tilespmem:$0x11E58] =	vst v2;
	v2 =	vmax.f32 v1, v5;
	v5 =	vld [tilespmem:$0x12658]  }
0x93: {  	[tilespmem:$0x11E58] =	vst v3;
	v3 =	vmax.f32 v2, v6  }
0x94: {  	[tilespmem:$0x11E58] =	vst v0;
	v0 =	vmax.f32 v3, v7  }
0x95: {  	[tilespmem:$0x11E58] =	vst v1;
	v1 =	vmax.f32 v0, v8  }
0x96: {  	[tilespmem:$0x11E58] =	vst v2;
	v2 =	vmax.f32 v1, v4  }
0x97: {  	[tilespmem:$0x11E58] =	vst v3;
	v3 =	vmax.f32 v2, v5  }
0x98: {  	[tilespmem:$0x11E58] =	vst v0;
	(xrf0) =	vmax.scan.msk.f32 $0xffff, v3  }
0x99: {  	[tilespmem:$0x11E58] =	vst v1  }
0x9a: {  	[tilespmem:$0x11E58] =	vst v2  }
0x9b: {  	s10 =	simm.s32 $0x0;
	[tilespmem:$0x11E58] =	vst v3  }
0x9c: {  	v1 =	vld [tilespmem:s10+$0x1348]  }
0x9d: {  	v2 =	vld [tilespmem:s10+$0x12D8]  }
0x9e: {  	v3 =	vld [tilespmem:s10+$0x12E8];
	v0, _, _ =	vpop (xrf0)  }
0x9f: {  	v4 =	vld [tilespmem:s10+$0x12F8];
	v0 =	vbroadcast v0, $0xF  }
0xa0: {  	v5 =	vld [tilespmem:s10+$0x1308]  }
0xa1: {  	v6 =	vld [tilespmem:s10+$0x1318];
	v1 =	vsub.f32 v1, v0  }
0xa2: {  	v7 =	vld [tilespmem:s10+$0x1328];
	v2 =	vsub.f32 v2, v0  }
0xa3: {  	v8 =	vld [tilespmem:s10+$0x1338];
	v3 =	vsub.f32 v3, v0;
	v1 =	vmul.f32 $1.442695020e+00, v1  }
0xa4: {  	s9 =	simm.s32 $0x80;
	v4 =	vsub.f32 v4, v0;
	v2 =	vmul.f32 $1.442695020e+00, v2  }
0xa5: {  	v9 =	vld [tilespmem:s9+$0x1348];
	v5 =	vsub.f32 v5, v0;
	v3 =	vmul.f32 $1.442695020e+00, v3;
	(erf) = vpow2.f32 v1  }
0xa6: {  	v6 =	vsub.f32 v6, v0;
	v4 =	vmul.f32 $1.442695020e+00, v4;
	v1 =	vld [tilespmem:s9+$0x12D8];
	(erf) = vpow2.f32 v2  }
0xa7: {  	v10 =	vld [tilespmem:s9+$0x12E8];
	v2 =	vmul.f32 $1.442695020e+00, v5;
	v5 =	vsub.f32 v7, v0;
	(erf) = vpow2.f32 v3  }
0xa8: {  	v11 =	vld [tilespmem:s9+$0x12F8];
	v3 =	vmul.f32 $1.442695020e+00, v6;
	v6 =	vsub.f32 v8, v0;
	(erf) = vpow2.f32 v4  }
0xa9: {  	v4 =	vld [tilespmem:s9+$0x1308];
	v5 =	vmul.f32 $1.442695020e+00, v5;
	(erf) = vpow2.f32 v2  }
0xaa: {  	v7 =	vsub.f32 v9, v0;
	v2 =	vld [tilespmem:s9+$0x1318];
	v8 =	vmul.f32 $1.442695020e+00, v6;
	(erf) = vpow2.f32 v3  }
0xab: {  	v9 =	vsub.f32 v1, v0;
	v3 =	vld [tilespmem:s9+$0x1328];
	(erf) = vpow2.f32 v5  }
0xac: {  	v6 =	vsub.f32 v10, v0;
	v1 =	vld [tilespmem:s9+$0x1338];
	v5 =	vmul.f32 $1.442695020e+00, v7;
	(erf) = vpow2.f32 v8  }
0xad: {  	s12 =	simm.s32 $0x600;
	s11 =	simm.s32 $0x100;
	v7 =	vmul.f32 $1.442695020e+00, v9;
	v8 =	vsub.f32 v11, v0  }
.LBB2_6:
0xae: {  	p0 =	sne.s32 s12, $0x6E00;
	v9 =	vld [tilespmem:s11+$0x1348];
	v6 =	vmul.f32 $1.442695020e+00, v6;
	v12 =	vsub.f32 v4, v0;
	(erf) = vpow2.f32 v5;
	v5 =	vpop (erf);
	s13 =	smov.u32 s9;
	s9 =	smov.u32 s11  }
0xaf: {  	v10 =	vld [tilespmem:s9+$0x12D8];
	v8 =	vmul.f32 $1.442695020e+00, v8;
	v13 =	vsub.f32 v2, v0;
	(erf) = vpow2.f32 v7;
	[tilespmem:s10+$0x2F48] =	vst v5;
	v5 =	vpop (erf)  }
0xb0: {  	v7 =	vld [tilespmem:s9+$0x12E8];
	v11 =	vmul.f32 $1.442695020e+00, v12;
	v14 =	vsub.f32 v3, v0;
	(erf) = vpow2.f32 v6;
	[tilespmem:s10+$0x2ED8] =	vst v5;
	v4 =	vpop (erf)  }
0xb1: {  	v12 =	vld [tilespmem:s9+$0x12F8];
	v5 =	vmul.f32 $1.442695020e+00, v13;
	v13 =	vsub.f32 v1, v0;
	(erf) = vpow2.f32 v8;
	[tilespmem:s10+$0x2EE8] =	vst v4;
	v2 =	vpop (erf)  }
.Ltmp3:
0xb2: {  	v4 =	vld [tilespmem:s9+$0x1308];
	v6 =	vmul.f32 $1.442695020e+00, v14;
	(erf) = vpow2.f32 v11;
	[tilespmem:s10+$0x2EF8] =	vst v2;
	v3 =	vpop (erf);
	(pc) =	sbr.rel @p0 .LBB2_6-.Ltmp3, $4  }
0xb3: {  	v2 =	vld [tilespmem:s9+$0x1318];
	v8 =	vsub.f32 v9, v0;
	v13 =	vmul.f32 $1.442695020e+00, v13;
	(erf) = vpow2.f32 v5;
	[tilespmem:s10+$0x2F08] =	vst v3;
	v1 =	vpop (erf)  }
0xb4: {  	v10 =	vsub.f32 v10, v0;
	v3 =	vld [tilespmem:s9+$0x1328];
	(erf) = vpow2.f32 v6;
	[tilespmem:s10+$0x2F18] =	vst v1;
	v11 =	vpop (erf)  }
0xb5: {  	v6 =	vsub.f32 v7, v0;
	v1 =	vld [tilespmem:s9+$0x1338];
	v5 =	vmul.f32 $1.442695020e+00, v8;
	(erf) = vpow2.f32 v13;
	[tilespmem:s10+$0x2F28] =	vst v11;
	v9 =	vpop (erf)  }
0xb6: {  	s11 =	sshra.s32 s12, $0x2;
	s12 =	sadd.s32 $0x200, s12;
	v7 =	vmul.f32 $1.442695020e+00, v10;
	v8 =	vsub.f32 v12, v0;
	[tilespmem:s10+$0x2F38] =	vst v9;
	s10 =	smov.u32 s13  }
0xb7: {  	v9 =	vld [tilespmem:s11+$0x1348];
	v10 =	vpop (erf)  }
0xb8: {  	v11 =	vld [tilespmem:s11+$0x12D8];
	v6 =	vmul.f32 $1.442695020e+00, v6;
	v4 =	vsub.f32 v4, v0;
	(erf) = vpow2.f32 v5;
	[tilespmem:s10+$0x2F48] =	vst v10;
	v22 =	vpop (erf)  }
0xb9: {  	(erf) = vpow2.f32 v7;
	v25 =	vmul.f32 $1.442695020e+00, v8;
	v2 =	vsub.f32 v2, v0;
	v12 =	vld [tilespmem:s11+$0x12E8];
	[tilespmem:s10+$0x2ED8] =	vst v22;
	v23 =	vpop (erf)  }
0xba: {  	v4 =	vmul.f32 $1.442695020e+00, v4;
	v3 =	vsub.f32 v3, v0;
	(erf) = vpow2.f32 v6;
	v13 =	vld [tilespmem:s11+$0x12F8];
	[tilespmem:s10+$0x2EE8] =	vst v23;
	v24 =	vpop (erf)  }
0xbb: {  	(erf) = vpow2.f32 v25;
	v2 =	vmul.f32 $1.442695020e+00, v2;
	v1 =	vsub.f32 v1, v0;
	v10 =	vld [tilespmem:s11+$0x1308];
	[tilespmem:s10+$0x2EF8] =	vst v24;
	v26 =	vpop (erf)  }
0xbc: {  	v3 =	vmul.f32 $1.442695020e+00, v3;
	(erf) = vpow2.f32 v4;
	v27 =	vld [tilespmem:s11+$0x1318];
	[tilespmem:s10+$0x2F08] =	vst v26;
	v28 =	vsub.f32 v9, v0;
	v29 =	vpop (erf)  }
0xbd: {  	(erf) = vpow2.f32 v2;
	v1 =	vmul.f32 $1.442695020e+00, v1;
	v31 =	vsub.f32 v11, v0;
	v30 =	vld [tilespmem:s11+$0x1328];
	[tilespmem:s10+$0x2F18] =	vst v29  }
0xbe: {  	(erf) = vpow2.f32 v3;
	v32 =	vsub.f32 v12, v0;
	v5 =	vld [tilespmem:s11+$0x1338];
	v4 =	vmul.f32 $1.442695020e+00, v28  }
0xbf: {  	v33 =	vpop (erf);
	(erf) = vpow2.f32 v1;
	v34 =	vmul.f32 $1.442695020e+00, v31;
	v35 =	vsub.f32 v13, v0  }
0xc0: {  	[tilespmem:s10+$0x2F28] =	vst v33;
	v36 =	vpop (erf);
	v3 =	vmul.f32 $1.442695020e+00, v32;
	v37 =	vsub.f32 v10, v0;
	(erf) = vpow2.f32 v4  }
0xc1: {  	[tilespmem:s10+$0x2F38] =	vst v36;
	v38 =	vpop (erf);
	v2 =	vmul.f32 $1.442695020e+00, v35;
	v6 =	vsub.f32 v27, v0;
	(erf) = vpow2.f32 v34  }
0xc2: {  	[tilespmem:s9+$0x2F48] =	vst v38;
	v39 =	vpop (erf);
	v40 =	vmul.f32 $1.442695020e+00, v37;
	v7 =	vsub.f32 v30, v0;
	(erf) = vpow2.f32 v3  }
0xc3: {  	[tilespmem:s9+$0x2ED8] =	vst v39;
	v41 =	vpop (erf);
	v42 =	vmul.f32 $1.442695020e+00, v6;
	v43 =	vsub.f32 v5, v0;
	(erf) = vpow2.f32 v2  }
0xc4: {  	[tilespmem:s9+$0x2EE8] =	vst v41;
	v44 =	vpop (erf);
	v45 =	vmul.f32 $1.442695020e+00, v7;
	(erf) = vpow2.f32 v40  }
0xc5: {  	[tilespmem:s9+$0x2EF8] =	vst v44;
	v46 =	vpop (erf);
	v0 =	vmul.f32 $1.442695020e+00, v43;
	(erf) = vpow2.f32 v42  }
0xc6: {  	[tilespmem:s9+$0x2F08] =	vst v46;
	v47 =	vpop (erf);
	(erf) = vpow2.f32 v45  }
0xc7: {  	[tilespmem:s9+$0x2F18] =	vst v47;
	v48 =	vpop (erf);
	(erf) = vpow2.f32 v0  }
0xc8: {  	[tilespmem:s9+$0x2F28] =	vst v48;
	v49 =	vpop (erf)  }
0xc9: {  	[tilespmem:s9+$0x2F38] =	vst v49;
	v50 =	vpop (erf)  }
0xca: {  	[tilespmem:s11+$0x2F48] =	vst v50;
	v51 =	vpop (erf)  }
0xcb: {  	[tilespmem:s11+$0x2ED8] =	vst v51;
	v52 =	vpop (erf)  }
0xcc: {  	[tilespmem:s11+$0x2EE8] =	vst v52;
	v53 =	vpop (erf)  }
0xcd: {  	[tilespmem:s11+$0x2EF8] =	vst v53;
	v54 =	vpop (erf)  }
0xce: {  	[tilespmem:s11+$0x2F08] =	vst v54;
	v55 =	vpop (erf)  }
0xcf: {  	[tilespmem:s11+$0x2F18] =	vst v55;
	v56 =	vpop (erf)  }
0xd0: {  	[tilespmem:s11+$0x2F28] =	vst v56;
	v57 =	vpop (erf)  }
0xd1: {  	s28 =	simm.s32 $0x66D8;
	s29 =	simm.s32 $0x2ED8;
	s9 =	simm.s32 $0x80;
	[tilespmem:s11+$0x2F38] =	vst v57  }
0xd2: {  	[spmem:s7] =	stream.indirect.scatter.add.f32 [tilespmem:s29], [sflag:$0x1], $0x1, s28, s9, $0xb8;
	[tilespmem:$0x126D8] =	vst v63  }
0xd3: {  	s30 =	simm.s32 $0x6758;
	s31 =	simm.s32 $0x2F58  }
0xd4: {  	[spmem:s7] =	stream.indirect.scatter.add.f32 [tilespmem:s31], [sflag:$0x1], $0x1, s30, s9, $0xb8;
	[tilespmem:$0x126D8] =	vst v63  }
0xd5: {  	s12 =	simm.s32 $0x67D8;
	s13 =	simm.s32 $0x2FD8  }
0xd6: {  	[spmem:s7] =	stream.indirect.scatter.add.f32 [tilespmem:s13], [sflag:$0x1], $0x1, s12, s9, $0xb8;
	[tilespmem:$0x126D8] =	vst v63  }
0xd7: {  	s14 =	simm.s32 $0x6858;
	s15 =	simm.s32 $0x3058  }
0xd8: {  	[spmem:s7] =	stream.indirect.scatter.add.f32 [tilespmem:s15], [sflag:$0x1], $0x1, s14, s9, $0xb8;
	[tilespmem:$0x126D8] =	vst v63  }
0xd9: {  	s16 =	simm.s32 $0x68D8;
	s17 =	simm.s32 $0x30D8  }
0xda: {  	[spmem:s7] =	stream.indirect.scatter.add.f32 [tilespmem:s17], [sflag:$0x1], $0x1, s16, s9, $0xb8;
	[tilespmem:$0x126D8] =	vst v63  }
0xdb: {  	s18 =	simm.s32 $0x6958;
	s19 =	simm.s32 $0x3158  }
0xdc: {  	[spmem:s7] =	stream.indirect.scatter.add.f32 [tilespmem:s19], [sflag:$0x1], $0x1, s18, s9, $0xb8;
	[tilespmem:$0x126D8] =	vst v63  }
0xdd: {  	s20 =	simm.s32 $0x69D8;
	s21 =	simm.s32 $0x31D8;
	s10 =	simm.s32 $0x1  }
0xde: {  	[spmem:s7] =	stream.indirect.scatter.add.f32 [tilespmem:s21], [sflag:$0x1], $0x1, s20, s9, $0xb8;
	[tilespmem:$0x126D8] =	vst v63  }
0xdf: {  	_ =	swait.ge [sflag:s10], $0x80  }
0xe0: {  	[sflag:s10] =	ssyncset.done $0x0  }
0xe1: {  	[sflag:s10] =	ssyncadd.s32 $0xFFFFFF80  }
0xe2: {  	_ =	swait.ge [sflag:s10], $0x80  }
0xe3: {  	[sflag:s10] =	ssyncset.done $0x0  }
0xe4: {  	[sflag:s10] =	ssyncadd.s32 $0xFFFFFF80  }
0xe5: {  	_ =	swait.ge [sflag:s10], $0x80  }
0xe6: {  	[sflag:s10] =	ssyncset.done $0x0  }
0xe7: {  	[sflag:s10] =	ssyncadd.s32 $0xFFFFFF80  }
0xe8: {  	_ =	swait.ge [sflag:s10], $0x80  }
0xe9: {  	[sflag:s10] =	ssyncset.done $0x0  }
0xea: {  	[sflag:s10] =	ssyncadd.s32 $0xFFFFFF80  }
0xeb: {  	_ =	swait.ge [sflag:s10], $0x80  }
0xec: {  	[sflag:s10] =	ssyncset.done $0x0  }
0xed: {  	[sflag:s10] =	ssyncadd.s32 $0xFFFFFF80  }
0xee: {  	_ =	swait.ge [sflag:s10], $0x80  }
0xef: {  	[sflag:s10] =	ssyncset.done $0x0  }
0xf0: {  	[sflag:s10] =	ssyncadd.s32 $0xFFFFFF80  }
0xf1: {  	_ =	swait.ge [sflag:s10], $0x80  }
0xf2: {  	[sflag:s10] =	ssyncset.done $0x0  }
0xf3: {  	s22 =	simm.s32 $0x6A58;
	s12 =	simm.s32 $0x3258;
	[sflag:s10] =	ssyncadd.s32 $0xFFFFFF80  }
0xf4: {  	[spmem:s7] =	stream.indirect.scatter.add.f32 [tilespmem:s12], [sflag:$0x1], $0x1, s22, s9, $0xb8;
	[tilespmem:$0x126D8] =	vst v63  }
0xf5: {  	s23 =	simm.s32 $0x6AD8;
	s24 =	simm.s32 $0x32D8  }
0xf6: {  	[spmem:s7] =	stream.indirect.scatter.add.f32 [tilespmem:s24], [sflag:$0x1], $0x1, s23, s9, $0xb8;
	[tilespmem:$0x126D8] =	vst v63  }
0xf7: {  	s25 =	simm.s32 $0x6B58;
	s26 =	simm.s32 $0x3358  }
0xf8: {  	[spmem:s7] =	stream.indirect.scatter.add.f32 [tilespmem:s26], [sflag:$0x1], $0x1, s25, s9, $0xb8;
	[tilespmem:$0x126D8] =	vst v63  }
0xf9: {  	s28 =	simm.s32 $0x6BD8;
	s29 =	simm.s32 $0x33D8  }
0xfa: {  	[spmem:s7] =	stream.indirect.scatter.add.f32 [tilespmem:s29], [sflag:$0x1], $0x1, s28, s9, $0xb8;
	[tilespmem:$0x126D8] =	vst v63  }
0xfb: {  	s30 =	simm.s32 $0x6C58;
	s31 =	simm.s32 $0x3458  }
0xfc: {  	[spmem:s7] =	stream.indirect.scatter.add.f32 [tilespmem:s31], [sflag:$0x1], $0x1, s30, s9, $0xb8;
	[tilespmem:$0x126D8] =	vst v63  }
0xfd: {  	s13 =	simm.s32 $0x6CD8;
	s14 =	simm.s32 $0x34D8  }
0xfe: {  	[spmem:s7] =	stream.indirect.scatter.add.f32 [tilespmem:s14], [sflag:$0x1], $0x1, s13, s9, $0xb8;
	[tilespmem:$0x126D8] =	vst v63  }
0xff: {  	s15 =	simm.s32 $0x6D58;
	s16 =	simm.s32 $0x3558  }
0x100: {  	[spmem:s7] =	stream.indirect.scatter.add.f32 [tilespmem:s16], [sflag:$0x1], $0x1, s15, s9, $0xb8;
	[tilespmem:$0x126D8] =	vst v63  }
0x101: {  	_ =	swait.ge [sflag:s10], $0x80  }
0x102: {  	[sflag:s10] =	ssyncset.done $0x0  }
0x103: {  	[sflag:s10] =	ssyncadd.s32 $0xFFFFFF80  }
0x104: {  	_ =	swait.ge [sflag:s10], $0x80  }
0x105: {  	[sflag:s10] =	ssyncset.done $0x0  }
0x106: {  	[sflag:s10] =	ssyncadd.s32 $0xFFFFFF80  }
0x107: {  	_ =	swait.ge [sflag:s10], $0x80  }
0x108: {  	[sflag:s10] =	ssyncset.done $0x0  }
0x109: {  	[sflag:s10] =	ssyncadd.s32 $0xFFFFFF80  }
0x10a: {  	_ =	swait.ge [sflag:s10], $0x80  }
0x10b: {  	[sflag:s10] =	ssyncset.done $0x0  }
0x10c: {  	[sflag:s10] =	ssyncadd.s32 $0xFFFFFF80  }
0x10d: {  	_ =	swait.ge [sflag:s10], $0x80  }
0x10e: {  	[sflag:s10] =	ssyncset.done $0x0  }
0x10f: {  	[sflag:s10] =	ssyncadd.s32 $0xFFFFFF80  }
0x110: {  	_ =	swait.ge [sflag:s10], $0x80  }
0x111: {  	[sflag:s10] =	ssyncset.done $0x0  }
0x112: {  	[sflag:s10] =	ssyncadd.s32 $0xFFFFFF80  }
0x113: {  	_ =	swait.ge [sflag:s10], $0x80  }
0x114: {  	[sflag:s10] =	ssyncset.done $0x0  }
0x115: {  	s17 =	simm.s32 $0x6DD8;
	s18 =	simm.s32 $0x35D8;
	[sflag:s10] =	ssyncadd.s32 $0xFFFFFF80  }
0x116: {  	[spmem:s7] =	stream.indirect.scatter.add.f32 [tilespmem:s18], [sflag:$0x1], $0x1, s17, s9, $0xb8;
	[tilespmem:$0x126D8] =	vst v63  }
0x117: {  	s19 =	simm.s32 $0x6E58;
	s20 =	simm.s32 $0x3658  }
0x118: {  	[spmem:s7] =	stream.indirect.scatter.add.f32 [tilespmem:s20], [sflag:$0x1], $0x1, s19, s9, $0xb8;
	[tilespmem:$0x126D8] =	vst v63  }
0x119: {  	s21 =	simm.s32 $0x6ED8;
	s22 =	simm.s32 $0x36D8  }
0x11a: {  	[spmem:s7] =	stream.indirect.scatter.add.f32 [tilespmem:s22], [sflag:$0x1], $0x1, s21, s9, $0xb8;
	[tilespmem:$0x126D8] =	vst v63  }
0x11b: {  	s23 =	simm.s32 $0x6F58;
	s24 =	simm.s32 $0x3758  }
0x11c: {  	[spmem:s7] =	stream.indirect.scatter.add.f32 [tilespmem:s24], [sflag:$0x1], $0x1, s23, s9, $0xb8;
	[tilespmem:$0x126D8] =	vst v63  }
0x11d: {  	s25 =	simm.s32 $0x6FD8;
	s26 =	simm.s32 $0x37D8  }
0x11e: {  	[spmem:s7] =	stream.indirect.scatter.add.f32 [tilespmem:s26], [sflag:$0x1], $0x1, s25, s9, $0xb8;
	[tilespmem:$0x126D8] =	vst v63  }
0x11f: {  	s28 =	simm.s32 $0x7058;
	s29 =	simm.s32 $0x3858  }
0x120: {  	[spmem:s7] =	stream.indirect.scatter.add.f32 [tilespmem:s29], [sflag:$0x1], $0x1, s28, s9, $0xb8;
	[tilespmem:$0x126D8] =	vst v63  }
0x121: {  	s30 =	simm.s32 $0x70D8;
	s31 =	simm.s32 $0x38D8  }
0x122: {  	[spmem:s7] =	stream.indirect.scatter.add.f32 [tilespmem:s31], [sflag:$0x1], $0x1, s30, s9, $0xb8;
	[tilespmem:$0x126D8] =	vst v63  }
0x123: {  	_ =	swait.ge [sflag:s10], $0x80  }
0x124: {  	[sflag:s10] =	ssyncset.done $0x0  }
0x125: {  	[sflag:s10] =	ssyncadd.s32 $0xFFFFFF80  }
0x126: {  	_ =	swait.ge [sflag:s10], $0x80  }
0x127: {  	[sflag:s10] =	ssyncset.done $0x0  }
0x128: {  	[sflag:s10] =	ssyncadd.s32 $0xFFFFFF80  }
0x129: {  	_ =	swait.ge [sflag:s10], $0x80  }
0x12a: {  	[sflag:s10] =	ssyncset.done $0x0  }
0x12b: {  	[sflag:s10] =	ssyncadd.s32 $0xFFFFFF80  }
0x12c: {  	_ =	swait.ge [sflag:s10], $0x80  }
0x12d: {  	[sflag:s10] =	ssyncset.done $0x0  }
0x12e: {  	[sflag:s10] =	ssyncadd.s32 $0xFFFFFF80  }
0x12f: {  	_ =	swait.ge [sflag:s10], $0x80  }
0x130: {  	[sflag:s10] =	ssyncset.done $0x0  }
0x131: {  	[sflag:s10] =	ssyncadd.s32 $0xFFFFFF80  }
0x132: {  	_ =	swait.ge [sflag:s10], $0x80  }
0x133: {  	[sflag:s10] =	ssyncset.done $0x0  }
0x134: {  	[sflag:s10] =	ssyncadd.s32 $0xFFFFFF80  }
0x135: {  	_ =	swait.ge [sflag:s10], $0x80  }
0x136: {  	[sflag:s10] =	ssyncset.done $0x0  }
0x137: {  	s13 =	simm.s32 $0x7158;
	s14 =	simm.s32 $0x3958;
	[sflag:s10] =	ssyncadd.s32 $0xFFFFFF80  }
0x138: {  	[spmem:s7] =	stream.indirect.scatter.add.f32 [tilespmem:s14], [sflag:$0x1], $0x1, s13, s9, $0xb8;
	[tilespmem:$0x126D8] =	vst v63  }
0x139: {  	s15 =	simm.s32 $0x71D8;
	s16 =	simm.s32 $0x39D8  }
0x13a: {  	[spmem:s7] =	stream.indirect.scatter.add.f32 [tilespmem:s16], [sflag:$0x1], $0x1, s15, s9, $0xb8;
	[tilespmem:$0x126D8] =	vst v63  }
0x13b: {  	s17 =	simm.s32 $0x7258;
	s18 =	simm.s32 $0x3A58  }
0x13c: {  	[spmem:s7] =	stream.indirect.scatter.add.f32 [tilespmem:s18], [sflag:$0x1], $0x1, s17, s9, $0xb8;
	[tilespmem:$0x126D8] =	vst v63  }
0x13d: {  	s19 =	simm.s32 $0x72D8;
	s20 =	simm.s32 $0x3AD8  }
0x13e: {  	[spmem:s7] =	stream.indirect.scatter.add.f32 [tilespmem:s20], [sflag:$0x1], $0x1, s19, s9, $0xb8;
	[tilespmem:$0x126D8] =	vst v63  }
0x13f: {  	s21 =	simm.s32 $0x7358;
	s22 =	simm.s32 $0x3B58  }
0x140: {  	[spmem:s7] =	stream.indirect.scatter.add.f32 [tilespmem:s22], [sflag:$0x1], $0x1, s21, s9, $0xb8;
	[tilespmem:$0x126D8] =	vst v63  }
0x141: {  	s23 =	simm.s32 $0x73D8;
	s24 =	simm.s32 $0x3BD8  }
0x142: {  	[spmem:s7] =	stream.indirect.scatter.add.f32 [tilespmem:s24], [sflag:$0x1], $0x1, s23, s9, $0xb8;
	[tilespmem:$0x126D8] =	vst v63  }
0x143: {  	s25 =	simm.s32 $0x7458;
	s26 =	simm.s32 $0x3C58  }
0x144: {  	[spmem:s7] =	stream.indirect.scatter.add.f32 [tilespmem:s26], [sflag:$0x1], $0x1, s25, s9, $0xb8;
	[tilespmem:$0x126D8] =	vst v63  }
0x145: {  	_ =	swait.ge [sflag:s10], $0x80  }
0x146: {  	[sflag:s10] =	ssyncset.done $0x0  }
0x147: {  	[sflag:s10] =	ssyncadd.s32 $0xFFFFFF80  }
0x148: {  	_ =	swait.ge [sflag:s10], $0x80  }
0x149: {  	[sflag:s10] =	ssyncset.done $0x0  }
0x14a: {  	[sflag:s10] =	ssyncadd.s32 $0xFFFFFF80  }
0x14b: {  	_ =	swait.ge [sflag:s10], $0x80  }
0x14c: {  	[sflag:s10] =	ssyncset.done $0x0  }
0x14d: {  	[sflag:s10] =	ssyncadd.s32 $0xFFFFFF80  }
0x14e: {  	_ =	swait.ge [sflag:s10], $0x80  }
0x14f: {  	[sflag:s10] =	ssyncset.done $0x0  }
0x150: {  	[sflag:s10] =	ssyncadd.s32 $0xFFFFFF80  }
0x151: {  	_ =	swait.ge [sflag:s10], $0x80  }
0x152: {  	[sflag:s10] =	ssyncset.done $0x0  }
0x153: {  	[sflag:s10] =	ssyncadd.s32 $0xFFFFFF80  }
0x154: {  	_ =	swait.ge [sflag:s10], $0x80  }
0x155: {  	[sflag:s10] =	ssyncset.done $0x0  }
0x156: {  	[sflag:s10] =	ssyncadd.s32 $0xFFFFFF80  }
0x157: {  	_ =	swait.ge [sflag:s10], $0x80  }
0x158: {  	[sflag:s10] =	ssyncset.done $0x0  }
0x159: {  	s28 =	simm.s32 $0x74D8;
	s29 =	simm.s32 $0x3CD8;
	[sflag:s10] =	ssyncadd.s32 $0xFFFFFF80  }
0x15a: {  	[spmem:s7] =	stream.indirect.scatter.add.f32 [tilespmem:s29], [sflag:$0x1], $0x1, s28, s9, $0xb8;
	[tilespmem:$0x126D8] =	vst v63  }
0x15b: {  	s30 =	simm.s32 $0x7558;
	s31 =	simm.s32 $0x3D58  }
0x15c: {  	[spmem:s7] =	stream.indirect.scatter.add.f32 [tilespmem:s31], [sflag:$0x1], $0x1, s30, s9, $0xb8;
	[tilespmem:$0x126D8] =	vst v63  }
0x15d: {  	s13 =	simm.s32 $0x75D8;
	s14 =	simm.s32 $0x3DD8  }
0x15e: {  	[spmem:s7] =	stream.indirect.scatter.add.f32 [tilespmem:s14], [sflag:$0x1], $0x1, s13, s9, $0xb8;
	[tilespmem:$0x126D8] =	vst v63  }
0x15f: {  	s15 =	simm.s32 $0x7658;
	s16 =	simm.s32 $0x3E58  }
0x160: {  	[spmem:s7] =	stream.indirect.scatter.add.f32 [tilespmem:s16], [sflag:$0x1], $0x1, s15, s9, $0xb8;
	[tilespmem:$0x126D8] =	vst v63  }
0x161: {  	s17 =	simm.s32 $0x76D8;
	s18 =	simm.s32 $0x3ED8  }
0x162: {  	[spmem:s7] =	stream.indirect.scatter.add.f32 [tilespmem:s18], [sflag:$0x1], $0x1, s17, s9, $0xb8;
	[tilespmem:$0x126D8] =	vst v63  }
0x163: {  	s19 =	simm.s32 $0x7758;
	s20 =	simm.s32 $0x3F58  }
0x164: {  	[spmem:s7] =	stream.indirect.scatter.add.f32 [tilespmem:s20], [sflag:$0x1], $0x1, s19, s9, $0xb8;
	[tilespmem:$0x126D8] =	vst v63  }
0x165: {  	s21 =	simm.s32 $0x77D8;
	s22 =	simm.s32 $0x3FD8  }
0x166: {  	[spmem:s7] =	stream.indirect.scatter.add.f32 [tilespmem:s22], [sflag:$0x1], $0x1, s21, s9, $0xb8;
	[tilespmem:$0x126D8] =	vst v63  }
0x167: {  	_ =	swait.ge [sflag:s10], $0x80  }
0x168: {  	[sflag:s10] =	ssyncset.done $0x0  }
0x169: {  	[sflag:s10] =	ssyncadd.s32 $0xFFFFFF80  }
0x16a: {  	_ =	swait.ge [sflag:s10], $0x80  }
0x16b: {  	[sflag:s10] =	ssyncset.done $0x0  }
0x16c: {  	[sflag:s10] =	ssyncadd.s32 $0xFFFFFF80  }
0x16d: {  	_ =	swait.ge [sflag:s10], $0x80  }
0x16e: {  	[sflag:s10] =	ssyncset.done $0x0  }
0x16f: {  	[sflag:s10] =	ssyncadd.s32 $0xFFFFFF80  }
0x170: {  	_ =	swait.ge [sflag:s10], $0x80  }
0x171: {  	[sflag:s10] =	ssyncset.done $0x0  }
0x172: {  	[sflag:s10] =	ssyncadd.s32 $0xFFFFFF80  }
0x173: {  	_ =	swait.ge [sflag:s10], $0x80  }
0x174: {  	[sflag:s10] =	ssyncset.done $0x0  }
0x175: {  	[sflag:s10] =	ssyncadd.s32 $0xFFFFFF80  }
0x176: {  	_ =	swait.ge [sflag:s10], $0x80  }
0x177: {  	[sflag:s10] =	ssyncset.done $0x0  }
0x178: {  	[sflag:s10] =	ssyncadd.s32 $0xFFFFFF80  }
0x179: {  	_ =	swait.ge [sflag:s10], $0x80  }
0x17a: {  	[sflag:s10] =	ssyncset.done $0x0  }
0x17b: {  	s23 =	simm.s32 $0x7858;
	s24 =	simm.s32 $0x4058;
	[sflag:s10] =	ssyncadd.s32 $0xFFFFFF80  }
0x17c: {  	[spmem:s7] =	stream.indirect.scatter.add.f32 [tilespmem:s24], [sflag:$0x1], $0x1, s23, s9, $0xb8;
	[tilespmem:$0x126D8] =	vst v63  }
0x17d: {  	s25 =	simm.s32 $0x78D8;
	s26 =	simm.s32 $0x40D8  }
0x17e: {  	[spmem:s7] =	stream.indirect.scatter.add.f32 [tilespmem:s26], [sflag:$0x1], $0x1, s25, s9, $0xb8;
	[tilespmem:$0x126D8] =	vst v63  }
0x17f: {  	s28 =	simm.s32 $0x7958;
	s29 =	simm.s32 $0x4158  }
0x180: {  	[spmem:s7] =	stream.indirect.scatter.add.f32 [tilespmem:s29], [sflag:$0x1], $0x1, s28, s9, $0xb8;
	[tilespmem:$0x126D8] =	vst v63  }
0x181: {  	s30 =	simm.s32 $0x79D8;
	s31 =	simm.s32 $0x41D8  }
0x182: {  	[spmem:s7] =	stream.indirect.scatter.add.f32 [tilespmem:s31], [sflag:$0x1], $0x1, s30, s9, $0xb8;
	[tilespmem:$0x126D8] =	vst v63  }
0x183: {  	s13 =	simm.s32 $0x7A58;
	s14 =	simm.s32 $0x4258  }
0x184: {  	[spmem:s7] =	stream.indirect.scatter.add.f32 [tilespmem:s14], [sflag:$0x1], $0x1, s13, s9, $0xb8;
	[tilespmem:$0x126D8] =	vst v63  }
0x185: {  	s15 =	simm.s32 $0x7AD8;
	s16 =	simm.s32 $0x42D8  }
0x186: {  	[spmem:s7] =	stream.indirect.scatter.add.f32 [tilespmem:s16], [sflag:$0x1], $0x1, s15, s9, $0xb8;
	[tilespmem:$0x126D8] =	vst v63  }
0x187: {  	s17 =	simm.s32 $0x7B58;
	s18 =	simm.s32 $0x4358  }
0x188: {  	[spmem:s7] =	stream.indirect.scatter.add.f32 [tilespmem:s18], [sflag:$0x1], $0x1, s17, s9, $0xb8;
	[tilespmem:$0x126D8] =	vst v63  }
0x189: {  	_ =	swait.ge [sflag:s10], $0x80  }
0x18a: {  	[sflag:s10] =	ssyncset.done $0x0  }
0x18b: {  	[sflag:s10] =	ssyncadd.s32 $0xFFFFFF80  }
0x18c: {  	_ =	swait.ge [sflag:s10], $0x80  }
0x18d: {  	[sflag:s10] =	ssyncset.done $0x0  }
0x18e: {  	[sflag:s10] =	ssyncadd.s32 $0xFFFFFF80  }
0x18f: {  	_ =	swait.ge [sflag:s10], $0x80  }
0x190: {  	[sflag:s10] =	ssyncset.done $0x0  }
0x191: {  	[sflag:s10] =	ssyncadd.s32 $0xFFFFFF80  }
0x192: {  	_ =	swait.ge [sflag:s10], $0x80  }
0x193: {  	[sflag:s10] =	ssyncset.done $0x0  }
0x194: {  	[sflag:s10] =	ssyncadd.s32 $0xFFFFFF80  }
0x195: {  	_ =	swait.ge [sflag:s10], $0x80  }
0x196: {  	[sflag:s10] =	ssyncset.done $0x0  }
0x197: {  	[sflag:s10] =	ssyncadd.s32 $0xFFFFFF80  }
0x198: {  	_ =	swait.ge [sflag:s10], $0x80  }
0x199: {  	[sflag:s10] =	ssyncset.done $0x0  }
0x19a: {  	[sflag:s10] =	ssyncadd.s32 $0xFFFFFF80  }
0x19b: {  	_ =	swait.ge [sflag:s10], $0x80  }
0x19c: {  	[sflag:s10] =	ssyncset.done $0x0  }
0x19d: {  	s19 =	simm.s32 $0x7BD8;
	s20 =	simm.s32 $0x43D8;
	[sflag:s10] =	ssyncadd.s32 $0xFFFFFF80  }
0x19e: {  	[spmem:s7] =	stream.indirect.scatter.add.f32 [tilespmem:s20], [sflag:$0x1], $0x1, s19, s9, $0xb8;
	[tilespmem:$0x126D8] =	vst v63  }
0x19f: {  	s21 =	simm.s32 $0x7C58;
	s22 =	simm.s32 $0x4458  }
0x1a0: {  	[spmem:s7] =	stream.indirect.scatter.add.f32 [tilespmem:s22], [sflag:$0x1], $0x1, s21, s9, $0xb8;
	[tilespmem:$0x126D8] =	vst v63  }
0x1a1: {  	s23 =	simm.s32 $0x7CD8;
	s24 =	simm.s32 $0x44D8  }
0x1a2: {  	[spmem:s7] =	stream.indirect.scatter.add.f32 [tilespmem:s24], [sflag:$0x1], $0x1, s23, s9, $0xb8;
	[tilespmem:$0x126D8] =	vst v63  }
0x1a3: {  	s25 =	simm.s32 $0x7D58;
	s26 =	simm.s32 $0x4558  }
0x1a4: {  	[spmem:s7] =	stream.indirect.scatter.add.f32 [tilespmem:s26], [sflag:$0x1], $0x1, s25, s9, $0xb8;
	[tilespmem:$0x126D8] =	vst v63  }
0x1a5: {  	s28 =	simm.s32 $0x7DD8;
	s29 =	simm.s32 $0x45D8  }
0x1a6: {  	[spmem:s7] =	stream.indirect.scatter.add.f32 [tilespmem:s29], [sflag:$0x1], $0x1, s28, s9, $0xb8;
	[tilespmem:$0x126D8] =	vst v63  }
0x1a7: {  	s30 =	simm.s32 $0x7E58;
	s31 =	simm.s32 $0x4658  }
0x1a8: {  	[spmem:s7] =	stream.indirect.scatter.add.f32 [tilespmem:s31], [sflag:$0x1], $0x1, s30, s9, $0xb8;
	[tilespmem:$0x126D8] =	vst v63  }
0x1a9: {  	s13 =	simm.s32 $0x7ED8;
	s14 =	simm.s32 $0x46D8  }
0x1aa: {  	[spmem:s7] =	stream.indirect.scatter.add.f32 [tilespmem:s14], [sflag:$0x1], $0x1, s13, s9, $0xb8;
	[tilespmem:$0x126D8] =	vst v63  }
0x1ab: {  	_ =	swait.ge [sflag:s10], $0x80  }
0x1ac: {  	[sflag:s10] =	ssyncset.done $0x0  }
0x1ad: {  	[sflag:s10] =	ssyncadd.s32 $0xFFFFFF80  }
0x1ae: {  	_ =	swait.ge [sflag:s10], $0x80  }
0x1af: {  	[sflag:s10] =	ssyncset.done $0x0  }
0x1b0: {  	[sflag:s10] =	ssyncadd.s32 $0xFFFFFF80  }
0x1b1: {  	_ =	swait.ge [sflag:s10], $0x80  }
0x1b2: {  	[sflag:s10] =	ssyncset.done $0x0  }
0x1b3: {  	[sflag:s10] =	ssyncadd.s32 $0xFFFFFF80  }
0x1b4: {  	_ =	swait.ge [sflag:s10], $0x80  }
0x1b5: {  	[sflag:s10] =	ssyncset.done $0x0  }
0x1b6: {  	[sflag:s10] =	ssyncadd.s32 $0xFFFFFF80  }
0x1b7: {  	_ =	swait.ge [sflag:s10], $0x80  }
0x1b8: {  	[sflag:s10] =	ssyncset.done $0x0  }
0x1b9: {  	[sflag:s10] =	ssyncadd.s32 $0xFFFFFF80  }
0x1ba: {  	_ =	swait.ge [sflag:s10], $0x80  }
0x1bb: {  	[sflag:s10] =	ssyncset.done $0x0  }
0x1bc: {  	[sflag:s10] =	ssyncadd.s32 $0xFFFFFF80  }
0x1bd: {  	_ =	swait.ge [sflag:s10], $0x80  }
0x1be: {  	[sflag:s10] =	ssyncset.done $0x0  }
0x1bf: {  	s15 =	simm.s32 $0x7F58;
	s16 =	simm.s32 $0x4758;
	[sflag:s10] =	ssyncadd.s32 $0xFFFFFF80  }
0x1c0: {  	[spmem:s7] =	stream.indirect.scatter.add.f32 [tilespmem:s16], [sflag:$0x1], $0x1, s15, s9, $0xb8;
	[tilespmem:$0x126D8] =	vst v63  }
0x1c1: {  	s17 =	simm.s32 $0x7FD8;
	s18 =	simm.s32 $0x47D8  }
0x1c2: {  	[spmem:s7] =	stream.indirect.scatter.add.f32 [tilespmem:s18], [sflag:$0x1], $0x1, s17, s9, $0xb8;
	[tilespmem:$0x126D8] =	vst v63  }
0x1c3: {  	s19 =	simm.s32 $0x8058;
	s20 =	simm.s32 $0x4858  }
0x1c4: {  	[spmem:s7] =	stream.indirect.scatter.add.f32 [tilespmem:s20], [sflag:$0x1], $0x1, s19, s9, $0xb8;
	[tilespmem:$0x126D8] =	vst v63  }
0x1c5: {  	s21 =	simm.s32 $0x80D8;
	s22 =	simm.s32 $0x48D8  }
0x1c6: {  	[spmem:s7] =	stream.indirect.scatter.add.f32 [tilespmem:s22], [sflag:$0x1], $0x1, s21, s9, $0xb8;
	[tilespmem:$0x126D8] =	vst v63  }
0x1c7: {  	s23 =	simm.s32 $0x8158;
	s24 =	simm.s32 $0x4958  }
0x1c8: {  	[spmem:s7] =	stream.indirect.scatter.add.f32 [tilespmem:s24], [sflag:$0x1], $0x1, s23, s9, $0xb8;
	[tilespmem:$0x126D8] =	vst v63  }
0x1c9: {  	s25 =	simm.s32 $0x81D8;
	s26 =	simm.s32 $0x49D8  }
0x1ca: {  	[spmem:s7] =	stream.indirect.scatter.add.f32 [tilespmem:s26], [sflag:$0x1], $0x1, s25, s9, $0xb8;
	[tilespmem:$0x126D8] =	vst v63  }
0x1cb: {  	s28 =	simm.s32 $0x8258;
	s29 =	simm.s32 $0x4A58  }
0x1cc: {  	[spmem:s7] =	stream.indirect.scatter.add.f32 [tilespmem:s29], [sflag:$0x1], $0x1, s28, s9, $0xb8;
	[tilespmem:$0x126D8] =	vst v63  }
0x1cd: {  	_ =	swait.ge [sflag:s10], $0x80  }
0x1ce: {  	[sflag:s10] =	ssyncset.done $0x0  }
0x1cf: {  	[sflag:s10] =	ssyncadd.s32 $0xFFFFFF80  }
0x1d0: {  	_ =	swait.ge [sflag:s10], $0x80  }
0x1d1: {  	[sflag:s10] =	ssyncset.done $0x0  }
0x1d2: {  	[sflag:s10] =	ssyncadd.s32 $0xFFFFFF80  }
0x1d3: {  	_ =	swait.ge [sflag:s10], $0x80  }
0x1d4: {  	[sflag:s10] =	ssyncset.done $0x0  }
0x1d5: {  	[sflag:s10] =	ssyncadd.s32 $0xFFFFFF80  }
0x1d6: {  	_ =	swait.ge [sflag:s10], $0x80  }
0x1d7: {  	[sflag:s10] =	ssyncset.done $0x0  }
0x1d8: {  	[sflag:s10] =	ssyncadd.s32 $0xFFFFFF80  }
0x1d9: {  	_ =	swait.ge [sflag:s10], $0x80  }
0x1da: {  	[sflag:s10] =	ssyncset.done $0x0  }
0x1db: {  	[sflag:s10] =	ssyncadd.s32 $0xFFFFFF80  }
0x1dc: {  	_ =	swait.ge [sflag:s10], $0x80  }
0x1dd: {  	[sflag:s10] =	ssyncset.done $0x0  }
0x1de: {  	[sflag:s10] =	ssyncadd.s32 $0xFFFFFF80  }
0x1df: {  	_ =	swait.ge [sflag:s10], $0x80  }
0x1e0: {  	[sflag:s10] =	ssyncset.done $0x0  }
0x1e1: {  	[sflag:s10] =	ssyncadd.s32 $0xFFFFFF80  }
0x1e2: {  	s30 =	simm.s32 $0x2;
	s9 =	simm.s32 $0xBAD8;
	[bflag:$0x0] =	sbarrier.arrive $0xFFFF  }
0x1e3: {  	[tilespmem:s9], [sflag:$0x2] =	stream.linear.gather [spmem:s7], $0x6200, $0x38;
	[tilespmem:$0x126D8] =	vst v63  }
0x1e4: {  	_ =	swait.ge [sflag:s30], $0x6200  }
0x1e5: {  	[sflag:s30] =	ssyncset.done $0x0  }
0x1e6: {  	s31 =	simm.s32 $0x82D8;
	s7 =	simm.s32 $0x0;
	[sflag:s30] =	ssyncadd.s32 $0xFFFF9E00  }
0x1e7: {  	[tilespmem:s31], [sflag:$0x2] =	stream.linear.gather [hbm4b:s8+s7], $0x1C00, $0x38;
	[tilespmem:$0x126D8] =	vst v63  }
0x1e8: {  	_ =	swait.ge [sflag:s30], $0x1C00  }
0x1e9: {  	[sflag:s30] =	ssyncset.done $0x0  }
0x1ea: {  	v58 =	vimm.f32 $0.0e+00;
	[sflag:s30] =	ssyncadd.s32 $0xFFFFE400  }
0x1eb: {  	v59 =	vlaneseq.u32;
	[tilespmem:$0x11D58] =	vst v58  }
0x1ec: {  	[tilespmem:$0x11DD8] =	vst v59  }
0x1ed: {  	v60 =	vor.u32 $0x10, v59;
	[tilespmem:$0x11D68] =	vst v58  }
0x1ee: {  	[tilespmem:$0x11DE8] =	vst v60  }
0x1ef: {  	v61 =	vor.u32 $0x20, v59;
	[tilespmem:$0x11D78] =	vst v58  }
0x1f0: {  	[tilespmem:$0x11DF8] =	vst v61  }
0x1f1: {  	v62 =	vor.u32 $0x30, v59;
	[tilespmem:$0x11D88] =	vst v58  }
0x1f2: {  	[tilespmem:$0x11E08] =	vst v62  }
0x1f3: {  	v63 =	vor.u32 $0x40, v59;
	[tilespmem:$0x11D98] =	vst v58  }
0x1f4: {  	s8 =	simm.s32 $0x11D58;
	[tilespmem:$0x11E18] =	vst v63  }
.LBB2_8:
0x1f5: {  	s10 =	sshra.s32 s7, $0x2  }
0x1f6: {  	v0 =	vld [tilespmem:s10+$0x66D8];
	_ =	sdelay $0x7  }
0x1f7: {  	v0 =	vld.idx.msk [tilespmem:v0+s9+$0x0], $0xffff;
	_ =	sdelay $0x4  }
0x1f8: {  	(erf) = vrcp.f32 v0;
	_ =	sdelay $0x3  }
0x1f9: {  	v49 =	vld [tilespmem:s10+$0x2ED8]  }
0x1fa: {  	v1 =	vld [tilespmem:s10+$0x82D8];
	_ =	sdelay $0x3  }
0x1fb: {  	v2 =	vpop (erf)  }
0x1fc: {  	v0 =	vmul.f32 v2, v49;
	_ =	sdelay $0x1  }
0x1fd: {  	[tilespmem:s10+$0x4AD8] =	vst v0  }
0x1fe: {  	[tilespmem:v1+s8+$0x0] =	vst.idx.add.f32.msk $0xffff, v0  }
0x1ff: {  	v0 =	vld [tilespmem:s10+$0x66E8];
	_ =	sdelay $0x7  }
0x200: {  	v0 =	vld.idx.msk [tilespmem:v0+s9+$0x0], $0xffff;
	_ =	sdelay $0x4  }
0x201: {  	(erf) = vrcp.f32 v0;
	_ =	sdelay $0x3  }
0x202: {  	v50 =	vld [tilespmem:s10+$0x2EE8]  }
0x203: {  	v1 =	vld [tilespmem:s10+$0x82E8];
	_ =	sdelay $0x3  }
0x204: {  	v51 =	vpop (erf)  }
0x205: {  	v0 =	vmul.f32 v51, v50;
	_ =	sdelay $0x1  }
0x206: {  	[tilespmem:s10+$0x4AE8] =	vst v0  }
0x207: {  	[tilespmem:v1+s8+$0x0] =	vst.idx.add.f32.msk $0xffff, v0  }
0x208: {  	v0 =	vld [tilespmem:s10+$0x66F8];
	_ =	sdelay $0x7  }
0x209: {  	v0 =	vld.idx.msk [tilespmem:v0+s9+$0x0], $0xffff;
	_ =	sdelay $0x4  }
0x20a: {  	(erf) = vrcp.f32 v0;
	_ =	sdelay $0x3  }
0x20b: {  	v52 =	vld [tilespmem:s10+$0x2EF8]  }
0x20c: {  	v1 =	vld [tilespmem:s10+$0x82F8];
	_ =	sdelay $0x3  }
0x20d: {  	v53 =	vpop (erf)  }
0x20e: {  	v0 =	vmul.f32 v53, v52;
	_ =	sdelay $0x1  }
0x20f: {  	[tilespmem:s10+$0x4AF8] =	vst v0  }
0x210: {  	[tilespmem:v1+s8+$0x0] =	vst.idx.add.f32.msk $0xffff, v0  }
0x211: {  	v0 =	vld [tilespmem:s10+$0x6708];
	_ =	sdelay $0x7  }
0x212: {  	v0 =	vld.idx.msk [tilespmem:v0+s9+$0x0], $0xffff;
	_ =	sdelay $0x4  }
0x213: {  	(erf) = vrcp.f32 v0;
	_ =	sdelay $0x3  }
0x214: {  	v54 =	vld [tilespmem:s10+$0x2F08]  }
0x215: {  	v1 =	vld [tilespmem:s10+$0x8308];
	_ =	sdelay $0x3  }
0x216: {  	v55 =	vpop (erf)  }
0x217: {  	v0 =	vmul.f32 v55, v54;
	_ =	sdelay $0x1  }
0x218: {  	[tilespmem:s10+$0x4B08] =	vst v0  }
0x219: {  	[tilespmem:v1+s8+$0x0] =	vst.idx.add.f32.msk $0xffff, v0  }
0x21a: {  	v0 =	vld [tilespmem:s10+$0x6718];
	_ =	sdelay $0x7  }
0x21b: {  	v0 =	vld.idx.msk [tilespmem:v0+s9+$0x0], $0xffff;
	_ =	sdelay $0x4  }
0x21c: {  	(erf) = vrcp.f32 v0;
	_ =	sdelay $0x3  }
0x21d: {  	v56 =	vld [tilespmem:s10+$0x2F18]  }
0x21e: {  	v1 =	vld [tilespmem:s10+$0x8318];
	_ =	sdelay $0x3  }
0x21f: {  	v57 =	vpop (erf)  }
0x220: {  	v0 =	vmul.f32 v57, v56;
	_ =	sdelay $0x1  }
0x221: {  	[tilespmem:s10+$0x4B18] =	vst v0  }
0x222: {  	[tilespmem:v1+s8+$0x0] =	vst.idx.add.f32.msk $0xffff, v0  }
0x223: {  	v0 =	vld [tilespmem:s10+$0x6728];
	_ =	sdelay $0x7  }
0x224: {  	v0 =	vld.idx.msk [tilespmem:v0+s9+$0x0], $0xffff;
	_ =	sdelay $0x4  }
0x225: {  	(erf) = vrcp.f32 v0;
	_ =	sdelay $0x3  }
0x226: {  	v58 =	vld [tilespmem:s10+$0x2F28]  }
0x227: {  	v1 =	vld [tilespmem:s10+$0x8328];
	_ =	sdelay $0x3  }
0x228: {  	v59 =	vpop (erf)  }
0x229: {  	v0 =	vmul.f32 v59, v58;
	_ =	sdelay $0x1  }
0x22a: {  	[tilespmem:s10+$0x4B28] =	vst v0  }
0x22b: {  	[tilespmem:v1+s8+$0x0] =	vst.idx.add.f32.msk $0xffff, v0  }
0x22c: {  	v0 =	vld [tilespmem:s10+$0x6738];
	_ =	sdelay $0x7  }
0x22d: {  	v0 =	vld.idx.msk [tilespmem:v0+s9+$0x0], $0xffff;
	_ =	sdelay $0x4  }
0x22e: {  	(erf) = vrcp.f32 v0;
	_ =	sdelay $0x3  }
0x22f: {  	v60 =	vld [tilespmem:s10+$0x2F38]  }
0x230: {  	v1 =	vld [tilespmem:s10+$0x8338];
	_ =	sdelay $0x3  }
0x231: {  	v61 =	vpop (erf)  }
0x232: {  	v0 =	vmul.f32 v61, v60;
	_ =	sdelay $0x1  }
0x233: {  	[tilespmem:s10+$0x4B38] =	vst v0  }
0x234: {  	[tilespmem:v1+s8+$0x0] =	vst.idx.add.f32.msk $0xffff, v0  }
0x235: {  	v0 =	vld [tilespmem:s10+$0x6748];
	_ =	sdelay $0x7  }
0x236: {  	v0 =	vld.idx.msk [tilespmem:v0+s9+$0x0], $0xffff;
	_ =	sdelay $0x4  }
0x237: {  	(erf) = vrcp.f32 v0;
	_ =	sdelay $0x3  }
0x238: {  	v62 =	vld [tilespmem:s10+$0x2F48]  }
0x239: {  	v1 =	vld [tilespmem:s10+$0x8348];
	_ =	sdelay $0x2  }
0x23a: {  	p0 =	sne.s32 s7, $0x6E00  }
.Ltmp4:
0x23b: {  	v63 =	vpop (erf);
	(pc) =	sbr.rel @p0 .LBB2_8-.Ltmp4, $3  }
0x23c: {  	v0 =	vmul.f32 v63, v62;
	_ =	sdelay $0x1  }
0x23d: {  	[tilespmem:s10+$0x4B48] =	vst v0  }
0x23e: {  	s7 =	sadd.s32 $0x200, s7;
	[tilespmem:v1+s8+$0x0] =	vst.idx.add.f32.msk $0xffff, v0  }
0x23f: {  	s7 =	simm.s32 $0x50  }
0x240: {  	s8 =	simm.s32 $0x11DD8;
	s9 =	simm.s32 $0x11D58;
	s28 =	simm.s32 $0x1  }
0x241: {  	[spmem:s5] =	stream.indirect.scatter.add.f32 [tilespmem:s9], [sflag:$0x1], $0x1, s8, s7, $0xb8;
	[tilespmem:$0x126D8] =	vst v63  }
0x242: {  	_ =	swait.ge [sflag:s28], $0x50  }
0x243: {  	[sflag:s28] =	ssyncset.done $0x0  }
0x244: {  	[sflag:s28] =	ssyncadd.s32 $0xFFFFFFB0  }
0x245: {  	s29 =	simm.s32 $0x2;
	s7 =	simm.s32 $0x11CD8;
	[bflag:$0x0] =	sbarrier.arrive $0xFFFF  }
0x246: {  	[tilespmem:s7], [sflag:$0x2] =	stream.linear.gather [spmem:s5], $0x80, $0x38;
	[tilespmem:$0x126D8] =	vst v63  }
0x247: {  	_ =	swait.ge [sflag:s29], $0x80  }
0x248: {  	[sflag:s29] =	ssyncset.done $0x0  }
0x249: {  	s30 =	simm.s32 $0x0;
	s31 =	simm.s32 $0x9ED8;
	[sflag:s29] =	ssyncadd.s32 $0xFFFFFF80  }
0x24a: {  	[tilespmem:s31], [sflag:$0x2] =	stream.linear.gather [hbm4b:s6+s30], $0x1C00, $0x38;
	[tilespmem:$0x126D8] =	vst v63  }
0x24b: {  	_ =	swait.ge [sflag:s29], $0x1C00  }
0x24c: {  	[sflag:s29] =	ssyncset.done $0x0  }
0x24d: {  	s5 =	simm.s32 $0x0;
	[sflag:s29] =	ssyncadd.s32 $0xFFFFE400  }
0x24e: {  	v0 =	vld [tilespmem:s5+$0x82D8];
	_ =	sdelay $0x7  }
0x24f: {  	v0 =	vld.idx.msk [tilespmem:v0+s7+$0x0], $0xffff;
	_ =	sdelay $0x4  }
0x250: {  	(erf) = vrcp.f32 v0;
	_ =	sdelay $0x3  }
0x251: {  	v1 =	vld [tilespmem:s5+$0x82E8]  }
0x252: {  	v0 =	vld [tilespmem:s5+$0x4AD8];
	_ =	sdelay $0x3  }
0x253: {  	v2 =	vpop (erf)  }
0x254: {  	v0 =	vmul.f32 v2, v0;
	_ =	sdelay $0x1  }
0x255: {  	[tilespmem:s5+$0x2ED8] =	vst v0  }
0x256: {  	v0 =	vld.idx.msk [tilespmem:v1+s7+$0x0], $0xffff;
	_ =	sdelay $0x4  }
0x257: {  	(erf) = vrcp.f32 v0;
	_ =	sdelay $0x3  }
0x258: {  	v1 =	vld [tilespmem:s5+$0x82F8]  }
0x259: {  	v0 =	vld [tilespmem:s5+$0x4AE8];
	_ =	sdelay $0x3  }
0x25a: {  	v2 =	vpop (erf)  }
0x25b: {  	v0 =	vmul.f32 v2, v0;
	_ =	sdelay $0x1  }
0x25c: {  	[tilespmem:s5+$0x2EE8] =	vst v0  }
0x25d: {  	v0 =	vld.idx.msk [tilespmem:v1+s7+$0x0], $0xffff;
	_ =	sdelay $0x4  }
0x25e: {  	(erf) = vrcp.f32 v0;
	_ =	sdelay $0x3  }
0x25f: {  	v1 =	vld [tilespmem:s5+$0x8308]  }
0x260: {  	v0 =	vld [tilespmem:s5+$0x4AF8];
	_ =	sdelay $0x3  }
0x261: {  	v2 =	vpop (erf)  }
0x262: {  	v0 =	vmul.f32 v2, v0;
	_ =	sdelay $0x1  }
0x263: {  	[tilespmem:s5+$0x2EF8] =	vst v0  }
0x264: {  	v0 =	vld.idx.msk [tilespmem:v1+s7+$0x0], $0xffff;
	_ =	sdelay $0x4  }
0x265: {  	(erf) = vrcp.f32 v0;
	_ =	sdelay $0x3  }
0x266: {  	v1 =	vld [tilespmem:s5+$0x8318]  }
0x267: {  	v0 =	vld [tilespmem:s5+$0x4B08];
	_ =	sdelay $0x3  }
0x268: {  	v2 =	vpop (erf)  }
0x269: {  	v0 =	vmul.f32 v2, v0;
	_ =	sdelay $0x1  }
0x26a: {  	[tilespmem:s5+$0x2F08] =	vst v0  }
0x26b: {  	v0 =	vld.idx.msk [tilespmem:v1+s7+$0x0], $0xffff;
	_ =	sdelay $0x4  }
0x26c: {  	(erf) = vrcp.f32 v0;
	_ =	sdelay $0x3  }
0x26d: {  	v1 =	vld [tilespmem:s5+$0x8328]  }
0x26e: {  	v0 =	vld [tilespmem:s5+$0x4B18];
	_ =	sdelay $0x3  }
0x26f: {  	v2 =	vpop (erf)  }
0x270: {  	v0 =	vmul.f32 v2, v0;
	_ =	sdelay $0x1  }
0x271: {  	[tilespmem:s5+$0x2F18] =	vst v0  }
0x272: {  	v0 =	vld.idx.msk [tilespmem:v1+s7+$0x0], $0xffff;
	_ =	sdelay $0x4  }
0x273: {  	(erf) = vrcp.f32 v0;
	_ =	sdelay $0x3  }
0x274: {  	v1 =	vld [tilespmem:s5+$0x8338]  }
0x275: {  	v0 =	vld [tilespmem:s5+$0x4B28];
	_ =	sdelay $0x3  }
0x276: {  	v2 =	vpop (erf)  }
0x277: {  	v0 =	vmul.f32 v2, v0;
	_ =	sdelay $0x1  }
0x278: {  	[tilespmem:s5+$0x2F28] =	vst v0  }
0x279: {  	v0 =	vld.idx.msk [tilespmem:v1+s7+$0x0], $0xffff;
	_ =	sdelay $0x4  }
0x27a: {  	(erf) = vrcp.f32 v0;
	_ =	sdelay $0x3  }
0x27b: {  	v1 =	vld [tilespmem:s5+$0x8348]  }
0x27c: {  	v0 =	vld [tilespmem:s5+$0x4B38];
	_ =	sdelay $0x3  }
0x27d: {  	v2 =	vpop (erf)  }
0x27e: {  	v0 =	vmul.f32 v2, v0;
	_ =	sdelay $0x1  }
0x27f: {  	[tilespmem:s5+$0x2F38] =	vst v0  }
0x280: {  	v0 =	vld.idx.msk [tilespmem:v1+s7+$0x0], $0xffff;
	_ =	sdelay $0x4  }
0x281: {  	(erf) = vrcp.f32 v0;
	_ =	sdelay $0x3  }
0x282: {  	s8 =	simm.s32 $0x80;
	s6 =	simm.s32 $0x400;
	v0 =	vld [tilespmem:s5+$0x4B48]  }
.LBB2_10:
0x283: {  	p0 =	sne.s32 s6, $0x6E00;
	v1 =	vld [tilespmem:s8+$0x82D8];
	_ =	sdelay $0x3  }
0x284: {  	v2 =	vpop (erf)  }
0x285: {  	v0 =	vmul.f32 v2, v0;
	_ =	sdelay $0x1  }
0x286: {  	[tilespmem:s5+$0x2F48] =	vst v0;
	s5 =	smov.u32 s8  }
0x287: {  	v0 =	vld.idx.msk [tilespmem:v1+s7+$0x0], $0xffff;
	_ =	sdelay $0x5  }
0x288: {  	(erf) = vrcp.f32 v0;
	_ =	sdelay $0x3  }
0x289: {  	v0 =	vld [tilespmem:s5+$0x4AD8]  }
0x28a: {  	v1 =	vld [tilespmem:s5+$0x82E8];
	_ =	sdelay $0x3  }
0x28b: {  	v2 =	vpop (erf)  }
0x28c: {  	v0 =	vmul.f32 v2, v0;
	_ =	sdelay $0x1  }
0x28d: {  	[tilespmem:s5+$0x2ED8] =	vst v0  }
0x28e: {  	v0 =	vld.idx.msk [tilespmem:v1+s7+$0x0], $0xffff;
	_ =	sdelay $0x5  }
0x28f: {  	(erf) = vrcp.f32 v0;
	_ =	sdelay $0x3  }
0x290: {  	v0 =	vld [tilespmem:s5+$0x4AE8]  }
0x291: {  	v1 =	vld [tilespmem:s5+$0x82F8];
	_ =	sdelay $0x3  }
0x292: {  	v2 =	vpop (erf)  }
0x293: {  	v0 =	vmul.f32 v2, v0;
	_ =	sdelay $0x1  }
0x294: {  	[tilespmem:s5+$0x2EE8] =	vst v0  }
0x295: {  	v0 =	vld.idx.msk [tilespmem:v1+s7+$0x0], $0xffff;
	_ =	sdelay $0x5  }
0x296: {  	(erf) = vrcp.f32 v0;
	_ =	sdelay $0x3  }
0x297: {  	v0 =	vld [tilespmem:s5+$0x4AF8]  }
0x298: {  	v1 =	vld [tilespmem:s5+$0x8308];
	_ =	sdelay $0x3  }
0x299: {  	v2 =	vpop (erf)  }
0x29a: {  	v0 =	vmul.f32 v2, v0;
	_ =	sdelay $0x1  }
0x29b: {  	[tilespmem:s5+$0x2EF8] =	vst v0  }
0x29c: {  	v0 =	vld.idx.msk [tilespmem:v1+s7+$0x0], $0xffff;
	_ =	sdelay $0x5  }
0x29d: {  	(erf) = vrcp.f32 v0;
	_ =	sdelay $0x3  }
0x29e: {  	v0 =	vld [tilespmem:s5+$0x4B08]  }
0x29f: {  	v1 =	vld [tilespmem:s5+$0x8318];
	_ =	sdelay $0x3  }
0x2a0: {  	v2 =	vpop (erf)  }
0x2a1: {  	v0 =	vmul.f32 v2, v0;
	_ =	sdelay $0x1  }
0x2a2: {  	[tilespmem:s5+$0x2F08] =	vst v0  }
0x2a3: {  	v0 =	vld.idx.msk [tilespmem:v1+s7+$0x0], $0xffff;
	_ =	sdelay $0x5  }
0x2a4: {  	(erf) = vrcp.f32 v0;
	_ =	sdelay $0x3  }
0x2a5: {  	v0 =	vld [tilespmem:s5+$0x4B18]  }
0x2a6: {  	v1 =	vld [tilespmem:s5+$0x8328];
	_ =	sdelay $0x3  }
0x2a7: {  	v2 =	vpop (erf)  }
0x2a8: {  	v0 =	vmul.f32 v2, v0;
	_ =	sdelay $0x1  }
0x2a9: {  	[tilespmem:s5+$0x2F18] =	vst v0  }
0x2aa: {  	v0 =	vld.idx.msk [tilespmem:v1+s7+$0x0], $0xffff;
	_ =	sdelay $0x5  }
0x2ab: {  	(erf) = vrcp.f32 v0;
	_ =	sdelay $0x3  }
0x2ac: {  	v0 =	vld [tilespmem:s5+$0x4B28]  }
0x2ad: {  	v1 =	vld [tilespmem:s5+$0x8338];
	_ =	sdelay $0x3  }
0x2ae: {  	v2 =	vpop (erf)  }
0x2af: {  	v0 =	vmul.f32 v2, v0;
	_ =	sdelay $0x1  }
0x2b0: {  	[tilespmem:s5+$0x2F28] =	vst v0  }
0x2b1: {  	v0 =	vld.idx.msk [tilespmem:v1+s7+$0x0], $0xffff;
	_ =	sdelay $0x5  }
0x2b2: {  	(erf) = vrcp.f32 v0;
	_ =	sdelay $0x3  }
0x2b3: {  	v0 =	vld [tilespmem:s5+$0x4B38]  }
0x2b4: {  	v1 =	vld [tilespmem:s5+$0x8348];
	_ =	sdelay $0x3  }
0x2b5: {  	v2 =	vpop (erf)  }
0x2b6: {  	v0 =	vmul.f32 v2, v0;
	_ =	sdelay $0x1  }
0x2b7: {  	[tilespmem:s5+$0x2F38] =	vst v0  }
0x2b8: {  	v0 =	vld.idx.msk [tilespmem:v1+s7+$0x0], $0xffff;
	_ =	sdelay $0x5  }
.Ltmp5:
0x2b9: {  	(erf) = vrcp.f32 v0;
	(pc) =	sbr.rel @p0 .LBB2_10-.Ltmp5, $2  }
0x2ba: {  	_ =	sdelay $0x2  }
0x2bb: {  	s8 =	sshra.s32 s6, $0x2;
	s6 =	sadd.s32 $0x200, s6;
	v0 =	vld [tilespmem:s5+$0x4B48]  }
0x2bc: {  	v1 =	vld [tilespmem:s8+$0x82D8];
	_ =	sdelay $0x3  }
0x2bd: {  	v2 =	vpop (erf)  }
0x2be: {  	v0 =	vmul.f32 v2, v0;
	_ =	sdelay $0x1  }
0x2bf: {  	[tilespmem:s5+$0x2F48] =	vst v0  }
0x2c0: {  	v0 =	vld.idx.msk [tilespmem:v1+s7+$0x0], $0xffff;
	_ =	sdelay $0x4  }
0x2c1: {  	(erf) = vrcp.f32 v0;
	_ =	sdelay $0x3  }
0x2c2: {  	v41 =	vld [tilespmem:s8+$0x4AD8]  }
0x2c3: {  	v42 =	vld [tilespmem:s8+$0x82E8];
	_ =	sdelay $0x3  }
0x2c4: {  	v43 =	vpop (erf)  }
0x2c5: {  	v0 =	vmul.f32 v43, v41;
	_ =	sdelay $0x1  }
0x2c6: {  	[tilespmem:s8+$0x2ED8] =	vst v0  }
0x2c7: {  	v0 =	vld.idx.msk [tilespmem:v42+s7+$0x0], $0xffff;
	_ =	sdelay $0x4  }
0x2c8: {  	(erf) = vrcp.f32 v0;
	_ =	sdelay $0x3  }
0x2c9: {  	v44 =	vld [tilespmem:s8+$0x4AE8]  }
0x2ca: {  	v45 =	vld [tilespmem:s8+$0x82F8];
	_ =	sdelay $0x3  }
0x2cb: {  	v46 =	vpop (erf)  }
0x2cc: {  	v0 =	vmul.f32 v46, v44;
	_ =	sdelay $0x1  }
0x2cd: {  	[tilespmem:s8+$0x2EE8] =	vst v0  }
0x2ce: {  	v0 =	vld.idx.msk [tilespmem:v45+s7+$0x0], $0xffff;
	_ =	sdelay $0x4  }
0x2cf: {  	(erf) = vrcp.f32 v0;
	_ =	sdelay $0x3  }
0x2d0: {  	v47 =	vld [tilespmem:s8+$0x4AF8]  }
0x2d1: {  	v48 =	vld [tilespmem:s8+$0x8308];
	_ =	sdelay $0x3  }
0x2d2: {  	v49 =	vpop (erf)  }
0x2d3: {  	v0 =	vmul.f32 v49, v47;
	_ =	sdelay $0x1  }
0x2d4: {  	[tilespmem:s8+$0x2EF8] =	vst v0  }
0x2d5: {  	v0 =	vld.idx.msk [tilespmem:v48+s7+$0x0], $0xffff;
	_ =	sdelay $0x4  }
0x2d6: {  	(erf) = vrcp.f32 v0;
	_ =	sdelay $0x3  }
0x2d7: {  	v50 =	vld [tilespmem:s8+$0x4B08]  }
0x2d8: {  	v51 =	vld [tilespmem:s8+$0x8318];
	_ =	sdelay $0x3  }
0x2d9: {  	v52 =	vpop (erf)  }
0x2da: {  	v0 =	vmul.f32 v52, v50;
	_ =	sdelay $0x1  }
0x2db: {  	[tilespmem:s8+$0x2F08] =	vst v0  }
0x2dc: {  	v0 =	vld.idx.msk [tilespmem:v51+s7+$0x0], $0xffff;
	_ =	sdelay $0x4  }
0x2dd: {  	(erf) = vrcp.f32 v0;
	_ =	sdelay $0x3  }
0x2de: {  	v53 =	vld [tilespmem:s8+$0x4B18]  }
0x2df: {  	v54 =	vld [tilespmem:s8+$0x8328];
	_ =	sdelay $0x3  }
0x2e0: {  	v55 =	vpop (erf)  }
0x2e1: {  	v0 =	vmul.f32 v55, v53;
	_ =	sdelay $0x1  }
0x2e2: {  	[tilespmem:s8+$0x2F18] =	vst v0  }
0x2e3: {  	v0 =	vld.idx.msk [tilespmem:v54+s7+$0x0], $0xffff;
	_ =	sdelay $0x4  }
0x2e4: {  	(erf) = vrcp.f32 v0;
	_ =	sdelay $0x3  }
0x2e5: {  	v56 =	vld [tilespmem:s8+$0x4B28]  }
0x2e6: {  	v57 =	vld [tilespmem:s8+$0x8338];
	_ =	sdelay $0x3  }
0x2e7: {  	v58 =	vpop (erf)  }
0x2e8: {  	v0 =	vmul.f32 v58, v56;
	_ =	sdelay $0x1  }
0x2e9: {  	[tilespmem:s8+$0x2F28] =	vst v0  }
0x2ea: {  	v0 =	vld.idx.msk [tilespmem:v57+s7+$0x0], $0xffff;
	_ =	sdelay $0x4  }
0x2eb: {  	(erf) = vrcp.f32 v0;
	_ =	sdelay $0x3  }
0x2ec: {  	v59 =	vld [tilespmem:s8+$0x4B38]  }
0x2ed: {  	v60 =	vld [tilespmem:s8+$0x8348];
	_ =	sdelay $0x3  }
0x2ee: {  	v61 =	vpop (erf)  }
0x2ef: {  	v0 =	vmul.f32 v61, v59;
	_ =	sdelay $0x1  }
0x2f0: {  	[tilespmem:s8+$0x2F38] =	vst v0  }
0x2f1: {  	v0 =	vld.idx.msk [tilespmem:v60+s7+$0x0], $0xffff;
	_ =	sdelay $0x4  }
0x2f2: {  	(erf) = vrcp.f32 v0;
	_ =	sdelay $0x4  }
0x2f3: {  	v62 =	vld [tilespmem:s8+$0x4B48];
	_ =	sdelay $0x3  }
0x2f4: {  	v63 =	vpop (erf)  }
0x2f5: {  	v0 =	vmul.f32 v63, v62;
	_ =	sdelay $0x1  }
0x2f6: {  	s6 =	simm.s32 $0x9ED8;
	s31 =	simm.s32 $0x2ED8;
	s5 =	simm.s32 $0x80;
	[tilespmem:s8+$0x2F48] =	vst v0  }
0x2f7: {  	[spmem:s4] =	stream.indirect.scatter.add.f32 [tilespmem:s31], [sflag:$0x1], $0x1, s6, s5, $0xb8;
	[tilespmem:$0x126D8] =	vst v63  }
0x2f8: {  	s7 =	simm.s32 $0x9F58;
	s8 =	simm.s32 $0x2F58  }
0x2f9: {  	[spmem:s4] =	stream.indirect.scatter.add.f32 [tilespmem:s8], [sflag:$0x1], $0x1, s7, s5, $0xb8;
	[tilespmem:$0x126D8] =	vst v63  }
0x2fa: {  	s9 =	simm.s32 $0x9FD8;
	s10 =	simm.s32 $0x2FD8  }
0x2fb: {  	[spmem:s4] =	stream.indirect.scatter.add.f32 [tilespmem:s10], [sflag:$0x1], $0x1, s9, s5, $0xb8;
	[tilespmem:$0x126D8] =	vst v63  }
0x2fc: {  	s11 =	simm.s32 $0xA058;
	s12 =	simm.s32 $0x3058  }
0x2fd: {  	[spmem:s4] =	stream.indirect.scatter.add.f32 [tilespmem:s12], [sflag:$0x1], $0x1, s11, s5, $0xb8;
	[tilespmem:$0x126D8] =	vst v63  }
0x2fe: {  	s13 =	simm.s32 $0xA0D8;
	s14 =	simm.s32 $0x30D8  }
0x2ff: {  	[spmem:s4] =	stream.indirect.scatter.add.f32 [tilespmem:s14], [sflag:$0x1], $0x1, s13, s5, $0xb8;
	[tilespmem:$0x126D8] =	vst v63  }
0x300: {  	s15 =	simm.s32 $0xA158;
	s16 =	simm.s32 $0x3158  }
0x301: {  	[spmem:s4] =	stream.indirect.scatter.add.f32 [tilespmem:s16], [sflag:$0x1], $0x1, s15, s5, $0xb8;
	[tilespmem:$0x126D8] =	vst v63  }
0x302: {  	s17 =	simm.s32 $0xA1D8;
	s18 =	simm.s32 $0x31D8;
	s6 =	simm.s32 $0x1  }
0x303: {  	[spmem:s4] =	stream.indirect.scatter.add.f32 [tilespmem:s18], [sflag:$0x1], $0x1, s17, s5, $0xb8;
	[tilespmem:$0x126D8] =	vst v63  }
0x304: {  	_ =	swait.ge [sflag:s6], $0x80  }
0x305: {  	[sflag:s6] =	ssyncset.done $0x0  }
0x306: {  	[sflag:s6] =	ssyncadd.s32 $0xFFFFFF80  }
0x307: {  	_ =	swait.ge [sflag:s6], $0x80  }
0x308: {  	[sflag:s6] =	ssyncset.done $0x0  }
0x309: {  	[sflag:s6] =	ssyncadd.s32 $0xFFFFFF80  }
0x30a: {  	_ =	swait.ge [sflag:s6], $0x80  }
0x30b: {  	[sflag:s6] =	ssyncset.done $0x0  }
0x30c: {  	[sflag:s6] =	ssyncadd.s32 $0xFFFFFF80  }
0x30d: {  	_ =	swait.ge [sflag:s6], $0x80  }
0x30e: {  	[sflag:s6] =	ssyncset.done $0x0  }
0x30f: {  	[sflag:s6] =	ssyncadd.s32 $0xFFFFFF80  }
0x310: {  	_ =	swait.ge [sflag:s6], $0x80  }
0x311: {  	[sflag:s6] =	ssyncset.done $0x0  }
0x312: {  	[sflag:s6] =	ssyncadd.s32 $0xFFFFFF80  }
0x313: {  	_ =	swait.ge [sflag:s6], $0x80  }
0x314: {  	[sflag:s6] =	ssyncset.done $0x0  }
0x315: {  	[sflag:s6] =	ssyncadd.s32 $0xFFFFFF80  }
0x316: {  	_ =	swait.ge [sflag:s6], $0x80  }
0x317: {  	[sflag:s6] =	ssyncset.done $0x0  }
0x318: {  	s19 =	simm.s32 $0xA258;
	s20 =	simm.s32 $0x3258;
	[sflag:s6] =	ssyncadd.s32 $0xFFFFFF80  }
0x319: {  	[spmem:s4] =	stream.indirect.scatter.add.f32 [tilespmem:s20], [sflag:$0x1], $0x1, s19, s5, $0xb8;
	[tilespmem:$0x126D8] =	vst v63  }
0x31a: {  	s21 =	simm.s32 $0xA2D8;
	s22 =	simm.s32 $0x32D8  }
0x31b: {  	[spmem:s4] =	stream.indirect.scatter.add.f32 [tilespmem:s22], [sflag:$0x1], $0x1, s21, s5, $0xb8;
	[tilespmem:$0x126D8] =	vst v63  }
0x31c: {  	s23 =	simm.s32 $0xA358;
	s24 =	simm.s32 $0x3358  }
0x31d: {  	[spmem:s4] =	stream.indirect.scatter.add.f32 [tilespmem:s24], [sflag:$0x1], $0x1, s23, s5, $0xb8;
	[tilespmem:$0x126D8] =	vst v63  }
0x31e: {  	s25 =	simm.s32 $0xA3D8;
	s26 =	simm.s32 $0x33D8  }
0x31f: {  	[spmem:s4] =	stream.indirect.scatter.add.f32 [tilespmem:s26], [sflag:$0x1], $0x1, s25, s5, $0xb8;
	[tilespmem:$0x126D8] =	vst v63  }
0x320: {  	s28 =	simm.s32 $0xA458;
	s29 =	simm.s32 $0x3458  }
0x321: {  	[spmem:s4] =	stream.indirect.scatter.add.f32 [tilespmem:s29], [sflag:$0x1], $0x1, s28, s5, $0xb8;
	[tilespmem:$0x126D8] =	vst v63  }
0x322: {  	s30 =	simm.s32 $0xA4D8;
	s31 =	simm.s32 $0x34D8  }
0x323: {  	[spmem:s4] =	stream.indirect.scatter.add.f32 [tilespmem:s31], [sflag:$0x1], $0x1, s30, s5, $0xb8;
	[tilespmem:$0x126D8] =	vst v63  }
0x324: {  	s9 =	simm.s32 $0xA558;
	s10 =	simm.s32 $0x3558  }
0x325: {  	[spmem:s4] =	stream.indirect.scatter.add.f32 [tilespmem:s10], [sflag:$0x1], $0x1, s9, s5, $0xb8;
	[tilespmem:$0x126D8] =	vst v63  }
0x326: {  	_ =	swait.ge [sflag:s6], $0x80  }
0x327: {  	[sflag:s6] =	ssyncset.done $0x0  }
0x328: {  	[sflag:s6] =	ssyncadd.s32 $0xFFFFFF80  }
0x329: {  	_ =	swait.ge [sflag:s6], $0x80  }
0x32a: {  	[sflag:s6] =	ssyncset.done $0x0  }
0x32b: {  	[sflag:s6] =	ssyncadd.s32 $0xFFFFFF80  }
0x32c: {  	_ =	swait.ge [sflag:s6], $0x80  }
0x32d: {  	[sflag:s6] =	ssyncset.done $0x0  }
0x32e: {  	[sflag:s6] =	ssyncadd.s32 $0xFFFFFF80  }
0x32f: {  	_ =	swait.ge [sflag:s6], $0x80  }
0x330: {  	[sflag:s6] =	ssyncset.done $0x0  }
0x331: {  	[sflag:s6] =	ssyncadd.s32 $0xFFFFFF80  }
0x332: {  	_ =	swait.ge [sflag:s6], $0x80  }
0x333: {  	[sflag:s6] =	ssyncset.done $0x0  }
0x334: {  	[sflag:s6] =	ssyncadd.s32 $0xFFFFFF80  }
0x335: {  	_ =	swait.ge [sflag:s6], $0x80  }
0x336: {  	[sflag:s6] =	ssyncset.done $0x0  }
0x337: {  	[sflag:s6] =	ssyncadd.s32 $0xFFFFFF80  }
0x338: {  	_ =	swait.ge [sflag:s6], $0x80  }
0x339: {  	[sflag:s6] =	ssyncset.done $0x0  }
0x33a: {  	s11 =	simm.s32 $0xA5D8;
	s12 =	simm.s32 $0x35D8;
	[sflag:s6] =	ssyncadd.s32 $0xFFFFFF80  }
0x33b: {  	[spmem:s4] =	stream.indirect.scatter.add.f32 [tilespmem:s12], [sflag:$0x1], $0x1, s11, s5, $0xb8;
	[tilespmem:$0x126D8] =	vst v63  }
0x33c: {  	s13 =	simm.s32 $0xA658;
	s14 =	simm.s32 $0x3658  }
0x33d: {  	[spmem:s4] =	stream.indirect.scatter.add.f32 [tilespmem:s14], [sflag:$0x1], $0x1, s13, s5, $0xb8;
	[tilespmem:$0x126D8] =	vst v63  }
0x33e: {  	s15 =	simm.s32 $0xA6D8;
	s16 =	simm.s32 $0x36D8  }
0x33f: {  	[spmem:s4] =	stream.indirect.scatter.add.f32 [tilespmem:s16], [sflag:$0x1], $0x1, s15, s5, $0xb8;
	[tilespmem:$0x126D8] =	vst v63  }
0x340: {  	s17 =	simm.s32 $0xA758;
	s18 =	simm.s32 $0x3758  }
0x341: {  	[spmem:s4] =	stream.indirect.scatter.add.f32 [tilespmem:s18], [sflag:$0x1], $0x1, s17, s5, $0xb8;
	[tilespmem:$0x126D8] =	vst v63  }
0x342: {  	s19 =	simm.s32 $0xA7D8;
	s20 =	simm.s32 $0x37D8  }
0x343: {  	[spmem:s4] =	stream.indirect.scatter.add.f32 [tilespmem:s20], [sflag:$0x1], $0x1, s19, s5, $0xb8;
	[tilespmem:$0x126D8] =	vst v63  }
0x344: {  	s21 =	simm.s32 $0xA858;
	s22 =	simm.s32 $0x3858  }
0x345: {  	[spmem:s4] =	stream.indirect.scatter.add.f32 [tilespmem:s22], [sflag:$0x1], $0x1, s21, s5, $0xb8;
	[tilespmem:$0x126D8] =	vst v63  }
0x346: {  	s23 =	simm.s32 $0xA8D8;
	s24 =	simm.s32 $0x38D8  }
0x347: {  	[spmem:s4] =	stream.indirect.scatter.add.f32 [tilespmem:s24], [sflag:$0x1], $0x1, s23, s5, $0xb8;
	[tilespmem:$0x126D8] =	vst v63  }
0x348: {  	_ =	swait.ge [sflag:s6], $0x80  }
0x349: {  	[sflag:s6] =	ssyncset.done $0x0  }
0x34a: {  	[sflag:s6] =	ssyncadd.s32 $0xFFFFFF80  }
0x34b: {  	_ =	swait.ge [sflag:s6], $0x80  }
0x34c: {  	[sflag:s6] =	ssyncset.done $0x0  }
0x34d: {  	[sflag:s6] =	ssyncadd.s32 $0xFFFFFF80  }
0x34e: {  	_ =	swait.ge [sflag:s6], $0x80  }
0x34f: {  	[sflag:s6] =	ssyncset.done $0x0  }
0x350: {  	[sflag:s6] =	ssyncadd.s32 $0xFFFFFF80  }
0x351: {  	_ =	swait.ge [sflag:s6], $0x80  }
0x352: {  	[sflag:s6] =	ssyncset.done $0x0  }
0x353: {  	[sflag:s6] =	ssyncadd.s32 $0xFFFFFF80  }
0x354: {  	_ =	swait.ge [sflag:s6], $0x80  }
0x355: {  	[sflag:s6] =	ssyncset.done $0x0  }
0x356: {  	[sflag:s6] =	ssyncadd.s32 $0xFFFFFF80  }
0x357: {  	_ =	swait.ge [sflag:s6], $0x80  }
0x358: {  	[sflag:s6] =	ssyncset.done $0x0  }
0x359: {  	[sflag:s6] =	ssyncadd.s32 $0xFFFFFF80  }
0x35a: {  	_ =	swait.ge [sflag:s6], $0x80  }
0x35b: {  	[sflag:s6] =	ssyncset.done $0x0  }
0x35c: {  	s25 =	simm.s32 $0xA958;
	s26 =	simm.s32 $0x3958;
	[sflag:s6] =	ssyncadd.s32 $0xFFFFFF80  }
0x35d: {  	[spmem:s4] =	stream.indirect.scatter.add.f32 [tilespmem:s26], [sflag:$0x1], $0x1, s25, s5, $0xb8;
	[tilespmem:$0x126D8] =	vst v63  }
0x35e: {  	s28 =	simm.s32 $0xA9D8;
	s29 =	simm.s32 $0x39D8  }
0x35f: {  	[spmem:s4] =	stream.indirect.scatter.add.f32 [tilespmem:s29], [sflag:$0x1], $0x1, s28, s5, $0xb8;
	[tilespmem:$0x126D8] =	vst v63  }
0x360: {  	s30 =	simm.s32 $0xAA58;
	s31 =	simm.s32 $0x3A58  }
0x361: {  	[spmem:s4] =	stream.indirect.scatter.add.f32 [tilespmem:s31], [sflag:$0x1], $0x1, s30, s5, $0xb8;
	[tilespmem:$0x126D8] =	vst v63  }
0x362: {  	s9 =	simm.s32 $0xAAD8;
	s10 =	simm.s32 $0x3AD8  }
0x363: {  	[spmem:s4] =	stream.indirect.scatter.add.f32 [tilespmem:s10], [sflag:$0x1], $0x1, s9, s5, $0xb8;
	[tilespmem:$0x126D8] =	vst v63  }
0x364: {  	s11 =	simm.s32 $0xAB58;
	s12 =	simm.s32 $0x3B58  }
0x365: {  	[spmem:s4] =	stream.indirect.scatter.add.f32 [tilespmem:s12], [sflag:$0x1], $0x1, s11, s5, $0xb8;
	[tilespmem:$0x126D8] =	vst v63  }
0x366: {  	s13 =	simm.s32 $0xABD8;
	s14 =	simm.s32 $0x3BD8  }
0x367: {  	[spmem:s4] =	stream.indirect.scatter.add.f32 [tilespmem:s14], [sflag:$0x1], $0x1, s13, s5, $0xb8;
	[tilespmem:$0x126D8] =	vst v63  }
0x368: {  	s15 =	simm.s32 $0xAC58;
	s16 =	simm.s32 $0x3C58  }
0x369: {  	[spmem:s4] =	stream.indirect.scatter.add.f32 [tilespmem:s16], [sflag:$0x1], $0x1, s15, s5, $0xb8;
	[tilespmem:$0x126D8] =	vst v63  }
0x36a: {  	_ =	swait.ge [sflag:s6], $0x80  }
0x36b: {  	[sflag:s6] =	ssyncset.done $0x0  }
0x36c: {  	[sflag:s6] =	ssyncadd.s32 $0xFFFFFF80  }
0x36d: {  	_ =	swait.ge [sflag:s6], $0x80  }
0x36e: {  	[sflag:s6] =	ssyncset.done $0x0  }
0x36f: {  	[sflag:s6] =	ssyncadd.s32 $0xFFFFFF80  }
0x370: {  	_ =	swait.ge [sflag:s6], $0x80  }
0x371: {  	[sflag:s6] =	ssyncset.done $0x0  }
0x372: {  	[sflag:s6] =	ssyncadd.s32 $0xFFFFFF80  }
0x373: {  	_ =	swait.ge [sflag:s6], $0x80  }
0x374: {  	[sflag:s6] =	ssyncset.done $0x0  }
0x375: {  	[sflag:s6] =	ssyncadd.s32 $0xFFFFFF80  }
0x376: {  	_ =	swait.ge [sflag:s6], $0x80  }
0x377: {  	[sflag:s6] =	ssyncset.done $0x0  }
0x378: {  	[sflag:s6] =	ssyncadd.s32 $0xFFFFFF80  }
0x379: {  	_ =	swait.ge [sflag:s6], $0x80  }
0x37a: {  	[sflag:s6] =	ssyncset.done $0x0  }
0x37b: {  	[sflag:s6] =	ssyncadd.s32 $0xFFFFFF80  }
0x37c: {  	_ =	swait.ge [sflag:s6], $0x80  }
0x37d: {  	[sflag:s6] =	ssyncset.done $0x0  }
0x37e: {  	s17 =	simm.s32 $0xACD8;
	s18 =	simm.s32 $0x3CD8;
	[sflag:s6] =	ssyncadd.s32 $0xFFFFFF80  }
0x37f: {  	[spmem:s4] =	stream.indirect.scatter.add.f32 [tilespmem:s18], [sflag:$0x1], $0x1, s17, s5, $0xb8;
	[tilespmem:$0x126D8] =	vst v63  }
0x380: {  	s19 =	simm.s32 $0xAD58;
	s20 =	simm.s32 $0x3D58  }
0x381: {  	[spmem:s4] =	stream.indirect.scatter.add.f32 [tilespmem:s20], [sflag:$0x1], $0x1, s19, s5, $0xb8;
	[tilespmem:$0x126D8] =	vst v63  }
0x382: {  	s21 =	simm.s32 $0xADD8;
	s22 =	simm.s32 $0x3DD8  }
0x383: {  	[spmem:s4] =	stream.indirect.scatter.add.f32 [tilespmem:s22], [sflag:$0x1], $0x1, s21, s5, $0xb8;
	[tilespmem:$0x126D8] =	vst v63  }
0x384: {  	s23 =	simm.s32 $0xAE58;
	s24 =	simm.s32 $0x3E58  }
0x385: {  	[spmem:s4] =	stream.indirect.scatter.add.f32 [tilespmem:s24], [sflag:$0x1], $0x1, s23, s5, $0xb8;
	[tilespmem:$0x126D8] =	vst v63  }
0x386: {  	s25 =	simm.s32 $0xAED8;
	s26 =	simm.s32 $0x3ED8  }
0x387: {  	[spmem:s4] =	stream.indirect.scatter.add.f32 [tilespmem:s26], [sflag:$0x1], $0x1, s25, s5, $0xb8;
	[tilespmem:$0x126D8] =	vst v63  }
0x388: {  	s28 =	simm.s32 $0xAF58;
	s29 =	simm.s32 $0x3F58  }
0x389: {  	[spmem:s4] =	stream.indirect.scatter.add.f32 [tilespmem:s29], [sflag:$0x1], $0x1, s28, s5, $0xb8;
	[tilespmem:$0x126D8] =	vst v63  }
0x38a: {  	s30 =	simm.s32 $0xAFD8;
	s31 =	simm.s32 $0x3FD8  }
0x38b: {  	[spmem:s4] =	stream.indirect.scatter.add.f32 [tilespmem:s31], [sflag:$0x1], $0x1, s30, s5, $0xb8;
	[tilespmem:$0x126D8] =	vst v63  }
0x38c: {  	_ =	swait.ge [sflag:s6], $0x80  }
0x38d: {  	[sflag:s6] =	ssyncset.done $0x0  }
0x38e: {  	[sflag:s6] =	ssyncadd.s32 $0xFFFFFF80  }
0x38f: {  	_ =	swait.ge [sflag:s6], $0x80  }
0x390: {  	[sflag:s6] =	ssyncset.done $0x0  }
0x391: {  	[sflag:s6] =	ssyncadd.s32 $0xFFFFFF80  }
0x392: {  	_ =	swait.ge [sflag:s6], $0x80  }
0x393: {  	[sflag:s6] =	ssyncset.done $0x0  }
0x394: {  	[sflag:s6] =	ssyncadd.s32 $0xFFFFFF80  }
0x395: {  	_ =	swait.ge [sflag:s6], $0x80  }
0x396: {  	[sflag:s6] =	ssyncset.done $0x0  }
0x397: {  	[sflag:s6] =	ssyncadd.s32 $0xFFFFFF80  }
0x398: {  	_ =	swait.ge [sflag:s6], $0x80  }
0x399: {  	[sflag:s6] =	ssyncset.done $0x0  }
0x39a: {  	[sflag:s6] =	ssyncadd.s32 $0xFFFFFF80  }
0x39b: {  	_ =	swait.ge [sflag:s6], $0x80  }
0x39c: {  	[sflag:s6] =	ssyncset.done $0x0  }
0x39d: {  	[sflag:s6] =	ssyncadd.s32 $0xFFFFFF80  }
0x39e: {  	_ =	swait.ge [sflag:s6], $0x80  }
0x39f: {  	[sflag:s6] =	ssyncset.done $0x0  }
0x3a0: {  	s9 =	simm.s32 $0xB058;
	s10 =	simm.s32 $0x4058;
	[sflag:s6] =	ssyncadd.s32 $0xFFFFFF80  }
0x3a1: {  	[spmem:s4] =	stream.indirect.scatter.add.f32 [tilespmem:s10], [sflag:$0x1], $0x1, s9, s5, $0xb8;
	[tilespmem:$0x126D8] =	vst v63  }
0x3a2: {  	s11 =	simm.s32 $0xB0D8;
	s12 =	simm.s32 $0x40D8  }
0x3a3: {  	[spmem:s4] =	stream.indirect.scatter.add.f32 [tilespmem:s12], [sflag:$0x1], $0x1, s11, s5, $0xb8;
	[tilespmem:$0x126D8] =	vst v63  }
0x3a4: {  	s13 =	simm.s32 $0xB158;
	s14 =	simm.s32 $0x4158  }
0x3a5: {  	[spmem:s4] =	stream.indirect.scatter.add.f32 [tilespmem:s14], [sflag:$0x1], $0x1, s13, s5, $0xb8;
	[tilespmem:$0x126D8] =	vst v63  }
0x3a6: {  	s15 =	simm.s32 $0xB1D8;
	s16 =	simm.s32 $0x41D8  }
0x3a7: {  	[spmem:s4] =	stream.indirect.scatter.add.f32 [tilespmem:s16], [sflag:$0x1], $0x1, s15, s5, $0xb8;
	[tilespmem:$0x126D8] =	vst v63  }
0x3a8: {  	s17 =	simm.s32 $0xB258;
	s18 =	simm.s32 $0x4258  }
0x3a9: {  	[spmem:s4] =	stream.indirect.scatter.add.f32 [tilespmem:s18], [sflag:$0x1], $0x1, s17, s5, $0xb8;
	[tilespmem:$0x126D8] =	vst v63  }
0x3aa: {  	s19 =	simm.s32 $0xB2D8;
	s20 =	simm.s32 $0x42D8  }
0x3ab: {  	[spmem:s4] =	stream.indirect.scatter.add.f32 [tilespmem:s20], [sflag:$0x1], $0x1, s19, s5, $0xb8;
	[tilespmem:$0x126D8] =	vst v63  }
0x3ac: {  	s21 =	simm.s32 $0xB358;
	s22 =	simm.s32 $0x4358  }
0x3ad: {  	[spmem:s4] =	stream.indirect.scatter.add.f32 [tilespmem:s22], [sflag:$0x1], $0x1, s21, s5, $0xb8;
	[tilespmem:$0x126D8] =	vst v63  }
0x3ae: {  	_ =	swait.ge [sflag:s6], $0x80  }
0x3af: {  	[sflag:s6] =	ssyncset.done $0x0  }
0x3b0: {  	[sflag:s6] =	ssyncadd.s32 $0xFFFFFF80  }
0x3b1: {  	_ =	swait.ge [sflag:s6], $0x80  }
0x3b2: {  	[sflag:s6] =	ssyncset.done $0x0  }
0x3b3: {  	[sflag:s6] =	ssyncadd.s32 $0xFFFFFF80  }
0x3b4: {  	_ =	swait.ge [sflag:s6], $0x80  }
0x3b5: {  	[sflag:s6] =	ssyncset.done $0x0  }
0x3b6: {  	[sflag:s6] =	ssyncadd.s32 $0xFFFFFF80  }
0x3b7: {  	_ =	swait.ge [sflag:s6], $0x80  }
0x3b8: {  	[sflag:s6] =	ssyncset.done $0x0  }
0x3b9: {  	[sflag:s6] =	ssyncadd.s32 $0xFFFFFF80  }
0x3ba: {  	_ =	swait.ge [sflag:s6], $0x80  }
0x3bb: {  	[sflag:s6] =	ssyncset.done $0x0  }
0x3bc: {  	[sflag:s6] =	ssyncadd.s32 $0xFFFFFF80  }
0x3bd: {  	_ =	swait.ge [sflag:s6], $0x80  }
0x3be: {  	[sflag:s6] =	ssyncset.done $0x0  }
0x3bf: {  	[sflag:s6] =	ssyncadd.s32 $0xFFFFFF80  }
0x3c0: {  	_ =	swait.ge [sflag:s6], $0x80  }
0x3c1: {  	[sflag:s6] =	ssyncset.done $0x0  }
0x3c2: {  	s23 =	simm.s32 $0xB3D8;
	s24 =	simm.s32 $0x43D8;
	[sflag:s6] =	ssyncadd.s32 $0xFFFFFF80  }
0x3c3: {  	[spmem:s4] =	stream.indirect.scatter.add.f32 [tilespmem:s24], [sflag:$0x1], $0x1, s23, s5, $0xb8;
	[tilespmem:$0x126D8] =	vst v63  }
0x3c4: {  	s25 =	simm.s32 $0xB458;
	s26 =	simm.s32 $0x4458  }
0x3c5: {  	[spmem:s4] =	stream.indirect.scatter.add.f32 [tilespmem:s26], [sflag:$0x1], $0x1, s25, s5, $0xb8;
	[tilespmem:$0x126D8] =	vst v63  }
0x3c6: {  	s28 =	simm.s32 $0xB4D8;
	s29 =	simm.s32 $0x44D8  }
0x3c7: {  	[spmem:s4] =	stream.indirect.scatter.add.f32 [tilespmem:s29], [sflag:$0x1], $0x1, s28, s5, $0xb8;
	[tilespmem:$0x126D8] =	vst v63  }
0x3c8: {  	s30 =	simm.s32 $0xB558;
	s31 =	simm.s32 $0x4558  }
0x3c9: {  	[spmem:s4] =	stream.indirect.scatter.add.f32 [tilespmem:s31], [sflag:$0x1], $0x1, s30, s5, $0xb8;
	[tilespmem:$0x126D8] =	vst v63  }
0x3ca: {  	s8 =	simm.s32 $0xB5D8;
	s9 =	simm.s32 $0x45D8  }
0x3cb: {  	[spmem:s4] =	stream.indirect.scatter.add.f32 [tilespmem:s9], [sflag:$0x1], $0x1, s8, s5, $0xb8;
	[tilespmem:$0x126D8] =	vst v63  }
0x3cc: {  	s10 =	simm.s32 $0xB658;
	s11 =	simm.s32 $0x4658  }
0x3cd: {  	[spmem:s4] =	stream.indirect.scatter.add.f32 [tilespmem:s11], [sflag:$0x1], $0x1, s10, s5, $0xb8;
	[tilespmem:$0x126D8] =	vst v63  }
0x3ce: {  	s12 =	simm.s32 $0xB6D8;
	s13 =	simm.s32 $0x46D8  }
0x3cf: {  	[spmem:s4] =	stream.indirect.scatter.add.f32 [tilespmem:s13], [sflag:$0x1], $0x1, s12, s5, $0xb8;
	[tilespmem:$0x126D8] =	vst v63  }
0x3d0: {  	_ =	swait.ge [sflag:s6], $0x80  }
0x3d1: {  	[sflag:s6] =	ssyncset.done $0x0  }
0x3d2: {  	[sflag:s6] =	ssyncadd.s32 $0xFFFFFF80  }
0x3d3: {  	_ =	swait.ge [sflag:s6], $0x80  }
0x3d4: {  	[sflag:s6] =	ssyncset.done $0x0  }
0x3d5: {  	[sflag:s6] =	ssyncadd.s32 $0xFFFFFF80  }
0x3d6: {  	_ =	swait.ge [sflag:s6], $0x80  }
0x3d7: {  	[sflag:s6] =	ssyncset.done $0x0  }
0x3d8: {  	[sflag:s6] =	ssyncadd.s32 $0xFFFFFF80  }
0x3d9: {  	_ =	swait.ge [sflag:s6], $0x80  }
0x3da: {  	[sflag:s6] =	ssyncset.done $0x0  }
0x3db: {  	[sflag:s6] =	ssyncadd.s32 $0xFFFFFF80  }
0x3dc: {  	_ =	swait.ge [sflag:s6], $0x80  }
0x3dd: {  	[sflag:s6] =	ssyncset.done $0x0  }
0x3de: {  	[sflag:s6] =	ssyncadd.s32 $0xFFFFFF80  }
0x3df: {  	_ =	swait.ge [sflag:s6], $0x80  }
0x3e0: {  	[sflag:s6] =	ssyncset.done $0x0  }
0x3e1: {  	[sflag:s6] =	ssyncadd.s32 $0xFFFFFF80  }
0x3e2: {  	_ =	swait.ge [sflag:s6], $0x80  }
0x3e3: {  	[sflag:s6] =	ssyncset.done $0x0  }
0x3e4: {  	s14 =	simm.s32 $0xB758;
	s15 =	simm.s32 $0x4758;
	[sflag:s6] =	ssyncadd.s32 $0xFFFFFF80  }
0x3e5: {  	[spmem:s4] =	stream.indirect.scatter.add.f32 [tilespmem:s15], [sflag:$0x1], $0x1, s14, s5, $0xb8;
	[tilespmem:$0x126D8] =	vst v63  }
0x3e6: {  	s16 =	simm.s32 $0xB7D8;
	s17 =	simm.s32 $0x47D8  }
0x3e7: {  	[spmem:s4] =	stream.indirect.scatter.add.f32 [tilespmem:s17], [sflag:$0x1], $0x1, s16, s5, $0xb8;
	[tilespmem:$0x126D8] =	vst v63  }
0x3e8: {  	s18 =	simm.s32 $0xB858;
	s19 =	simm.s32 $0x4858  }
0x3e9: {  	[spmem:s4] =	stream.indirect.scatter.add.f32 [tilespmem:s19], [sflag:$0x1], $0x1, s18, s5, $0xb8;
	[tilespmem:$0x126D8] =	vst v63  }
0x3ea: {  	s20 =	simm.s32 $0xB8D8;
	s21 =	simm.s32 $0x48D8  }
0x3eb: {  	[spmem:s4] =	stream.indirect.scatter.add.f32 [tilespmem:s21], [sflag:$0x1], $0x1, s20, s5, $0xb8;
	[tilespmem:$0x126D8] =	vst v63  }
0x3ec: {  	s22 =	simm.s32 $0xB958;
	s23 =	simm.s32 $0x4958  }
0x3ed: {  	[spmem:s4] =	stream.indirect.scatter.add.f32 [tilespmem:s23], [sflag:$0x1], $0x1, s22, s5, $0xb8;
	[tilespmem:$0x126D8] =	vst v63  }
0x3ee: {  	s24 =	simm.s32 $0xB9D8;
	s25 =	simm.s32 $0x49D8  }
0x3ef: {  	[spmem:s4] =	stream.indirect.scatter.add.f32 [tilespmem:s25], [sflag:$0x1], $0x1, s24, s5, $0xb8;
	[tilespmem:$0x126D8] =	vst v63  }
0x3f0: {  	s26 =	simm.s32 $0xBA58;
	s28 =	simm.s32 $0x4A58  }
0x3f1: {  	[spmem:s4] =	stream.indirect.scatter.add.f32 [tilespmem:s28], [sflag:$0x1], $0x1, s26, s5, $0xb8;
	[tilespmem:$0x126D8] =	vst v63  }
0x3f2: {  	_ =	swait.ge [sflag:s6], $0x80  }
0x3f3: {  	[sflag:s6] =	ssyncset.done $0x0  }
0x3f4: {  	[sflag:s6] =	ssyncadd.s32 $0xFFFFFF80  }
0x3f5: {  	_ =	swait.ge [sflag:s6], $0x80  }
0x3f6: {  	[sflag:s6] =	ssyncset.done $0x0  }
0x3f7: {  	[sflag:s6] =	ssyncadd.s32 $0xFFFFFF80  }
0x3f8: {  	_ =	swait.ge [sflag:s6], $0x80  }
0x3f9: {  	[sflag:s6] =	ssyncset.done $0x0  }
0x3fa: {  	[sflag:s6] =	ssyncadd.s32 $0xFFFFFF80  }
0x3fb: {  	_ =	swait.ge [sflag:s6], $0x80  }
0x3fc: {  	[sflag:s6] =	ssyncset.done $0x0  }
0x3fd: {  	[sflag:s6] =	ssyncadd.s32 $0xFFFFFF80  }
0x3fe: {  	_ =	swait.ge [sflag:s6], $0x80  }
0x3ff: {  	[sflag:s6] =	ssyncset.done $0x0  }
0x400: {  	[sflag:s6] =	ssyncadd.s32 $0xFFFFFF80  }
0x401: {  	_ =	swait.ge [sflag:s6], $0x80  }
0x402: {  	[sflag:s6] =	ssyncset.done $0x0  }
0x403: {  	[sflag:s6] =	ssyncadd.s32 $0xFFFFFF80  }
0x404: {  	_ =	swait.ge [sflag:s6], $0x80  }
0x405: {  	[sflag:s6] =	ssyncset.done $0x0  }
0x406: {  	[sflag:s6] =	ssyncadd.s32 $0xFFFFFF80  }
0x407: {  	s29 =	simm.s32 $0xC58;
	s30 =	simm.s32 $0x2;
	[bflag:$0x0] =	sbarrier.arrive $0xFFFF  }
0x408: {  	[tilespmem:s29], [sflag:$0x2] =	stream.linear.gather [spmem:s2], $0x620, $0x38;
	[tilespmem:$0x126D8] =	vst v63  }
0x409: {  	_ =	swait.ge [sflag:s30], $0x620  }
0x40a: {  	[sflag:s30] =	ssyncset.done $0x0  }
0x40b: {  	s31 =	simm.s32 $0x0;
	[sflag:s30] =	ssyncadd.s32 $0xFFFFF9E0  }
0x40c: {  	[hbm4b:s3+s31] =	stream.linear.scatter [tilespmem:s29], [sflag:$0x2], $0x620, $0x38;
	[tilespmem:$0x126D8] =	vst v63  }
0x40d: {  	_ =	swait.ge [sflag:s30], $0x620  }
0x40e: {  	[sflag:s30] =	ssyncset.done $0x0  }
0x40f: {  	[sflag:s30] =	ssyncadd.s32 $0xFFFFF9E0  }
.LBB2_12:
0x410: {  	_ =	sfence.sel $0x180000  }
0x411: {  	[bflag:$0x0] =	sbarrier.arrive $0xFFFF  }
0x412: {  	p0 =	sne.s32 s1, $0x0;
	_ =	strace $0x9000004D  }
0x413: {  	s0 =	sadd.s32 @!p0 $0x100000, s0;
	[bflag:$0x2] =	sbarrier.arrive $0xFFFF  }
0x414: {  	[sflag:s0] =	ssyncadd.tile.s32 @!p0 $0x1;
	_ =	shalt  }
.Lfunc_end2:
_tile_overlayer_lowered:
.L_overlay_start_2:
0x415: {  	(tag) =	ssettag $0x2  }
0x416: {  	s0 =	rddreg [dreg:$0x0];
	s2 =	stileid.u32  }
0x417: {  	s1 =	rddreg [dreg:$0x1];
	p0 =	sne.s32 s2, $0x0  }
0x418: {  	s3 =	rddreg [dreg:$0x2];
	[bflag:$0x3] =	sbarrier.arrive $0xFFFF;
	s2 =	simm.s32 @!p0 $0x1C02  }
0x419: {  	[timem:s3], [sflag:s2] =	dma.local @!p0 [hbm:s0], s1  }
0x41a: {  	s0 =	simm.s32 @!p0 $0x2  }
0x41b: {  	_ =	swait.ge @!p0 [sflag:s0], s1  }
0x41c: {  	s1 =	ssub.s32 @!p0 $0x0, s1;
	[sflag:s0] =	ssyncset.done @!p0 $0x0  }
0x41d: {  	[sflag:s0] =	ssyncadd.s32 @!p0 s1  }
0x41e: {  	[bflag:$0x3] =	sbarrier.arrive $0xFFFF  }
0x41f: {  	_ =	shalt  }

// kernel: kernel.8.cloned.1.call-start
scs
__scs_entry_jumppad:
0x0: {  	(pc) =	sbr.rel $0x88, $3  }
0x1: {  	(tag) =	ssettag $0x0;
	lr =	simm.s32 $0x1  }
0x2: {  	[smem:$0x3F8E] =	sst lr;
	_ =	strace $0xD0000000  }
0x3: {  	_ = 	snop  }
0x4: {  	_ = 	snop  }
0x5: {  	_ = 	snop  }
0x6: {  	_ = 	snop  }
0x7: {  	_ = 	snop  }
__scs_overlays_trampoline_lowered:
0x8: {  	[smem:$0x3F9D] =	sst s0  }
0x9: {  	[smem:$0x3F9E] =	sst s1  }
0xa: {  	[smem:$0x3F9F] =	sst s2  }
0xb: {  	[smem:$0x3FA0] =	sst s3  }
0xc: {  	[smem:$0x3FA1] =	sst s4  }
0xd: {  	[smem:$0x3FA2] =	sst s5  }
0xe: {  	[smem:$0x3FA3] =	sst s6  }
0xf: {  	[smem:$0x3FA4] =	sst s7  }
0x10: {  	[smem:$0x3FA5] =	sst s8  }
0x11: {  	[smem:$0x3FA6] =	sst s9;
	s0 =	simm.s32 @!p0 $0x0  }
0x12: {  	s1 =	sld [smem:$0x3F8C];
	s0 =	simm.s32 @p0 $0x1  }
0x13: {  	[smem:$0x3FA7] =	sst s0;
	s0 =	simm.s32 @!p1 $0x0  }
0x14: {  	s2 =	sld [smem:$0x3F8B];
	s0 =	simm.s32 @p1 $0x1  }
0x15: {  	[smem:$0x3FA8] =	sst s0;
	s0 =	simm.s32 @!p2 $0x0  }
0x16: {  	s3 =	sld [smem:$0x3FDB];
	s0 =	simm.s32 @p2 $0x1  }
0x17: {  	s4 =	simm.s32 $0x1BF5;
	[smem:$0x3FAA] =	sst s0  }
0x18: {  	s0 =	sld [smem:$0x3F8D];
	_ =	swait.ge [sflag:s4], $0x0  }
0x19: {  	s7 =	sld [smem:$0x3F8E]  }
0x1a: {  	s8 =	sadd.s32 $0xFFFFE003, lr  }
0x1b: {  	s9 =	sadd.s32 $0xFFFFFEF7, lr;
	s5 =	simm.s32 $0xFFFFFFFF;
	p2 =	slt.u32 s8, $0xFFFFF086  }
0x1c: {  	p1 =	slt.u32 s9, $0xF7A;
	s5 =	simm.s32 @!p2 $0x0  }
0x1d: {  	s5 =	simm.s32 @p1 $0x1;
	p0 =	seq.s32 s7, s2  }
0x1e: {  	s7 =	smul.u32 @!p0 $0xF7A, s2;
	p2 =	seq.s32 @!p0 s5, $0x0  }
0x1f: {  	s9 =	smul.u32 $0xF7A, s1;
	s8 =	simm.s32 @!p0 $0x1BF5;
	p2 =	por !p2, p0  }
0x20: {  	[sflag:s8] =	ssyncset.s32 @!p0 $0xFFFFF086;
	s6 =	sadd.s32 @!p0 s3, s7;
	s7 =	simm.s32 @!p0 $0x108  }
0x21: {  	s3 =	sadd.s32 s3, s9;
	s6 =	sadd.s32 @!p0 $0x88, s6;
	s7 =	simm.s32 @p2 $0x1082  }
0x22: {  	[simem:s7], [sflag:s8] =	dma.local @!p0 [hbm:s6], $0xF7A  }
0x23: {  	s9 =	sor.u32 $0xD0000000, s2;
	s6 =	simm.s32 $0x108;
	_ =	swait.ge @!p0 [sflag:s8], $0x0  }
0x24: {  	s3 =	sadd.s32 $0x88, s3;
	s6 =	simm.s32 @!p1 $0x1082;
	[sflag:s4] =	ssyncset.s32 $0xFFFFF086  }
0x25: {  	[simem:s6], [sflag:s4] =	dma.local [hbm:s3], $0xF7A  }
0x26: {  	[smem:$0x3F8E] =	sst s1;
	(tag) =	ssettag s2;
	_ =	strace s9  }
0x27: {  	s1 =	sld [smem:$0x3F9E]  }
0x28: {  	s2 =	sld [smem:$0x3F9F]  }
0x29: {  	s4 =	sld [smem:$0x3FA1]  }
0x2a: {  	p0 =	seq.s32 s5, $0x0;
	s5 =	sld [smem:$0x3FA2]  }
0x2b: {  	s6 =	sld [smem:$0x3FA3]  }
0x2c: {  	s7 =	sld [smem:$0x3FA4]  }
0x2d: {  	s3 =	simm.s32 $0x108;
	s8 =	sld [smem:$0x3FA5]  }
0x2e: {  	s3 =	simm.s32 @!p0 $0x1082;
	s9 =	sld [smem:$0x3FA6]  }
0x2f: {  	lr =	sadd.s32 s0, s3;
	s0 =	sld [smem:$0x3F9D]  }
0x30: {  	s3 =	sld [smem:$0x3FA0]  }
0x31: {  	[smem:$0x3FA9] =	sst s10  }
0x32: {  	s10 =	sld [smem:$0x3FA7];
	_ =	sdelay $0x3  }
0x33: {  	p0 =	seq.s32 s10, $0x1;
	s10 =	sld [smem:$0x3FA9];
	_ =	sdelay $0x3  }
0x34: {  	[smem:$0x3FA9] =	sst s10  }
0x35: {  	s10 =	sld [smem:$0x3FA8];
	_ =	sdelay $0x3  }
0x36: {  	p1 =	seq.s32 s10, $0x1;
	s10 =	sld [smem:$0x3FA9];
	_ =	sdelay $0x3  }
0x37: {  	[smem:$0x3FA9] =	sst s10  }
0x38: {  	s10 =	sld [smem:$0x3FAA]  }
0x39: {  	_ = 	snop;
	(pc) =	sbr.ind lr, $3  }
0x3a: {  	_ = 	snop  }
0x3b: {  	_ = 	snop  }
0x3c: {  	p2 =	seq.s32 s10, $0x1;
	s10 =	sld [smem:$0x3FA9]  }
0x3d: {  	_ =	shalt  }
0x3e: {  	_ =	shalt  }
0x3f: {  	_ =	shalt  }
0x40: {  	_ =	shalt  }
0x41: {  	_ =	shalt  }
0x42: {  	_ =	shalt  }
0x43: {  	_ =	shalt  }
0x44: {  	_ =	shalt  }
0x45: {  	_ =	shalt  }
0x46: {  	_ =	shalt  }
0x47: {  	_ =	shalt  }
0x48: {  	_ =	shalt  }
0x49: {  	_ =	shalt  }
0x4a: {  	_ =	shalt  }
0x4b: {  	_ =	shalt  }
0x4c: {  	_ =	shalt  }
0x4d: {  	_ =	shalt  }
0x4e: {  	_ =	shalt  }
0x4f: {  	_ =	shalt  }
0x50: {  	_ =	shalt  }
0x51: {  	_ =	shalt  }
0x52: {  	_ =	shalt  }
0x53: {  	_ =	shalt  }
0x54: {  	_ =	shalt  }
0x55: {  	_ =	shalt  }
0x56: {  	_ =	shalt  }
0x57: {  	_ =	shalt  }
0x58: {  	_ =	shalt  }
0x59: {  	_ =	shalt  }
0x5a: {  	_ =	shalt  }
0x5b: {  	_ =	shalt  }
0x5c: {  	_ =	shalt  }
0x5d: {  	_ =	shalt  }
0x5e: {  	_ =	shalt  }
0x5f: {  	_ =	shalt  }
0x60: {  	_ =	shalt  }
0x61: {  	_ =	shalt  }
0x62: {  	_ =	shalt  }
0x63: {  	_ =	shalt  }
0x64: {  	_ =	shalt  }
0x65: {  	_ =	shalt  }
0x66: {  	_ =	shalt  }
0x67: {  	_ =	shalt  }
0x68: {  	_ =	shalt  }
0x69: {  	_ =	shalt  }
0x6a: {  	_ =	shalt  }
0x6b: {  	_ =	shalt  }
0x6c: {  	_ =	shalt  }
0x6d: {  	_ =	shalt  }
0x6e: {  	_ =	shalt  }
0x6f: {  	_ =	shalt  }
0x70: {  	_ =	shalt  }
0x71: {  	_ =	shalt  }
0x72: {  	_ =	shalt  }
0x73: {  	_ =	shalt  }
0x74: {  	_ =	shalt  }
0x75: {  	_ =	shalt  }
0x76: {  	_ =	shalt  }
0x77: {  	_ =	shalt  }
0x78: {  	_ =	shalt  }
0x79: {  	_ =	shalt  }
0x7a: {  	_ =	shalt  }
0x7b: {  	_ =	shalt  }
0x7c: {  	_ =	shalt  }
0x7d: {  	_ =	shalt  }
0x7e: {  	_ =	shalt  }
0x7f: {  	_ =	shalt  }
0x80: {  	_ =	shalt  }
0x81: {  	_ =	shalt  }
0x82: {  	_ =	shalt  }
0x83: {  	_ =	shalt  }
0x84: {  	_ =	shalt  }
0x85: {  	_ =	shalt  }
0x86: {  	_ =	shalt  }
0x87: {  	_ =	shalt  }
.Lfunc_end0:
.L_simem_size_0:
called_computation_lowered:
.L_overlay_start_0:
0x88: {  	s2 =	sld [smem:$0x3FD9]  }
0x89: {  	s3 =	sld [smem:$0x3FFE];
	_ =	sdelay $0x1  }
0x8a: {  	s1 =	srdreg.scid  }
0x8b: {  	s0 =	sand.u32 $0x1, s1  }
0x8c: {  	s17 =	sshll.u32 s0, $0xA;
	s2 =	sadd.s32 s3, s2  }
0x8d: {  	s2 =	sadd.s32 s2, s17  }
0x8e: {  	[smem:$0x3FB5] =	sst s2  }
0x8f: {  	_ = 	snop  }
0x90: {  	(tm) =	ssettm $0x1  }
0x91: {  	s18 =	sld [smem:$0x3FFB];
	_ =	sdelay $0x3  }
0x92: {  	_ =	strace s18  }
0x93: {  	s2 =	sld [smem:$0x3FFC];
	_ =	sdelay $0x3  }
0x94: {  	_ =	strace s2  }
0x95: {  	s2 =	sld [smem:$0x3FFD];
	_ =	sdelay $0x3  }
0x96: {  	_ =	strace s2  }
0x97: {  	_ =	strace $0x8FFFFFFF  }
0x98: {  	s19 =	sld [smem:$0x3FDB];
	_ =	sdelay $0x1  }
0x99: {  	s20 =	simm.s32 $_scs_section_size  }
0x9a: {  	s4 =	simm.s32 $_size__tile_overlayer_lowered;
	s5 =	simm.s32 $_tile_overlayer_lowered  }
0x9b: {  	s6 =	simm.s32 $0x1BFF;
	s21 =	sshll.u32 s5, $0x1;
	s3 =	sadd.s32 s20, s19  }
0x9c: {  	s22 =	simm.s32 $0x0;
	s4 =	sshll.u32 s4, $0x1;
	s5 =	sadd.s32 s21, s3  }
0x9d: {  	[timem:s22], [sflag:s6] =	dma.local [hbm:s5], s4  }
0x9e: {  	_ =	swait.ge [sflag:s6], s4  }
0x9f: {  	s4 =	ssub.s32 $0x0, s4;
	[sflag:s6] =	ssyncset.done $0x0  }
0xa0: {  	[sflag:s6] =	ssyncadd.s32 s4;
	_ =	sdelay $0x1  }
0xa1: {  	s23 =	simm.s32 $0x1B8B  }
0xa2: {  	_ =	swait.ge [sflag:s23], $0x1  }
0xa3: {  	[sflag:s23] =	ssyncset.done $0x0  }
0xa4: {  	[sflag:s23] =	ssyncadd.s32 $0xFFFFFFFF  }
0xa5: {  	s4 =	sld [smem:$0x0]  }
0xa6: {  	s5 =	sand.u32 $0xFFFFFFFE, s1  }
0xa7: {  	p0 =	sne.s32 s1, s5  }
0xa8: {  	s5 =	sshll.u32 @p0 s5, $0xE  }
0xa9: {  	s5 =	sadd.s32 @p0 $0x11B8D, s5;
	s6 =	sshll.u32 @p0 s4, $0x11  }
0xaa: {  	s5 =	sor.u32 @p0 s6, s5  }
0xab: {  	[sflag:s5] =	ssyncadd.remote.s32 @p0 $0x1;
	_ =	sdelay $0x1  }
0xac: {  	s5 =	simm.s32 @p0 $0x1B8D  }
0xad: {  	_ =	swait.eq @p0 [sflag:s5], $0x1  }
0xae: {  	[sflag:s5] =	ssyncadd.s32 @p0 $0xFFFFFFFF  }
0xaf: {  	s6 =	sshll.u32 @!p0 s1, $0xE  }
0xb0: {  	s6 =	sor.u32 @!p0 $0x4000, s6;
	s5 =	simm.s32 @!p0 $0x1B8D  }
0xb1: {  	s4 =	sshll.u32 @!p0 s4, $0x11;
	s6 =	sadd.s32 @!p0 $0x11B8D, s6;
	_ =	swait.eq @!p0 [sflag:s5], $0x1  }
0xb2: {  	s4 =	sor.u32 @!p0 s4, s6;
	[sflag:s5] =	ssyncadd.s32 @!p0 $0xFFFFFFFF  }
0xb3: {  	s25 =	simm.s32 $0x1B8E;
	s24 =	sld [smem:$0x3FFE];
	[sflag:s4] =	ssyncadd.remote.s32 @!p0 $0x1  }
0xb4: {  	s26 =	simm.s32 $execute0_lowered;
	[smem:$0x3FD2] =	sst s25  }
0xb5: {  	s5 =	sshll.u32 s26, $0x1;
	_ =	strace $0x80000049;
	[dreg:$0x1] =	wrdreg $0xFFFFFFFF  }
0xb6: {  	s28 =	simm.s32 $_size_execute0_lowered;
	s3 =	sadd.s32 s3, s5;
	[dreg:$0x0] =	wrdreg $0x0  }
0xb7: {  	s5 =	sshll.u32 s28, $0x1;
	[dreg:$0x2] =	wrdreg s3  }
0xb8: {  	[dreg:$0x3] =	wrdreg s5  }
0xb9: {  	[dreg:$0x4] =	wrdreg $0xC0  }
0xba: {  	_ =	task [dreg:s22], $0x5FFFF  }
0xbb: {  	[dreg:$0x1] =	wrdreg $0xFFFFFFFF  }
0xbc: {  	[dreg:$0x0] =	wrdreg $0x60  }
0xbd: {  	[dreg:$0x2] =	wrdreg s24  }
0xbe: {  	[dreg:$0x3] =	wrdreg $0x9  }
0xbf: {  	_ =	task.clear_ibuf [dreg:s22], $0x4FFFF;
	_ =	strace $0x90000049  }
0xc0: {  	s29 =	simm.s32 $0x9;
	_ =	strace $0x8000004B  }
0xc1: {  	_ =	swait.ge [sflag:s29], $0x1  }
0xc2: {  	[sflag:s29] =	ssyncadd.s32 $0xFFFFFFFF  }
0xc3: {  	_ =	strace $0x9000004B  }
0xc4: {  	_ =	sfence  }
0xc5: {  	s30 =	sld [smem:$0x0];
	_ =	sdelay $0x2  }
0xc6: {  	s31 =	sshll.u32 s1, $0xD;
	s1 =	sshrl.u32 s1, $0x2  }
0xc7: {  	s4 =	sand.u32 $0x4000, s31;
	s1 =	sadd.s32 s1, s30  }
0xc8: {  	s0 =	sor.u32 s4, s0;
	s1 =	sshll.u32 s1, $0x11  }
0xc9: {  	s0 =	sor.u32 s1, s0  }
0xca: {  	s0 =	sadd.s32 $0x8F2B, s0  }
0xcb: {  	[sflag:s0] =	ssyncadd.remote.s32 $0x1  }
0xcc: {  	_ =	sfence.sel $0xFFFF  }
0xcd: {  	[dreg:$0x0] =	wrdreg $0xFFFFFFFF;
	(pc) =	sbr.abs _section_cstart, $3  }
0xce: {  	[dreg:$0x1] =	wrdreg $0xFFFFFFFF  }
0xcf: {  	_ =	task.clear_ibuf [dreg:s22], $0x2FFFF;
	_ =	strace $0x9FFFFFFF  }
0xd0: {  	(tm) =	ssettm $0x7FFFFFFF  }
0xd1: {  	_ =	shalt  }
tec
execute0_lowered:
.L_overlay_start_1:
0x0: {  	(tag) =	ssettag $0x1  }
0x1: {  	s0 =	rddreg [dreg:$0x0];
	s1 =	stileid.u32  }
0x2: {  	s3 =	srdreg.scid;
	s2 =	simm.s32 $0x0;
	s15 =	simm.s32 $0x50  }
0x3: {  	s16 =	simm.s32 $0x200;
	s17 =	simm.s32 $0x2A00;
	s18 =	simm.s32 $0x100  }
0x4: {  	s19 =	simm.s32 $0x180;
	s20 =	simm.s32 $0x5200;
	s21 =	simm.s32 $0x7A00  }
0x5: {  	s22 =	simm.s32 $0x1;
	s23 =	simm.s32 $0x2;
	s24 =	simm.s32 $0x3  }
0x6: {  	s7 =	sand.u32 $0x1, s3;
	s25 =	sshll.u32 s1, $0x1;
	s8 =	smul.u32 $0xC800, s1  }
0x7: {  	[smem:$0x7FF] =	sst s2;
	s5 =	sadd.s32 $0x2BFC00, s0;
	s12 =	smul.u32 $0xC80, s1  }
0x8: {  	s3 =	sadd.s32 $0xA0800, s0;
	s6 =	sadd.s32 $0x2C1600, s0;
	s10 =	smul.u32 $0x6400, s7  }
0x9: {  	s4 =	sor.u32 s7, s25;
	s11 =	ssub.s32 $0x2, s7;
	s14 =	smul.u32 $0x640, s7  }
0xa: {  	_ =	strace $0x8000004A;
	s9 =	smul.u32 $0x640, s4;
	s13 =	sshrl.u32 s11, $0x1  }
0xb: {  	s4 =	sadd.s32 $0x4400, s0;
	s0 =	sadd.s32 s8, s0;
	s11 =	ssub.s32 s11, s13  }
0xc: {  	s25 =	simm.s32 $0x4;
	s0 =	sadd.s32 s10, s0;
	s30 =	smax.u32 s11, $0x1  }
0xd: {  	s29 =	sadd.s32 s14, s12;
	s31 =	sadd.s32 $0x2C3000, s0;
	[dreg:$0x6] =	wrdreg s30  }
0xe: {  	s9 =	sshrl.u32 s9, $0x3;
	s0 =	sadd.s32 $0x38B000, s0;
	[dreg:$0x2] =	wrdreg s31  }
0xf: {  	s13 =	simm.s32 $0x5;
	s26 =	sadd.s32 s5, s9;
	[dreg:$0x3] =	wrdreg s0  }
0x10: {  	s12 =	sadd.s32 $0x50, s29;
	s28 =	sadd.s32 s6, s9;
	[dreg:$0x4] =	wrdreg s26  }
0x11: {  	s10 =	sadd.s32 $0xA0, s29;
	s12 =	sshrl.u32 s12, $0x3;
	[dreg:$0x5] =	wrdreg s28  }
0x12: {  	s11 =	sadd.s32 s12, s6;
	s12 =	sadd.s32 s12, s5;
	s26 =	simm.s32 $0x0  }
.LBB2_1:
0x13: {  	s0 =	rddreg [dreg:$0x4]  }
0x14: {  	[tilespmem:s2], [sflag:$0x5] =	stream.linear.gather [hbm4b:s0+s2], $0x50, $0x38;
	[tilespmem:$0xA200] =	vst v63  }
0x15: {  	_ =	swait.ge [sflag:s13], $0x50  }
0x16: {  	[sflag:s13] =	ssyncset.done $0x0  }
0x17: {  	s1 =	simm.s32 $0x80;
	s8 =	rddreg [dreg:$0x5];
	[sflag:s13] =	ssyncadd.s32 $0xFFFFFFB0  }
0x18: {  	[tilespmem:s1], [sflag:$0x5] =	stream.linear.gather [hbm4b:s8+s2], $0x50, $0x38;
	[tilespmem:$0xA200] =	vst v63  }
0x19: {  	_ =	swait.ge [sflag:s13], $0x50  }
0x1a: {  	[sflag:s13] =	ssyncset.done $0x0  }
0x1b: {  	[sflag:s13] =	ssyncadd.s32 $0xFFFFFFB0  }
0x1c: {  	[tilespmem:s16], [sflag:$0x1] =	stream.indirect.gather [hbm4b:s3+s15], $0x80, s2, s15, $0xb8;
	[tilespmem:$0xA200] =	vst v63  }
0x1d: {  	_ = 	snop  }
0x1e: {  	[tilespmem:s17], [sflag:$0x2] =	stream.indirect.gather [hbm4b:s4+s15], $0x80, s1, s15, $0xb8;
	[tilespmem:$0xA200] =	vst v63  }
0x1f: {  	_ = 	snop  }
0x20: {  	[tilespmem:s18], [sflag:$0x5] =	stream.linear.gather [hbm4b:s12+s2], $0x50, $0x38;
	[tilespmem:$0xA200] =	vst v63  }
0x21: {  	_ =	swait.ge [sflag:s13], $0x50  }
0x22: {  	[sflag:s13] =	ssyncset.done $0x0  }
0x23: {  	[sflag:s13] =	ssyncadd.s32 $0xFFFFFFB0  }
0x24: {  	[tilespmem:s19], [sflag:$0x5] =	stream.linear.gather [hbm4b:s11+s2], $0x50, $0x38;
	[tilespmem:$0xA200] =	vst v63  }
0x25: {  	_ =	swait.ge [sflag:s13], $0x50  }
0x26: {  	[sflag:s13] =	ssyncset.done $0x0  }
0x27: {  	[sflag:s13] =	ssyncadd.s32 $0xFFFFFFB0  }
0x28: {  	[tilespmem:s20], [sflag:$0x3] =	stream.indirect.gather [hbm4b:s3+s15], $0x80, s18, s15, $0xb8;
	[tilespmem:$0xA200] =	vst v63  }
0x29: {  	_ = 	snop  }
0x2a: {  	[tilespmem:s21], [sflag:$0x4] =	stream.indirect.gather [hbm4b:s4+s15], $0x80, s19, s15, $0xb8;
	[tilespmem:$0xA200] =	vst v63  }
0x2b: {  	_ =	swait.ge [sflag:s22], $0x2800  }
0x2c: {  	[sflag:s22] =	ssyncset.done $0x0  }
0x2d: {  	[sflag:s22] =	ssyncadd.s32 $0xFFFFD800  }
0x2e: {  	_ =	swait.ge [sflag:s23], $0x2800  }
0x2f: {  	s9 =	rddreg [dreg:$0x2];
	[sflag:s23] =	ssyncset.done $0x0  }
0x30: {  	[sflag:s23] =	ssyncadd.s32 $0xFFFFD800;
	s0 =	sadd.s32 $0x0, s9  }
0x31: {  	[hbm4b:s0+s2] =	stream.linear.scatter [tilespmem:s16], [sflag:$0x5], $0x2800, $0x38;
	[tilespmem:$0xA200] =	vst v63  }
0x32: {  	_ =	swait.ge [sflag:s13], $0x2800  }
0x33: {  	s28 =	rddreg [dreg:$0x3];
	[sflag:s13] =	ssyncset.done $0x0  }
0x34: {  	[sflag:s13] =	ssyncadd.s32 $0xFFFFD800;
	s28 =	sadd.s32 $0x0, s28  }
0x35: {  	[hbm4b:s28+s2] =	stream.linear.scatter [tilespmem:s17], [sflag:$0x5], $0x2800, $0x38;
	[tilespmem:$0xA200] =	vst v63  }
0x36: {  	p0 =	por $0x0, $0x0;
	_ =	swait.ge [sflag:s13], $0x2800  }
0x37: {  	s29 =	sshrl.u32 @!p0 s10, $0x3;
	s30 =	simm.s32 @!p0 $0x5;
	[sflag:s13] =	ssyncset.done $0x0  }
0x38: {  	s31 =	sadd.s32 @!p0 s5, s29;
	s1 =	simm.s32 @!p0 $0x0;
	[sflag:s13] =	ssyncadd.s32 $0xFFFFD800  }
0x39: {  	[tilespmem:s1], [sflag:$0x5] =	stream.linear.gather @!p0 [hbm4b:s31+s1], $0x50, $0x38;
	[tilespmem:$0xA200] =	vst v63  }
0x3a: {  	_ =	swait.ge @!p0 [sflag:s30], $0x50  }
0x3b: {  	[sflag:s30] =	ssyncset.done @!p0 $0x0  }
0x3c: {  	s29 =	sadd.s32 @!p0 s6, s29;
	s31 =	simm.s32 @!p0 $0x80;
	[sflag:s30] =	ssyncadd.s32 @!p0 $0xFFFFFFB0  }
0x3d: {  	[tilespmem:s31], [sflag:$0x5] =	stream.linear.gather @!p0 [hbm4b:s29+s1], $0x50, $0x38;
	[tilespmem:$0xA200] =	vst v63  }
0x3e: {  	_ =	swait.ge @!p0 [sflag:s30], $0x50  }
0x3f: {  	[sflag:s30] =	ssyncset.done @!p0 $0x0  }
0x40: {  	s29 =	simm.s32 @!p0 $0x50;
	[sflag:s30] =	ssyncadd.s32 @!p0 $0xFFFFFFB0;
	s30 =	simm.s32 @!p0 $0x200  }
0x41: {  	[tilespmem:s30], [sflag:$0x1] =	stream.indirect.gather @!p0 [hbm4b:s3+s29], $0x80, s1, s29, $0xb8;
	[tilespmem:$0xA200] =	vst v63  }
0x42: {  	s1 =	simm.s32 @!p0 $0x2A00  }
0x43: {  	[tilespmem:s1], [sflag:$0x2] =	stream.indirect.gather @!p0 [hbm4b:s4+s29], $0x80, s31, s29, $0xb8;
	[tilespmem:$0xA200] =	vst v63  }
0x44: {  	_ =	swait.ge [sflag:s24], $0x2800  }
0x45: {  	[sflag:s24] =	ssyncset.done $0x0  }
0x46: {  	[sflag:s24] =	ssyncadd.s32 $0xFFFFD800  }
0x47: {  	_ =	swait.ge [sflag:s25], $0x2800  }
0x48: {  	[sflag:s25] =	ssyncset.done $0x0  }
0x49: {  	s0 =	sadd.s32 $0x500, s0;
	[sflag:s25] =	ssyncadd.s32 $0xFFFFD800  }
0x4a: {  	[hbm4b:s0+s2] =	stream.linear.scatter [tilespmem:s20], [sflag:$0x5], $0x2800, $0x38;
	[tilespmem:$0xA200] =	vst v63  }
0x4b: {  	_ =	swait.ge [sflag:s13], $0x2800  }
0x4c: {  	[sflag:s13] =	ssyncset.done $0x0  }
0x4d: {  	s14 =	sadd.s32 $0x500, s28;
	[sflag:s13] =	ssyncadd.s32 $0xFFFFD800  }
0x4e: {  	[hbm4b:s14+s2] =	stream.linear.scatter [tilespmem:s21], [sflag:$0x5], $0x2800, $0x38;
	[tilespmem:$0xA200] =	vst v63  }
0x4f: {  	s28 =	simm.s32 $0xA00;
	s30 =	sadd.s32 $0x14, s12;
	_ =	swait.ge [sflag:s13], $0x2800  }
0x50: {  	s29 =	sadd.s32 $0x14, s11;
	s31 =	smov.u32 s10;
	[sflag:s13] =	ssyncset.done $0x0  }
.LBB2_2:
0x51: {  	[sflag:s13] =	ssyncadd.s32 $0xFFFFD800  }
0x52: {  	[tilespmem:s18], [sflag:$0x5] =	stream.linear.gather [hbm4b:s30+s2], $0x50, $0x38;
	[tilespmem:$0xA200] =	vst v63  }
0x53: {  	_ =	swait.ge [sflag:s13], $0x50  }
0x54: {  	[sflag:s13] =	ssyncset.done $0x0  }
0x55: {  	[sflag:s13] =	ssyncadd.s32 $0xFFFFFFB0  }
0x56: {  	[tilespmem:s19], [sflag:$0x5] =	stream.linear.gather [hbm4b:s29+s2], $0x50, $0x38;
	[tilespmem:$0xA200] =	vst v63  }
0x57: {  	_ =	swait.ge [sflag:s13], $0x50  }
0x58: {  	[sflag:s13] =	ssyncset.done $0x0  }
0x59: {  	[sflag:s13] =	ssyncadd.s32 $0xFFFFFFB0  }
0x5a: {  	[tilespmem:s20], [sflag:$0x3] =	stream.indirect.gather [hbm4b:s3+s15], $0x80, s18, s15, $0xb8;
	[tilespmem:$0xA200] =	vst v63  }
0x5b: {  	_ = 	snop  }
0x5c: {  	[tilespmem:s21], [sflag:$0x4] =	stream.indirect.gather [hbm4b:s4+s15], $0x80, s19, s15, $0xb8;
	[tilespmem:$0xA200] =	vst v63  }
0x5d: {  	_ =	swait.ge [sflag:s22], $0x2800  }
0x5e: {  	[sflag:s22] =	ssyncset.done $0x0  }
0x5f: {  	[sflag:s22] =	ssyncadd.s32 $0xFFFFD800  }
0x60: {  	_ =	swait.ge [sflag:s23], $0x2800  }
0x61: {  	s1 =	smov.u32 s28;
	s0 =	rddreg [dreg:$0x2];
	[sflag:s23] =	ssyncset.done $0x0  }
0x62: {  	[sflag:s23] =	ssyncadd.s32 $0xFFFFD800;
	s0 =	sadd.s32 s1, s0  }
0x63: {  	[hbm4b:s0+s2] =	stream.linear.scatter [tilespmem:s16], [sflag:$0x5], $0x2800, $0x38;
	[tilespmem:$0xA200] =	vst v63  }
0x64: {  	_ =	swait.ge [sflag:s13], $0x2800  }
0x65: {  	s7 =	rddreg [dreg:$0x3];
	[sflag:s13] =	ssyncset.done $0x0  }
0x66: {  	[sflag:s13] =	ssyncadd.s32 $0xFFFFD800;
	s7 =	sadd.s32 s1, s7  }
0x67: {  	[hbm4b:s7+s2] =	stream.linear.scatter [tilespmem:s17], [sflag:$0x5], $0x2800, $0x38;
	[tilespmem:$0xA200] =	vst v63  }
0x68: {  	s31 =	sadd.s32 $0xA0, s31;
	p1 =	seq.s32 s1, $0x5A00;
	_ =	swait.ge [sflag:s13], $0x2800  }
0x69: {  	s8 =	simm.s32 @!p1 $0x5;
	s1 =	sshrl.u32 @!p1 s31, $0x3;
	[sflag:s13] =	ssyncset.done $0x0  }
0x6a: {  	s14 =	simm.s32 @!p1 $0x0;
	s9 =	sadd.s32 @!p1 s5, s1;
	[sflag:s13] =	ssyncadd.s32 $0xFFFFD800  }
0x6b: {  	[tilespmem:s14], [sflag:$0x5] =	stream.linear.gather @!p1 [hbm4b:s9+s14], $0x50, $0x38;
	[tilespmem:$0xA200] =	vst v63  }
0x6c: {  	_ =	swait.ge @!p1 [sflag:s8], $0x50  }
0x6d: {  	[sflag:s8] =	ssyncset.done @!p1 $0x0  }
0x6e: {  	s1 =	sadd.s32 @!p1 s6, s1;
	s9 =	simm.s32 @!p1 $0x80;
	[sflag:s8] =	ssyncadd.s32 @!p1 $0xFFFFFFB0  }
0x6f: {  	[tilespmem:s9], [sflag:$0x5] =	stream.linear.gather @!p1 [hbm4b:s1+s14], $0x50, $0x38;
	[tilespmem:$0xA200] =	vst v63  }
0x70: {  	_ =	swait.ge @!p1 [sflag:s8], $0x50  }
0x71: {  	[sflag:s8] =	ssyncset.done @!p1 $0x0  }
0x72: {  	s1 =	simm.s32 @!p1 $0x50;
	[sflag:s8] =	ssyncadd.s32 @!p1 $0xFFFFFFB0;
	s8 =	simm.s32 @!p1 $0x200  }
0x73: {  	[tilespmem:s8], [sflag:$0x1] =	stream.indirect.gather @!p1 [hbm4b:s3+s1], $0x80, s14, s1, $0xb8;
	[tilespmem:$0xA200] =	vst v63  }
0x74: {  	s8 =	simm.s32 @!p1 $0x2A00  }
0x75: {  	[tilespmem:s8], [sflag:$0x2] =	stream.indirect.gather @!p1 [hbm4b:s4+s1], $0x80, s9, s1, $0xb8;
	[tilespmem:$0xA200] =	vst v63  }
0x76: {  	_ =	swait.ge [sflag:s24], $0x2800  }
0x77: {  	[sflag:s24] =	ssyncset.done $0x0  }
0x78: {  	[sflag:s24] =	ssyncadd.s32 $0xFFFFD800  }
0x79: {  	_ =	swait.ge [sflag:s25], $0x2800  }
0x7a: {  	[sflag:s25] =	ssyncset.done $0x0  }
0x7b: {  	s28 =	sadd.s32 $0xA00, s28;
	s0 =	sadd.s32 $0x500, s0;
	[sflag:s25] =	ssyncadd.s32 $0xFFFFD800  }
0x7c: {  	[hbm4b:s0+s2] =	stream.linear.scatter [tilespmem:s20], [sflag:$0x5], $0x2800, $0x38;
	[tilespmem:$0xA200] =	vst v63  }
0x7d: {  	p0 =	sne.s32 s28, $0x6400;
	_ =	swait.ge [sflag:s13], $0x2800  }
.Ltmp0:
0x7e: {  	[sflag:s13] =	ssyncset.done $0x0;
	(pc) =	sbr.rel @p0 .LBB2_2-.Ltmp0, $4  }
0x7f: {  	s14 =	sadd.s32 $0x500, s7;
	[sflag:s13] =	ssyncadd.s32 $0xFFFFD800  }
0x80: {  	[hbm4b:s14+s2] =	stream.linear.scatter [tilespmem:s21], [sflag:$0x5], $0x2800, $0x38;
	[tilespmem:$0xA200] =	vst v63  }
0x81: {  	_ =	swait.ge [sflag:s13], $0x2800  }
0x82: {  	s30 =	sadd.s32 $0x14, s30;
	s29 =	sadd.s32 $0x14, s29;
	[sflag:s13] =	ssyncset.done $0x0  }
0x83: {  	s26 =	sadd.s32 $0x1, s26;
	s0 =	rddreg [dreg:$0x6]  }
0x84: {  	p0 =	sne.s32 s26, s0  }
.Ltmp1:
0x85: {  	_ = 	snop;
	(pc) =	sbr.rel @p0 .LBB2_1-.Ltmp1, $2  }
0x86: {  	_ =	sdelay $0x2  }
0x87: {  	[sflag:s13] =	ssyncadd.s32 $0xFFFFD800  }
0x88: {  	_ =	sfence.sel $0x180000  }
0x89: {  	[bflag:$0x0] =	sbarrier.arrive $0xFFFF  }
0x8a: {  	_ =	strace $0x9000004A  }
0x8b: {  	s0 =	stileid.u32;
	[bflag:$0x2] =	sbarrier.arrive $0xFFFF  }
0x8c: {  	p0 =	sne.s32 s0, $0x0;
	s0 =	rddreg [dreg:$0x1]  }
0x8d: {  	s0 =	sadd.s32 @!p0 $0x100000, s0  }
0x8e: {  	[sflag:s0] =	ssyncadd.tile.s32 @!p0 $0x1;
	_ =	shalt  }
.Lfunc_end2:
_tile_overlayer_lowered:
.L_overlay_start_2:
0x8f: {  	(tag) =	ssettag $0x2  }
0x90: {  	s0 =	rddreg [dreg:$0x0];
	s2 =	stileid.u32  }
0x91: {  	s1 =	rddreg [dreg:$0x1];
	p0 =	sne.s32 s2, $0x0  }
0x92: {  	s3 =	rddreg [dreg:$0x2];
	[bflag:$0x3] =	sbarrier.arrive $0xFFFF;
	s2 =	simm.s32 @!p0 $0x1C05  }
0x93: {  	[timem:s3], [sflag:s2] =	dma.local @!p0 [hbm:s0], s1  }
0x94: {  	s0 =	simm.s32 @!p0 $0x5  }
0x95: {  	_ =	swait.ge @!p0 [sflag:s0], s1  }
0x96: {  	s1 =	ssub.s32 @!p0 $0x0, s1;
	[sflag:s0] =	ssyncset.done @!p0 $0x0  }
0x97: {  	[sflag:s0] =	ssyncadd.s32 @!p0 s1  }
0x98: {  	[bflag:$0x3] =	sbarrier.arrive $0xFFFF  }
0x99: {  	_ =	shalt  }

</sc_bundles>
